<compile_context>
chip_gen: v7x
topology: tpu7x:2x2x1
jax: 0.10.2.dev20260603
libtpu: 0.0.44.dev20260713+nightly
codegen_flags: <defaults>
</compile_context>

<pallas_src>
import functools

import jax
import jax.numpy as jnp
from jax import lax
from jax.experimental import pallas as pl
from jax.experimental.pallas import tpu as pltpu
from jax.experimental.pallas import tpu_sc as plsc

N_NODES = 10000
N_PAD = 10240
D = 128
B = 8
E1 = 330000
E_PAD = 330240
EPT = E_PAD // 16
VPT = EPT // 16
STRIPE = N_PAD // 16
NB_PER_CORE = B // 2
NBLK = 1280
GRID = N_PAD // NBLK


def _att_body(x_ref, wt_ref, as_ref, ad_ref, aso_ref, ado_ref):
    ws = jnp.dot(as_ref[...], wt_ref[...], preferred_element_type=jnp.float32)
    wd = jnp.dot(ad_ref[...], wt_ref[...], preferred_element_type=jnp.float32)
    x = x_ref[...]
    aso_ref[...] = jnp.sum(x * ws[0][None, None, :], axis=-1)
    ado_ref[...] = jnp.sum(x * wd[0][None, None, :], axis=-1)


_att_proj = pl.pallas_call(
    _att_body,
    grid=(GRID,),
    in_specs=[
        pl.BlockSpec((B, NBLK, D), lambda i: (0, i, 0)),
        pl.BlockSpec((D, D), lambda i: (0, 0)),
        pl.BlockSpec((1, D), lambda i: (0, 0)),
        pl.BlockSpec((1, D), lambda i: (0, 0)),
    ],
    out_specs=[
        pl.BlockSpec((B, NBLK), lambda i: (0, i)),
        pl.BlockSpec((B, NBLK), lambda i: (0, i)),
    ],
    out_shape=[
        jax.ShapeDtypeStruct((B, N_PAD), jnp.float32),
        jax.ShapeDtypeStruct((B, N_PAD), jnp.float32),
    ],
)


def _final_body(c_ref, x_ref, w_ref, b_ref, o_ref, acc_ref):
    i = pl.program_id(0)

    @pl.when(i == 0)
    def _():
        acc_ref[...] = jnp.zeros_like(acc_ref)

    node = i * NBLK + lax.broadcasted_iota(jnp.int32, (NBLK, 1), 0)
    valid = node < N_NODES
    rows = []
    for b in range(B):
        xb = jnp.where(valid, x_ref[b], jnp.float32(0.0))
        rows.append(jnp.dot(c_ref[b:b + 1, :], xb, preferred_element_type=jnp.float32))
    acc_ref[...] += jnp.concatenate(rows, axis=0)

    @pl.when(i == pl.num_programs(0) - 1)
    def _():
        o_ref[...] = (
            jnp.dot(acc_ref[...] * (1.0 / N_NODES), w_ref[...],
                    preferred_element_type=jnp.float32)
            + b_ref[...]
        )


_final = pl.pallas_call(
    _final_body,
    grid=(GRID,),
    in_specs=[
        pl.BlockSpec((B, NBLK), lambda i: (0, i)),
        pl.BlockSpec((B, NBLK, D), lambda i: (0, i, 0)),
        pl.BlockSpec((D, D), lambda i: (0, 0)),
        pl.BlockSpec((1, D), lambda i: (0, 0)),
    ],
    out_specs=pl.BlockSpec((B, D), lambda i: (0, 0)),
    out_shape=jax.ShapeDtypeStruct((B, D), jnp.float32),
    scratch_shapes=[pltpu.VMEM((B, D), jnp.float32)],
)


_sc_mesh = plsc.VectorSubcoreMesh(core_axis_name="c", subcore_axis_name="s")


@functools.partial(
    pl.kernel,
    out_type=jax.ShapeDtypeStruct((B, N_PAD), jnp.float32),
    mesh=_sc_mesh,
    compiler_params=pltpu.CompilerParams(needs_layout_passes=False),
    scratch_types=[
        pltpu.VMEM((EPT,), jnp.int32),
        pltpu.VMEM((N_PAD,), jnp.float32),
        pltpu.VMEM((N_PAD,), jnp.float32),
        pltpu.VMEM((EPT,), jnp.float32),
        pltpu.VMEM((N_PAD,), jnp.float32),
        pltpu.VMEM((N_PAD,), jnp.float32),
        pltpu.VMEM((16, STRIPE), jnp.float32),
        pltpu.VMEM((STRIPE,), jnp.float32),
        pltpu.VMEM_SHARED((16, N_PAD), jnp.float32),
    ],
)
def _edge_kernel(pk_hbm, as_hbm, ad_hbm, c_hbm,
                 pkv, asv, adv, exv, part, dfull, red, acc6, slots):
    cid = lax.axis_index("c")
    sid = lax.axis_index("s")
    ebase = sid * EPT
    nbase = sid * STRIPE
    pltpu.sync_copy(pk_hbm.at[pl.ds(ebase, EPT)], pkv)

    zeros16 = jnp.zeros((16,), jnp.float32)

    def zero_part():
        @plsc.parallel_loop(0, N_PAD // 16, unroll=8)
        def _(i):
            part[pl.ds(i * 16, 16)] = zeros16

    def reduce_rows(recip):
        @plsc.parallel_loop(0, STRIPE // 16, unroll=2)
        def _(j):
            v = red[0, pl.ds(j * 16, 16)]
            for r in range(1, 16):
                v = v + red[r, pl.ds(j * 16, 16)]
            if recip:
                v = jnp.float32(1.0) / (v + jnp.float32(1e-16))
            acc6[pl.ds(j * 16, 16)] = v

    for bi in range(NB_PER_CORE):
        b = cid * NB_PER_CORE + bi
        pltpu.sync_copy(as_hbm.at[b], asv)
        pltpu.sync_copy(ad_hbm.at[b], adv)
        zero_part()

        @plsc.parallel_loop(0, VPT, unroll=8)
        def _(g):
            pk = pkv[pl.ds(g * 16, 16)]
            sv = lax.bitwise_and(pk, jnp.int32(0x3FFF))
            dv = lax.shift_right_logical(pk, jnp.int32(14))
            e = plsc.load_gather(asv, [sv]) + plsc.load_gather(adv, [dv])
            e = jnp.maximum(e, e * jnp.float32(0.2))
            ex = jnp.exp(e)
            exv[pl.ds(g * 16, 16)] = ex
            plsc.addupdate_scatter(part, [dv], ex)

        pltpu.sync_copy(part, slots.at[sid])
        plsc.subcore_barrier()
        pltpu.sync_copy(slots.at[:, pl.ds(nbase, STRIPE)], red)
        reduce_rows(recip=True)
        pltpu.sync_copy(acc6, slots.at[0, pl.ds(nbase, STRIPE)])
        plsc.subcore_barrier()
        pltpu.sync_copy(slots.at[0], dfull)
        plsc.subcore_barrier()

        zero_part()

        @plsc.parallel_loop(0, VPT, unroll=8)
        def _(g):
            pk = pkv[pl.ds(g * 16, 16)]
            sv = lax.bitwise_and(pk, jnp.int32(0x3FFF))
            dv = lax.shift_right_logical(pk, jnp.int32(14))
            rden = plsc.load_gather(dfull, [dv])
            ex = exv[pl.ds(g * 16, 16)]
            plsc.addupdate_scatter(part, [sv], ex * rden)

        pltpu.sync_copy(part, slots.at[sid])
        plsc.subcore_barrier()
        pltpu.sync_copy(slots.at[:, pl.ds(nbase, STRIPE)], red)
        reduce_rows(recip=False)

        @pl.when(sid == 15)
        def _():
            for k in range((N_PAD - N_NODES) // 16):
                acc6[pl.ds(N_NODES - 15 * STRIPE + k * 16, 16)] = zeros16

        pltpu.sync_copy(acc6, c_hbm.at[b, pl.ds(nbase, STRIPE)])
        plsc.subcore_barrier()


def kernel(node_input, edge_index, W, att_src, att_dst, bias):
    idt = edge_index.dtype
    loops = jnp.arange(N_NODES, dtype=idt)
    padi = jnp.full((E_PAD - E1,), N_NODES, dtype=idt)
    src = jnp.concatenate([edge_index[0], loops, padi])
    dst = jnp.concatenate([edge_index[1], loops, padi])
    packed = src | (dst << jnp.int32(14))
    a_s, a_d = _att_proj(node_input, W.T, att_src[None, :], att_dst[None, :])
    c = _edge_kernel(packed, a_s, a_d)
    return _final(c, node_input, W, bias[None, :])

# --- scband reference (transcript-rebuilt; emitter-appended) ---
"""Pipeline reference for scband-graph-module-72095321030988 (READ-ONLY COPY).

The authoritative reference and input builder live on the scoring server;
editing this copy changes nothing except your own understanding.
"""

import jax, jax.numpy as jnp
import numpy as np

N_NODES = 10000
N_EDGES = 320000
D_IN = 128
D_OUT = 128
BATCH = 8


def setup_inputs(seed: int = 0) -> dict:
    key = jax.random.key(seed)
    ks = jax.random.split(key, 6)
    node_input = jax.random.normal(ks[0], (BATCH, N_NODES, D_IN), dtype=jnp.float32)
    edge_index = jax.random.randint(ks[1], (2, N_EDGES), 0, N_NODES, dtype=jnp.int32)
    W = jax.random.normal(ks[2], (D_IN, D_OUT), dtype=jnp.float32) / np.sqrt(D_IN)
    att_src = jax.random.normal(ks[3], (D_OUT,), dtype=jnp.float32) / np.sqrt(D_OUT)
    att_dst = jax.random.normal(ks[4], (D_OUT,), dtype=jnp.float32) / np.sqrt(D_OUT)
    bias = jnp.zeros((D_OUT,), dtype=jnp.float32)
    return {"node_input": node_input, "edge_index": edge_index, "W": W,
            "att_src": att_src, "att_dst": att_dst, "bias": bias}


def _gat_conv(x, src, dst, W, att_src, att_dst, bias):
    # PyG-style single-head GATConv with self-loops already included in src/dst.
    h = x @ W                                  # [N, D_OUT]
    a_s = h @ att_src                          # [N]
    a_d = h @ att_dst                          # [N]
    e = jax.nn.leaky_relu(a_s[src] + a_d[dst], negative_slope=0.2)  # [E']
    m = jax.lax.stop_gradient(jax.ops.segment_max(e, dst, num_segments=N_NODES))
    ex = jnp.exp(e - m[dst])
    denom = jax.ops.segment_sum(ex, dst, num_segments=N_NODES)
    alpha = ex / (denom[dst] + 1e-16)          # softmax over incoming edges per dst
    out = jax.ops.segment_sum(alpha[:, None] * h[src], dst, num_segments=N_NODES)
    return out + bias


def reference(node_input, edge_index, W, att_src, att_dst, bias):
    loops = jnp.arange(N_NODES, dtype=edge_index.dtype)
    ei = jnp.concatenate([edge_index, jnp.stack([loops, loops])], axis=1)
    src, dst = ei[0], ei[1]

    def per_graph(x):
        h = _gat_conv(x, src, dst, W, att_src, att_dst, bias)
        return h.mean(axis=0)                  # graph-level mean pooling

    return jax.vmap(per_graph)(node_input)     # [BATCH, D_OUT]

if __name__ == "__main__":
    import jax
    _d = setup_inputs()
    print(jax.jit(kernel)(*tuple(_d.values())))

</pallas_src>

<mosaic_0001>
#map = affine_map<(d0, d1) -> (0)>
#map1 = affine_map<(d0, d1) -> (0, 0)>
module attributes {stable_mosaic.version = 14 : i64} {
  func.func @_edge_kernel(%arg0: i32, %arg1: i32, %arg2: memref<330240xi32, #tpu.memory_space<hbm>>, %arg3: memref<8x10240xf32, #tpu.memory_space<hbm>>, %arg4: memref<8x10240xf32, #tpu.memory_space<hbm>>, %arg5: memref<8x10240xf32, #tpu.memory_space<hbm>>, %arg6: memref<20640xi32, #tpu.memory_space<vmem>>, %arg7: memref<10240xf32, #tpu.memory_space<vmem>>, %arg8: memref<10240xf32, #tpu.memory_space<vmem>>, %arg9: memref<20640xf32, #tpu.memory_space<vmem>>, %arg10: memref<10240xf32, #tpu.memory_space<vmem>>, %arg11: memref<10240xf32, #tpu.memory_space<vmem>>, %arg12: memref<16x640xf32, #tpu.memory_space<vmem>>, %arg13: memref<640xf32, #tpu.memory_space<vmem>>, %arg14: memref<16x10240xf32, #tpu.memory_space<vmem_shared>>) attributes {dimension_semantics = [#tpu.dimension_semantics<core_parallel>, #tpu.dimension_semantics<subcore_parallel>], iteration_bounds = array<i64: 2, 16>, scalar_prefetch = 0 : i64, scratch_operands = 9 : i64, tpu.core_type = #tpu.core_type<sc_vector_subcore>, window_params = [{transform_indices = #map}, {transform_indices = #map1}, {transform_indices = #map1}, {transform_indices = #map1}]} {
    %mul3A = arith.constant 20640 : i32
    %mul3A_0 = arith.muli %arg1, %mul3A : i32
    %mul3A_1 = arith.constant 640 : i32
    %mul3A_2 = arith.muli %arg1, %mul3A_1 : i32
    "tpu.region"() ({
      %run_scoped3A_133 = tpu.sem_alloc : memref<!tpu.dma_semaphore, #tpu.memory_space<semaphore_mem>>
      %dma_start3A = tpu.memref_slice %arg2[%mul3A_0] : memref<330240xi32, #tpu.memory_space<hbm>> -> memref<20640xi32, #tpu.memory_space<hbm>>
      %dma_start3A_134 = tpu.memref_slice %arg2[%mul3A_0] : memref<330240xi32, #tpu.memory_space<hbm>> -> memref<20640xi32, #tpu.memory_space<hbm>>
      tpu.enqueue_dma source(%dma_start3A_134 : memref<20640xi32, #tpu.memory_space<hbm>>) target(%arg6 : memref<20640xi32, #tpu.memory_space<vmem>>) target_semaphore(%run_scoped3A_133 : memref<!tpu.dma_semaphore, #tpu.memory_space<semaphore_mem>>)
      %dma_wait3A = tpu.memref_slice %arg2[%mul3A_0] : memref<330240xi32, #tpu.memory_space<hbm>> -> memref<20640xi32, #tpu.memory_space<hbm>>
      %dma_wait3A_135 = tpu.memref_slice %arg2[%mul3A_0] : memref<330240xi32, #tpu.memory_space<hbm>> -> memref<20640xi32, #tpu.memory_space<hbm>>
      tpu.wait_dma2 semaphore(%run_scoped3A_133 : memref<!tpu.dma_semaphore, #tpu.memory_space<semaphore_mem>>) src(%dma_wait3A_135 : memref<20640xi32, #tpu.memory_space<hbm>>) dst(%arg6 : memref<20640xi32, #tpu.memory_space<vmem>>)
      tpu.yield
    }) : () -> ()
    %broadcast_in_dim3A = arith.constant 0.000000e+00 : f32
    %broadcast_in_dim3A_3 = vector.broadcast %broadcast_in_dim3A : f32 to vector<16xf32>
    %mul3A_4 = arith.constant 4 : i32
    %mul3A_5 = arith.muli %arg0, %mul3A_4 : i32
    %add3A = arith.constant 0 : i32
    %add3A_6 = arith.addi %mul3A_5, %add3A : i32
    "tpu.region"() ({
      %run_scoped3A_133 = tpu.sem_alloc : memref<!tpu.dma_semaphore, #tpu.memory_space<semaphore_mem>>
      %dma_start3A = arith.constant 0 : i32
      %dma_start3A_134 = tpu.memref_slice %arg3[%add3A_6, %dma_start3A] : memref<8x10240xf32, #tpu.memory_space<hbm>> -> memref<1x10240xf32, #tpu.memory_space<hbm>>
      %dma_start3A_135 = tpu.memref_squeeze %dma_start3A_134 : memref<1x10240xf32, #tpu.memory_space<hbm>> -> memref<10240xf32, #tpu.memory_space<hbm>>
      %dma_start3A_136 = arith.constant 0 : i32
      %dma_start3A_137 = tpu.memref_slice %arg3[%add3A_6, %dma_start3A_136] : memref<8x10240xf32, #tpu.memory_space<hbm>> -> memref<1x10240xf32, #tpu.memory_space<hbm>>
      %dma_start3A_138 = tpu.memref_squeeze %dma_start3A_137 : memref<1x10240xf32, #tpu.memory_space<hbm>> -> memref<10240xf32, #tpu.memory_space<hbm>>
      tpu.enqueue_dma source(%dma_start3A_138 : memref<10240xf32, #tpu.memory_space<hbm>>) target(%arg7 : memref<10240xf32, #tpu.memory_space<vmem>>) target_semaphore(%run_scoped3A_133 : memref<!tpu.dma_semaphore, #tpu.memory_space<semaphore_mem>>)
      %dma_wait3A = arith.constant 0 : i32
      %dma_wait3A_139 = tpu.memref_slice %arg3[%add3A_6, %dma_wait3A] : memref<8x10240xf32, #tpu.memory_space<hbm>> -> memref<1x10240xf32, #tpu.memory_space<hbm>>
      %dma_wait3A_140 = tpu.memref_squeeze %dma_wait3A_139 : memref<1x10240xf32, #tpu.memory_space<hbm>> -> memref<10240xf32, #tpu.memory_space<hbm>>
      %dma_wait3A_141 = arith.constant 0 : i32
      %dma_wait3A_142 = tpu.memref_slice %arg3[%add3A_6, %dma_wait3A_141] : memref<8x10240xf32, #tpu.memory_space<hbm>> -> memref<1x10240xf32, #tpu.memory_space<hbm>>
      %dma_wait3A_143 = tpu.memref_squeeze %dma_wait3A_142 : memref<1x10240xf32, #tpu.memory_space<hbm>> -> memref<10240xf32, #tpu.memory_space<hbm>>
      tpu.wait_dma2 semaphore(%run_scoped3A_133 : memref<!tpu.dma_semaphore, #tpu.memory_space<semaphore_mem>>) src(%dma_wait3A_143 : memref<10240xf32, #tpu.memory_space<hbm>>) dst(%arg7 : memref<10240xf32, #tpu.memory_space<vmem>>)
      tpu.yield
    }) : () -> ()
    "tpu.region"() ({
      %run_scoped3A_133 = tpu.sem_alloc : memref<!tpu.dma_semaphore, #tpu.memory_space<semaphore_mem>>
      %dma_start3A = arith.constant 0 : i32
      %dma_start3A_134 = tpu.memref_slice %arg4[%add3A_6, %dma_start3A] : memref<8x10240xf32, #tpu.memory_space<hbm>> -> memref<1x10240xf32, #tpu.memory_space<hbm>>
      %dma_start3A_135 = tpu.memref_squeeze %dma_start3A_134 : memref<1x10240xf32, #tpu.memory_space<hbm>> -> memref<10240xf32, #tpu.memory_space<hbm>>
      %dma_start3A_136 = arith.constant 0 : i32
      %dma_start3A_137 = tpu.memref_slice %arg4[%add3A_6, %dma_start3A_136] : memref<8x10240xf32, #tpu.memory_space<hbm>> -> memref<1x10240xf32, #tpu.memory_space<hbm>>
      %dma_start3A_138 = tpu.memref_squeeze %dma_start3A_137 : memref<1x10240xf32, #tpu.memory_space<hbm>> -> memref<10240xf32, #tpu.memory_space<hbm>>
      tpu.enqueue_dma source(%dma_start3A_138 : memref<10240xf32, #tpu.memory_space<hbm>>) target(%arg8 : memref<10240xf32, #tpu.memory_space<vmem>>) target_semaphore(%run_scoped3A_133 : memref<!tpu.dma_semaphore, #tpu.memory_space<semaphore_mem>>)
      %dma_wait3A = arith.constant 0 : i32
      %dma_wait3A_139 = tpu.memref_slice %arg4[%add3A_6, %dma_wait3A] : memref<8x10240xf32, #tpu.memory_space<hbm>> -> memref<1x10240xf32, #tpu.memory_space<hbm>>
      %dma_wait3A_140 = tpu.memref_squeeze %dma_wait3A_139 : memref<1x10240xf32, #tpu.memory_space<hbm>> -> memref<10240xf32, #tpu.memory_space<hbm>>
      %dma_wait3A_141 = arith.constant 0 : i32
      %dma_wait3A_142 = tpu.memref_slice %arg4[%add3A_6, %dma_wait3A_141] : memref<8x10240xf32, #tpu.memory_space<hbm>> -> memref<1x10240xf32, #tpu.memory_space<hbm>>
      %dma_wait3A_143 = tpu.memref_squeeze %dma_wait3A_142 : memref<1x10240xf32, #tpu.memory_space<hbm>> -> memref<10240xf32, #tpu.memory_space<hbm>>
      tpu.wait_dma2 semaphore(%run_scoped3A_133 : memref<!tpu.dma_semaphore, #tpu.memory_space<semaphore_mem>>) src(%dma_wait3A_143 : memref<10240xf32, #tpu.memory_space<hbm>>) dst(%arg8 : memref<10240xf32, #tpu.memory_space<vmem>>)
      tpu.yield
    }) : () -> ()
    %parallel_loop3A = arith.constant 0 : i32
    %parallel_loop3A_7 = arith.constant 640 : i32
    %parallel_loop3A_8 = arith.constant 1 : i32
    scf.for %parallel_loop3A_133 = %parallel_loop3A to %parallel_loop3A_7 step %parallel_loop3A_8  : i32 {
      %parallel_loop3A_134 = arith.constant 16 : i32
      %parallel_loop3A_135 = arith.muli %parallel_loop3A_133, %parallel_loop3A_134 : i32
      %parallel_loop3A_136 = arith.index_cast %parallel_loop3A_135 : i32 to index
      %parallel_loop3A_137 = tpu.vector_load %arg10[%parallel_loop3A_136] {strides = array<i32>} : memref<10240xf32, #tpu.memory_space<vmem>>, vector<16xf32>,
      tpu.vector_store %arg10[%parallel_loop3A_136], %broadcast_in_dim3A_3 {strides = array<i32>} : memref<10240xf32, #tpu.memory_space<vmem>>, vector<16xf32>,
    } {sc.loop_unroll_factor = 8 : i64, sc.parallel_access}
    %parallel_loop3A_9 = arith.constant 0 : i32
    %parallel_loop3A_10 = arith.constant 1290 : i32
    %parallel_loop3A_11 = arith.constant 1 : i32
    scf.for %parallel_loop3A_133 = %parallel_loop3A_9 to %parallel_loop3A_10 step %parallel_loop3A_11  : i32 {
      %parallel_loop3A_134 = arith.constant 16 : i32
      %parallel_loop3A_135 = arith.muli %parallel_loop3A_133, %parallel_loop3A_134 : i32
      %parallel_loop3A_136 = arith.index_cast %parallel_loop3A_135 : i32 to index
      %parallel_loop3A_137 = tpu.vector_load %arg6[%parallel_loop3A_136] {strides = array<i32>} : memref<20640xi32, #tpu.memory_space<vmem>>, vector<16xi32>,
      %parallel_loop3A_138 = arith.constant 16383 : i32
      %parallel_loop3A_139 = vector.broadcast %parallel_loop3A_138 : i32 to vector<16xi32>
      %parallel_loop3A_140 = arith.andi %parallel_loop3A_137, %parallel_loop3A_139 : vector<16xi32>
      %parallel_loop3A_141 = arith.constant 14 : i32
      %parallel_loop3A_142 = vector.broadcast %parallel_loop3A_141 : i32 to vector<16xi32>
      %parallel_loop3A_143 = arith.shrui %parallel_loop3A_137, %parallel_loop3A_142 : vector<16xi32>
      %parallel_loop3A_144 = tpu.vector_load_idx %arg7[%parallel_loop3A_140] : memref<10240xf32, #tpu.memory_space<vmem>>[vector<16xi32>], vector<16xf32>,
      %parallel_loop3A_145 = tpu.vector_load_idx %arg8[%parallel_loop3A_143] : memref<10240xf32, #tpu.memory_space<vmem>>[vector<16xi32>], vector<16xf32>,
      %parallel_loop3A_146 = arith.addf %parallel_loop3A_144, %parallel_loop3A_145 : vector<16xf32>
      %parallel_loop3A_147 = arith.constant 2.000000e-01 : f32
      %parallel_loop3A_148 = vector.broadcast %parallel_loop3A_147 : f32 to vector<16xf32>
      %parallel_loop3A_149 = arith.mulf %parallel_loop3A_146, %parallel_loop3A_148 : vector<16xf32>
      %parallel_loop3A_150 = arith.maximumf %parallel_loop3A_146, %parallel_loop3A_149 : vector<16xf32>
      %parallel_loop3A_151 = math.exp %parallel_loop3A_150 : vector<16xf32>
      %parallel_loop3A_152 = arith.constant 16 : i32
      %parallel_loop3A_153 = arith.muli %parallel_loop3A_133, %parallel_loop3A_152 : i32
      %parallel_loop3A_154 = arith.index_cast %parallel_loop3A_153 : i32 to index
      %parallel_loop3A_155 = tpu.vector_load %arg9[%parallel_loop3A_154] {strides = array<i32>} : memref<20640xf32, #tpu.memory_space<vmem>>, vector<16xf32>,
      tpu.vector_store %arg9[%parallel_loop3A_154], %parallel_loop3A_151 {strides = array<i32>} : memref<20640xf32, #tpu.memory_space<vmem>>, vector<16xf32>,
      tpu.vector_store_idx %arg10[%parallel_loop3A_143], %parallel_loop3A_151 {add = true} : memref<10240xf32, #tpu.memory_space<vmem>>[vector<16xi32>], vector<16xf32>,
    } {sc.loop_unroll_factor = 8 : i64, sc.parallel_access}
    "tpu.region"() ({
      %run_scoped3A_133 = tpu.sem_alloc : memref<!tpu.dma_semaphore, #tpu.memory_space<semaphore_mem>>
      %dma_start3A = arith.constant 0 : i32
      %dma_start3A_134 = tpu.memref_slice %arg14[%arg1, %dma_start3A] : memref<16x10240xf32, #tpu.memory_space<vmem_shared>> -> memref<1x10240xf32, #tpu.memory_space<vmem_shared>>
      %dma_start3A_135 = tpu.memref_squeeze %dma_start3A_134 : memref<1x10240xf32, #tpu.memory_space<vmem_shared>> -> memref<10240xf32, #tpu.memory_space<vmem_shared>>
      %dma_start3A_136 = arith.constant 0 : i32
      %dma_start3A_137 = tpu.memref_slice %arg14[%arg1, %dma_start3A_136] : memref<16x10240xf32, #tpu.memory_space<vmem_shared>> -> memref<1x10240xf32, #tpu.memory_space<vmem_shared>>
      %dma_start3A_138 = tpu.memref_squeeze %dma_start3A_137 : memref<1x10240xf32, #tpu.memory_space<vmem_shared>> -> memref<10240xf32, #tpu.memory_space<vmem_shared>>
      tpu.enqueue_dma source(%arg10 : memref<10240xf32, #tpu.memory_space<vmem>>) target(%dma_start3A_138 : memref<10240xf32, #tpu.memory_space<vmem_shared>>) target_semaphore(%run_scoped3A_133 : memref<!tpu.dma_semaphore, #tpu.memory_space<semaphore_mem>>)
      %dma_wait3A = arith.constant 0 : i32
      %dma_wait3A_139 = tpu.memref_slice %arg14[%arg1, %dma_wait3A] : memref<16x10240xf32, #tpu.memory_space<vmem_shared>> -> memref<1x10240xf32, #tpu.memory_space<vmem_shared>>
      %dma_wait3A_140 = tpu.memref_squeeze %dma_wait3A_139 : memref<1x10240xf32, #tpu.memory_space<vmem_shared>> -> memref<10240xf32, #tpu.memory_space<vmem_shared>>
      %dma_wait3A_141 = arith.constant 0 : i32
      %dma_wait3A_142 = tpu.memref_slice %arg14[%arg1, %dma_wait3A_141] : memref<16x10240xf32, #tpu.memory_space<vmem_shared>> -> memref<1x10240xf32, #tpu.memory_space<vmem_shared>>
      %dma_wait3A_143 = tpu.memref_squeeze %dma_wait3A_142 : memref<1x10240xf32, #tpu.memory_space<vmem_shared>> -> memref<10240xf32, #tpu.memory_space<vmem_shared>>
      tpu.wait_dma2 semaphore(%run_scoped3A_133 : memref<!tpu.dma_semaphore, #tpu.memory_space<semaphore_mem>>) src(%arg10 : memref<10240xf32, #tpu.memory_space<vmem>>) dst(%dma_wait3A_143 : memref<10240xf32, #tpu.memory_space<vmem_shared>>)
      tpu.yield
    }) : () -> ()
    %barrier3A = arith.constant 0 : index
    tpu.barrier barrier_id(%barrier3A)
    "tpu.region"() ({
      %run_scoped3A_133 = tpu.sem_alloc : memref<!tpu.dma_semaphore, #tpu.memory_space<semaphore_mem>>
      %dma_start3A = arith.constant 0 : i32
      %dma_start3A_134 = tpu.memref_slice %arg14[%dma_start3A, %mul3A_2] : memref<16x10240xf32, #tpu.memory_space<vmem_shared>> -> memref<16x640xf32, #tpu.memory_space<vmem_shared>>
      %dma_start3A_135 = arith.constant 0 : i32
      %dma_start3A_136 = tpu.memref_slice %arg14[%dma_start3A_135, %mul3A_2] : memref<16x10240xf32, #tpu.memory_space<vmem_shared>> -> memref<16x640xf32, #tpu.memory_space<vmem_shared>>
      tpu.enqueue_dma source(%dma_start3A_136 : memref<16x640xf32, #tpu.memory_space<vmem_shared>>) target(%arg12 : memref<16x640xf32, #tpu.memory_space<vmem>>) target_semaphore(%run_scoped3A_133 : memref<!tpu.dma_semaphore, #tpu.memory_space<semaphore_mem>>)
      %dma_wait3A = arith.constant 0 : i32
      %dma_wait3A_137 = tpu.memref_slice %arg14[%dma_wait3A, %mul3A_2] : memref<16x10240xf32, #tpu.memory_space<vmem_shared>> -> memref<16x640xf32, #tpu.memory_space<vmem_shared>>
      %dma_wait3A_138 = arith.constant 0 : i32
      %dma_wait3A_139 = tpu.memref_slice %arg14[%dma_wait3A_138, %mul3A_2] : memref<16x10240xf32, #tpu.memory_space<vmem_shared>> -> memref<16x640xf32, #tpu.memory_space<vmem_shared>>
      tpu.wait_dma2 semaphore(%run_scoped3A_133 : memref<!tpu.dma_semaphore, #tpu.memory_space<semaphore_mem>>) src(%dma_wait3A_139 : memref<16x640xf32, #tpu.memory_space<vmem_shared>>) dst(%arg12 : memref<16x640xf32, #tpu.memory_space<vmem>>)
      tpu.yield
    }) : () -> ()
    %parallel_loop3A_12 = arith.constant 0 : i32
    %parallel_loop3A_13 = arith.constant 40 : i32
    %parallel_loop3A_14 = arith.constant 1 : i32
    scf.for %parallel_loop3A_133 = %parallel_loop3A_12 to %parallel_loop3A_13 step %parallel_loop3A_14  : i32 {
      %parallel_loop3A_134 = arith.constant 16 : i32
      %parallel_loop3A_135 = arith.muli %parallel_loop3A_133, %parallel_loop3A_134 : i32
      %parallel_loop3A_136 = arith.constant 0 : i32
      %parallel_loop3A_137 = arith.index_cast %parallel_loop3A_136 : i32 to index
      %parallel_loop3A_138 = arith.index_cast %parallel_loop3A_135 : i32 to index
      %parallel_loop3A_139 = tpu.vector_load %arg12[%parallel_loop3A_137, %parallel_loop3A_138] {strides = array<i32>} : memref<16x640xf32, #tpu.memory_space<vmem>>, vector<16xf32>,
      %parallel_loop3A_140 = arith.constant 16 : i32
      %parallel_loop3A_141 = arith.muli %parallel_loop3A_133, %parallel_loop3A_140 : i32
      %parallel_loop3A_142 = arith.constant 1 : i32
      %parallel_loop3A_143 = arith.index_cast %parallel_loop3A_142 : i32 to index
      %parallel_loop3A_144 = arith.index_cast %parallel_loop3A_141 : i32 to index
      %parallel_loop3A_145 = tpu.vector_load %arg12[%parallel_loop3A_143, %parallel_loop3A_144] {strides = array<i32>} : memref<16x640xf32, #tpu.memory_space<vmem>>, vector<16xf32>,
      %parallel_loop3A_146 = arith.addf %parallel_loop3A_139, %parallel_loop3A_145 : vector<16xf32>
      %parallel_loop3A_147 = arith.constant 16 : i32
      %parallel_loop3A_148 = arith.muli %parallel_loop3A_133, %parallel_loop3A_147 : i32
      %parallel_loop3A_149 = arith.constant 2 : i32
      %parallel_loop3A_150 = arith.index_cast %parallel_loop3A_149 : i32 to index
      %parallel_loop3A_151 = arith.index_cast %parallel_loop3A_148 : i32 to index
      %parallel_loop3A_152 = tpu.vector_load %arg12[%parallel_loop3A_150, %parallel_loop3A_151] {strides = array<i32>} : memref<16x640xf32, #tpu.memory_space<vmem>>, vector<16xf32>,
      %parallel_loop3A_153 = arith.addf %parallel_loop3A_146, %parallel_loop3A_152 : vector<16xf32>
      %parallel_loop3A_154 = arith.constant 16 : i32
      %parallel_loop3A_155 = arith.muli %parallel_loop3A_133, %parallel_loop3A_154 : i32
      %parallel_loop3A_156 = arith.constant 3 : i32
      %parallel_loop3A_157 = arith.index_cast %parallel_loop3A_156 : i32 to index
      %parallel_loop3A_158 = arith.index_cast %parallel_loop3A_155 : i32 to index
      %parallel_loop3A_159 = tpu.vector_load %arg12[%parallel_loop3A_157, %parallel_loop3A_158] {strides = array<i32>} : memref<16x640xf32, #tpu.memory_space<vmem>>, vector<16xf32>,
      %parallel_loop3A_160 = arith.addf %parallel_loop3A_153, %parallel_loop3A_159 : vector<16xf32>
      %parallel_loop3A_161 = arith.constant 16 : i32
      %parallel_loop3A_162 = arith.muli %parallel_loop3A_133, %parallel_loop3A_161 : i32
      %parallel_loop3A_163 = arith.constant 4 : i32
      %parallel_loop3A_164 = arith.index_cast %parallel_loop3A_163 : i32 to index
      %parallel_loop3A_165 = arith.index_cast %parallel_loop3A_162 : i32 to index
      %parallel_loop3A_166 = tpu.vector_load %arg12[%parallel_loop3A_164, %parallel_loop3A_165] {strides = array<i32>} : memref<16x640xf32, #tpu.memory_space<vmem>>, vector<16xf32>,
      %parallel_loop3A_167 = arith.addf %parallel_loop3A_160, %parallel_loop3A_166 : vector<16xf32>
      %parallel_loop3A_168 = arith.constant 16 : i32
      %parallel_loop3A_169 = arith.muli %parallel_loop3A_133, %parallel_loop3A_168 : i32
      %parallel_loop3A_170 = arith.constant 5 : i32
      %parallel_loop3A_171 = arith.index_cast %parallel_loop3A_170 : i32 to index
      %parallel_loop3A_172 = arith.index_cast %parallel_loop3A_169 : i32 to index
      %parallel_loop3A_173 = tpu.vector_load %arg12[%parallel_loop3A_171, %parallel_loop3A_172] {strides = array<i32>} : memref<16x640xf32, #tpu.memory_space<vmem>>, vector<16xf32>,
      %parallel_loop3A_174 = arith.addf %parallel_loop3A_167, %parallel_loop3A_173 : vector<16xf32>
      %parallel_loop3A_175 = arith.constant 16 : i32
      %parallel_loop3A_176 = arith.muli %parallel_loop3A_133, %parallel_loop3A_175 : i32
      %parallel_loop3A_177 = arith.constant 6 : i32
      %parallel_loop3A_178 = arith.index_cast %parallel_loop3A_177 : i32 to index
      %parallel_loop3A_179 = arith.index_cast %parallel_loop3A_176 : i32 to index
      %parallel_loop3A_180 = tpu.vector_load %arg12[%parallel_loop3A_178, %parallel_loop3A_179] {strides = array<i32>} : memref<16x640xf32, #tpu.memory_space<vmem>>, vector<16xf32>,
      %parallel_loop3A_181 = arith.addf %parallel_loop3A_174, %parallel_loop3A_180 : vector<16xf32>
      %parallel_loop3A_182 = arith.constant 16 : i32
      %parallel_loop3A_183 = arith.muli %parallel_loop3A_133, %parallel_loop3A_182 : i32
      %parallel_loop3A_184 = arith.constant 7 : i32
      %parallel_loop3A_185 = arith.index_cast %parallel_loop3A_184 : i32 to index
      %parallel_loop3A_186 = arith.index_cast %parallel_loop3A_183 : i32 to index
      %parallel_loop3A_187 = tpu.vector_load %arg12[%parallel_loop3A_185, %parallel_loop3A_186] {strides = array<i32>} : memref<16x640xf32, #tpu.memory_space<vmem>>, vector<16xf32>,
      %parallel_loop3A_188 = arith.addf %parallel_loop3A_181, %parallel_loop3A_187 : vector<16xf32>
      %parallel_loop3A_189 = arith.constant 16 : i32
      %parallel_loop3A_190 = arith.muli %parallel_loop3A_133, %parallel_loop3A_189 : i32
      %parallel_loop3A_191 = arith.constant 8 : i32
      %parallel_loop3A_192 = arith.index_cast %parallel_loop3A_191 : i32 to index
      %parallel_loop3A_193 = arith.index_cast %parallel_loop3A_190 : i32 to index
      %parallel_loop3A_194 = tpu.vector_load %arg12[%parallel_loop3A_192, %parallel_loop3A_193] {strides = array<i32>} : memref<16x640xf32, #tpu.memory_space<vmem>>, vector<16xf32>,
      %parallel_loop3A_195 = arith.addf %parallel_loop3A_188, %parallel_loop3A_194 : vector<16xf32>
      %parallel_loop3A_196 = arith.constant 16 : i32
      %parallel_loop3A_197 = arith.muli %parallel_loop3A_133, %parallel_loop3A_196 : i32
      %parallel_loop3A_198 = arith.constant 9 : i32
      %parallel_loop3A_199 = arith.index_cast %parallel_loop3A_198 : i32 to index
      %parallel_loop3A_200 = arith.index_cast %parallel_loop3A_197 : i32 to index
      %parallel_loop3A_201 = tpu.vector_load %arg12[%parallel_loop3A_199, %parallel_loop3A_200] {strides = array<i32>} : memref<16x640xf32, #tpu.memory_space<vmem>>, vector<16xf32>,
      %parallel_loop3A_202 = arith.addf %parallel_loop3A_195, %parallel_loop3A_201 : vector<16xf32>
      %parallel_loop3A_203 = arith.constant 16 : i32
      %parallel_loop3A_204 = arith.muli %parallel_loop3A_133, %parallel_loop3A_203 : i32
      %parallel_loop3A_205 = arith.constant 10 : i32
      %parallel_loop3A_206 = arith.index_cast %parallel_loop3A_205 : i32 to index
      %parallel_loop3A_207 = arith.index_cast %parallel_loop3A_204 : i32 to index
      %parallel_loop3A_208 = tpu.vector_load %arg12[%parallel_loop3A_206, %parallel_loop3A_207] {strides = array<i32>} : memref<16x640xf32, #tpu.memory_space<vmem>>, vector<16xf32>,
      %parallel_loop3A_209 = arith.addf %parallel_loop3A_202, %parallel_loop3A_208 : vector<16xf32>
      %parallel_loop3A_210 = arith.constant 16 : i32
      %parallel_loop3A_211 = arith.muli %parallel_loop3A_133, %parallel_loop3A_210 : i32
      %parallel_loop3A_212 = arith.constant 11 : i32
      %parallel_loop3A_213 = arith.index_cast %parallel_loop3A_212 : i32 to index
      %parallel_loop3A_214 = arith.index_cast %parallel_loop3A_211 : i32 to index
      %parallel_loop3A_215 = tpu.vector_load %arg12[%parallel_loop3A_213, %parallel_loop3A_214] {strides = array<i32>} : memref<16x640xf32, #tpu.memory_space<vmem>>, vector<16xf32>,
      %parallel_loop3A_216 = arith.addf %parallel_loop3A_209, %parallel_loop3A_215 : vector<16xf32>
      %parallel_loop3A_217 = arith.constant 16 : i32
      %parallel_loop3A_218 = arith.muli %parallel_loop3A_133, %parallel_loop3A_217 : i32
      %parallel_loop3A_219 = arith.constant 12 : i32
      %parallel_loop3A_220 = arith.index_cast %parallel_loop3A_219 : i32 to index
      %parallel_loop3A_221 = arith.index_cast %parallel_loop3A_218 : i32 to index
      %parallel_loop3A_222 = tpu.vector_load %arg12[%parallel_loop3A_220, %parallel_loop3A_221] {strides = array<i32>} : memref<16x640xf32, #tpu.memory_space<vmem>>, vector<16xf32>,
      %parallel_loop3A_223 = arith.addf %parallel_loop3A_216, %parallel_loop3A_222 : vector<16xf32>
      %parallel_loop3A_224 = arith.constant 16 : i32
      %parallel_loop3A_225 = arith.muli %parallel_loop3A_133, %parallel_loop3A_224 : i32
      %parallel_loop3A_226 = arith.constant 13 : i32
      %parallel_loop3A_227 = arith.index_cast %parallel_loop3A_226 : i32 to index
      %parallel_loop3A_228 = arith.index_cast %parallel_loop3A_225 : i32 to index
      %parallel_loop3A_229 = tpu.vector_load %arg12[%parallel_loop3A_227, %parallel_loop3A_228] {strides = array<i32>} : memref<16x640xf32, #tpu.memory_space<vmem>>, vector<16xf32>,
      %parallel_loop3A_230 = arith.addf %parallel_loop3A_223, %parallel_loop3A_229 : vector<16xf32>
      %parallel_loop3A_231 = arith.constant 16 : i32
      %parallel_loop3A_232 = arith.muli %parallel_loop3A_133, %parallel_loop3A_231 : i32
      %parallel_loop3A_233 = arith.constant 14 : i32
      %parallel_loop3A_234 = arith.index_cast %parallel_loop3A_233 : i32 to index
      %parallel_loop3A_235 = arith.index_cast %parallel_loop3A_232 : i32 to index
      %parallel_loop3A_236 = tpu.vector_load %arg12[%parallel_loop3A_234, %parallel_loop3A_235] {strides = array<i32>} : memref<16x640xf32, #tpu.memory_space<vmem>>, vector<16xf32>,
      %parallel_loop3A_237 = arith.addf %parallel_loop3A_230, %parallel_loop3A_236 : vector<16xf32>
      %parallel_loop3A_238 = arith.constant 16 : i32
      %parallel_loop3A_239 = arith.muli %parallel_loop3A_133, %parallel_loop3A_238 : i32
      %parallel_loop3A_240 = arith.constant 15 : i32
      %parallel_loop3A_241 = arith.index_cast %parallel_loop3A_240 : i32 to index
      %parallel_loop3A_242 = arith.index_cast %parallel_loop3A_239 : i32 to index
      %parallel_loop3A_243 = tpu.vector_load %arg12[%parallel_loop3A_241, %parallel_loop3A_242] {strides = array<i32>} : memref<16x640xf32, #tpu.memory_space<vmem>>, vector<16xf32>,
      %parallel_loop3A_244 = arith.addf %parallel_loop3A_237, %parallel_loop3A_243 : vector<16xf32>
      %parallel_loop3A_245 = arith.constant 1.000000e-16 : f32
      %parallel_loop3A_246 = vector.broadcast %parallel_loop3A_245 : f32 to vector<16xf32>
      %parallel_loop3A_247 = arith.addf %parallel_loop3A_244, %parallel_loop3A_246 : vector<16xf32>
      %parallel_loop3A_248 = arith.constant 1.000000e+00 : f32
      %parallel_loop3A_249 = vector.broadcast %parallel_loop3A_248 : f32 to vector<16xf32>
      %parallel_loop3A_250 = arith.divf %parallel_loop3A_249, %parallel_loop3A_247 : vector<16xf32>
      %parallel_loop3A_251 = arith.constant 16 : i32
      %parallel_loop3A_252 = arith.muli %parallel_loop3A_133, %parallel_loop3A_251 : i32
      %parallel_loop3A_253 = arith.index_cast %parallel_loop3A_252 : i32 to index
      %parallel_loop3A_254 = tpu.vector_load %arg13[%parallel_loop3A_253] {strides = array<i32>} : memref<640xf32, #tpu.memory_space<vmem>>, vector<16xf32>,
      tpu.vector_store %arg13[%parallel_loop3A_253], %parallel_loop3A_250 {strides = array<i32>} : memref<640xf32, #tpu.memory_space<vmem>>, vector<16xf32>,
    } {sc.loop_unroll_factor = 2 : i64, sc.parallel_access}
    %run_scoped3A = arith.constant 0 : i32
    "tpu.region"() ({
      %run_scoped3A_133 = tpu.sem_alloc : memref<!tpu.dma_semaphore, #tpu.memory_space<semaphore_mem>>
      %dma_start3A = tpu.memref_slice %arg14[%run_scoped3A, %mul3A_2] : memref<16x10240xf32, #tpu.memory_space<vmem_shared>> -> memref<1x640xf32, #tpu.memory_space<vmem_shared>>
      %dma_start3A_134 = tpu.memref_squeeze %dma_start3A : memref<1x640xf32, #tpu.memory_space<vmem_shared>> -> memref<640xf32, #tpu.memory_space<vmem_shared>>
      %dma_start3A_135 = tpu.memref_slice %arg14[%run_scoped3A, %mul3A_2] : memref<16x10240xf32, #tpu.memory_space<vmem_shared>> -> memref<1x640xf32, #tpu.memory_space<vmem_shared>>
      %dma_start3A_136 = tpu.memref_squeeze %dma_start3A_135 : memref<1x640xf32, #tpu.memory_space<vmem_shared>> -> memref<640xf32, #tpu.memory_space<vmem_shared>>
      tpu.enqueue_dma source(%arg13 : memref<640xf32, #tpu.memory_space<vmem>>) target(%dma_start3A_136 : memref<640xf32, #tpu.memory_space<vmem_shared>>) target_semaphore(%run_scoped3A_133 : memref<!tpu.dma_semaphore, #tpu.memory_space<semaphore_mem>>)
      %dma_wait3A = tpu.memref_slice %arg14[%run_scoped3A, %mul3A_2] : memref<16x10240xf32, #tpu.memory_space<vmem_shared>> -> memref<1x640xf32, #tpu.memory_space<vmem_shared>>
      %dma_wait3A_137 = tpu.memref_squeeze %dma_wait3A : memref<1x640xf32, #tpu.memory_space<vmem_shared>> -> memref<640xf32, #tpu.memory_space<vmem_shared>>
      %dma_wait3A_138 = tpu.memref_slice %arg14[%run_scoped3A, %mul3A_2] : memref<16x10240xf32, #tpu.memory_space<vmem_shared>> -> memref<1x640xf32, #tpu.memory_space<vmem_shared>>
      %dma_wait3A_139 = tpu.memref_squeeze %dma_wait3A_138 : memref<1x640xf32, #tpu.memory_space<vmem_shared>> -> memref<640xf32, #tpu.memory_space<vmem_shared>>
      tpu.wait_dma2 semaphore(%run_scoped3A_133 : memref<!tpu.dma_semaphore, #tpu.memory_space<semaphore_mem>>) src(%arg13 : memref<640xf32, #tpu.memory_space<vmem>>) dst(%dma_wait3A_139 : memref<640xf32, #tpu.memory_space<vmem_shared>>)
      tpu.yield
    }) : () -> ()
    %barrier3A_15 = arith.constant 0 : index
    tpu.barrier barrier_id(%barrier3A_15)
    %run_scoped3A_16 = arith.constant 0 : i32
    "tpu.region"() ({
      %run_scoped3A_133 = tpu.sem_alloc : memref<!tpu.dma_semaphore, #tpu.memory_space<semaphore_mem>>
      %dma_start3A = arith.constant 0 : i32
      %dma_start3A_134 = tpu.memref_slice %arg14[%run_scoped3A_16, %dma_start3A] : memref<16x10240xf32, #tpu.memory_space<vmem_shared>> -> memref<1x10240xf32, #tpu.memory_space<vmem_shared>>
      %dma_start3A_135 = tpu.memref_squeeze %dma_start3A_134 : memref<1x10240xf32, #tpu.memory_space<vmem_shared>> -> memref<10240xf32, #tpu.memory_space<vmem_shared>>
      %dma_start3A_136 = arith.constant 0 : i32
      %dma_start3A_137 = tpu.memref_slice %arg14[%run_scoped3A_16, %dma_start3A_136] : memref<16x10240xf32, #tpu.memory_space<vmem_shared>> -> memref<1x10240xf32, #tpu.memory_space<vmem_shared>>
      %dma_start3A_138 = tpu.memref_squeeze %dma_start3A_137 : memref<1x10240xf32, #tpu.memory_space<vmem_shared>> -> memref<10240xf32, #tpu.memory_space<vmem_shared>>
      tpu.enqueue_dma source(%dma_start3A_138 : memref<10240xf32, #tpu.memory_space<vmem_shared>>) target(%arg11 : memref<10240xf32, #tpu.memory_space<vmem>>) target_semaphore(%run_scoped3A_133 : memref<!tpu.dma_semaphore, #tpu.memory_space<semaphore_mem>>)
      %dma_wait3A = arith.constant 0 : i32
      %dma_wait3A_139 = tpu.memref_slice %arg14[%run_scoped3A_16, %dma_wait3A] : memref<16x10240xf32, #tpu.memory_space<vmem_shared>> -> memref<1x10240xf32, #tpu.memory_space<vmem_shared>>
      %dma_wait3A_140 = tpu.memref_squeeze %dma_wait3A_139 : memref<1x10240xf32, #tpu.memory_space<vmem_shared>> -> memref<10240xf32, #tpu.memory_space<vmem_shared>>
      %dma_wait3A_141 = arith.constant 0 : i32
      %dma_wait3A_142 = tpu.memref_slice %arg14[%run_scoped3A_16, %dma_wait3A_141] : memref<16x10240xf32, #tpu.memory_space<vmem_shared>> -> memref<1x10240xf32, #tpu.memory_space<vmem_shared>>
      %dma_wait3A_143 = tpu.memref_squeeze %dma_wait3A_142 : memref<1x10240xf32, #tpu.memory_space<vmem_shared>> -> memref<10240xf32, #tpu.memory_space<vmem_shared>>
      tpu.wait_dma2 semaphore(%run_scoped3A_133 : memref<!tpu.dma_semaphore, #tpu.memory_space<semaphore_mem>>) src(%dma_wait3A_143 : memref<10240xf32, #tpu.memory_space<vmem_shared>>) dst(%arg11 : memref<10240xf32, #tpu.memory_space<vmem>>)
      tpu.yield
    }) : () -> ()
    %barrier3A_17 = arith.constant 0 : index
    tpu.barrier barrier_id(%barrier3A_17)
    %parallel_loop3A_18 = arith.constant 0 : i32
    %parallel_loop3A_19 = arith.constant 640 : i32
    %parallel_loop3A_20 = arith.constant 1 : i32
    scf.for %parallel_loop3A_133 = %parallel_loop3A_18 to %parallel_loop3A_19 step %parallel_loop3A_20  : i32 {
      %parallel_loop3A_134 = arith.constant 16 : i32
      %parallel_loop3A_135 = arith.muli %parallel_loop3A_133, %parallel_loop3A_134 : i32
      %parallel_loop3A_136 = arith.index_cast %parallel_loop3A_135 : i32 to index
      %parallel_loop3A_137 = tpu.vector_load %arg10[%parallel_loop3A_136] {strides = array<i32>} : memref<10240xf32, #tpu.memory_space<vmem>>, vector<16xf32>,
      tpu.vector_store %arg10[%parallel_loop3A_136], %broadcast_in_dim3A_3 {strides = array<i32>} : memref<10240xf32, #tpu.memory_space<vmem>>, vector<16xf32>,
    } {sc.loop_unroll_factor = 8 : i64, sc.parallel_access}
    %parallel_loop3A_21 = arith.constant 0 : i32
    %parallel_loop3A_22 = arith.constant 1290 : i32
    %parallel_loop3A_23 = arith.constant 1 : i32
    scf.for %parallel_loop3A_133 = %parallel_loop3A_21 to %parallel_loop3A_22 step %parallel_loop3A_23  : i32 {
      %parallel_loop3A_134 = arith.constant 16 : i32
      %parallel_loop3A_135 = arith.muli %parallel_loop3A_133, %parallel_loop3A_134 : i32
      %parallel_loop3A_136 = arith.index_cast %parallel_loop3A_135 : i32 to index
      %parallel_loop3A_137 = tpu.vector_load %arg6[%parallel_loop3A_136] {strides = array<i32>} : memref<20640xi32, #tpu.memory_space<vmem>>, vector<16xi32>,
      %parallel_loop3A_138 = arith.constant 16383 : i32
      %parallel_loop3A_139 = vector.broadcast %parallel_loop3A_138 : i32 to vector<16xi32>
      %parallel_loop3A_140 = arith.andi %parallel_loop3A_137, %parallel_loop3A_139 : vector<16xi32>
      %parallel_loop3A_141 = arith.constant 14 : i32
      %parallel_loop3A_142 = vector.broadcast %parallel_loop3A_141 : i32 to vector<16xi32>
      %parallel_loop3A_143 = arith.shrui %parallel_loop3A_137, %parallel_loop3A_142 : vector<16xi32>
      %parallel_loop3A_144 = tpu.vector_load_idx %arg11[%parallel_loop3A_143] : memref<10240xf32, #tpu.memory_space<vmem>>[vector<16xi32>], vector<16xf32>,
      %parallel_loop3A_145 = arith.constant 16 : i32
      %parallel_loop3A_146 = arith.muli %parallel_loop3A_133, %parallel_loop3A_145 : i32
      %parallel_loop3A_147 = arith.index_cast %parallel_loop3A_146 : i32 to index
      %parallel_loop3A_148 = tpu.vector_load %arg9[%parallel_loop3A_147] {strides = array<i32>} : memref<20640xf32, #tpu.memory_space<vmem>>, vector<16xf32>,
      %parallel_loop3A_149 = arith.mulf %parallel_loop3A_148, %parallel_loop3A_144 : vector<16xf32>
      tpu.vector_store_idx %arg10[%parallel_loop3A_140], %parallel_loop3A_149 {add = true} : memref<10240xf32, #tpu.memory_space<vmem>>[vector<16xi32>], vector<16xf32>,
    } {sc.loop_unroll_factor = 8 : i64, sc.parallel_access}
    "tpu.region"() ({
      %run_scoped3A_133 = tpu.sem_alloc : memref<!tpu.dma_semaphore, #tpu.memory_space<semaphore_mem>>
      %dma_start3A = arith.constant 0 : i32
      %dma_start3A_134 = tpu.memref_slice %arg14[%arg1, %dma_start3A] : memref<16x10240xf32, #tpu.memory_space<vmem_shared>> -> memref<1x10240xf32, #tpu.memory_space<vmem_shared>>
      %dma_start3A_135 = tpu.memref_squeeze %dma_start3A_134 : memref<1x10240xf32, #tpu.memory_space<vmem_shared>> -> memref<10240xf32, #tpu.memory_space<vmem_shared>>
      %dma_start3A_136 = arith.constant 0 : i32
      %dma_start3A_137 = tpu.memref_slice %arg14[%arg1, %dma_start3A_136] : memref<16x10240xf32, #tpu.memory_space<vmem_shared>> -> memref<1x10240xf32, #tpu.memory_space<vmem_shared>>
      %dma_start3A_138 = tpu.memref_squeeze %dma_start3A_137 : memref<1x10240xf32, #tpu.memory_space<vmem_shared>> -> memref<10240xf32, #tpu.memory_space<vmem_shared>>
      tpu.enqueue_dma source(%arg10 : memref<10240xf32, #tpu.memory_space<vmem>>) target(%dma_start3A_138 : memref<10240xf32, #tpu.memory_space<vmem_shared>>) target_semaphore(%run_scoped3A_133 : memref<!tpu.dma_semaphore, #tpu.memory_space<semaphore_mem>>)
      %dma_wait3A = arith.constant 0 : i32
      %dma_wait3A_139 = tpu.memref_slice %arg14[%arg1, %dma_wait3A] : memref<16x10240xf32, #tpu.memory_space<vmem_shared>> -> memref<1x10240xf32, #tpu.memory_space<vmem_shared>>
      %dma_wait3A_140 = tpu.memref_squeeze %dma_wait3A_139 : memref<1x10240xf32, #tpu.memory_space<vmem_shared>> -> memref<10240xf32, #tpu.memory_space<vmem_shared>>
      %dma_wait3A_141 = arith.constant 0 : i32
      %dma_wait3A_142 = tpu.memref_slice %arg14[%arg1, %dma_wait3A_141] : memref<16x10240xf32, #tpu.memory_space<vmem_shared>> -> memref<1x10240xf32, #tpu.memory_space<vmem_shared>>
      %dma_wait3A_143 = tpu.memref_squeeze %dma_wait3A_142 : memref<1x10240xf32, #tpu.memory_space<vmem_shared>> -> memref<10240xf32, #tpu.memory_space<vmem_shared>>
      tpu.wait_dma2 semaphore(%run_scoped3A_133 : memref<!tpu.dma_semaphore, #tpu.memory_space<semaphore_mem>>) src(%arg10 : memref<10240xf32, #tpu.memory_space<vmem>>) dst(%dma_wait3A_143 : memref<10240xf32, #tpu.memory_space<vmem_shared>>)
      tpu.yield
    }) : () -> ()
    %barrier3A_24 = arith.constant 0 : index
    tpu.barrier barrier_id(%barrier3A_24)
    "tpu.region"() ({
      %run_scoped3A_133 = tpu.sem_alloc : memref<!tpu.dma_semaphore, #tpu.memory_space<semaphore_mem>>
      %dma_start3A = arith.constant 0 : i32
      %dma_start3A_134 = tpu.memref_slice %arg14[%dma_start3A, %mul3A_2] : memref<16x10240xf32, #tpu.memory_space<vmem_shared>> -> memref<16x640xf32, #tpu.memory_space<vmem_shared>>
      %dma_start3A_135 = arith.constant 0 : i32
      %dma_start3A_136 = tpu.memref_slice %arg14[%dma_start3A_135, %mul3A_2] : memref<16x10240xf32, #tpu.memory_space<vmem_shared>> -> memref<16x640xf32, #tpu.memory_space<vmem_shared>>
      tpu.enqueue_dma source(%dma_start3A_136 : memref<16x640xf32, #tpu.memory_space<vmem_shared>>) target(%arg12 : memref<16x640xf32, #tpu.memory_space<vmem>>) target_semaphore(%run_scoped3A_133 : memref<!tpu.dma_semaphore, #tpu.memory_space<semaphore_mem>>)
      %dma_wait3A = arith.constant 0 : i32
      %dma_wait3A_137 = tpu.memref_slice %arg14[%dma_wait3A, %mul3A_2] : memref<16x10240xf32, #tpu.memory_space<vmem_shared>> -> memref<16x640xf32, #tpu.memory_space<vmem_shared>>
      %dma_wait3A_138 = arith.constant 0 : i32
      %dma_wait3A_139 = tpu.memref_slice %arg14[%dma_wait3A_138, %mul3A_2] : memref<16x10240xf32, #tpu.memory_space<vmem_shared>> -> memref<16x640xf32, #tpu.memory_space<vmem_shared>>
      tpu.wait_dma2 semaphore(%run_scoped3A_133 : memref<!tpu.dma_semaphore, #tpu.memory_space<semaphore_mem>>) src(%dma_wait3A_139 : memref<16x640xf32, #tpu.memory_space<vmem_shared>>) dst(%arg12 : memref<16x640xf32, #tpu.memory_space<vmem>>)
      tpu.yield
    }) : () -> ()
    %parallel_loop3A_25 = arith.constant 0 : i32
    %parallel_loop3A_26 = arith.constant 40 : i32
    %parallel_loop3A_27 = arith.constant 1 : i32
    scf.for %parallel_loop3A_133 = %parallel_loop3A_25 to %parallel_loop3A_26 step %parallel_loop3A_27  : i32 {
      %parallel_loop3A_134 = arith.constant 16 : i32
      %parallel_loop3A_135 = arith.muli %parallel_loop3A_133, %parallel_loop3A_134 : i32
      %parallel_loop3A_136 = arith.constant 0 : i32
      %parallel_loop3A_137 = arith.index_cast %parallel_loop3A_136 : i32 to index
      %parallel_loop3A_138 = arith.index_cast %parallel_loop3A_135 : i32 to index
      %parallel_loop3A_139 = tpu.vector_load %arg12[%parallel_loop3A_137, %parallel_loop3A_138] {strides = array<i32>} : memref<16x640xf32, #tpu.memory_space<vmem>>, vector<16xf32>,
      %parallel_loop3A_140 = arith.constant 16 : i32
      %parallel_loop3A_141 = arith.muli %parallel_loop3A_133, %parallel_loop3A_140 : i32
      %parallel_loop3A_142 = arith.constant 1 : i32
      %parallel_loop3A_143 = arith.index_cast %parallel_loop3A_142 : i32 to index
      %parallel_loop3A_144 = arith.index_cast %parallel_loop3A_141 : i32 to index
      %parallel_loop3A_145 = tpu.vector_load %arg12[%parallel_loop3A_143, %parallel_loop3A_144] {strides = array<i32>} : memref<16x640xf32, #tpu.memory_space<vmem>>, vector<16xf32>,
      %parallel_loop3A_146 = arith.addf %parallel_loop3A_139, %parallel_loop3A_145 : vector<16xf32>
      %parallel_loop3A_147 = arith.constant 16 : i32
      %parallel_loop3A_148 = arith.muli %parallel_loop3A_133, %parallel_loop3A_147 : i32
      %parallel_loop3A_149 = arith.constant 2 : i32
      %parallel_loop3A_150 = arith.index_cast %parallel_loop3A_149 : i32 to index
      %parallel_loop3A_151 = arith.index_cast %parallel_loop3A_148 : i32 to index
      %parallel_loop3A_152 = tpu.vector_load %arg12[%parallel_loop3A_150, %parallel_loop3A_151] {strides = array<i32>} : memref<16x640xf32, #tpu.memory_space<vmem>>, vector<16xf32>,
      %parallel_loop3A_153 = arith.addf %parallel_loop3A_146, %parallel_loop3A_152 : vector<16xf32>
      %parallel_loop3A_154 = arith.constant 16 : i32
      %parallel_loop3A_155 = arith.muli %parallel_loop3A_133, %parallel_loop3A_154 : i32
      %parallel_loop3A_156 = arith.constant 3 : i32
      %parallel_loop3A_157 = arith.index_cast %parallel_loop3A_156 : i32 to index
      %parallel_loop3A_158 = arith.index_cast %parallel_loop3A_155 : i32 to index
      %parallel_loop3A_159 = tpu.vector_load %arg12[%parallel_loop3A_157, %parallel_loop3A_158] {strides = array<i32>} : memref<16x640xf32, #tpu.memory_space<vmem>>, vector<16xf32>,
      %parallel_loop3A_160 = arith.addf %parallel_loop3A_153, %parallel_loop3A_159 : vector<16xf32>
      %parallel_loop3A_161 = arith.constant 16 : i32
      %parallel_loop3A_162 = arith.muli %parallel_loop3A_133, %parallel_loop3A_161 : i32
      %parallel_loop3A_163 = arith.constant 4 : i32
      %parallel_loop3A_164 = arith.index_cast %parallel_loop3A_163 : i32 to index
      %parallel_loop3A_165 = arith.index_cast %parallel_loop3A_162 : i32 to index
      %parallel_loop3A_166 = tpu.vector_load %arg12[%parallel_loop3A_164, %parallel_loop3A_165] {strides = array<i32>} : memref<16x640xf32, #tpu.memory_space<vmem>>, vector<16xf32>,
      %parallel_loop3A_167 = arith.addf %parallel_loop3A_160, %parallel_loop3A_166 : vector<16xf32>
      %parallel_loop3A_168 = arith.constant 16 : i32
      %parallel_loop3A_169 = arith.muli %parallel_loop3A_133, %parallel_loop3A_168 : i32
      %parallel_loop3A_170 = arith.constant 5 : i32
      %parallel_loop3A_171 = arith.index_cast %parallel_loop3A_170 : i32 to index
      %parallel_loop3A_172 = arith.index_cast %parallel_loop3A_169 : i32 to index
      %parallel_loop3A_173 = tpu.vector_load %arg12[%parallel_loop3A_171, %parallel_loop3A_172] {strides = array<i32>} : memref<16x640xf32, #tpu.memory_space<vmem>>, vector<16xf32>,
      %parallel_loop3A_174 = arith.addf %parallel_loop3A_167, %parallel_loop3A_173 : vector<16xf32>
      %parallel_loop3A_175 = arith.constant 16 : i32
      %parallel_loop3A_176 = arith.muli %parallel_loop3A_133, %parallel_loop3A_175 : i32
      %parallel_loop3A_177 = arith.constant 6 : i32
      %parallel_loop3A_178 = arith.index_cast %parallel_loop3A_177 : i32 to index
      %parallel_loop3A_179 = arith.index_cast %parallel_loop3A_176 : i32 to index
      %parallel_loop3A_180 = tpu.vector_load %arg12[%parallel_loop3A_178, %parallel_loop3A_179] {strides = array<i32>} : memref<16x640xf32, #tpu.memory_space<vmem>>, vector<16xf32>,
      %parallel_loop3A_181 = arith.addf %parallel_loop3A_174, %parallel_loop3A_180 : vector<16xf32>
      %parallel_loop3A_182 = arith.constant 16 : i32
      %parallel_loop3A_183 = arith.muli %parallel_loop3A_133, %parallel_loop3A_182 : i32
      %parallel_loop3A_184 = arith.constant 7 : i32
      %parallel_loop3A_185 = arith.index_cast %parallel_loop3A_184 : i32 to index
      %parallel_loop3A_186 = arith.index_cast %parallel_loop3A_183 : i32 to index
      %parallel_loop3A_187 = tpu.vector_load %arg12[%parallel_loop3A_185, %parallel_loop3A_186] {strides = array<i32>} : memref<16x640xf32, #tpu.memory_space<vmem>>, vector<16xf32>,
      %parallel_loop3A_188 = arith.addf %parallel_loop3A_181, %parallel_loop3A_187 : vector<16xf32>
      %parallel_loop3A_189 = arith.constant 16 : i32
      %parallel_loop3A_190 = arith.muli %parallel_loop3A_133, %parallel_loop3A_189 : i32
      %parallel_loop3A_191 = arith.constant 8 : i32
      %parallel_loop3A_192 = arith.index_cast %parallel_loop3A_191 : i32 to index
      %parallel_loop3A_193 = arith.index_cast %parallel_loop3A_190 : i32 to index
      %parallel_loop3A_194 = tpu.vector_load %arg12[%parallel_loop3A_192, %parallel_loop3A_193] {strides = array<i32>} : memref<16x640xf32, #tpu.memory_space<vmem>>, vector<16xf32>,
      %parallel_loop3A_195 = arith.addf %parallel_loop3A_188, %parallel_loop3A_194 : vector<16xf32>
      %parallel_loop3A_196 = arith.constant 16 : i32
      %parallel_loop3A_197 = arith.muli %parallel_loop3A_133, %parallel_loop3A_196 : i32
      %parallel_loop3A_198 = arith.constant 9 : i32
      %parallel_loop3A_199 = arith.index_cast %parallel_loop3A_198 : i32 to index
      %parallel_loop3A_200 = arith.index_cast %parallel_loop3A_197 : i32 to index
      %parallel_loop3A_201 = tpu.vector_load %arg12[%parallel_loop3A_199, %parallel_loop3A_200] {strides = array<i32>} : memref<16x640xf32, #tpu.memory_space<vmem>>, vector<16xf32>,
      %parallel_loop3A_202 = arith.addf %parallel_loop3A_195, %parallel_loop3A_201 : vector<16xf32>
      %parallel_loop3A_203 = arith.constant 16 : i32
      %parallel_loop3A_204 = arith.muli %parallel_loop3A_133, %parallel_loop3A_203 : i32
      %parallel_loop3A_205 = arith.constant 10 : i32
      %parallel_loop3A_206 = arith.index_cast %parallel_loop3A_205 : i32 to index
      %parallel_loop3A_207 = arith.index_cast %parallel_loop3A_204 : i32 to index
      %parallel_loop3A_208 = tpu.vector_load %arg12[%parallel_loop3A_206, %parallel_loop3A_207] {strides = array<i32>} : memref<16x640xf32, #tpu.memory_space<vmem>>, vector<16xf32>,
      %parallel_loop3A_209 = arith.addf %parallel_loop3A_202, %parallel_loop3A_208 : vector<16xf32>
      %parallel_loop3A_210 = arith.constant 16 : i32
      %parallel_loop3A_211 = arith.muli %parallel_loop3A_133, %parallel_loop3A_210 : i32
      %parallel_loop3A_212 = arith.constant 11 : i32
      %parallel_loop3A_213 = arith.index_cast %parallel_loop3A_212 : i32 to index
      %parallel_loop3A_214 = arith.index_cast %parallel_loop3A_211 : i32 to index
      %parallel_loop3A_215 = tpu.vector_load %arg12[%parallel_loop3A_213, %parallel_loop3A_214] {strides = array<i32>} : memref<16x640xf32, #tpu.memory_space<vmem>>, vector<16xf32>,
      %parallel_loop3A_216 = arith.addf %parallel_loop3A_209, %parallel_loop3A_215 : vector<16xf32>
      %parallel_loop3A_217 = arith.constant 16 : i32
      %parallel_loop3A_218 = arith.muli %parallel_loop3A_133, %parallel_loop3A_217 : i32
      %parallel_loop3A_219 = arith.constant 12 : i32
      %parallel_loop3A_220 = arith.index_cast %parallel_loop3A_219 : i32 to index
      %parallel_loop3A_221 = arith.index_cast %parallel_loop3A_218 : i32 to index
      %parallel_loop3A_222 = tpu.vector_load %arg12[%parallel_loop3A_220, %parallel_loop3A_221] {strides = array<i32>} : memref<16x640xf32, #tpu.memory_space<vmem>>, vector<16xf32>,
      %parallel_loop3A_223 = arith.addf %parallel_loop3A_216, %parallel_loop3A_222 : vector<16xf32>
      %parallel_loop3A_224 = arith.constant 16 : i32
      %parallel_loop3A_225 = arith.muli %parallel_loop3A_133, %parallel_loop3A_224 : i32
      %parallel_loop3A_226 = arith.constant 13 : i32
      %parallel_loop3A_227 = arith.index_cast %parallel_loop3A_226 : i32 to index
      %parallel_loop3A_228 = arith.index_cast %parallel_loop3A_225 : i32 to index
      %parallel_loop3A_229 = tpu.vector_load %arg12[%parallel_loop3A_227, %parallel_loop3A_228] {strides = array<i32>} : memref<16x640xf32, #tpu.memory_space<vmem>>, vector<16xf32>,
      %parallel_loop3A_230 = arith.addf %parallel_loop3A_223, %parallel_loop3A_229 : vector<16xf32>
      %parallel_loop3A_231 = arith.constant 16 : i32
      %parallel_loop3A_232 = arith.muli %parallel_loop3A_133, %parallel_loop3A_231 : i32
      %parallel_loop3A_233 = arith.constant 14 : i32
      %parallel_loop3A_234 = arith.index_cast %parallel_loop3A_233 : i32 to index
      %parallel_loop3A_235 = arith.index_cast %parallel_loop3A_232 : i32 to index
      %parallel_loop3A_236 = tpu.vector_load %arg12[%parallel_loop3A_234, %parallel_loop3A_235] {strides = array<i32>} : memref<16x640xf32, #tpu.memory_space<vmem>>, vector<16xf32>,
      %parallel_loop3A_237 = arith.addf %parallel_loop3A_230, %parallel_loop3A_236 : vector<16xf32>
      %parallel_loop3A_238 = arith.constant 16 : i32
      %parallel_loop3A_239 = arith.muli %parallel_loop3A_133, %parallel_loop3A_238 : i32
      %parallel_loop3A_240 = arith.constant 15 : i32
      %parallel_loop3A_241 = arith.index_cast %parallel_loop3A_240 : i32 to index
      %parallel_loop3A_242 = arith.index_cast %parallel_loop3A_239 : i32 to index
      %parallel_loop3A_243 = tpu.vector_load %arg12[%parallel_loop3A_241, %parallel_loop3A_242] {strides = array<i32>} : memref<16x640xf32, #tpu.memory_space<vmem>>, vector<16xf32>,
      %parallel_loop3A_244 = arith.addf %parallel_loop3A_237, %parallel_loop3A_243 : vector<16xf32>
      %parallel_loop3A_245 = arith.constant 16 : i32
      %parallel_loop3A_246 = arith.muli %parallel_loop3A_133, %parallel_loop3A_245 : i32
      %parallel_loop3A_247 = arith.index_cast %parallel_loop3A_246 : i32 to index
      %parallel_loop3A_248 = tpu.vector_load %arg13[%parallel_loop3A_247] {strides = array<i32>} : memref<640xf32, #tpu.memory_space<vmem>>, vector<16xf32>,
      tpu.vector_store %arg13[%parallel_loop3A_247], %parallel_loop3A_244 {strides = array<i32>} : memref<640xf32, #tpu.memory_space<vmem>>, vector<16xf32>,
    } {sc.loop_unroll_factor = 2 : i64, sc.parallel_access}
    %eq3A = arith.constant 15 : i32
    %eq3A_28 = arith.cmpi eq, %arg1, %eq3A : i32
    %convert_element_type3A = arith.extui %eq3A_28 : i1 to i32
    %cond3A = arith.constant 0 : i32
    %cond3A_29 = arith.cmpi ne, %convert_element_type3A, %cond3A : i32
    scf.if %cond3A_29 {
      %swap3A = arith.constant 400 : index
      %swap3A_133 = tpu.vector_load %arg13[%swap3A] {strides = array<i32>} : memref<640xf32, #tpu.memory_space<vmem>>, vector<16xf32>,
      tpu.vector_store %arg13[%swap3A], %broadcast_in_dim3A_3 {strides = array<i32>} : memref<640xf32, #tpu.memory_space<vmem>>, vector<16xf32>,
      %swap3A_134 = arith.constant 416 : index
      %swap3A_135 = tpu.vector_load %arg13[%swap3A_134] {strides = array<i32>} : memref<640xf32, #tpu.memory_space<vmem>>, vector<16xf32>,
      tpu.vector_store %arg13[%swap3A_134], %broadcast_in_dim3A_3 {strides = array<i32>} : memref<640xf32, #tpu.memory_space<vmem>>, vector<16xf32>,
      %swap3A_136 = arith.constant 432 : index
      %swap3A_137 = tpu.vector_load %arg13[%swap3A_136] {strides = array<i32>} : memref<640xf32, #tpu.memory_space<vmem>>, vector<16xf32>,
      tpu.vector_store %arg13[%swap3A_136], %broadcast_in_dim3A_3 {strides = array<i32>} : memref<640xf32, #tpu.memory_space<vmem>>, vector<16xf32>,
      %swap3A_138 = arith.constant 448 : index
      %swap3A_139 = tpu.vector_load %arg13[%swap3A_138] {strides = array<i32>} : memref<640xf32, #tpu.memory_space<vmem>>, vector<16xf32>,
      tpu.vector_store %arg13[%swap3A_138], %broadcast_in_dim3A_3 {strides = array<i32>} : memref<640xf32, #tpu.memory_space<vmem>>, vector<16xf32>,
      %swap3A_140 = arith.constant 464 : index
      %swap3A_141 = tpu.vector_load %arg13[%swap3A_140] {strides = array<i32>} : memref<640xf32, #tpu.memory_space<vmem>>, vector<16xf32>,
      tpu.vector_store %arg13[%swap3A_140], %broadcast_in_dim3A_3 {strides = array<i32>} : memref<640xf32, #tpu.memory_space<vmem>>, vector<16xf32>,
      %swap3A_142 = arith.constant 480 : index
      %swap3A_143 = tpu.vector_load %arg13[%swap3A_142] {strides = array<i32>} : memref<640xf32, #tpu.memory_space<vmem>>, vector<16xf32>,
      tpu.vector_store %arg13[%swap3A_142], %broadcast_in_dim3A_3 {strides = array<i32>} : memref<640xf32, #tpu.memory_space<vmem>>, vector<16xf32>,
      %swap3A_144 = arith.constant 496 : index
      %swap3A_145 = tpu.vector_load %arg13[%swap3A_144] {strides = array<i32>} : memref<640xf32, #tpu.memory_space<vmem>>, vector<16xf32>,
      tpu.vector_store %arg13[%swap3A_144], %broadcast_in_dim3A_3 {strides = array<i32>} : memref<640xf32, #tpu.memory_space<vmem>>, vector<16xf32>,
      %swap3A_146 = arith.constant 512 : index
      %swap3A_147 = tpu.vector_load %arg13[%swap3A_146] {strides = array<i32>} : memref<640xf32, #tpu.memory_space<vmem>>, vector<16xf32>,
      tpu.vector_store %arg13[%swap3A_146], %broadcast_in_dim3A_3 {strides = array<i32>} : memref<640xf32, #tpu.memory_space<vmem>>, vector<16xf32>,
      %swap3A_148 = arith.constant 528 : index
      %swap3A_149 = tpu.vector_load %arg13[%swap3A_148] {strides = array<i32>} : memref<640xf32, #tpu.memory_space<vmem>>, vector<16xf32>,
      tpu.vector_store %arg13[%swap3A_148], %broadcast_in_dim3A_3 {strides = array<i32>} : memref<640xf32, #tpu.memory_space<vmem>>, vector<16xf32>,
      %swap3A_150 = arith.constant 544 : index
      %swap3A_151 = tpu.vector_load %arg13[%swap3A_150] {strides = array<i32>} : memref<640xf32, #tpu.memory_space<vmem>>, vector<16xf32>,
      tpu.vector_store %arg13[%swap3A_150], %broadcast_in_dim3A_3 {strides = array<i32>} : memref<640xf32, #tpu.memory_space<vmem>>, vector<16xf32>,
      %swap3A_152 = arith.constant 560 : index
      %swap3A_153 = tpu.vector_load %arg13[%swap3A_152] {strides = array<i32>} : memref<640xf32, #tpu.memory_space<vmem>>, vector<16xf32>,
      tpu.vector_store %arg13[%swap3A_152], %broadcast_in_dim3A_3 {strides = array<i32>} : memref<640xf32, #tpu.memory_space<vmem>>, vector<16xf32>,
      %swap3A_154 = arith.constant 576 : index
      %swap3A_155 = tpu.vector_load %arg13[%swap3A_154] {strides = array<i32>} : memref<640xf32, #tpu.memory_space<vmem>>, vector<16xf32>,
      tpu.vector_store %arg13[%swap3A_154], %broadcast_in_dim3A_3 {strides = array<i32>} : memref<640xf32, #tpu.memory_space<vmem>>, vector<16xf32>,
      %swap3A_156 = arith.constant 592 : index
      %swap3A_157 = tpu.vector_load %arg13[%swap3A_156] {strides = array<i32>} : memref<640xf32, #tpu.memory_space<vmem>>, vector<16xf32>,
      tpu.vector_store %arg13[%swap3A_156], %broadcast_in_dim3A_3 {strides = array<i32>} : memref<640xf32, #tpu.memory_space<vmem>>, vector<16xf32>,
      %swap3A_158 = arith.constant 608 : index
      %swap3A_159 = tpu.vector_load %arg13[%swap3A_158] {strides = array<i32>} : memref<640xf32, #tpu.memory_space<vmem>>, vector<16xf32>,
      tpu.vector_store %arg13[%swap3A_158], %broadcast_in_dim3A_3 {strides = array<i32>} : memref<640xf32, #tpu.memory_space<vmem>>, vector<16xf32>,
      %swap3A_160 = arith.constant 624 : index
      %swap3A_161 = tpu.vector_load %arg13[%swap3A_160] {strides = array<i32>} : memref<640xf32, #tpu.memory_space<vmem>>, vector<16xf32>,
      tpu.vector_store %arg13[%swap3A_160], %broadcast_in_dim3A_3 {strides = array<i32>} : memref<640xf32, #tpu.memory_space<vmem>>, vector<16xf32>,
    } else {
    }
    "tpu.region"() ({
      %run_scoped3A_133 = tpu.sem_alloc : memref<!tpu.dma_semaphore, #tpu.memory_space<semaphore_mem>>
      %dma_start3A = tpu.memref_slice %arg5[%add3A_6, %mul3A_2] : memref<8x10240xf32, #tpu.memory_space<hbm>> -> memref<1x640xf32, #tpu.memory_space<hbm>>
      %dma_start3A_134 = tpu.memref_squeeze %dma_start3A : memref<1x640xf32, #tpu.memory_space<hbm>> -> memref<640xf32, #tpu.memory_space<hbm>>
      %dma_start3A_135 = tpu.memref_slice %arg5[%add3A_6, %mul3A_2] : memref<8x10240xf32, #tpu.memory_space<hbm>> -> memref<1x640xf32, #tpu.memory_space<hbm>>
      %dma_start3A_136 = tpu.memref_squeeze %dma_start3A_135 : memref<1x640xf32, #tpu.memory_space<hbm>> -> memref<640xf32, #tpu.memory_space<hbm>>
      tpu.enqueue_dma source(%arg13 : memref<640xf32, #tpu.memory_space<vmem>>) target(%dma_start3A_136 : memref<640xf32, #tpu.memory_space<hbm>>) target_semaphore(%run_scoped3A_133 : memref<!tpu.dma_semaphore, #tpu.memory_space<semaphore_mem>>)
      %dma_wait3A = tpu.memref_slice %arg5[%add3A_6, %mul3A_2] : memref<8x10240xf32, #tpu.memory_space<hbm>> -> memref<1x640xf32, #tpu.memory_space<hbm>>
      %dma_wait3A_137 = tpu.memref_squeeze %dma_wait3A : memref<1x640xf32, #tpu.memory_space<hbm>> -> memref<640xf32, #tpu.memory_space<hbm>>
      %dma_wait3A_138 = tpu.memref_slice %arg5[%add3A_6, %mul3A_2] : memref<8x10240xf32, #tpu.memory_space<hbm>> -> memref<1x640xf32, #tpu.memory_space<hbm>>
      %dma_wait3A_139 = tpu.memref_squeeze %dma_wait3A_138 : memref<1x640xf32, #tpu.memory_space<hbm>> -> memref<640xf32, #tpu.memory_space<hbm>>
      tpu.wait_dma2 semaphore(%run_scoped3A_133 : memref<!tpu.dma_semaphore, #tpu.memory_space<semaphore_mem>>) src(%arg13 : memref<640xf32, #tpu.memory_space<vmem>>) dst(%dma_wait3A_139 : memref<640xf32, #tpu.memory_space<hbm>>)
      tpu.yield
    }) : () -> ()
    %barrier3A_30 = arith.constant 0 : index
    tpu.barrier barrier_id(%barrier3A_30)
    %mul3A_31 = arith.constant 4 : i32
    %mul3A_32 = arith.muli %arg0, %mul3A_31 : i32
    %add3A_33 = arith.constant 1 : i32
    %add3A_34 = arith.addi %mul3A_32, %add3A_33 : i32
    "tpu.region"() ({
      %run_scoped3A_133 = tpu.sem_alloc : memref<!tpu.dma_semaphore, #tpu.memory_space<semaphore_mem>>
      %dma_start3A = arith.constant 0 : i32
      %dma_start3A_134 = tpu.memref_slice %arg3[%add3A_34, %dma_start3A] : memref<8x10240xf32, #tpu.memory_space<hbm>> -> memref<1x10240xf32, #tpu.memory_space<hbm>>
      %dma_start3A_135 = tpu.memref_squeeze %dma_start3A_134 : memref<1x10240xf32, #tpu.memory_space<hbm>> -> memref<10240xf32, #tpu.memory_space<hbm>>
      %dma_start3A_136 = arith.constant 0 : i32
      %dma_start3A_137 = tpu.memref_slice %arg3[%add3A_34, %dma_start3A_136] : memref<8x10240xf32, #tpu.memory_space<hbm>> -> memref<1x10240xf32, #tpu.memory_space<hbm>>
      %dma_start3A_138 = tpu.memref_squeeze %dma_start3A_137 : memref<1x10240xf32, #tpu.memory_space<hbm>> -> memref<10240xf32, #tpu.memory_space<hbm>>
      tpu.enqueue_dma source(%dma_start3A_138 : memref<10240xf32, #tpu.memory_space<hbm>>) target(%arg7 : memref<10240xf32, #tpu.memory_space<vmem>>) target_semaphore(%run_scoped3A_133 : memref<!tpu.dma_semaphore, #tpu.memory_space<semaphore_mem>>)
      %dma_wait3A = arith.constant 0 : i32
      %dma_wait3A_139 = tpu.memref_slice %arg3[%add3A_34, %dma_wait3A] : memref<8x10240xf32, #tpu.memory_space<hbm>> -> memref<1x10240xf32, #tpu.memory_space<hbm>>
      %dma_wait3A_140 = tpu.memref_squeeze %dma_wait3A_139 : memref<1x10240xf32, #tpu.memory_space<hbm>> -> memref<10240xf32, #tpu.memory_space<hbm>>
      %dma_wait3A_141 = arith.constant 0 : i32
      %dma_wait3A_142 = tpu.memref_slice %arg3[%add3A_34, %dma_wait3A_141] : memref<8x10240xf32, #tpu.memory_space<hbm>> -> memref<1x10240xf32, #tpu.memory_space<hbm>>
      %dma_wait3A_143 = tpu.memref_squeeze %dma_wait3A_142 : memref<1x10240xf32, #tpu.memory_space<hbm>> -> memref<10240xf32, #tpu.memory_space<hbm>>
      tpu.wait_dma2 semaphore(%run_scoped3A_133 : memref<!tpu.dma_semaphore, #tpu.memory_space<semaphore_mem>>) src(%dma_wait3A_143 : memref<10240xf32, #tpu.memory_space<hbm>>) dst(%arg7 : memref<10240xf32, #tpu.memory_space<vmem>>)
      tpu.yield
    }) : () -> ()
    "tpu.region"() ({
      %run_scoped3A_133 = tpu.sem_alloc : memref<!tpu.dma_semaphore, #tpu.memory_space<semaphore_mem>>
      %dma_start3A = arith.constant 0 : i32
      %dma_start3A_134 = tpu.memref_slice %arg4[%add3A_34, %dma_start3A] : memref<8x10240xf32, #tpu.memory_space<hbm>> -> memref<1x10240xf32, #tpu.memory_space<hbm>>
      %dma_start3A_135 = tpu.memref_squeeze %dma_start3A_134 : memref<1x10240xf32, #tpu.memory_space<hbm>> -> memref<10240xf32, #tpu.memory_space<hbm>>
      %dma_start3A_136 = arith.constant 0 : i32
      %dma_start3A_137 = tpu.memref_slice %arg4[%add3A_34, %dma_start3A_136] : memref<8x10240xf32, #tpu.memory_space<hbm>> -> memref<1x10240xf32, #tpu.memory_space<hbm>>
      %dma_start3A_138 = tpu.memref_squeeze %dma_start3A_137 : memref<1x10240xf32, #tpu.memory_space<hbm>> -> memref<10240xf32, #tpu.memory_space<hbm>>
      tpu.enqueue_dma source(%dma_start3A_138 : memref<10240xf32, #tpu.memory_space<hbm>>) target(%arg8 : memref<10240xf32, #tpu.memory_space<vmem>>) target_semaphore(%run_scoped3A_133 : memref<!tpu.dma_semaphore, #tpu.memory_space<semaphore_mem>>)
      %dma_wait3A = arith.constant 0 : i32
      %dma_wait3A_139 = tpu.memref_slice %arg4[%add3A_34, %dma_wait3A] : memref<8x10240xf32, #tpu.memory_space<hbm>> -> memref<1x10240xf32, #tpu.memory_space<hbm>>
      %dma_wait3A_140 = tpu.memref_squeeze %dma_wait3A_139 : memref<1x10240xf32, #tpu.memory_space<hbm>> -> memref<10240xf32, #tpu.memory_space<hbm>>
      %dma_wait3A_141 = arith.constant 0 : i32
      %dma_wait3A_142 = tpu.memref_slice %arg4[%add3A_34, %dma_wait3A_141] : memref<8x10240xf32, #tpu.memory_space<hbm>> -> memref<1x10240xf32, #tpu.memory_space<hbm>>
      %dma_wait3A_143 = tpu.memref_squeeze %dma_wait3A_142 : memref<1x10240xf32, #tpu.memory_space<hbm>> -> memref<10240xf32, #tpu.memory_space<hbm>>
      tpu.wait_dma2 semaphore(%run_scoped3A_133 : memref<!tpu.dma_semaphore, #tpu.memory_space<semaphore_mem>>) src(%dma_wait3A_143 : memref<10240xf32, #tpu.memory_space<hbm>>) dst(%arg8 : memref<10240xf32, #tpu.memory_space<vmem>>)
      tpu.yield
    }) : () -> ()
    %parallel_loop3A_35 = arith.constant 0 : i32
    %parallel_loop3A_36 = arith.constant 640 : i32
    %parallel_loop3A_37 = arith.constant 1 : i32
    scf.for %parallel_loop3A_133 = %parallel_loop3A_35 to %parallel_loop3A_36 step %parallel_loop3A_37  : i32 {
      %parallel_loop3A_134 = arith.constant 16 : i32
      %parallel_loop3A_135 = arith.muli %parallel_loop3A_133, %parallel_loop3A_134 : i32
      %parallel_loop3A_136 = arith.index_cast %parallel_loop3A_135 : i32 to index
      %parallel_loop3A_137 = tpu.vector_load %arg10[%parallel_loop3A_136] {strides = array<i32>} : memref<10240xf32, #tpu.memory_space<vmem>>, vector<16xf32>,
      tpu.vector_store %arg10[%parallel_loop3A_136], %broadcast_in_dim3A_3 {strides = array<i32>} : memref<10240xf32, #tpu.memory_space<vmem>>, vector<16xf32>,
    } {sc.loop_unroll_factor = 8 : i64, sc.parallel_access}
    %parallel_loop3A_38 = arith.constant 0 : i32
    %parallel_loop3A_39 = arith.constant 1290 : i32
    %parallel_loop3A_40 = arith.constant 1 : i32
    scf.for %parallel_loop3A_133 = %parallel_loop3A_38 to %parallel_loop3A_39 step %parallel_loop3A_40  : i32 {
      %parallel_loop3A_134 = arith.constant 16 : i32
      %parallel_loop3A_135 = arith.muli %parallel_loop3A_133, %parallel_loop3A_134 : i32
      %parallel_loop3A_136 = arith.index_cast %parallel_loop3A_135 : i32 to index
      %parallel_loop3A_137 = tpu.vector_load %arg6[%parallel_loop3A_136] {strides = array<i32>} : memref<20640xi32, #tpu.memory_space<vmem>>, vector<16xi32>,
      %parallel_loop3A_138 = arith.constant 16383 : i32
      %parallel_loop3A_139 = vector.broadcast %parallel_loop3A_138 : i32 to vector<16xi32>
      %parallel_loop3A_140 = arith.andi %parallel_loop3A_137, %parallel_loop3A_139 : vector<16xi32>
      %parallel_loop3A_141 = arith.constant 14 : i32
      %parallel_loop3A_142 = vector.broadcast %parallel_loop3A_141 : i32 to vector<16xi32>
      %parallel_loop3A_143 = arith.shrui %parallel_loop3A_137, %parallel_loop3A_142 : vector<16xi32>
      %parallel_loop3A_144 = tpu.vector_load_idx %arg7[%parallel_loop3A_140] : memref<10240xf32, #tpu.memory_space<vmem>>[vector<16xi32>], vector<16xf32>,
      %parallel_loop3A_145 = tpu.vector_load_idx %arg8[%parallel_loop3A_143] : memref<10240xf32, #tpu.memory_space<vmem>>[vector<16xi32>], vector<16xf32>,
      %parallel_loop3A_146 = arith.addf %parallel_loop3A_144, %parallel_loop3A_145 : vector<16xf32>
      %parallel_loop3A_147 = arith.constant 2.000000e-01 : f32
      %parallel_loop3A_148 = vector.broadcast %parallel_loop3A_147 : f32 to vector<16xf32>
      %parallel_loop3A_149 = arith.mulf %parallel_loop3A_146, %parallel_loop3A_148 : vector<16xf32>
      %parallel_loop3A_150 = arith.maximumf %parallel_loop3A_146, %parallel_loop3A_149 : vector<16xf32>
      %parallel_loop3A_151 = math.exp %parallel_loop3A_150 : vector<16xf32>
      %parallel_loop3A_152 = arith.constant 16 : i32
      %parallel_loop3A_153 = arith.muli %parallel_loop3A_133, %parallel_loop3A_152 : i32
      %parallel_loop3A_154 = arith.index_cast %parallel_loop3A_153 : i32 to index
      %parallel_loop3A_155 = tpu.vector_load %arg9[%parallel_loop3A_154] {strides = array<i32>} : memref<20640xf32, #tpu.memory_space<vmem>>, vector<16xf32>,
      tpu.vector_store %arg9[%parallel_loop3A_154], %parallel_loop3A_151 {strides = array<i32>} : memref<20640xf32, #tpu.memory_space<vmem>>, vector<16xf32>,
      tpu.vector_store_idx %arg10[%parallel_loop3A_143], %parallel_loop3A_151 {add = true} : memref<10240xf32, #tpu.memory_space<vmem>>[vector<16xi32>], vector<16xf32>,
    } {sc.loop_unroll_factor = 8 : i64, sc.parallel_access}
    "tpu.region"() ({
      %run_scoped3A_133 = tpu.sem_alloc : memref<!tpu.dma_semaphore, #tpu.memory_space<semaphore_mem>>
      %dma_start3A = arith.constant 0 : i32
      %dma_start3A_134 = tpu.memref_slice %arg14[%arg1, %dma_start3A] : memref<16x10240xf32, #tpu.memory_space<vmem_shared>> -> memref<1x10240xf32, #tpu.memory_space<vmem_shared>>
      %dma_start3A_135 = tpu.memref_squeeze %dma_start3A_134 : memref<1x10240xf32, #tpu.memory_space<vmem_shared>> -> memref<10240xf32, #tpu.memory_space<vmem_shared>>
      %dma_start3A_136 = arith.constant 0 : i32
      %dma_start3A_137 = tpu.memref_slice %arg14[%arg1, %dma_start3A_136] : memref<16x10240xf32, #tpu.memory_space<vmem_shared>> -> memref<1x10240xf32, #tpu.memory_space<vmem_shared>>
      %dma_start3A_138 = tpu.memref_squeeze %dma_start3A_137 : memref<1x10240xf32, #tpu.memory_space<vmem_shared>> -> memref<10240xf32, #tpu.memory_space<vmem_shared>>
      tpu.enqueue_dma source(%arg10 : memref<10240xf32, #tpu.memory_space<vmem>>) target(%dma_start3A_138 : memref<10240xf32, #tpu.memory_space<vmem_shared>>) target_semaphore(%run_scoped3A_133 : memref<!tpu.dma_semaphore, #tpu.memory_space<semaphore_mem>>)
      %dma_wait3A = arith.constant 0 : i32
      %dma_wait3A_139 = tpu.memref_slice %arg14[%arg1, %dma_wait3A] : memref<16x10240xf32, #tpu.memory_space<vmem_shared>> -> memref<1x10240xf32, #tpu.memory_space<vmem_shared>>
      %dma_wait3A_140 = tpu.memref_squeeze %dma_wait3A_139 : memref<1x10240xf32, #tpu.memory_space<vmem_shared>> -> memref<10240xf32, #tpu.memory_space<vmem_shared>>
      %dma_wait3A_141 = arith.constant 0 : i32
      %dma_wait3A_142 = tpu.memref_slice %arg14[%arg1, %dma_wait3A_141] : memref<16x10240xf32, #tpu.memory_space<vmem_shared>> -> memref<1x10240xf32, #tpu.memory_space<vmem_shared>>
      %dma_wait3A_143 = tpu.memref_squeeze %dma_wait3A_142 : memref<1x10240xf32, #tpu.memory_space<vmem_shared>> -> memref<10240xf32, #tpu.memory_space<vmem_shared>>
      tpu.wait_dma2 semaphore(%run_scoped3A_133 : memref<!tpu.dma_semaphore, #tpu.memory_space<semaphore_mem>>) src(%arg10 : memref<10240xf32, #tpu.memory_space<vmem>>) dst(%dma_wait3A_143 : memref<10240xf32, #tpu.memory_space<vmem_shared>>)
      tpu.yield
    }) : () -> ()
    %barrier3A_41 = arith.constant 0 : index
    tpu.barrier barrier_id(%barrier3A_41)
    "tpu.region"() ({
      %run_scoped3A_133 = tpu.sem_alloc : memref<!tpu.dma_semaphore, #tpu.memory_space<semaphore_mem>>
      %dma_start3A = arith.constant 0 : i32
      %dma_start3A_134 = tpu.memref_slice %arg14[%dma_start3A, %mul3A_2] : memref<16x10240xf32, #tpu.memory_space<vmem_shared>> -> memref<16x640xf32, #tpu.memory_space<vmem_shared>>
      %dma_start3A_135 = arith.constant 0 : i32
      %dma_start3A_136 = tpu.memref_slice %arg14[%dma_start3A_135, %mul3A_2] : memref<16x10240xf32, #tpu.memory_space<vmem_shared>> -> memref<16x640xf32, #tpu.memory_space<vmem_shared>>
      tpu.enqueue_dma source(%dma_start3A_136 : memref<16x640xf32, #tpu.memory_space<vmem_shared>>) target(%arg12 : memref<16x640xf32, #tpu.memory_space<vmem>>) target_semaphore(%run_scoped3A_133 : memref<!tpu.dma_semaphore, #tpu.memory_space<semaphore_mem>>)
      %dma_wait3A = arith.constant 0 : i32
      %dma_wait3A_137 = tpu.memref_slice %arg14[%dma_wait3A, %mul3A_2] : memref<16x10240xf32, #tpu.memory_space<vmem_shared>> -> memref<16x640xf32, #tpu.memory_space<vmem_shared>>
      %dma_wait3A_138 = arith.constant 0 : i32
      %dma_wait3A_139 = tpu.memref_slice %arg14[%dma_wait3A_138, %mul3A_2] : memref<16x10240xf32, #tpu.memory_space<vmem_shared>> -> memref<16x640xf32, #tpu.memory_space<vmem_shared>>
      tpu.wait_dma2 semaphore(%run_scoped3A_133 : memref<!tpu.dma_semaphore, #tpu.memory_space<semaphore_mem>>) src(%dma_wait3A_139 : memref<16x640xf32, #tpu.memory_space<vmem_shared>>) dst(%arg12 : memref<16x640xf32, #tpu.memory_space<vmem>>)
      tpu.yield
    }) : () -> ()
    %parallel_loop3A_42 = arith.constant 0 : i32
    %parallel_loop3A_43 = arith.constant 40 : i32
    %parallel_loop3A_44 = arith.constant 1 : i32
    scf.for %parallel_loop3A_133 = %parallel_loop3A_42 to %parallel_loop3A_43 step %parallel_loop3A_44  : i32 {
      %parallel_loop3A_134 = arith.constant 16 : i32
      %parallel_loop3A_135 = arith.muli %parallel_loop3A_133, %parallel_loop3A_134 : i32
      %parallel_loop3A_136 = arith.constant 0 : i32
      %parallel_loop3A_137 = arith.index_cast %parallel_loop3A_136 : i32 to index
      %parallel_loop3A_138 = arith.index_cast %parallel_loop3A_135 : i32 to index
      %parallel_loop3A_139 = tpu.vector_load %arg12[%parallel_loop3A_137, %parallel_loop3A_138] {strides = array<i32>} : memref<16x640xf32, #tpu.memory_space<vmem>>, vector<16xf32>,
      %parallel_loop3A_140 = arith.constant 16 : i32
      %parallel_loop3A_141 = arith.muli %parallel_loop3A_133, %parallel_loop3A_140 : i32
      %parallel_loop3A_142 = arith.constant 1 : i32
      %parallel_loop3A_143 = arith.index_cast %parallel_loop3A_142 : i32 to index
      %parallel_loop3A_144 = arith.index_cast %parallel_loop3A_141 : i32 to index
      %parallel_loop3A_145 = tpu.vector_load %arg12[%parallel_loop3A_143, %parallel_loop3A_144] {strides = array<i32>} : memref<16x640xf32, #tpu.memory_space<vmem>>, vector<16xf32>,
      %parallel_loop3A_146 = arith.addf %parallel_loop3A_139, %parallel_loop3A_145 : vector<16xf32>
      %parallel_loop3A_147 = arith.constant 16 : i32
      %parallel_loop3A_148 = arith.muli %parallel_loop3A_133, %parallel_loop3A_147 : i32
      %parallel_loop3A_149 = arith.constant 2 : i32
      %parallel_loop3A_150 = arith.index_cast %parallel_loop3A_149 : i32 to index
      %parallel_loop3A_151 = arith.index_cast %parallel_loop3A_148 : i32 to index
      %parallel_loop3A_152 = tpu.vector_load %arg12[%parallel_loop3A_150, %parallel_loop3A_151] {strides = array<i32>} : memref<16x640xf32, #tpu.memory_space<vmem>>, vector<16xf32>,
      %parallel_loop3A_153 = arith.addf %parallel_loop3A_146, %parallel_loop3A_152 : vector<16xf32>
      %parallel_loop3A_154 = arith.constant 16 : i32
      %parallel_loop3A_155 = arith.muli %parallel_loop3A_133, %parallel_loop3A_154 : i32
      %parallel_loop3A_156 = arith.constant 3 : i32
      %parallel_loop3A_157 = arith.index_cast %parallel_loop3A_156 : i32 to index
      %parallel_loop3A_158 = arith.index_cast %parallel_loop3A_155 : i32 to index
      %parallel_loop3A_159 = tpu.vector_load %arg12[%parallel_loop3A_157, %parallel_loop3A_158] {strides = array<i32>} : memref<16x640xf32, #tpu.memory_space<vmem>>, vector<16xf32>,
      %parallel_loop3A_160 = arith.addf %parallel_loop3A_153, %parallel_loop3A_159 : vector<16xf32>
      %parallel_loop3A_161 = arith.constant 16 : i32
      %parallel_loop3A_162 = arith.muli %parallel_loop3A_133, %parallel_loop3A_161 : i32
      %parallel_loop3A_163 = arith.constant 4 : i32
      %parallel_loop3A_164 = arith.index_cast %parallel_loop3A_163 : i32 to index
      %parallel_loop3A_165 = arith.index_cast %parallel_loop3A_162 : i32 to index
      %parallel_loop3A_166 = tpu.vector_load %arg12[%parallel_loop3A_164, %parallel_loop3A_165] {strides = array<i32>} : memref<16x640xf32, #tpu.memory_space<vmem>>, vector<16xf32>,
      %parallel_loop3A_167 = arith.addf %parallel_loop3A_160, %parallel_loop3A_166 : vector<16xf32>
      %parallel_loop3A_168 = arith.constant 16 : i32
      %parallel_loop3A_169 = arith.muli %parallel_loop3A_133, %parallel_loop3A_168 : i32
      %parallel_loop3A_170 = arith.constant 5 : i32
      %parallel_loop3A_171 = arith.index_cast %parallel_loop3A_170 : i32 to index
      %parallel_loop3A_172 = arith.index_cast %parallel_loop3A_169 : i32 to index
      %parallel_loop3A_173 = tpu.vector_load %arg12[%parallel_loop3A_171, %parallel_loop3A_172] {strides = array<i32>} : memref<16x640xf32, #tpu.memory_space<vmem>>, vector<16xf32>,
      %parallel_loop3A_174 = arith.addf %parallel_loop3A_167, %parallel_loop3A_173 : vector<16xf32>
      %parallel_loop3A_175 = arith.constant 16 : i32
      %parallel_loop3A_176 = arith.muli %parallel_loop3A_133, %parallel_loop3A_175 : i32
      %parallel_loop3A_177 = arith.constant 6 : i32
      %parallel_loop3A_178 = arith.index_cast %parallel_loop3A_177 : i32 to index
      %parallel_loop3A_179 = arith.index_cast %parallel_loop3A_176 : i32 to index
      %parallel_loop3A_180 = tpu.vector_load %arg12[%parallel_loop3A_178, %parallel_loop3A_179] {strides = array<i32>} : memref<16x640xf32, #tpu.memory_space<vmem>>, vector<16xf32>,
      %parallel_loop3A_181 = arith.addf %parallel_loop3A_174, %parallel_loop3A_180 : vector<16xf32>
      %parallel_loop3A_182 = arith.constant 16 : i32
      %parallel_loop3A_183 = arith.muli %parallel_loop3A_133, %parallel_loop3A_182 : i32
      %parallel_loop3A_184 = arith.constant 7 : i32
      %parallel_loop3A_185 = arith.index_cast %parallel_loop3A_184 : i32 to index
      %parallel_loop3A_186 = arith.index_cast %parallel_loop3A_183 : i32 to index
      %parallel_loop3A_187 = tpu.vector_load %arg12[%parallel_loop3A_185, %parallel_loop3A_186] {strides = array<i32>} : memref<16x640xf32, #tpu.memory_space<vmem>>, vector<16xf32>,
      %parallel_loop3A_188 = arith.addf %parallel_loop3A_181, %parallel_loop3A_187 : vector<16xf32>
      %parallel_loop3A_189 = arith.constant 16 : i32
      %parallel_loop3A_190 = arith.muli %parallel_loop3A_133, %parallel_loop3A_189 : i32
      %parallel_loop3A_191 = arith.constant 8 : i32
      %parallel_loop3A_192 = arith.index_cast %parallel_loop3A_191 : i32 to index
      %parallel_loop3A_193 = arith.index_cast %parallel_loop3A_190 : i32 to index
      %parallel_loop3A_194 = tpu.vector_load %arg12[%parallel_loop3A_192, %parallel_loop3A_193] {strides = array<i32>} : memref<16x640xf32, #tpu.memory_space<vmem>>, vector<16xf32>,
      %parallel_loop3A_195 = arith.addf %parallel_loop3A_188, %parallel_loop3A_194 : vector<16xf32>
      %parallel_loop3A_196 = arith.constant 16 : i32
      %parallel_loop3A_197 = arith.muli %parallel_loop3A_133, %parallel_loop3A_196 : i32
      %parallel_loop3A_198 = arith.constant 9 : i32
      %parallel_loop3A_199 = arith.index_cast %parallel_loop3A_198 : i32 to index
      %parallel_loop3A_200 = arith.index_cast %parallel_loop3A_197 : i32 to index
      %parallel_loop3A_201 = tpu.vector_load %arg12[%parallel_loop3A_199, %parallel_loop3A_200] {strides = array<i32>} : memref<16x640xf32, #tpu.memory_space<vmem>>, vector<16xf32>,
      %parallel_loop3A_202 = arith.addf %parallel_loop3A_195, %parallel_loop3A_201 : vector<16xf32>
      %parallel_loop3A_203 = arith.constant 16 : i32
      %parallel_loop3A_204 = arith.muli %parallel_loop3A_133, %parallel_loop3A_203 : i32
      %parallel_loop3A_205 = arith.constant 10 : i32
      %parallel_loop3A_206 = arith.index_cast %parallel_loop3A_205 : i32 to index
      %parallel_loop3A_207 = arith.index_cast %parallel_loop3A_204 : i32 to index
      %parallel_loop3A_208 = tpu.vector_load %arg12[%parallel_loop3A_206, %parallel_loop3A_207] {strides = array<i32>} : memref<16x640xf32, #tpu.memory_space<vmem>>, vector<16xf32>,
      %parallel_loop3A_209 = arith.addf %parallel_loop3A_202, %parallel_loop3A_208 : vector<16xf32>
      %parallel_loop3A_210 = arith.constant 16 : i32
      %parallel_loop3A_211 = arith.muli %parallel_loop3A_133, %parallel_loop3A_210 : i32
      %parallel_loop3A_212 = arith.constant 11 : i32
      %parallel_loop3A_213 = arith.index_cast %parallel_loop3A_212 : i32 to index
      %parallel_loop3A_214 = arith.index_cast %parallel_loop3A_211 : i32 to index
      %parallel_loop3A_215 = tpu.vector_load %arg12[%parallel_loop3A_213, %parallel_loop3A_214] {strides = array<i32>} : memref<16x640xf32, #tpu.memory_space<vmem>>, vector<16xf32>,
      %parallel_loop3A_216 = arith.addf %parallel_loop3A_209, %parallel_loop3A_215 : vector<16xf32>
      %parallel_loop3A_217 = arith.constant 16 : i32
      %parallel_loop3A_218 = arith.muli %parallel_loop3A_133, %parallel_loop3A_217 : i32
      %parallel_loop3A_219 = arith.constant 12 : i32
      %parallel_loop3A_220 = arith.index_cast %parallel_loop3A_219 : i32 to index
      %parallel_loop3A_221 = arith.index_cast %parallel_loop3A_218 : i32 to index
      %parallel_loop3A_222 = tpu.vector_load %arg12[%parallel_loop3A_220, %parallel_loop3A_221] {strides = array<i32>} : memref<16x640xf32, #tpu.memory_space<vmem>>, vector<16xf32>,
      %parallel_loop3A_223 = arith.addf %parallel_loop3A_216, %parallel_loop3A_222 : vector<16xf32>
      %parallel_loop3A_224 = arith.constant 16 : i32
      %parallel_loop3A_225 = arith.muli %parallel_loop3A_133, %parallel_loop3A_224 : i32
      %parallel_loop3A_226 = arith.constant 13 : i32
      %parallel_loop3A_227 = arith.index_cast %parallel_loop3A_226 : i32 to index
      %parallel_loop3A_228 = arith.index_cast %parallel_loop3A_225 : i32 to index
      %parallel_loop3A_229 = tpu.vector_load %arg12[%parallel_loop3A_227, %parallel_loop3A_228] {strides = array<i32>} : memref<16x640xf32, #tpu.memory_space<vmem>>, vector<16xf32>,
      %parallel_loop3A_230 = arith.addf %parallel_loop3A_223, %parallel_loop3A_229 : vector<16xf32>
      %parallel_loop3A_231 = arith.constant 16 : i32
      %parallel_loop3A_232 = arith.muli %parallel_loop3A_133, %parallel_loop3A_231 : i32
      %parallel_loop3A_233 = arith.constant 14 : i32
      %parallel_loop3A_234 = arith.index_cast %parallel_loop3A_233 : i32 to index
      %parallel_loop3A_235 = arith.index_cast %parallel_loop3A_232 : i32 to index
      %parallel_loop3A_236 = tpu.vector_load %arg12[%parallel_loop3A_234, %parallel_loop3A_235] {strides = array<i32>} : memref<16x640xf32, #tpu.memory_space<vmem>>, vector<16xf32>,
      %parallel_loop3A_237 = arith.addf %parallel_loop3A_230, %parallel_loop3A_236 : vector<16xf32>
      %parallel_loop3A_238 = arith.constant 16 : i32
      %parallel_loop3A_239 = arith.muli %parallel_loop3A_133, %parallel_loop3A_238 : i32
      %parallel_loop3A_240 = arith.constant 15 : i32
      %parallel_loop3A_241 = arith.index_cast %parallel_loop3A_240 : i32 to index
      %parallel_loop3A_242 = arith.index_cast %parallel_loop3A_239 : i32 to index
      %parallel_loop3A_243 = tpu.vector_load %arg12[%parallel_loop3A_241, %parallel_loop3A_242] {strides = array<i32>} : memref<16x640xf32, #tpu.memory_space<vmem>>, vector<16xf32>,
      %parallel_loop3A_244 = arith.addf %parallel_loop3A_237, %parallel_loop3A_243 : vector<16xf32>
      %parallel_loop3A_245 = arith.constant 1.000000e-16 : f32
      %parallel_loop3A_246 = vector.broadcast %parallel_loop3A_245 : f32 to vector<16xf32>
      %parallel_loop3A_247 = arith.addf %parallel_loop3A_244, %parallel_loop3A_246 : vector<16xf32>
      %parallel_loop3A_248 = arith.constant 1.000000e+00 : f32
      %parallel_loop3A_249 = vector.broadcast %parallel_loop3A_248 : f32 to vector<16xf32>
      %parallel_loop3A_250 = arith.divf %parallel_loop3A_249, %parallel_loop3A_247 : vector<16xf32>
      %parallel_loop3A_251 = arith.constant 16 : i32
      %parallel_loop3A_252 = arith.muli %parallel_loop3A_133, %parallel_loop3A_251 : i32
      %parallel_loop3A_253 = arith.index_cast %parallel_loop3A_252 : i32 to index
      %parallel_loop3A_254 = tpu.vector_load %arg13[%parallel_loop3A_253] {strides = array<i32>} : memref<640xf32, #tpu.memory_space<vmem>>, vector<16xf32>,
      tpu.vector_store %arg13[%parallel_loop3A_253], %parallel_loop3A_250 {strides = array<i32>} : memref<640xf32, #tpu.memory_space<vmem>>, vector<16xf32>,
    } {sc.loop_unroll_factor = 2 : i64, sc.parallel_access}
    %run_scoped3A_45 = arith.constant 0 : i32
    "tpu.region"() ({
      %run_scoped3A_133 = tpu.sem_alloc : memref<!tpu.dma_semaphore, #tpu.memory_space<semaphore_mem>>
      %dma_start3A = tpu.memref_slice %arg14[%run_scoped3A_45, %mul3A_2] : memref<16x10240xf32, #tpu.memory_space<vmem_shared>> -> memref<1x640xf32, #tpu.memory_space<vmem_shared>>
      %dma_start3A_134 = tpu.memref_squeeze %dma_start3A : memref<1x640xf32, #tpu.memory_space<vmem_shared>> -> memref<640xf32, #tpu.memory_space<vmem_shared>>
      %dma_start3A_135 = tpu.memref_slice %arg14[%run_scoped3A_45, %mul3A_2] : memref<16x10240xf32, #tpu.memory_space<vmem_shared>> -> memref<1x640xf32, #tpu.memory_space<vmem_shared>>
      %dma_start3A_136 = tpu.memref_squeeze %dma_start3A_135 : memref<1x640xf32, #tpu.memory_space<vmem_shared>> -> memref<640xf32, #tpu.memory_space<vmem_shared>>
      tpu.enqueue_dma source(%arg13 : memref<640xf32, #tpu.memory_space<vmem>>) target(%dma_start3A_136 : memref<640xf32, #tpu.memory_space<vmem_shared>>) target_semaphore(%run_scoped3A_133 : memref<!tpu.dma_semaphore, #tpu.memory_space<semaphore_mem>>)
      %dma_wait3A = tpu.memref_slice %arg14[%run_scoped3A_45, %mul3A_2] : memref<16x10240xf32, #tpu.memory_space<vmem_shared>> -> memref<1x640xf32, #tpu.memory_space<vmem_shared>>
      %dma_wait3A_137 = tpu.memref_squeeze %dma_wait3A : memref<1x640xf32, #tpu.memory_space<vmem_shared>> -> memref<640xf32, #tpu.memory_space<vmem_shared>>
      %dma_wait3A_138 = tpu.memref_slice %arg14[%run_scoped3A_45, %mul3A_2] : memref<16x10240xf32, #tpu.memory_space<vmem_shared>> -> memref<1x640xf32, #tpu.memory_space<vmem_shared>>
      %dma_wait3A_139 = tpu.memref_squeeze %dma_wait3A_138 : memref<1x640xf32, #tpu.memory_space<vmem_shared>> -> memref<640xf32, #tpu.memory_space<vmem_shared>>
      tpu.wait_dma2 semaphore(%run_scoped3A_133 : memref<!tpu.dma_semaphore, #tpu.memory_space<semaphore_mem>>) src(%arg13 : memref<640xf32, #tpu.memory_space<vmem>>) dst(%dma_wait3A_139 : memref<640xf32, #tpu.memory_space<vmem_shared>>)
      tpu.yield
    }) : () -> ()
    %barrier3A_46 = arith.constant 0 : index
    tpu.barrier barrier_id(%barrier3A_46)
    %run_scoped3A_47 = arith.constant 0 : i32
    "tpu.region"() ({
      %run_scoped3A_133 = tpu.sem_alloc : memref<!tpu.dma_semaphore, #tpu.memory_space<semaphore_mem>>
      %dma_start3A = arith.constant 0 : i32
      %dma_start3A_134 = tpu.memref_slice %arg14[%run_scoped3A_47, %dma_start3A] : memref<16x10240xf32, #tpu.memory_space<vmem_shared>> -> memref<1x10240xf32, #tpu.memory_space<vmem_shared>>
      %dma_start3A_135 = tpu.memref_squeeze %dma_start3A_134 : memref<1x10240xf32, #tpu.memory_space<vmem_shared>> -> memref<10240xf32, #tpu.memory_space<vmem_shared>>
      %dma_start3A_136 = arith.constant 0 : i32
      %dma_start3A_137 = tpu.memref_slice %arg14[%run_scoped3A_47, %dma_start3A_136] : memref<16x10240xf32, #tpu.memory_space<vmem_shared>> -> memref<1x10240xf32, #tpu.memory_space<vmem_shared>>
      %dma_start3A_138 = tpu.memref_squeeze %dma_start3A_137 : memref<1x10240xf32, #tpu.memory_space<vmem_shared>> -> memref<10240xf32, #tpu.memory_space<vmem_shared>>
      tpu.enqueue_dma source(%dma_start3A_138 : memref<10240xf32, #tpu.memory_space<vmem_shared>>) target(%arg11 : memref<10240xf32, #tpu.memory_space<vmem>>) target_semaphore(%run_scoped3A_133 : memref<!tpu.dma_semaphore, #tpu.memory_space<semaphore_mem>>)
      %dma_wait3A = arith.constant 0 : i32
      %dma_wait3A_139 = tpu.memref_slice %arg14[%run_scoped3A_47, %dma_wait3A] : memref<16x10240xf32, #tpu.memory_space<vmem_shared>> -> memref<1x10240xf32, #tpu.memory_space<vmem_shared>>
      %dma_wait3A_140 = tpu.memref_squeeze %dma_wait3A_139 : memref<1x10240xf32, #tpu.memory_space<vmem_shared>> -> memref<10240xf32, #tpu.memory_space<vmem_shared>>
      %dma_wait3A_141 = arith.constant 0 : i32
      %dma_wait3A_142 = tpu.memref_slice %arg14[%run_scoped3A_47, %dma_wait3A_141] : memref<16x10240xf32, #tpu.memory_space<vmem_shared>> -> memref<1x10240xf32, #tpu.memory_space<vmem_shared>>
      %dma_wait3A_143 = tpu.memref_squeeze %dma_wait3A_142 : memref<1x10240xf32, #tpu.memory_space<vmem_shared>> -> memref<10240xf32, #tpu.memory_space<vmem_shared>>
      tpu.wait_dma2 semaphore(%run_scoped3A_133 : memref<!tpu.dma_semaphore, #tpu.memory_space<semaphore_mem>>) src(%dma_wait3A_143 : memref<10240xf32, #tpu.memory_space<vmem_shared>>) dst(%arg11 : memref<10240xf32, #tpu.memory_space<vmem>>)
      tpu.yield
    }) : () -> ()
    %barrier3A_48 = arith.constant 0 : index
    tpu.barrier barrier_id(%barrier3A_48)
    %parallel_loop3A_49 = arith.constant 0 : i32
    %parallel_loop3A_50 = arith.constant 640 : i32
    %parallel_loop3A_51 = arith.constant 1 : i32
    scf.for %parallel_loop3A_133 = %parallel_loop3A_49 to %parallel_loop3A_50 step %parallel_loop3A_51  : i32 {
      %parallel_loop3A_134 = arith.constant 16 : i32
      %parallel_loop3A_135 = arith.muli %parallel_loop3A_133, %parallel_loop3A_134 : i32
      %parallel_loop3A_136 = arith.index_cast %parallel_loop3A_135 : i32 to index
      %parallel_loop3A_137 = tpu.vector_load %arg10[%parallel_loop3A_136] {strides = array<i32>} : memref<10240xf32, #tpu.memory_space<vmem>>, vector<16xf32>,
      tpu.vector_store %arg10[%parallel_loop3A_136], %broadcast_in_dim3A_3 {strides = array<i32>} : memref<10240xf32, #tpu.memory_space<vmem>>, vector<16xf32>,
    } {sc.loop_unroll_factor = 8 : i64, sc.parallel_access}
    %parallel_loop3A_52 = arith.constant 0 : i32
    %parallel_loop3A_53 = arith.constant 1290 : i32
    %parallel_loop3A_54 = arith.constant 1 : i32
    scf.for %parallel_loop3A_133 = %parallel_loop3A_52 to %parallel_loop3A_53 step %parallel_loop3A_54  : i32 {
      %parallel_loop3A_134 = arith.constant 16 : i32
      %parallel_loop3A_135 = arith.muli %parallel_loop3A_133, %parallel_loop3A_134 : i32
      %parallel_loop3A_136 = arith.index_cast %parallel_loop3A_135 : i32 to index
      %parallel_loop3A_137 = tpu.vector_load %arg6[%parallel_loop3A_136] {strides = array<i32>} : memref<20640xi32, #tpu.memory_space<vmem>>, vector<16xi32>,
      %parallel_loop3A_138 = arith.constant 16383 : i32
      %parallel_loop3A_139 = vector.broadcast %parallel_loop3A_138 : i32 to vector<16xi32>
      %parallel_loop3A_140 = arith.andi %parallel_loop3A_137, %parallel_loop3A_139 : vector<16xi32>
      %parallel_loop3A_141 = arith.constant 14 : i32
      %parallel_loop3A_142 = vector.broadcast %parallel_loop3A_141 : i32 to vector<16xi32>
      %parallel_loop3A_143 = arith.shrui %parallel_loop3A_137, %parallel_loop3A_142 : vector<16xi32>
      %parallel_loop3A_144 = tpu.vector_load_idx %arg11[%parallel_loop3A_143] : memref<10240xf32, #tpu.memory_space<vmem>>[vector<16xi32>], vector<16xf32>,
      %parallel_loop3A_145 = arith.constant 16 : i32
      %parallel_loop3A_146 = arith.muli %parallel_loop3A_133, %parallel_loop3A_145 : i32
      %parallel_loop3A_147 = arith.index_cast %parallel_loop3A_146 : i32 to index
      %parallel_loop3A_148 = tpu.vector_load %arg9[%parallel_loop3A_147] {strides = array<i32>} : memref<20640xf32, #tpu.memory_space<vmem>>, vector<16xf32>,
      %parallel_loop3A_149 = arith.mulf %parallel_loop3A_148, %parallel_loop3A_144 : vector<16xf32>
      tpu.vector_store_idx %arg10[%parallel_loop3A_140], %parallel_loop3A_149 {add = true} : memref<10240xf32, #tpu.memory_space<vmem>>[vector<16xi32>], vector<16xf32>,
    } {sc.loop_unroll_factor = 8 : i64, sc.parallel_access}
    "tpu.region"() ({
      %run_scoped3A_133 = tpu.sem_alloc : memref<!tpu.dma_semaphore, #tpu.memory_space<semaphore_mem>>
      %dma_start3A = arith.constant 0 : i32
      %dma_start3A_134 = tpu.memref_slice %arg14[%arg1, %dma_start3A] : memref<16x10240xf32, #tpu.memory_space<vmem_shared>> -> memref<1x10240xf32, #tpu.memory_space<vmem_shared>>
      %dma_start3A_135 = tpu.memref_squeeze %dma_start3A_134 : memref<1x10240xf32, #tpu.memory_space<vmem_shared>> -> memref<10240xf32, #tpu.memory_space<vmem_shared>>
      %dma_start3A_136 = arith.constant 0 : i32
      %dma_start3A_137 = tpu.memref_slice %arg14[%arg1, %dma_start3A_136] : memref<16x10240xf32, #tpu.memory_space<vmem_shared>> -> memref<1x10240xf32, #tpu.memory_space<vmem_shared>>
      %dma_start3A_138 = tpu.memref_squeeze %dma_start3A_137 : memref<1x10240xf32, #tpu.memory_space<vmem_shared>> -> memref<10240xf32, #tpu.memory_space<vmem_shared>>
      tpu.enqueue_dma source(%arg10 : memref<10240xf32, #tpu.memory_space<vmem>>) target(%dma_start3A_138 : memref<10240xf32, #tpu.memory_space<vmem_shared>>) target_semaphore(%run_scoped3A_133 : memref<!tpu.dma_semaphore, #tpu.memory_space<semaphore_mem>>)
      %dma_wait3A = arith.constant 0 : i32
      %dma_wait3A_139 = tpu.memref_slice %arg14[%arg1, %dma_wait3A] : memref<16x10240xf32, #tpu.memory_space<vmem_shared>> -> memref<1x10240xf32, #tpu.memory_space<vmem_shared>>
      %dma_wait3A_140 = tpu.memref_squeeze %dma_wait3A_139 : memref<1x10240xf32, #tpu.memory_space<vmem_shared>> -> memref<10240xf32, #tpu.memory_space<vmem_shared>>
      %dma_wait3A_141 = arith.constant 0 : i32
      %dma_wait3A_142 = tpu.memref_slice %arg14[%arg1, %dma_wait3A_141] : memref<16x10240xf32, #tpu.memory_space<vmem_shared>> -> memref<1x10240xf32, #tpu.memory_space<vmem_shared>>
      %dma_wait3A_143 = tpu.memref_squeeze %dma_wait3A_142 : memref<1x10240xf32, #tpu.memory_space<vmem_shared>> -> memref<10240xf32, #tpu.memory_space<vmem_shared>>
      tpu.wait_dma2 semaphore(%run_scoped3A_133 : memref<!tpu.dma_semaphore, #tpu.memory_space<semaphore_mem>>) src(%arg10 : memref<10240xf32, #tpu.memory_space<vmem>>) dst(%dma_wait3A_143 : memref<10240xf32, #tpu.memory_space<vmem_shared>>)
      tpu.yield
    }) : () -> ()
    %barrier3A_55 = arith.constant 0 : index
    tpu.barrier barrier_id(%barrier3A_55)
    "tpu.region"() ({
      %run_scoped3A_133 = tpu.sem_alloc : memref<!tpu.dma_semaphore, #tpu.memory_space<semaphore_mem>>
      %dma_start3A = arith.constant 0 : i32
      %dma_start3A_134 = tpu.memref_slice %arg14[%dma_start3A, %mul3A_2] : memref<16x10240xf32, #tpu.memory_space<vmem_shared>> -> memref<16x640xf32, #tpu.memory_space<vmem_shared>>
      %dma_start3A_135 = arith.constant 0 : i32
      %dma_start3A_136 = tpu.memref_slice %arg14[%dma_start3A_135, %mul3A_2] : memref<16x10240xf32, #tpu.memory_space<vmem_shared>> -> memref<16x640xf32, #tpu.memory_space<vmem_shared>>
      tpu.enqueue_dma source(%dma_start3A_136 : memref<16x640xf32, #tpu.memory_space<vmem_shared>>) target(%arg12 : memref<16x640xf32, #tpu.memory_space<vmem>>) target_semaphore(%run_scoped3A_133 : memref<!tpu.dma_semaphore, #tpu.memory_space<semaphore_mem>>)
      %dma_wait3A = arith.constant 0 : i32
      %dma_wait3A_137 = tpu.memref_slice %arg14[%dma_wait3A, %mul3A_2] : memref<16x10240xf32, #tpu.memory_space<vmem_shared>> -> memref<16x640xf32, #tpu.memory_space<vmem_shared>>
      %dma_wait3A_138 = arith.constant 0 : i32
      %dma_wait3A_139 = tpu.memref_slice %arg14[%dma_wait3A_138, %mul3A_2] : memref<16x10240xf32, #tpu.memory_space<vmem_shared>> -> memref<16x640xf32, #tpu.memory_space<vmem_shared>>
      tpu.wait_dma2 semaphore(%run_scoped3A_133 : memref<!tpu.dma_semaphore, #tpu.memory_space<semaphore_mem>>) src(%dma_wait3A_139 : memref<16x640xf32, #tpu.memory_space<vmem_shared>>) dst(%arg12 : memref<16x640xf32, #tpu.memory_space<vmem>>)
      tpu.yield
    }) : () -> ()
    %parallel_loop3A_56 = arith.constant 0 : i32
    %parallel_loop3A_57 = arith.constant 40 : i32
    %parallel_loop3A_58 = arith.constant 1 : i32
    scf.for %parallel_loop3A_133 = %parallel_loop3A_56 to %parallel_loop3A_57 step %parallel_loop3A_58  : i32 {
      %parallel_loop3A_134 = arith.constant 16 : i32
      %parallel_loop3A_135 = arith.muli %parallel_loop3A_133, %parallel_loop3A_134 : i32
      %parallel_loop3A_136 = arith.constant 0 : i32
      %parallel_loop3A_137 = arith.index_cast %parallel_loop3A_136 : i32 to index
      %parallel_loop3A_138 = arith.index_cast %parallel_loop3A_135 : i32 to index
      %parallel_loop3A_139 = tpu.vector_load %arg12[%parallel_loop3A_137, %parallel_loop3A_138] {strides = array<i32>} : memref<16x640xf32, #tpu.memory_space<vmem>>, vector<16xf32>,
      %parallel_loop3A_140 = arith.constant 16 : i32
      %parallel_loop3A_141 = arith.muli %parallel_loop3A_133, %parallel_loop3A_140 : i32
      %parallel_loop3A_142 = arith.constant 1 : i32
      %parallel_loop3A_143 = arith.index_cast %parallel_loop3A_142 : i32 to index
      %parallel_loop3A_144 = arith.index_cast %parallel_loop3A_141 : i32 to index
      %parallel_loop3A_145 = tpu.vector_load %arg12[%parallel_loop3A_143, %parallel_loop3A_144] {strides = array<i32>} : memref<16x640xf32, #tpu.memory_space<vmem>>, vector<16xf32>,
      %parallel_loop3A_146 = arith.addf %parallel_loop3A_139, %parallel_loop3A_145 : vector<16xf32>
      %parallel_loop3A_147 = arith.constant 16 : i32
      %parallel_loop3A_148 = arith.muli %parallel_loop3A_133, %parallel_loop3A_147 : i32
      %parallel_loop3A_149 = arith.constant 2 : i32
      %parallel_loop3A_150 = arith.index_cast %parallel_loop3A_149 : i32 to index
      %parallel_loop3A_151 = arith.index_cast %parallel_loop3A_148 : i32 to index
      %parallel_loop3A_152 = tpu.vector_load %arg12[%parallel_loop3A_150, %parallel_loop3A_151] {strides = array<i32>} : memref<16x640xf32, #tpu.memory_space<vmem>>, vector<16xf32>,
      %parallel_loop3A_153 = arith.addf %parallel_loop3A_146, %parallel_loop3A_152 : vector<16xf32>
      %parallel_loop3A_154 = arith.constant 16 : i32
      %parallel_loop3A_155 = arith.muli %parallel_loop3A_133, %parallel_loop3A_154 : i32
      %parallel_loop3A_156 = arith.constant 3 : i32
      %parallel_loop3A_157 = arith.index_cast %parallel_loop3A_156 : i32 to index
      %parallel_loop3A_158 = arith.index_cast %parallel_loop3A_155 : i32 to index
      %parallel_loop3A_159 = tpu.vector_load %arg12[%parallel_loop3A_157, %parallel_loop3A_158] {strides = array<i32>} : memref<16x640xf32, #tpu.memory_space<vmem>>, vector<16xf32>,
      %parallel_loop3A_160 = arith.addf %parallel_loop3A_153, %parallel_loop3A_159 : vector<16xf32>
      %parallel_loop3A_161 = arith.constant 16 : i32
      %parallel_loop3A_162 = arith.muli %parallel_loop3A_133, %parallel_loop3A_161 : i32
      %parallel_loop3A_163 = arith.constant 4 : i32
      %parallel_loop3A_164 = arith.index_cast %parallel_loop3A_163 : i32 to index
      %parallel_loop3A_165 = arith.index_cast %parallel_loop3A_162 : i32 to index
      %parallel_loop3A_166 = tpu.vector_load %arg12[%parallel_loop3A_164, %parallel_loop3A_165] {strides = array<i32>} : memref<16x640xf32, #tpu.memory_space<vmem>>, vector<16xf32>,
      %parallel_loop3A_167 = arith.addf %parallel_loop3A_160, %parallel_loop3A_166 : vector<16xf32>
      %parallel_loop3A_168 = arith.constant 16 : i32
      %parallel_loop3A_169 = arith.muli %parallel_loop3A_133, %parallel_loop3A_168 : i32
      %parallel_loop3A_170 = arith.constant 5 : i32
      %parallel_loop3A_171 = arith.index_cast %parallel_loop3A_170 : i32 to index
      %parallel_loop3A_172 = arith.index_cast %parallel_loop3A_169 : i32 to index
      %parallel_loop3A_173 = tpu.vector_load %arg12[%parallel_loop3A_171, %parallel_loop3A_172] {strides = array<i32>} : memref<16x640xf32, #tpu.memory_space<vmem>>, vector<16xf32>,
      %parallel_loop3A_174 = arith.addf %parallel_loop3A_167, %parallel_loop3A_173 : vector<16xf32>
      %parallel_loop3A_175 = arith.constant 16 : i32
      %parallel_loop3A_176 = arith.muli %parallel_loop3A_133, %parallel_loop3A_175 : i32
      %parallel_loop3A_177 = arith.constant 6 : i32
      %parallel_loop3A_178 = arith.index_cast %parallel_loop3A_177 : i32 to index
      %parallel_loop3A_179 = arith.index_cast %parallel_loop3A_176 : i32 to index
      %parallel_loop3A_180 = tpu.vector_load %arg12[%parallel_loop3A_178, %parallel_loop3A_179] {strides = array<i32>} : memref<16x640xf32, #tpu.memory_space<vmem>>, vector<16xf32>,
      %parallel_loop3A_181 = arith.addf %parallel_loop3A_174, %parallel_loop3A_180 : vector<16xf32>
      %parallel_loop3A_182 = arith.constant 16 : i32
      %parallel_loop3A_183 = arith.muli %parallel_loop3A_133, %parallel_loop3A_182 : i32
      %parallel_loop3A_184 = arith.constant 7 : i32
      %parallel_loop3A_185 = arith.index_cast %parallel_loop3A_184 : i32 to index
      %parallel_loop3A_186 = arith.index_cast %parallel_loop3A_183 : i32 to index
      %parallel_loop3A_187 = tpu.vector_load %arg12[%parallel_loop3A_185, %parallel_loop3A_186] {strides = array<i32>} : memref<16x640xf32, #tpu.memory_space<vmem>>, vector<16xf32>,
      %parallel_loop3A_188 = arith.addf %parallel_loop3A_181, %parallel_loop3A_187 : vector<16xf32>
      %parallel_loop3A_189 = arith.constant 16 : i32
      %parallel_loop3A_190 = arith.muli %parallel_loop3A_133, %parallel_loop3A_189 : i32
      %parallel_loop3A_191 = arith.constant 8 : i32
      %parallel_loop3A_192 = arith.index_cast %parallel_loop3A_191 : i32 to index
      %parallel_loop3A_193 = arith.index_cast %parallel_loop3A_190 : i32 to index
      %parallel_loop3A_194 = tpu.vector_load %arg12[%parallel_loop3A_192, %parallel_loop3A_193] {strides = array<i32>} : memref<16x640xf32, #tpu.memory_space<vmem>>, vector<16xf32>,
      %parallel_loop3A_195 = arith.addf %parallel_loop3A_188, %parallel_loop3A_194 : vector<16xf32>
      %parallel_loop3A_196 = arith.constant 16 : i32
      %parallel_loop3A_197 = arith.muli %parallel_loop3A_133, %parallel_loop3A_196 : i32
      %parallel_loop3A_198 = arith.constant 9 : i32
      %parallel_loop3A_199 = arith.index_cast %parallel_loop3A_198 : i32 to index
      %parallel_loop3A_200 = arith.index_cast %parallel_loop3A_197 : i32 to index
      %parallel_loop3A_201 = tpu.vector_load %arg12[%parallel_loop3A_199, %parallel_loop3A_200] {strides = array<i32>} : memref<16x640xf32, #tpu.memory_space<vmem>>, vector<16xf32>,
      %parallel_loop3A_202 = arith.addf %parallel_loop3A_195, %parallel_loop3A_201 : vector<16xf32>
      %parallel_loop3A_203 = arith.constant 16 : i32
      %parallel_loop3A_204 = arith.muli %parallel_loop3A_133, %parallel_loop3A_203 : i32
      %parallel_loop3A_205 = arith.constant 10 : i32
      %parallel_loop3A_206 = arith.index_cast %parallel_loop3A_205 : i32 to index
      %parallel_loop3A_207 = arith.index_cast %parallel_loop3A_204 : i32 to index
      %parallel_loop3A_208 = tpu.vector_load %arg12[%parallel_loop3A_206, %parallel_loop3A_207] {strides = array<i32>} : memref<16x640xf32, #tpu.memory_space<vmem>>, vector<16xf32>,
      %parallel_loop3A_209 = arith.addf %parallel_loop3A_202, %parallel_loop3A_208 : vector<16xf32>
      %parallel_loop3A_210 = arith.constant 16 : i32
      %parallel_loop3A_211 = arith.muli %parallel_loop3A_133, %parallel_loop3A_210 : i32
      %parallel_loop3A_212 = arith.constant 11 : i32
      %parallel_loop3A_213 = arith.index_cast %parallel_loop3A_212 : i32 to index
      %parallel_loop3A_214 = arith.index_cast %parallel_loop3A_211 : i32 to index
      %parallel_loop3A_215 = tpu.vector_load %arg12[%parallel_loop3A_213, %parallel_loop3A_214] {strides = array<i32>} : memref<16x640xf32, #tpu.memory_space<vmem>>, vector<16xf32>,
      %parallel_loop3A_216 = arith.addf %parallel_loop3A_209, %parallel_loop3A_215 : vector<16xf32>
      %parallel_loop3A_217 = arith.constant 16 : i32
      %parallel_loop3A_218 = arith.muli %parallel_loop3A_133, %parallel_loop3A_217 : i32
      %parallel_loop3A_219 = arith.constant 12 : i32
      %parallel_loop3A_220 = arith.index_cast %parallel_loop3A_219 : i32 to index
      %parallel_loop3A_221 = arith.index_cast %parallel_loop3A_218 : i32 to index
      %parallel_loop3A_222 = tpu.vector_load %arg12[%parallel_loop3A_220, %parallel_loop3A_221] {strides = array<i32>} : memref<16x640xf32, #tpu.memory_space<vmem>>, vector<16xf32>,
      %parallel_loop3A_223 = arith.addf %parallel_loop3A_216, %parallel_loop3A_222 : vector<16xf32>
      %parallel_loop3A_224 = arith.constant 16 : i32
      %parallel_loop3A_225 = arith.muli %parallel_loop3A_133, %parallel_loop3A_224 : i32
      %parallel_loop3A_226 = arith.constant 13 : i32
      %parallel_loop3A_227 = arith.index_cast %parallel_loop3A_226 : i32 to index
      %parallel_loop3A_228 = arith.index_cast %parallel_loop3A_225 : i32 to index
      %parallel_loop3A_229 = tpu.vector_load %arg12[%parallel_loop3A_227, %parallel_loop3A_228] {strides = array<i32>} : memref<16x640xf32, #tpu.memory_space<vmem>>, vector<16xf32>,
      %parallel_loop3A_230 = arith.addf %parallel_loop3A_223, %parallel_loop3A_229 : vector<16xf32>
      %parallel_loop3A_231 = arith.constant 16 : i32
      %parallel_loop3A_232 = arith.muli %parallel_loop3A_133, %parallel_loop3A_231 : i32
      %parallel_loop3A_233 = arith.constant 14 : i32
      %parallel_loop3A_234 = arith.index_cast %parallel_loop3A_233 : i32 to index
      %parallel_loop3A_235 = arith.index_cast %parallel_loop3A_232 : i32 to index
      %parallel_loop3A_236 = tpu.vector_load %arg12[%parallel_loop3A_234, %parallel_loop3A_235] {strides = array<i32>} : memref<16x640xf32, #tpu.memory_space<vmem>>, vector<16xf32>,
      %parallel_loop3A_237 = arith.addf %parallel_loop3A_230, %parallel_loop3A_236 : vector<16xf32>
      %parallel_loop3A_238 = arith.constant 16 : i32
      %parallel_loop3A_239 = arith.muli %parallel_loop3A_133, %parallel_loop3A_238 : i32
      %parallel_loop3A_240 = arith.constant 15 : i32
      %parallel_loop3A_241 = arith.index_cast %parallel_loop3A_240 : i32 to index
      %parallel_loop3A_242 = arith.index_cast %parallel_loop3A_239 : i32 to index
      %parallel_loop3A_243 = tpu.vector_load %arg12[%parallel_loop3A_241, %parallel_loop3A_242] {strides = array<i32>} : memref<16x640xf32, #tpu.memory_space<vmem>>, vector<16xf32>,
      %parallel_loop3A_244 = arith.addf %parallel_loop3A_237, %parallel_loop3A_243 : vector<16xf32>
      %parallel_loop3A_245 = arith.constant 16 : i32
      %parallel_loop3A_246 = arith.muli %parallel_loop3A_133, %parallel_loop3A_245 : i32
      %parallel_loop3A_247 = arith.index_cast %parallel_loop3A_246 : i32 to index
      %parallel_loop3A_248 = tpu.vector_load %arg13[%parallel_loop3A_247] {strides = array<i32>} : memref<640xf32, #tpu.memory_space<vmem>>, vector<16xf32>,
      tpu.vector_store %arg13[%parallel_loop3A_247], %parallel_loop3A_244 {strides = array<i32>} : memref<640xf32, #tpu.memory_space<vmem>>, vector<16xf32>,
    } {sc.loop_unroll_factor = 2 : i64, sc.parallel_access}
    %eq3A_59 = arith.constant 15 : i32
    %eq3A_60 = arith.cmpi eq, %arg1, %eq3A_59 : i32
    %convert_element_type3A_61 = arith.extui %eq3A_60 : i1 to i32
    %cond3A_62 = arith.constant 0 : i32
    %cond3A_63 = arith.cmpi ne, %convert_element_type3A_61, %cond3A_62 : i32
    scf.if %cond3A_63 {
      %swap3A = arith.constant 400 : index
      %swap3A_133 = tpu.vector_load %arg13[%swap3A] {strides = array<i32>} : memref<640xf32, #tpu.memory_space<vmem>>, vector<16xf32>,
      tpu.vector_store %arg13[%swap3A], %broadcast_in_dim3A_3 {strides = array<i32>} : memref<640xf32, #tpu.memory_space<vmem>>, vector<16xf32>,
      %swap3A_134 = arith.constant 416 : index
      %swap3A_135 = tpu.vector_load %arg13[%swap3A_134] {strides = array<i32>} : memref<640xf32, #tpu.memory_space<vmem>>, vector<16xf32>,
      tpu.vector_store %arg13[%swap3A_134], %broadcast_in_dim3A_3 {strides = array<i32>} : memref<640xf32, #tpu.memory_space<vmem>>, vector<16xf32>,
      %swap3A_136 = arith.constant 432 : index
      %swap3A_137 = tpu.vector_load %arg13[%swap3A_136] {strides = array<i32>} : memref<640xf32, #tpu.memory_space<vmem>>, vector<16xf32>,
      tpu.vector_store %arg13[%swap3A_136], %broadcast_in_dim3A_3 {strides = array<i32>} : memref<640xf32, #tpu.memory_space<vmem>>, vector<16xf32>,
      %swap3A_138 = arith.constant 448 : index
      %swap3A_139 = tpu.vector_load %arg13[%swap3A_138] {strides = array<i32>} : memref<640xf32, #tpu.memory_space<vmem>>, vector<16xf32>,
      tpu.vector_store %arg13[%swap3A_138], %broadcast_in_dim3A_3 {strides = array<i32>} : memref<640xf32, #tpu.memory_space<vmem>>, vector<16xf32>,
      %swap3A_140 = arith.constant 464 : index
      %swap3A_141 = tpu.vector_load %arg13[%swap3A_140] {strides = array<i32>} : memref<640xf32, #tpu.memory_space<vmem>>, vector<16xf32>,
      tpu.vector_store %arg13[%swap3A_140], %broadcast_in_dim3A_3 {strides = array<i32>} : memref<640xf32, #tpu.memory_space<vmem>>, vector<16xf32>,
      %swap3A_142 = arith.constant 480 : index
      %swap3A_143 = tpu.vector_load %arg13[%swap3A_142] {strides = array<i32>} : memref<640xf32, #tpu.memory_space<vmem>>, vector<16xf32>,
      tpu.vector_store %arg13[%swap3A_142], %broadcast_in_dim3A_3 {strides = array<i32>} : memref<640xf32, #tpu.memory_space<vmem>>, vector<16xf32>,
      %swap3A_144 = arith.constant 496 : index
      %swap3A_145 = tpu.vector_load %arg13[%swap3A_144] {strides = array<i32>} : memref<640xf32, #tpu.memory_space<vmem>>, vector<16xf32>,
      tpu.vector_store %arg13[%swap3A_144], %broadcast_in_dim3A_3 {strides = array<i32>} : memref<640xf32, #tpu.memory_space<vmem>>, vector<16xf32>,
      %swap3A_146 = arith.constant 512 : index
      %swap3A_147 = tpu.vector_load %arg13[%swap3A_146] {strides = array<i32>} : memref<640xf32, #tpu.memory_space<vmem>>, vector<16xf32>,
      tpu.vector_store %arg13[%swap3A_146], %broadcast_in_dim3A_3 {strides = array<i32>} : memref<640xf32, #tpu.memory_space<vmem>>, vector<16xf32>,
      %swap3A_148 = arith.constant 528 : index
      %swap3A_149 = tpu.vector_load %arg13[%swap3A_148] {strides = array<i32>} : memref<640xf32, #tpu.memory_space<vmem>>, vector<16xf32>,
      tpu.vector_store %arg13[%swap3A_148], %broadcast_in_dim3A_3 {strides = array<i32>} : memref<640xf32, #tpu.memory_space<vmem>>, vector<16xf32>,
      %swap3A_150 = arith.constant 544 : index
      %swap3A_151 = tpu.vector_load %arg13[%swap3A_150] {strides = array<i32>} : memref<640xf32, #tpu.memory_space<vmem>>, vector<16xf32>,
      tpu.vector_store %arg13[%swap3A_150], %broadcast_in_dim3A_3 {strides = array<i32>} : memref<640xf32, #tpu.memory_space<vmem>>, vector<16xf32>,
      %swap3A_152 = arith.constant 560 : index
      %swap3A_153 = tpu.vector_load %arg13[%swap3A_152] {strides = array<i32>} : memref<640xf32, #tpu.memory_space<vmem>>, vector<16xf32>,
      tpu.vector_store %arg13[%swap3A_152], %broadcast_in_dim3A_3 {strides = array<i32>} : memref<640xf32, #tpu.memory_space<vmem>>, vector<16xf32>,
      %swap3A_154 = arith.constant 576 : index
      %swap3A_155 = tpu.vector_load %arg13[%swap3A_154] {strides = array<i32>} : memref<640xf32, #tpu.memory_space<vmem>>, vector<16xf32>,
      tpu.vector_store %arg13[%swap3A_154], %broadcast_in_dim3A_3 {strides = array<i32>} : memref<640xf32, #tpu.memory_space<vmem>>, vector<16xf32>,
      %swap3A_156 = arith.constant 592 : index
      %swap3A_157 = tpu.vector_load %arg13[%swap3A_156] {strides = array<i32>} : memref<640xf32, #tpu.memory_space<vmem>>, vector<16xf32>,
      tpu.vector_store %arg13[%swap3A_156], %broadcast_in_dim3A_3 {strides = array<i32>} : memref<640xf32, #tpu.memory_space<vmem>>, vector<16xf32>,
      %swap3A_158 = arith.constant 608 : index
      %swap3A_159 = tpu.vector_load %arg13[%swap3A_158] {strides = array<i32>} : memref<640xf32, #tpu.memory_space<vmem>>, vector<16xf32>,
      tpu.vector_store %arg13[%swap3A_158], %broadcast_in_dim3A_3 {strides = array<i32>} : memref<640xf32, #tpu.memory_space<vmem>>, vector<16xf32>,
      %swap3A_160 = arith.constant 624 : index
      %swap3A_161 = tpu.vector_load %arg13[%swap3A_160] {strides = array<i32>} : memref<640xf32, #tpu.memory_space<vmem>>, vector<16xf32>,
      tpu.vector_store %arg13[%swap3A_160], %broadcast_in_dim3A_3 {strides = array<i32>} : memref<640xf32, #tpu.memory_space<vmem>>, vector<16xf32>,
    } else {
    }
    "tpu.region"() ({
      %run_scoped3A_133 = tpu.sem_alloc : memref<!tpu.dma_semaphore, #tpu.memory_space<semaphore_mem>>
      %dma_start3A = tpu.memref_slice %arg5[%add3A_34, %mul3A_2] : memref<8x10240xf32, #tpu.memory_space<hbm>> -> memref<1x640xf32, #tpu.memory_space<hbm>>
      %dma_start3A_134 = tpu.memref_squeeze %dma_start3A : memref<1x640xf32, #tpu.memory_space<hbm>> -> memref<640xf32, #tpu.memory_space<hbm>>
      %dma_start3A_135 = tpu.memref_slice %arg5[%add3A_34, %mul3A_2] : memref<8x10240xf32, #tpu.memory_space<hbm>> -> memref<1x640xf32, #tpu.memory_space<hbm>>
      %dma_start3A_136 = tpu.memref_squeeze %dma_start3A_135 : memref<1x640xf32, #tpu.memory_space<hbm>> -> memref<640xf32, #tpu.memory_space<hbm>>
      tpu.enqueue_dma source(%arg13 : memref<640xf32, #tpu.memory_space<vmem>>) target(%dma_start3A_136 : memref<640xf32, #tpu.memory_space<hbm>>) target_semaphore(%run_scoped3A_133 : memref<!tpu.dma_semaphore, #tpu.memory_space<semaphore_mem>>)
      %dma_wait3A = tpu.memref_slice %arg5[%add3A_34, %mul3A_2] : memref<8x10240xf32, #tpu.memory_space<hbm>> -> memref<1x640xf32, #tpu.memory_space<hbm>>
      %dma_wait3A_137 = tpu.memref_squeeze %dma_wait3A : memref<1x640xf32, #tpu.memory_space<hbm>> -> memref<640xf32, #tpu.memory_space<hbm>>
      %dma_wait3A_138 = tpu.memref_slice %arg5[%add3A_34, %mul3A_2] : memref<8x10240xf32, #tpu.memory_space<hbm>> -> memref<1x640xf32, #tpu.memory_space<hbm>>
      %dma_wait3A_139 = tpu.memref_squeeze %dma_wait3A_138 : memref<1x640xf32, #tpu.memory_space<hbm>> -> memref<640xf32, #tpu.memory_space<hbm>>
      tpu.wait_dma2 semaphore(%run_scoped3A_133 : memref<!tpu.dma_semaphore, #tpu.memory_space<semaphore_mem>>) src(%arg13 : memref<640xf32, #tpu.memory_space<vmem>>) dst(%dma_wait3A_139 : memref<640xf32, #tpu.memory_space<hbm>>)
      tpu.yield
    }) : () -> ()
    %barrier3A_64 = arith.constant 0 : index
    tpu.barrier barrier_id(%barrier3A_64)
    %mul3A_65 = arith.constant 4 : i32
    %mul3A_66 = arith.muli %arg0, %mul3A_65 : i32
    %add3A_67 = arith.constant 2 : i32
    %add3A_68 = arith.addi %mul3A_66, %add3A_67 : i32
    "tpu.region"() ({
      %run_scoped3A_133 = tpu.sem_alloc : memref<!tpu.dma_semaphore, #tpu.memory_space<semaphore_mem>>
      %dma_start3A = arith.constant 0 : i32
      %dma_start3A_134 = tpu.memref_slice %arg3[%add3A_68, %dma_start3A] : memref<8x10240xf32, #tpu.memory_space<hbm>> -> memref<1x10240xf32, #tpu.memory_space<hbm>>
      %dma_start3A_135 = tpu.memref_squeeze %dma_start3A_134 : memref<1x10240xf32, #tpu.memory_space<hbm>> -> memref<10240xf32, #tpu.memory_space<hbm>>
      %dma_start3A_136 = arith.constant 0 : i32
      %dma_start3A_137 = tpu.memref_slice %arg3[%add3A_68, %dma_start3A_136] : memref<8x10240xf32, #tpu.memory_space<hbm>> -> memref<1x10240xf32, #tpu.memory_space<hbm>>
      %dma_start3A_138 = tpu.memref_squeeze %dma_start3A_137 : memref<1x10240xf32, #tpu.memory_space<hbm>> -> memref<10240xf32, #tpu.memory_space<hbm>>
      tpu.enqueue_dma source(%dma_start3A_138 : memref<10240xf32, #tpu.memory_space<hbm>>) target(%arg7 : memref<10240xf32, #tpu.memory_space<vmem>>) target_semaphore(%run_scoped3A_133 : memref<!tpu.dma_semaphore, #tpu.memory_space<semaphore_mem>>)
      %dma_wait3A = arith.constant 0 : i32
      %dma_wait3A_139 = tpu.memref_slice %arg3[%add3A_68, %dma_wait3A] : memref<8x10240xf32, #tpu.memory_space<hbm>> -> memref<1x10240xf32, #tpu.memory_space<hbm>>
      %dma_wait3A_140 = tpu.memref_squeeze %dma_wait3A_139 : memref<1x10240xf32, #tpu.memory_space<hbm>> -> memref<10240xf32, #tpu.memory_space<hbm>>
      %dma_wait3A_141 = arith.constant 0 : i32
      %dma_wait3A_142 = tpu.memref_slice %arg3[%add3A_68, %dma_wait3A_141] : memref<8x10240xf32, #tpu.memory_space<hbm>> -> memref<1x10240xf32, #tpu.memory_space<hbm>>
      %dma_wait3A_143 = tpu.memref_squeeze %dma_wait3A_142 : memref<1x10240xf32, #tpu.memory_space<hbm>> -> memref<10240xf32, #tpu.memory_space<hbm>>
      tpu.wait_dma2 semaphore(%run_scoped3A_133 : memref<!tpu.dma_semaphore, #tpu.memory_space<semaphore_mem>>) src(%dma_wait3A_143 : memref<10240xf32, #tpu.memory_space<hbm>>) dst(%arg7 : memref<10240xf32, #tpu.memory_space<vmem>>)
      tpu.yield
    }) : () -> ()
    "tpu.region"() ({
      %run_scoped3A_133 = tpu.sem_alloc : memref<!tpu.dma_semaphore, #tpu.memory_space<semaphore_mem>>
      %dma_start3A = arith.constant 0 : i32
      %dma_start3A_134 = tpu.memref_slice %arg4[%add3A_68, %dma_start3A] : memref<8x10240xf32, #tpu.memory_space<hbm>> -> memref<1x10240xf32, #tpu.memory_space<hbm>>
      %dma_start3A_135 = tpu.memref_squeeze %dma_start3A_134 : memref<1x10240xf32, #tpu.memory_space<hbm>> -> memref<10240xf32, #tpu.memory_space<hbm>>
      %dma_start3A_136 = arith.constant 0 : i32
      %dma_start3A_137 = tpu.memref_slice %arg4[%add3A_68, %dma_start3A_136] : memref<8x10240xf32, #tpu.memory_space<hbm>> -> memref<1x10240xf32, #tpu.memory_space<hbm>>
      %dma_start3A_138 = tpu.memref_squeeze %dma_start3A_137 : memref<1x10240xf32, #tpu.memory_space<hbm>> -> memref<10240xf32, #tpu.memory_space<hbm>>
      tpu.enqueue_dma source(%dma_start3A_138 : memref<10240xf32, #tpu.memory_space<hbm>>) target(%arg8 : memref<10240xf32, #tpu.memory_space<vmem>>) target_semaphore(%run_scoped3A_133 : memref<!tpu.dma_semaphore, #tpu.memory_space<semaphore_mem>>)
      %dma_wait3A = arith.constant 0 : i32
      %dma_wait3A_139 = tpu.memref_slice %arg4[%add3A_68, %dma_wait3A] : memref<8x10240xf32, #tpu.memory_space<hbm>> -> memref<1x10240xf32, #tpu.memory_space<hbm>>
      %dma_wait3A_140 = tpu.memref_squeeze %dma_wait3A_139 : memref<1x10240xf32, #tpu.memory_space<hbm>> -> memref<10240xf32, #tpu.memory_space<hbm>>
      %dma_wait3A_141 = arith.constant 0 : i32
      %dma_wait3A_142 = tpu.memref_slice %arg4[%add3A_68, %dma_wait3A_141] : memref<8x10240xf32, #tpu.memory_space<hbm>> -> memref<1x10240xf32, #tpu.memory_space<hbm>>
      %dma_wait3A_143 = tpu.memref_squeeze %dma_wait3A_142 : memref<1x10240xf32, #tpu.memory_space<hbm>> -> memref<10240xf32, #tpu.memory_space<hbm>>
      tpu.wait_dma2 semaphore(%run_scoped3A_133 : memref<!tpu.dma_semaphore, #tpu.memory_space<semaphore_mem>>) src(%dma_wait3A_143 : memref<10240xf32, #tpu.memory_space<hbm>>) dst(%arg8 : memref<10240xf32, #tpu.memory_space<vmem>>)
      tpu.yield
    }) : () -> ()
    %parallel_loop3A_69 = arith.constant 0 : i32
    %parallel_loop3A_70 = arith.constant 640 : i32
    %parallel_loop3A_71 = arith.constant 1 : i32
    scf.for %parallel_loop3A_133 = %parallel_loop3A_69 to %parallel_loop3A_70 step %parallel_loop3A_71  : i32 {
      %parallel_loop3A_134 = arith.constant 16 : i32
      %parallel_loop3A_135 = arith.muli %parallel_loop3A_133, %parallel_loop3A_134 : i32
      %parallel_loop3A_136 = arith.index_cast %parallel_loop3A_135 : i32 to index
      %parallel_loop3A_137 = tpu.vector_load %arg10[%parallel_loop3A_136] {strides = array<i32>} : memref<10240xf32, #tpu.memory_space<vmem>>, vector<16xf32>,
      tpu.vector_store %arg10[%parallel_loop3A_136], %broadcast_in_dim3A_3 {strides = array<i32>} : memref<10240xf32, #tpu.memory_space<vmem>>, vector<16xf32>,
    } {sc.loop_unroll_factor = 8 : i64, sc.parallel_access}
    %parallel_loop3A_72 = arith.constant 0 : i32
    %parallel_loop3A_73 = arith.constant 1290 : i32
    %parallel_loop3A_74 = arith.constant 1 : i32
    scf.for %parallel_loop3A_133 = %parallel_loop3A_72 to %parallel_loop3A_73 step %parallel_loop3A_74  : i32 {
      %parallel_loop3A_134 = arith.constant 16 : i32
      %parallel_loop3A_135 = arith.muli %parallel_loop3A_133, %parallel_loop3A_134 : i32
      %parallel_loop3A_136 = arith.index_cast %parallel_loop3A_135 : i32 to index
      %parallel_loop3A_137 = tpu.vector_load %arg6[%parallel_loop3A_136] {strides = array<i32>} : memref<20640xi32, #tpu.memory_space<vmem>>, vector<16xi32>,
      %parallel_loop3A_138 = arith.constant 16383 : i32
      %parallel_loop3A_139 = vector.broadcast %parallel_loop3A_138 : i32 to vector<16xi32>
      %parallel_loop3A_140 = arith.andi %parallel_loop3A_137, %parallel_loop3A_139 : vector<16xi32>
      %parallel_loop3A_141 = arith.constant 14 : i32
      %parallel_loop3A_142 = vector.broadcast %parallel_loop3A_141 : i32 to vector<16xi32>
      %parallel_loop3A_143 = arith.shrui %parallel_loop3A_137, %parallel_loop3A_142 : vector<16xi32>
      %parallel_loop3A_144 = tpu.vector_load_idx %arg7[%parallel_loop3A_140] : memref<10240xf32, #tpu.memory_space<vmem>>[vector<16xi32>], vector<16xf32>,
      %parallel_loop3A_145 = tpu.vector_load_idx %arg8[%parallel_loop3A_143] : memref<10240xf32, #tpu.memory_space<vmem>>[vector<16xi32>], vector<16xf32>,
      %parallel_loop3A_146 = arith.addf %parallel_loop3A_144, %parallel_loop3A_145 : vector<16xf32>
      %parallel_loop3A_147 = arith.constant 2.000000e-01 : f32
      %parallel_loop3A_148 = vector.broadcast %parallel_loop3A_147 : f32 to vector<16xf32>
      %parallel_loop3A_149 = arith.mulf %parallel_loop3A_146, %parallel_loop3A_148 : vector<16xf32>
      %parallel_loop3A_150 = arith.maximumf %parallel_loop3A_146, %parallel_loop3A_149 : vector<16xf32>
      %parallel_loop3A_151 = math.exp %parallel_loop3A_150 : vector<16xf32>
      %parallel_loop3A_152 = arith.constant 16 : i32
      %parallel_loop3A_153 = arith.muli %parallel_loop3A_133, %parallel_loop3A_152 : i32
      %parallel_loop3A_154 = arith.index_cast %parallel_loop3A_153 : i32 to index
      %parallel_loop3A_155 = tpu.vector_load %arg9[%parallel_loop3A_154] {strides = array<i32>} : memref<20640xf32, #tpu.memory_space<vmem>>, vector<16xf32>,
      tpu.vector_store %arg9[%parallel_loop3A_154], %parallel_loop3A_151 {strides = array<i32>} : memref<20640xf32, #tpu.memory_space<vmem>>, vector<16xf32>,
      tpu.vector_store_idx %arg10[%parallel_loop3A_143], %parallel_loop3A_151 {add = true} : memref<10240xf32, #tpu.memory_space<vmem>>[vector<16xi32>], vector<16xf32>,
    } {sc.loop_unroll_factor = 8 : i64, sc.parallel_access}
    "tpu.region"() ({
      %run_scoped3A_133 = tpu.sem_alloc : memref<!tpu.dma_semaphore, #tpu.memory_space<semaphore_mem>>
      %dma_start3A = arith.constant 0 : i32
      %dma_start3A_134 = tpu.memref_slice %arg14[%arg1, %dma_start3A] : memref<16x10240xf32, #tpu.memory_space<vmem_shared>> -> memref<1x10240xf32, #tpu.memory_space<vmem_shared>>
      %dma_start3A_135 = tpu.memref_squeeze %dma_start3A_134 : memref<1x10240xf32, #tpu.memory_space<vmem_shared>> -> memref<10240xf32, #tpu.memory_space<vmem_shared>>
      %dma_start3A_136 = arith.constant 0 : i32
      %dma_start3A_137 = tpu.memref_slice %arg14[%arg1, %dma_start3A_136] : memref<16x10240xf32, #tpu.memory_space<vmem_shared>> -> memref<1x10240xf32, #tpu.memory_space<vmem_shared>>
      %dma_start3A_138 = tpu.memref_squeeze %dma_start3A_137 : memref<1x10240xf32, #tpu.memory_space<vmem_shared>> -> memref<10240xf32, #tpu.memory_space<vmem_shared>>
      tpu.enqueue_dma source(%arg10 : memref<10240xf32, #tpu.memory_space<vmem>>) target(%dma_start3A_138 : memref<10240xf32, #tpu.memory_space<vmem_shared>>) target_semaphore(%run_scoped3A_133 : memref<!tpu.dma_semaphore, #tpu.memory_space<semaphore_mem>>)
      %dma_wait3A = arith.constant 0 : i32
      %dma_wait3A_139 = tpu.memref_slice %arg14[%arg1, %dma_wait3A] : memref<16x10240xf32, #tpu.memory_space<vmem_shared>> -> memref<1x10240xf32, #tpu.memory_space<vmem_shared>>
      %dma_wait3A_140 = tpu.memref_squeeze %dma_wait3A_139 : memref<1x10240xf32, #tpu.memory_space<vmem_shared>> -> memref<10240xf32, #tpu.memory_space<vmem_shared>>
      %dma_wait3A_141 = arith.constant 0 : i32
      %dma_wait3A_142 = tpu.memref_slice %arg14[%arg1, %dma_wait3A_141] : memref<16x10240xf32, #tpu.memory_space<vmem_shared>> -> memref<1x10240xf32, #tpu.memory_space<vmem_shared>>
      %dma_wait3A_143 = tpu.memref_squeeze %dma_wait3A_142 : memref<1x10240xf32, #tpu.memory_space<vmem_shared>> -> memref<10240xf32, #tpu.memory_space<vmem_shared>>
      tpu.wait_dma2 semaphore(%run_scoped3A_133 : memref<!tpu.dma_semaphore, #tpu.memory_space<semaphore_mem>>) src(%arg10 : memref<10240xf32, #tpu.memory_space<vmem>>) dst(%dma_wait3A_143 : memref<10240xf32, #tpu.memory_space<vmem_shared>>)
      tpu.yield
    }) : () -> ()
    %barrier3A_75 = arith.constant 0 : index
    tpu.barrier barrier_id(%barrier3A_75)
    "tpu.region"() ({
      %run_scoped3A_133 = tpu.sem_alloc : memref<!tpu.dma_semaphore, #tpu.memory_space<semaphore_mem>>
      %dma_start3A = arith.constant 0 : i32
      %dma_start3A_134 = tpu.memref_slice %arg14[%dma_start3A, %mul3A_2] : memref<16x10240xf32, #tpu.memory_space<vmem_shared>> -> memref<16x640xf32, #tpu.memory_space<vmem_shared>>
      %dma_start3A_135 = arith.constant 0 : i32
      %dma_start3A_136 = tpu.memref_slice %arg14[%dma_start3A_135, %mul3A_2] : memref<16x10240xf32, #tpu.memory_space<vmem_shared>> -> memref<16x640xf32, #tpu.memory_space<vmem_shared>>
      tpu.enqueue_dma source(%dma_start3A_136 : memref<16x640xf32, #tpu.memory_space<vmem_shared>>) target(%arg12 : memref<16x640xf32, #tpu.memory_space<vmem>>) target_semaphore(%run_scoped3A_133 : memref<!tpu.dma_semaphore, #tpu.memory_space<semaphore_mem>>)
      %dma_wait3A = arith.constant 0 : i32
      %dma_wait3A_137 = tpu.memref_slice %arg14[%dma_wait3A, %mul3A_2] : memref<16x10240xf32, #tpu.memory_space<vmem_shared>> -> memref<16x640xf32, #tpu.memory_space<vmem_shared>>
      %dma_wait3A_138 = arith.constant 0 : i32
      %dma_wait3A_139 = tpu.memref_slice %arg14[%dma_wait3A_138, %mul3A_2] : memref<16x10240xf32, #tpu.memory_space<vmem_shared>> -> memref<16x640xf32, #tpu.memory_space<vmem_shared>>
      tpu.wait_dma2 semaphore(%run_scoped3A_133 : memref<!tpu.dma_semaphore, #tpu.memory_space<semaphore_mem>>) src(%dma_wait3A_139 : memref<16x640xf32, #tpu.memory_space<vmem_shared>>) dst(%arg12 : memref<16x640xf32, #tpu.memory_space<vmem>>)
      tpu.yield
    }) : () -> ()
    %parallel_loop3A_76 = arith.constant 0 : i32
    %parallel_loop3A_77 = arith.constant 40 : i32
    %parallel_loop3A_78 = arith.constant 1 : i32
    scf.for %parallel_loop3A_133 = %parallel_loop3A_76 to %parallel_loop3A_77 step %parallel_loop3A_78  : i32 {
      %parallel_loop3A_134 = arith.constant 16 : i32
      %parallel_loop3A_135 = arith.muli %parallel_loop3A_133, %parallel_loop3A_134 : i32
      %parallel_loop3A_136 = arith.constant 0 : i32
      %parallel_loop3A_137 = arith.index_cast %parallel_loop3A_136 : i32 to index
      %parallel_loop3A_138 = arith.index_cast %parallel_loop3A_135 : i32 to index
      %parallel_loop3A_139 = tpu.vector_load %arg12[%parallel_loop3A_137, %parallel_loop3A_138] {strides = array<i32>} : memref<16x640xf32, #tpu.memory_space<vmem>>, vector<16xf32>,
      %parallel_loop3A_140 = arith.constant 16 : i32
      %parallel_loop3A_141 = arith.muli %parallel_loop3A_133, %parallel_loop3A_140 : i32
      %parallel_loop3A_142 = arith.constant 1 : i32
      %parallel_loop3A_143 = arith.index_cast %parallel_loop3A_142 : i32 to index
      %parallel_loop3A_144 = arith.index_cast %parallel_loop3A_141 : i32 to index
      %parallel_loop3A_145 = tpu.vector_load %arg12[%parallel_loop3A_143, %parallel_loop3A_144] {strides = array<i32>} : memref<16x640xf32, #tpu.memory_space<vmem>>, vector<16xf32>,
      %parallel_loop3A_146 = arith.addf %parallel_loop3A_139, %parallel_loop3A_145 : vector<16xf32>
      %parallel_loop3A_147 = arith.constant 16 : i32
      %parallel_loop3A_148 = arith.muli %parallel_loop3A_133, %parallel_loop3A_147 : i32
      %parallel_loop3A_149 = arith.constant 2 : i32
      %parallel_loop3A_150 = arith.index_cast %parallel_loop3A_149 : i32 to index
      %parallel_loop3A_151 = arith.index_cast %parallel_loop3A_148 : i32 to index
      %parallel_loop3A_152 = tpu.vector_load %arg12[%parallel_loop3A_150, %parallel_loop3A_151] {strides = array<i32>} : memref<16x640xf32, #tpu.memory_space<vmem>>, vector<16xf32>,
      %parallel_loop3A_153 = arith.addf %parallel_loop3A_146, %parallel_loop3A_152 : vector<16xf32>
      %parallel_loop3A_154 = arith.constant 16 : i32
      %parallel_loop3A_155 = arith.muli %parallel_loop3A_133, %parallel_loop3A_154 : i32
      %parallel_loop3A_156 = arith.constant 3 : i32
      %parallel_loop3A_157 = arith.index_cast %parallel_loop3A_156 : i32 to index
      %parallel_loop3A_158 = arith.index_cast %parallel_loop3A_155 : i32 to index
      %parallel_loop3A_159 = tpu.vector_load %arg12[%parallel_loop3A_157, %parallel_loop3A_158] {strides = array<i32>} : memref<16x640xf32, #tpu.memory_space<vmem>>, vector<16xf32>,
      %parallel_loop3A_160 = arith.addf %parallel_loop3A_153, %parallel_loop3A_159 : vector<16xf32>
      %parallel_loop3A_161 = arith.constant 16 : i32
      %parallel_loop3A_162 = arith.muli %parallel_loop3A_133, %parallel_loop3A_161 : i32
      %parallel_loop3A_163 = arith.constant 4 : i32
      %parallel_loop3A_164 = arith.index_cast %parallel_loop3A_163 : i32 to index
      %parallel_loop3A_165 = arith.index_cast %parallel_loop3A_162 : i32 to index
      %parallel_loop3A_166 = tpu.vector_load %arg12[%parallel_loop3A_164, %parallel_loop3A_165] {strides = array<i32>} : memref<16x640xf32, #tpu.memory_space<vmem>>, vector<16xf32>,
      %parallel_loop3A_167 = arith.addf %parallel_loop3A_160, %parallel_loop3A_166 : vector<16xf32>
      %parallel_loop3A_168 = arith.constant 16 : i32
      %parallel_loop3A_169 = arith.muli %parallel_loop3A_133, %parallel_loop3A_168 : i32
      %parallel_loop3A_170 = arith.constant 5 : i32
      %parallel_loop3A_171 = arith.index_cast %parallel_loop3A_170 : i32 to index
      %parallel_loop3A_172 = arith.index_cast %parallel_loop3A_169 : i32 to index
      %parallel_loop3A_173 = tpu.vector_load %arg12[%parallel_loop3A_171, %parallel_loop3A_172] {strides = array<i32>} : memref<16x640xf32, #tpu.memory_space<vmem>>, vector<16xf32>,
      %parallel_loop3A_174 = arith.addf %parallel_loop3A_167, %parallel_loop3A_173 : vector<16xf32>
      %parallel_loop3A_175 = arith.constant 16 : i32
      %parallel_loop3A_176 = arith.muli %parallel_loop3A_133, %parallel_loop3A_175 : i32
      %parallel_loop3A_177 = arith.constant 6 : i32
      %parallel_loop3A_178 = arith.index_cast %parallel_loop3A_177 : i32 to index
      %parallel_loop3A_179 = arith.index_cast %parallel_loop3A_176 : i32 to index
      %parallel_loop3A_180 = tpu.vector_load %arg12[%parallel_loop3A_178, %parallel_loop3A_179] {strides = array<i32>} : memref<16x640xf32, #tpu.memory_space<vmem>>, vector<16xf32>,
      %parallel_loop3A_181 = arith.addf %parallel_loop3A_174, %parallel_loop3A_180 : vector<16xf32>
      %parallel_loop3A_182 = arith.constant 16 : i32
      %parallel_loop3A_183 = arith.muli %parallel_loop3A_133, %parallel_loop3A_182 : i32
      %parallel_loop3A_184 = arith.constant 7 : i32
      %parallel_loop3A_185 = arith.index_cast %parallel_loop3A_184 : i32 to index
      %parallel_loop3A_186 = arith.index_cast %parallel_loop3A_183 : i32 to index
      %parallel_loop3A_187 = tpu.vector_load %arg12[%parallel_loop3A_185, %parallel_loop3A_186] {strides = array<i32>} : memref<16x640xf32, #tpu.memory_space<vmem>>, vector<16xf32>,
      %parallel_loop3A_188 = arith.addf %parallel_loop3A_181, %parallel_loop3A_187 : vector<16xf32>
      %parallel_loop3A_189 = arith.constant 16 : i32
      %parallel_loop3A_190 = arith.muli %parallel_loop3A_133, %parallel_loop3A_189 : i32
      %parallel_loop3A_191 = arith.constant 8 : i32
      %parallel_loop3A_192 = arith.index_cast %parallel_loop3A_191 : i32 to index
      %parallel_loop3A_193 = arith.index_cast %parallel_loop3A_190 : i32 to index
      %parallel_loop3A_194 = tpu.vector_load %arg12[%parallel_loop3A_192, %parallel_loop3A_193] {strides = array<i32>} : memref<16x640xf32, #tpu.memory_space<vmem>>, vector<16xf32>,
      %parallel_loop3A_195 = arith.addf %parallel_loop3A_188, %parallel_loop3A_194 : vector<16xf32>
      %parallel_loop3A_196 = arith.constant 16 : i32
      %parallel_loop3A_197 = arith.muli %parallel_loop3A_133, %parallel_loop3A_196 : i32
      %parallel_loop3A_198 = arith.constant 9 : i32
      %parallel_loop3A_199 = arith.index_cast %parallel_loop3A_198 : i32 to index
      %parallel_loop3A_200 = arith.index_cast %parallel_loop3A_197 : i32 to index
      %parallel_loop3A_201 = tpu.vector_load %arg12[%parallel_loop3A_199, %parallel_loop3A_200] {strides = array<i32>} : memref<16x640xf32, #tpu.memory_space<vmem>>, vector<16xf32>,
      %parallel_loop3A_202 = arith.addf %parallel_loop3A_195, %parallel_loop3A_201 : vector<16xf32>
      %parallel_loop3A_203 = arith.constant 16 : i32
      %parallel_loop3A_204 = arith.muli %parallel_loop3A_133, %parallel_loop3A_203 : i32
      %parallel_loop3A_205 = arith.constant 10 : i32
      %parallel_loop3A_206 = arith.index_cast %parallel_loop3A_205 : i32 to index
      %parallel_loop3A_207 = arith.index_cast %parallel_loop3A_204 : i32 to index
      %parallel_loop3A_208 = tpu.vector_load %arg12[%parallel_loop3A_206, %parallel_loop3A_207] {strides = array<i32>} : memref<16x640xf32, #tpu.memory_space<vmem>>, vector<16xf32>,
      %parallel_loop3A_209 = arith.addf %parallel_loop3A_202, %parallel_loop3A_208 : vector<16xf32>
      %parallel_loop3A_210 = arith.constant 16 : i32
      %parallel_loop3A_211 = arith.muli %parallel_loop3A_133, %parallel_loop3A_210 : i32
      %parallel_loop3A_212 = arith.constant 11 : i32
      %parallel_loop3A_213 = arith.index_cast %parallel_loop3A_212 : i32 to index
      %parallel_loop3A_214 = arith.index_cast %parallel_loop3A_211 : i32 to index
      %parallel_loop3A_215 = tpu.vector_load %arg12[%parallel_loop3A_213, %parallel_loop3A_214] {strides = array<i32>} : memref<16x640xf32, #tpu.memory_space<vmem>>, vector<16xf32>,
      %parallel_loop3A_216 = arith.addf %parallel_loop3A_209, %parallel_loop3A_215 : vector<16xf32>
      %parallel_loop3A_217 = arith.constant 16 : i32
      %parallel_loop3A_218 = arith.muli %parallel_loop3A_133, %parallel_loop3A_217 : i32
      %parallel_loop3A_219 = arith.constant 12 : i32
      %parallel_loop3A_220 = arith.index_cast %parallel_loop3A_219 : i32 to index
      %parallel_loop3A_221 = arith.index_cast %parallel_loop3A_218 : i32 to index
      %parallel_loop3A_222 = tpu.vector_load %arg12[%parallel_loop3A_220, %parallel_loop3A_221] {strides = array<i32>} : memref<16x640xf32, #tpu.memory_space<vmem>>, vector<16xf32>,
      %parallel_loop3A_223 = arith.addf %parallel_loop3A_216, %parallel_loop3A_222 : vector<16xf32>
      %parallel_loop3A_224 = arith.constant 16 : i32
      %parallel_loop3A_225 = arith.muli %parallel_loop3A_133, %parallel_loop3A_224 : i32
      %parallel_loop3A_226 = arith.constant 13 : i32
      %parallel_loop3A_227 = arith.index_cast %parallel_loop3A_226 : i32 to index
      %parallel_loop3A_228 = arith.index_cast %parallel_loop3A_225 : i32 to index
      %parallel_loop3A_229 = tpu.vector_load %arg12[%parallel_loop3A_227, %parallel_loop3A_228] {strides = array<i32>} : memref<16x640xf32, #tpu.memory_space<vmem>>, vector<16xf32>,
      %parallel_loop3A_230 = arith.addf %parallel_loop3A_223, %parallel_loop3A_229 : vector<16xf32>
      %parallel_loop3A_231 = arith.constant 16 : i32
      %parallel_loop3A_232 = arith.muli %parallel_loop3A_133, %parallel_loop3A_231 : i32
      %parallel_loop3A_233 = arith.constant 14 : i32
      %parallel_loop3A_234 = arith.index_cast %parallel_loop3A_233 : i32 to index
      %parallel_loop3A_235 = arith.index_cast %parallel_loop3A_232 : i32 to index
      %parallel_loop3A_236 = tpu.vector_load %arg12[%parallel_loop3A_234, %parallel_loop3A_235] {strides = array<i32>} : memref<16x640xf32, #tpu.memory_space<vmem>>, vector<16xf32>,
      %parallel_loop3A_237 = arith.addf %parallel_loop3A_230, %parallel_loop3A_236 : vector<16xf32>
      %parallel_loop3A_238 = arith.constant 16 : i32
      %parallel_loop3A_239 = arith.muli %parallel_loop3A_133, %parallel_loop3A_238 : i32
      %parallel_loop3A_240 = arith.constant 15 : i32
      %parallel_loop3A_241 = arith.index_cast %parallel_loop3A_240 : i32 to index
      %parallel_loop3A_242 = arith.index_cast %parallel_loop3A_239 : i32 to index
      %parallel_loop3A_243 = tpu.vector_load %arg12[%parallel_loop3A_241, %parallel_loop3A_242] {strides = array<i32>} : memref<16x640xf32, #tpu.memory_space<vmem>>, vector<16xf32>,
      %parallel_loop3A_244 = arith.addf %parallel_loop3A_237, %parallel_loop3A_243 : vector<16xf32>
      %parallel_loop3A_245 = arith.constant 1.000000e-16 : f32
      %parallel_loop3A_246 = vector.broadcast %parallel_loop3A_245 : f32 to vector<16xf32>
      %parallel_loop3A_247 = arith.addf %parallel_loop3A_244, %parallel_loop3A_246 : vector<16xf32>
      %parallel_loop3A_248 = arith.constant 1.000000e+00 : f32
      %parallel_loop3A_249 = vector.broadcast %parallel_loop3A_248 : f32 to vector<16xf32>
      %parallel_loop3A_250 = arith.divf %parallel_loop3A_249, %parallel_loop3A_247 : vector<16xf32>
      %parallel_loop3A_251 = arith.constant 16 : i32
      %parallel_loop3A_252 = arith.muli %parallel_loop3A_133, %parallel_loop3A_251 : i32
      %parallel_loop3A_253 = arith.index_cast %parallel_loop3A_252 : i32 to index
      %parallel_loop3A_254 = tpu.vector_load %arg13[%parallel_loop3A_253] {strides = array<i32>} : memref<640xf32, #tpu.memory_space<vmem>>, vector<16xf32>,
      tpu.vector_store %arg13[%parallel_loop3A_253], %parallel_loop3A_250 {strides = array<i32>} : memref<640xf32, #tpu.memory_space<vmem>>, vector<16xf32>,
    } {sc.loop_unroll_factor = 2 : i64, sc.parallel_access}
    %run_scoped3A_79 = arith.constant 0 : i32
    "tpu.region"() ({
      %run_scoped3A_133 = tpu.sem_alloc : memref<!tpu.dma_semaphore, #tpu.memory_space<semaphore_mem>>
      %dma_start3A = tpu.memref_slice %arg14[%run_scoped3A_79, %mul3A_2] : memref<16x10240xf32, #tpu.memory_space<vmem_shared>> -> memref<1x640xf32, #tpu.memory_space<vmem_shared>>
      %dma_start3A_134 = tpu.memref_squeeze %dma_start3A : memref<1x640xf32, #tpu.memory_space<vmem_shared>> -> memref<640xf32, #tpu.memory_space<vmem_shared>>
      %dma_start3A_135 = tpu.memref_slice %arg14[%run_scoped3A_79, %mul3A_2] : memref<16x10240xf32, #tpu.memory_space<vmem_shared>> -> memref<1x640xf32, #tpu.memory_space<vmem_shared>>
      %dma_start3A_136 = tpu.memref_squeeze %dma_start3A_135 : memref<1x640xf32, #tpu.memory_space<vmem_shared>> -> memref<640xf32, #tpu.memory_space<vmem_shared>>
      tpu.enqueue_dma source(%arg13 : memref<640xf32, #tpu.memory_space<vmem>>) target(%dma_start3A_136 : memref<640xf32, #tpu.memory_space<vmem_shared>>) target_semaphore(%run_scoped3A_133 : memref<!tpu.dma_semaphore, #tpu.memory_space<semaphore_mem>>)
      %dma_wait3A = tpu.memref_slice %arg14[%run_scoped3A_79, %mul3A_2] : memref<16x10240xf32, #tpu.memory_space<vmem_shared>> -> memref<1x640xf32, #tpu.memory_space<vmem_shared>>
      %dma_wait3A_137 = tpu.memref_squeeze %dma_wait3A : memref<1x640xf32, #tpu.memory_space<vmem_shared>> -> memref<640xf32, #tpu.memory_space<vmem_shared>>
      %dma_wait3A_138 = tpu.memref_slice %arg14[%run_scoped3A_79, %mul3A_2] : memref<16x10240xf32, #tpu.memory_space<vmem_shared>> -> memref<1x640xf32, #tpu.memory_space<vmem_shared>>
      %dma_wait3A_139 = tpu.memref_squeeze %dma_wait3A_138 : memref<1x640xf32, #tpu.memory_space<vmem_shared>> -> memref<640xf32, #tpu.memory_space<vmem_shared>>
      tpu.wait_dma2 semaphore(%run_scoped3A_133 : memref<!tpu.dma_semaphore, #tpu.memory_space<semaphore_mem>>) src(%arg13 : memref<640xf32, #tpu.memory_space<vmem>>) dst(%dma_wait3A_139 : memref<640xf32, #tpu.memory_space<vmem_shared>>)
      tpu.yield
    }) : () -> ()
    %barrier3A_80 = arith.constant 0 : index
    tpu.barrier barrier_id(%barrier3A_80)
    %run_scoped3A_81 = arith.constant 0 : i32
    "tpu.region"() ({
      %run_scoped3A_133 = tpu.sem_alloc : memref<!tpu.dma_semaphore, #tpu.memory_space<semaphore_mem>>
      %dma_start3A = arith.constant 0 : i32
      %dma_start3A_134 = tpu.memref_slice %arg14[%run_scoped3A_81, %dma_start3A] : memref<16x10240xf32, #tpu.memory_space<vmem_shared>> -> memref<1x10240xf32, #tpu.memory_space<vmem_shared>>
      %dma_start3A_135 = tpu.memref_squeeze %dma_start3A_134 : memref<1x10240xf32, #tpu.memory_space<vmem_shared>> -> memref<10240xf32, #tpu.memory_space<vmem_shared>>
      %dma_start3A_136 = arith.constant 0 : i32
      %dma_start3A_137 = tpu.memref_slice %arg14[%run_scoped3A_81, %dma_start3A_136] : memref<16x10240xf32, #tpu.memory_space<vmem_shared>> -> memref<1x10240xf32, #tpu.memory_space<vmem_shared>>
      %dma_start3A_138 = tpu.memref_squeeze %dma_start3A_137 : memref<1x10240xf32, #tpu.memory_space<vmem_shared>> -> memref<10240xf32, #tpu.memory_space<vmem_shared>>
      tpu.enqueue_dma source(%dma_start3A_138 : memref<10240xf32, #tpu.memory_space<vmem_shared>>) target(%arg11 : memref<10240xf32, #tpu.memory_space<vmem>>) target_semaphore(%run_scoped3A_133 : memref<!tpu.dma_semaphore, #tpu.memory_space<semaphore_mem>>)
      %dma_wait3A = arith.constant 0 : i32
      %dma_wait3A_139 = tpu.memref_slice %arg14[%run_scoped3A_81, %dma_wait3A] : memref<16x10240xf32, #tpu.memory_space<vmem_shared>> -> memref<1x10240xf32, #tpu.memory_space<vmem_shared>>
      %dma_wait3A_140 = tpu.memref_squeeze %dma_wait3A_139 : memref<1x10240xf32, #tpu.memory_space<vmem_shared>> -> memref<10240xf32, #tpu.memory_space<vmem_shared>>
      %dma_wait3A_141 = arith.constant 0 : i32
      %dma_wait3A_142 = tpu.memref_slice %arg14[%run_scoped3A_81, %dma_wait3A_141] : memref<16x10240xf32, #tpu.memory_space<vmem_shared>> -> memref<1x10240xf32, #tpu.memory_space<vmem_shared>>
      %dma_wait3A_143 = tpu.memref_squeeze %dma_wait3A_142 : memref<1x10240xf32, #tpu.memory_space<vmem_shared>> -> memref<10240xf32, #tpu.memory_space<vmem_shared>>
      tpu.wait_dma2 semaphore(%run_scoped3A_133 : memref<!tpu.dma_semaphore, #tpu.memory_space<semaphore_mem>>) src(%dma_wait3A_143 : memref<10240xf32, #tpu.memory_space<vmem_shared>>) dst(%arg11 : memref<10240xf32, #tpu.memory_space<vmem>>)
      tpu.yield
    }) : () -> ()
    %barrier3A_82 = arith.constant 0 : index
    tpu.barrier barrier_id(%barrier3A_82)
    %parallel_loop3A_83 = arith.constant 0 : i32
    %parallel_loop3A_84 = arith.constant 640 : i32
    %parallel_loop3A_85 = arith.constant 1 : i32
    scf.for %parallel_loop3A_133 = %parallel_loop3A_83 to %parallel_loop3A_84 step %parallel_loop3A_85  : i32 {
      %parallel_loop3A_134 = arith.constant 16 : i32
      %parallel_loop3A_135 = arith.muli %parallel_loop3A_133, %parallel_loop3A_134 : i32
      %parallel_loop3A_136 = arith.index_cast %parallel_loop3A_135 : i32 to index
      %parallel_loop3A_137 = tpu.vector_load %arg10[%parallel_loop3A_136] {strides = array<i32>} : memref<10240xf32, #tpu.memory_space<vmem>>, vector<16xf32>,
      tpu.vector_store %arg10[%parallel_loop3A_136], %broadcast_in_dim3A_3 {strides = array<i32>} : memref<10240xf32, #tpu.memory_space<vmem>>, vector<16xf32>,
    } {sc.loop_unroll_factor = 8 : i64, sc.parallel_access}
    %parallel_loop3A_86 = arith.constant 0 : i32
    %parallel_loop3A_87 = arith.constant 1290 : i32
    %parallel_loop3A_88 = arith.constant 1 : i32
    scf.for %parallel_loop3A_133 = %parallel_loop3A_86 to %parallel_loop3A_87 step %parallel_loop3A_88  : i32 {
      %parallel_loop3A_134 = arith.constant 16 : i32
      %parallel_loop3A_135 = arith.muli %parallel_loop3A_133, %parallel_loop3A_134 : i32
      %parallel_loop3A_136 = arith.index_cast %parallel_loop3A_135 : i32 to index
      %parallel_loop3A_137 = tpu.vector_load %arg6[%parallel_loop3A_136] {strides = array<i32>} : memref<20640xi32, #tpu.memory_space<vmem>>, vector<16xi32>,
      %parallel_loop3A_138 = arith.constant 16383 : i32
      %parallel_loop3A_139 = vector.broadcast %parallel_loop3A_138 : i32 to vector<16xi32>
      %parallel_loop3A_140 = arith.andi %parallel_loop3A_137, %parallel_loop3A_139 : vector<16xi32>
      %parallel_loop3A_141 = arith.constant 14 : i32
      %parallel_loop3A_142 = vector.broadcast %parallel_loop3A_141 : i32 to vector<16xi32>
      %parallel_loop3A_143 = arith.shrui %parallel_loop3A_137, %parallel_loop3A_142 : vector<16xi32>
      %parallel_loop3A_144 = tpu.vector_load_idx %arg11[%parallel_loop3A_143] : memref<10240xf32, #tpu.memory_space<vmem>>[vector<16xi32>], vector<16xf32>,
      %parallel_loop3A_145 = arith.constant 16 : i32
      %parallel_loop3A_146 = arith.muli %parallel_loop3A_133, %parallel_loop3A_145 : i32
      %parallel_loop3A_147 = arith.index_cast %parallel_loop3A_146 : i32 to index
      %parallel_loop3A_148 = tpu.vector_load %arg9[%parallel_loop3A_147] {strides = array<i32>} : memref<20640xf32, #tpu.memory_space<vmem>>, vector<16xf32>,
      %parallel_loop3A_149 = arith.mulf %parallel_loop3A_148, %parallel_loop3A_144 : vector<16xf32>
      tpu.vector_store_idx %arg10[%parallel_loop3A_140], %parallel_loop3A_149 {add = true} : memref<10240xf32, #tpu.memory_space<vmem>>[vector<16xi32>], vector<16xf32>,
    } {sc.loop_unroll_factor = 8 : i64, sc.parallel_access}
    "tpu.region"() ({
      %run_scoped3A_133 = tpu.sem_alloc : memref<!tpu.dma_semaphore, #tpu.memory_space<semaphore_mem>>
      %dma_start3A = arith.constant 0 : i32
      %dma_start3A_134 = tpu.memref_slice %arg14[%arg1, %dma_start3A] : memref<16x10240xf32, #tpu.memory_space<vmem_shared>> -> memref<1x10240xf32, #tpu.memory_space<vmem_shared>>
      %dma_start3A_135 = tpu.memref_squeeze %dma_start3A_134 : memref<1x10240xf32, #tpu.memory_space<vmem_shared>> -> memref<10240xf32, #tpu.memory_space<vmem_shared>>
      %dma_start3A_136 = arith.constant 0 : i32
      %dma_start3A_137 = tpu.memref_slice %arg14[%arg1, %dma_start3A_136] : memref<16x10240xf32, #tpu.memory_space<vmem_shared>> -> memref<1x10240xf32, #tpu.memory_space<vmem_shared>>
      %dma_start3A_138 = tpu.memref_squeeze %dma_start3A_137 : memref<1x10240xf32, #tpu.memory_space<vmem_shared>> -> memref<10240xf32, #tpu.memory_space<vmem_shared>>
      tpu.enqueue_dma source(%arg10 : memref<10240xf32, #tpu.memory_space<vmem>>) target(%dma_start3A_138 : memref<10240xf32, #tpu.memory_space<vmem_shared>>) target_semaphore(%run_scoped3A_133 : memref<!tpu.dma_semaphore, #tpu.memory_space<semaphore_mem>>)
      %dma_wait3A = arith.constant 0 : i32
      %dma_wait3A_139 = tpu.memref_slice %arg14[%arg1, %dma_wait3A] : memref<16x10240xf32, #tpu.memory_space<vmem_shared>> -> memref<1x10240xf32, #tpu.memory_space<vmem_shared>>
      %dma_wait3A_140 = tpu.memref_squeeze %dma_wait3A_139 : memref<1x10240xf32, #tpu.memory_space<vmem_shared>> -> memref<10240xf32, #tpu.memory_space<vmem_shared>>
      %dma_wait3A_141 = arith.constant 0 : i32
      %dma_wait3A_142 = tpu.memref_slice %arg14[%arg1, %dma_wait3A_141] : memref<16x10240xf32, #tpu.memory_space<vmem_shared>> -> memref<1x10240xf32, #tpu.memory_space<vmem_shared>>
      %dma_wait3A_143 = tpu.memref_squeeze %dma_wait3A_142 : memref<1x10240xf32, #tpu.memory_space<vmem_shared>> -> memref<10240xf32, #tpu.memory_space<vmem_shared>>
      tpu.wait_dma2 semaphore(%run_scoped3A_133 : memref<!tpu.dma_semaphore, #tpu.memory_space<semaphore_mem>>) src(%arg10 : memref<10240xf32, #tpu.memory_space<vmem>>) dst(%dma_wait3A_143 : memref<10240xf32, #tpu.memory_space<vmem_shared>>)
      tpu.yield
    }) : () -> ()
    %barrier3A_89 = arith.constant 0 : index
    tpu.barrier barrier_id(%barrier3A_89)
    "tpu.region"() ({
      %run_scoped3A_133 = tpu.sem_alloc : memref<!tpu.dma_semaphore, #tpu.memory_space<semaphore_mem>>
      %dma_start3A = arith.constant 0 : i32
      %dma_start3A_134 = tpu.memref_slice %arg14[%dma_start3A, %mul3A_2] : memref<16x10240xf32, #tpu.memory_space<vmem_shared>> -> memref<16x640xf32, #tpu.memory_space<vmem_shared>>
      %dma_start3A_135 = arith.constant 0 : i32
      %dma_start3A_136 = tpu.memref_slice %arg14[%dma_start3A_135, %mul3A_2] : memref<16x10240xf32, #tpu.memory_space<vmem_shared>> -> memref<16x640xf32, #tpu.memory_space<vmem_shared>>
      tpu.enqueue_dma source(%dma_start3A_136 : memref<16x640xf32, #tpu.memory_space<vmem_shared>>) target(%arg12 : memref<16x640xf32, #tpu.memory_space<vmem>>) target_semaphore(%run_scoped3A_133 : memref<!tpu.dma_semaphore, #tpu.memory_space<semaphore_mem>>)
      %dma_wait3A = arith.constant 0 : i32
      %dma_wait3A_137 = tpu.memref_slice %arg14[%dma_wait3A, %mul3A_2] : memref<16x10240xf32, #tpu.memory_space<vmem_shared>> -> memref<16x640xf32, #tpu.memory_space<vmem_shared>>
      %dma_wait3A_138 = arith.constant 0 : i32
      %dma_wait3A_139 = tpu.memref_slice %arg14[%dma_wait3A_138, %mul3A_2] : memref<16x10240xf32, #tpu.memory_space<vmem_shared>> -> memref<16x640xf32, #tpu.memory_space<vmem_shared>>
      tpu.wait_dma2 semaphore(%run_scoped3A_133 : memref<!tpu.dma_semaphore, #tpu.memory_space<semaphore_mem>>) src(%dma_wait3A_139 : memref<16x640xf32, #tpu.memory_space<vmem_shared>>) dst(%arg12 : memref<16x640xf32, #tpu.memory_space<vmem>>)
      tpu.yield
    }) : () -> ()
    %parallel_loop3A_90 = arith.constant 0 : i32
    %parallel_loop3A_91 = arith.constant 40 : i32
    %parallel_loop3A_92 = arith.constant 1 : i32
    scf.for %parallel_loop3A_133 = %parallel_loop3A_90 to %parallel_loop3A_91 step %parallel_loop3A_92  : i32 {
      %parallel_loop3A_134 = arith.constant 16 : i32
      %parallel_loop3A_135 = arith.muli %parallel_loop3A_133, %parallel_loop3A_134 : i32
      %parallel_loop3A_136 = arith.constant 0 : i32
      %parallel_loop3A_137 = arith.index_cast %parallel_loop3A_136 : i32 to index
      %parallel_loop3A_138 = arith.index_cast %parallel_loop3A_135 : i32 to index
      %parallel_loop3A_139 = tpu.vector_load %arg12[%parallel_loop3A_137, %parallel_loop3A_138] {strides = array<i32>} : memref<16x640xf32, #tpu.memory_space<vmem>>, vector<16xf32>,
      %parallel_loop3A_140 = arith.constant 16 : i32
      %parallel_loop3A_141 = arith.muli %parallel_loop3A_133, %parallel_loop3A_140 : i32
      %parallel_loop3A_142 = arith.constant 1 : i32
      %parallel_loop3A_143 = arith.index_cast %parallel_loop3A_142 : i32 to index
      %parallel_loop3A_144 = arith.index_cast %parallel_loop3A_141 : i32 to index
      %parallel_loop3A_145 = tpu.vector_load %arg12[%parallel_loop3A_143, %parallel_loop3A_144] {strides = array<i32>} : memref<16x640xf32, #tpu.memory_space<vmem>>, vector<16xf32>,
      %parallel_loop3A_146 = arith.addf %parallel_loop3A_139, %parallel_loop3A_145 : vector<16xf32>
      %parallel_loop3A_147 = arith.constant 16 : i32
      %parallel_loop3A_148 = arith.muli %parallel_loop3A_133, %parallel_loop3A_147 : i32
      %parallel_loop3A_149 = arith.constant 2 : i32
      %parallel_loop3A_150 = arith.index_cast %parallel_loop3A_149 : i32 to index
      %parallel_loop3A_151 = arith.index_cast %parallel_loop3A_148 : i32 to index
      %parallel_loop3A_152 = tpu.vector_load %arg12[%parallel_loop3A_150, %parallel_loop3A_151] {strides = array<i32>} : memref<16x640xf32, #tpu.memory_space<vmem>>, vector<16xf32>,
      %parallel_loop3A_153 = arith.addf %parallel_loop3A_146, %parallel_loop3A_152 : vector<16xf32>
      %parallel_loop3A_154 = arith.constant 16 : i32
      %parallel_loop3A_155 = arith.muli %parallel_loop3A_133, %parallel_loop3A_154 : i32
      %parallel_loop3A_156 = arith.constant 3 : i32
      %parallel_loop3A_157 = arith.index_cast %parallel_loop3A_156 : i32 to index
      %parallel_loop3A_158 = arith.index_cast %parallel_loop3A_155 : i32 to index
      %parallel_loop3A_159 = tpu.vector_load %arg12[%parallel_loop3A_157, %parallel_loop3A_158] {strides = array<i32>} : memref<16x640xf32, #tpu.memory_space<vmem>>, vector<16xf32>,
      %parallel_loop3A_160 = arith.addf %parallel_loop3A_153, %parallel_loop3A_159 : vector<16xf32>
      %parallel_loop3A_161 = arith.constant 16 : i32
      %parallel_loop3A_162 = arith.muli %parallel_loop3A_133, %parallel_loop3A_161 : i32
      %parallel_loop3A_163 = arith.constant 4 : i32
      %parallel_loop3A_164 = arith.index_cast %parallel_loop3A_163 : i32 to index
      %parallel_loop3A_165 = arith.index_cast %parallel_loop3A_162 : i32 to index
      %parallel_loop3A_166 = tpu.vector_load %arg12[%parallel_loop3A_164, %parallel_loop3A_165] {strides = array<i32>} : memref<16x640xf32, #tpu.memory_space<vmem>>, vector<16xf32>,
      %parallel_loop3A_167 = arith.addf %parallel_loop3A_160, %parallel_loop3A_166 : vector<16xf32>
      %parallel_loop3A_168 = arith.constant 16 : i32
      %parallel_loop3A_169 = arith.muli %parallel_loop3A_133, %parallel_loop3A_168 : i32
      %parallel_loop3A_170 = arith.constant 5 : i32
      %parallel_loop3A_171 = arith.index_cast %parallel_loop3A_170 : i32 to index
      %parallel_loop3A_172 = arith.index_cast %parallel_loop3A_169 : i32 to index
      %parallel_loop3A_173 = tpu.vector_load %arg12[%parallel_loop3A_171, %parallel_loop3A_172] {strides = array<i32>} : memref<16x640xf32, #tpu.memory_space<vmem>>, vector<16xf32>,
      %parallel_loop3A_174 = arith.addf %parallel_loop3A_167, %parallel_loop3A_173 : vector<16xf32>
      %parallel_loop3A_175 = arith.constant 16 : i32
      %parallel_loop3A_176 = arith.muli %parallel_loop3A_133, %parallel_loop3A_175 : i32
      %parallel_loop3A_177 = arith.constant 6 : i32
      %parallel_loop3A_178 = arith.index_cast %parallel_loop3A_177 : i32 to index
      %parallel_loop3A_179 = arith.index_cast %parallel_loop3A_176 : i32 to index
      %parallel_loop3A_180 = tpu.vector_load %arg12[%parallel_loop3A_178, %parallel_loop3A_179] {strides = array<i32>} : memref<16x640xf32, #tpu.memory_space<vmem>>, vector<16xf32>,
      %parallel_loop3A_181 = arith.addf %parallel_loop3A_174, %parallel_loop3A_180 : vector<16xf32>
      %parallel_loop3A_182 = arith.constant 16 : i32
      %parallel_loop3A_183 = arith.muli %parallel_loop3A_133, %parallel_loop3A_182 : i32
      %parallel_loop3A_184 = arith.constant 7 : i32
      %parallel_loop3A_185 = arith.index_cast %parallel_loop3A_184 : i32 to index
      %parallel_loop3A_186 = arith.index_cast %parallel_loop3A_183 : i32 to index
      %parallel_loop3A_187 = tpu.vector_load %arg12[%parallel_loop3A_185, %parallel_loop3A_186] {strides = array<i32>} : memref<16x640xf32, #tpu.memory_space<vmem>>, vector<16xf32>,
      %parallel_loop3A_188 = arith.addf %parallel_loop3A_181, %parallel_loop3A_187 : vector<16xf32>
      %parallel_loop3A_189 = arith.constant 16 : i32
      %parallel_loop3A_190 = arith.muli %parallel_loop3A_133, %parallel_loop3A_189 : i32
      %parallel_loop3A_191 = arith.constant 8 : i32
      %parallel_loop3A_192 = arith.index_cast %parallel_loop3A_191 : i32 to index
      %parallel_loop3A_193 = arith.index_cast %parallel_loop3A_190 : i32 to index
      %parallel_loop3A_194 = tpu.vector_load %arg12[%parallel_loop3A_192, %parallel_loop3A_193] {strides = array<i32>} : memref<16x640xf32, #tpu.memory_space<vmem>>, vector<16xf32>,
      %parallel_loop3A_195 = arith.addf %parallel_loop3A_188, %parallel_loop3A_194 : vector<16xf32>
      %parallel_loop3A_196 = arith.constant 16 : i32
      %parallel_loop3A_197 = arith.muli %parallel_loop3A_133, %parallel_loop3A_196 : i32
      %parallel_loop3A_198 = arith.constant 9 : i32
      %parallel_loop3A_199 = arith.index_cast %parallel_loop3A_198 : i32 to index
      %parallel_loop3A_200 = arith.index_cast %parallel_loop3A_197 : i32 to index
      %parallel_loop3A_201 = tpu.vector_load %arg12[%parallel_loop3A_199, %parallel_loop3A_200] {strides = array<i32>} : memref<16x640xf32, #tpu.memory_space<vmem>>, vector<16xf32>,
      %parallel_loop3A_202 = arith.addf %parallel_loop3A_195, %parallel_loop3A_201 : vector<16xf32>
      %parallel_loop3A_203 = arith.constant 16 : i32
      %parallel_loop3A_204 = arith.muli %parallel_loop3A_133, %parallel_loop3A_203 : i32
      %parallel_loop3A_205 = arith.constant 10 : i32
      %parallel_loop3A_206 = arith.index_cast %parallel_loop3A_205 : i32 to index
      %parallel_loop3A_207 = arith.index_cast %parallel_loop3A_204 : i32 to index
      %parallel_loop3A_208 = tpu.vector_load %arg12[%parallel_loop3A_206, %parallel_loop3A_207] {strides = array<i32>} : memref<16x640xf32, #tpu.memory_space<vmem>>, vector<16xf32>,
      %parallel_loop3A_209 = arith.addf %parallel_loop3A_202, %parallel_loop3A_208 : vector<16xf32>
      %parallel_loop3A_210 = arith.constant 16 : i32
      %parallel_loop3A_211 = arith.muli %parallel_loop3A_133, %parallel_loop3A_210 : i32
      %parallel_loop3A_212 = arith.constant 11 : i32
      %parallel_loop3A_213 = arith.index_cast %parallel_loop3A_212 : i32 to index
      %parallel_loop3A_214 = arith.index_cast %parallel_loop3A_211 : i32 to index
      %parallel_loop3A_215 = tpu.vector_load %arg12[%parallel_loop3A_213, %parallel_loop3A_214] {strides = array<i32>} : memref<16x640xf32, #tpu.memory_space<vmem>>, vector<16xf32>,
      %parallel_loop3A_216 = arith.addf %parallel_loop3A_209, %parallel_loop3A_215 : vector<16xf32>
      %parallel_loop3A_217 = arith.constant 16 : i32
      %parallel_loop3A_218 = arith.muli %parallel_loop3A_133, %parallel_loop3A_217 : i32
      %parallel_loop3A_219 = arith.constant 12 : i32
      %parallel_loop3A_220 = arith.index_cast %parallel_loop3A_219 : i32 to index
      %parallel_loop3A_221 = arith.index_cast %parallel_loop3A_218 : i32 to index
      %parallel_loop3A_222 = tpu.vector_load %arg12[%parallel_loop3A_220, %parallel_loop3A_221] {strides = array<i32>} : memref<16x640xf32, #tpu.memory_space<vmem>>, vector<16xf32>,
      %parallel_loop3A_223 = arith.addf %parallel_loop3A_216, %parallel_loop3A_222 : vector<16xf32>
      %parallel_loop3A_224 = arith.constant 16 : i32
      %parallel_loop3A_225 = arith.muli %parallel_loop3A_133, %parallel_loop3A_224 : i32
      %parallel_loop3A_226 = arith.constant 13 : i32
      %parallel_loop3A_227 = arith.index_cast %parallel_loop3A_226 : i32 to index
      %parallel_loop3A_228 = arith.index_cast %parallel_loop3A_225 : i32 to index
      %parallel_loop3A_229 = tpu.vector_load %arg12[%parallel_loop3A_227, %parallel_loop3A_228] {strides = array<i32>} : memref<16x640xf32, #tpu.memory_space<vmem>>, vector<16xf32>,
      %parallel_loop3A_230 = arith.addf %parallel_loop3A_223, %parallel_loop3A_229 : vector<16xf32>
      %parallel_loop3A_231 = arith.constant 16 : i32
      %parallel_loop3A_232 = arith.muli %parallel_loop3A_133, %parallel_loop3A_231 : i32
      %parallel_loop3A_233 = arith.constant 14 : i32
      %parallel_loop3A_234 = arith.index_cast %parallel_loop3A_233 : i32 to index
      %parallel_loop3A_235 = arith.index_cast %parallel_loop3A_232 : i32 to index
      %parallel_loop3A_236 = tpu.vector_load %arg12[%parallel_loop3A_234, %parallel_loop3A_235] {strides = array<i32>} : memref<16x640xf32, #tpu.memory_space<vmem>>, vector<16xf32>,
      %parallel_loop3A_237 = arith.addf %parallel_loop3A_230, %parallel_loop3A_236 : vector<16xf32>
      %parallel_loop3A_238 = arith.constant 16 : i32
      %parallel_loop3A_239 = arith.muli %parallel_loop3A_133, %parallel_loop3A_238 : i32
      %parallel_loop3A_240 = arith.constant 15 : i32
      %parallel_loop3A_241 = arith.index_cast %parallel_loop3A_240 : i32 to index
      %parallel_loop3A_242 = arith.index_cast %parallel_loop3A_239 : i32 to index
      %parallel_loop3A_243 = tpu.vector_load %arg12[%parallel_loop3A_241, %parallel_loop3A_242] {strides = array<i32>} : memref<16x640xf32, #tpu.memory_space<vmem>>, vector<16xf32>,
      %parallel_loop3A_244 = arith.addf %parallel_loop3A_237, %parallel_loop3A_243 : vector<16xf32>
      %parallel_loop3A_245 = arith.constant 16 : i32
      %parallel_loop3A_246 = arith.muli %parallel_loop3A_133, %parallel_loop3A_245 : i32
      %parallel_loop3A_247 = arith.index_cast %parallel_loop3A_246 : i32 to index
      %parallel_loop3A_248 = tpu.vector_load %arg13[%parallel_loop3A_247] {strides = array<i32>} : memref<640xf32, #tpu.memory_space<vmem>>, vector<16xf32>,
      tpu.vector_store %arg13[%parallel_loop3A_247], %parallel_loop3A_244 {strides = array<i32>} : memref<640xf32, #tpu.memory_space<vmem>>, vector<16xf32>,
    } {sc.loop_unroll_factor = 2 : i64, sc.parallel_access}
    %eq3A_93 = arith.constant 15 : i32
    %eq3A_94 = arith.cmpi eq, %arg1, %eq3A_93 : i32
    %convert_element_type3A_95 = arith.extui %eq3A_94 : i1 to i32
    %cond3A_96 = arith.constant 0 : i32
    %cond3A_97 = arith.cmpi ne, %convert_element_type3A_95, %cond3A_96 : i32
    scf.if %cond3A_97 {
      %swap3A = arith.constant 400 : index
      %swap3A_133 = tpu.vector_load %arg13[%swap3A] {strides = array<i32>} : memref<640xf32, #tpu.memory_space<vmem>>, vector<16xf32>,
      tpu.vector_store %arg13[%swap3A], %broadcast_in_dim3A_3 {strides = array<i32>} : memref<640xf32, #tpu.memory_space<vmem>>, vector<16xf32>,
      %swap3A_134 = arith.constant 416 : index
      %swap3A_135 = tpu.vector_load %arg13[%swap3A_134] {strides = array<i32>} : memref<640xf32, #tpu.memory_space<vmem>>, vector<16xf32>,
      tpu.vector_store %arg13[%swap3A_134], %broadcast_in_dim3A_3 {strides = array<i32>} : memref<640xf32, #tpu.memory_space<vmem>>, vector<16xf32>,
      %swap3A_136 = arith.constant 432 : index
      %swap3A_137 = tpu.vector_load %arg13[%swap3A_136] {strides = array<i32>} : memref<640xf32, #tpu.memory_space<vmem>>, vector<16xf32>,
      tpu.vector_store %arg13[%swap3A_136], %broadcast_in_dim3A_3 {strides = array<i32>} : memref<640xf32, #tpu.memory_space<vmem>>, vector<16xf32>,
      %swap3A_138 = arith.constant 448 : index
      %swap3A_139 = tpu.vector_load %arg13[%swap3A_138] {strides = array<i32>} : memref<640xf32, #tpu.memory_space<vmem>>, vector<16xf32>,
      tpu.vector_store %arg13[%swap3A_138], %broadcast_in_dim3A_3 {strides = array<i32>} : memref<640xf32, #tpu.memory_space<vmem>>, vector<16xf32>,
      %swap3A_140 = arith.constant 464 : index
      %swap3A_141 = tpu.vector_load %arg13[%swap3A_140] {strides = array<i32>} : memref<640xf32, #tpu.memory_space<vmem>>, vector<16xf32>,
      tpu.vector_store %arg13[%swap3A_140], %broadcast_in_dim3A_3 {strides = array<i32>} : memref<640xf32, #tpu.memory_space<vmem>>, vector<16xf32>,
      %swap3A_142 = arith.constant 480 : index
      %swap3A_143 = tpu.vector_load %arg13[%swap3A_142] {strides = array<i32>} : memref<640xf32, #tpu.memory_space<vmem>>, vector<16xf32>,
      tpu.vector_store %arg13[%swap3A_142], %broadcast_in_dim3A_3 {strides = array<i32>} : memref<640xf32, #tpu.memory_space<vmem>>, vector<16xf32>,
      %swap3A_144 = arith.constant 496 : index
      %swap3A_145 = tpu.vector_load %arg13[%swap3A_144] {strides = array<i32>} : memref<640xf32, #tpu.memory_space<vmem>>, vector<16xf32>,
      tpu.vector_store %arg13[%swap3A_144], %broadcast_in_dim3A_3 {strides = array<i32>} : memref<640xf32, #tpu.memory_space<vmem>>, vector<16xf32>,
      %swap3A_146 = arith.constant 512 : index
      %swap3A_147 = tpu.vector_load %arg13[%swap3A_146] {strides = array<i32>} : memref<640xf32, #tpu.memory_space<vmem>>, vector<16xf32>,
      tpu.vector_store %arg13[%swap3A_146], %broadcast_in_dim3A_3 {strides = array<i32>} : memref<640xf32, #tpu.memory_space<vmem>>, vector<16xf32>,
      %swap3A_148 = arith.constant 528 : index
      %swap3A_149 = tpu.vector_load %arg13[%swap3A_148] {strides = array<i32>} : memref<640xf32, #tpu.memory_space<vmem>>, vector<16xf32>,
      tpu.vector_store %arg13[%swap3A_148], %broadcast_in_dim3A_3 {strides = array<i32>} : memref<640xf32, #tpu.memory_space<vmem>>, vector<16xf32>,
      %swap3A_150 = arith.constant 544 : index
      %swap3A_151 = tpu.vector_load %arg13[%swap3A_150] {strides = array<i32>} : memref<640xf32, #tpu.memory_space<vmem>>, vector<16xf32>,
      tpu.vector_store %arg13[%swap3A_150], %broadcast_in_dim3A_3 {strides = array<i32>} : memref<640xf32, #tpu.memory_space<vmem>>, vector<16xf32>,
      %swap3A_152 = arith.constant 560 : index
      %swap3A_153 = tpu.vector_load %arg13[%swap3A_152] {strides = array<i32>} : memref<640xf32, #tpu.memory_space<vmem>>, vector<16xf32>,
      tpu.vector_store %arg13[%swap3A_152], %broadcast_in_dim3A_3 {strides = array<i32>} : memref<640xf32, #tpu.memory_space<vmem>>, vector<16xf32>,
      %swap3A_154 = arith.constant 576 : index
      %swap3A_155 = tpu.vector_load %arg13[%swap3A_154] {strides = array<i32>} : memref<640xf32, #tpu.memory_space<vmem>>, vector<16xf32>,
      tpu.vector_store %arg13[%swap3A_154], %broadcast_in_dim3A_3 {strides = array<i32>} : memref<640xf32, #tpu.memory_space<vmem>>, vector<16xf32>,
      %swap3A_156 = arith.constant 592 : index
      %swap3A_157 = tpu.vector_load %arg13[%swap3A_156] {strides = array<i32>} : memref<640xf32, #tpu.memory_space<vmem>>, vector<16xf32>,
      tpu.vector_store %arg13[%swap3A_156], %broadcast_in_dim3A_3 {strides = array<i32>} : memref<640xf32, #tpu.memory_space<vmem>>, vector<16xf32>,
      %swap3A_158 = arith.constant 608 : index
      %swap3A_159 = tpu.vector_load %arg13[%swap3A_158] {strides = array<i32>} : memref<640xf32, #tpu.memory_space<vmem>>, vector<16xf32>,
      tpu.vector_store %arg13[%swap3A_158], %broadcast_in_dim3A_3 {strides = array<i32>} : memref<640xf32, #tpu.memory_space<vmem>>, vector<16xf32>,
      %swap3A_160 = arith.constant 624 : index
      %swap3A_161 = tpu.vector_load %arg13[%swap3A_160] {strides = array<i32>} : memref<640xf32, #tpu.memory_space<vmem>>, vector<16xf32>,
      tpu.vector_store %arg13[%swap3A_160], %broadcast_in_dim3A_3 {strides = array<i32>} : memref<640xf32, #tpu.memory_space<vmem>>, vector<16xf32>,
    } else {
    }
    "tpu.region"() ({
      %run_scoped3A_133 = tpu.sem_alloc : memref<!tpu.dma_semaphore, #tpu.memory_space<semaphore_mem>>
      %dma_start3A = tpu.memref_slice %arg5[%add3A_68, %mul3A_2] : memref<8x10240xf32, #tpu.memory_space<hbm>> -> memref<1x640xf32, #tpu.memory_space<hbm>>
      %dma_start3A_134 = tpu.memref_squeeze %dma_start3A : memref<1x640xf32, #tpu.memory_space<hbm>> -> memref<640xf32, #tpu.memory_space<hbm>>
      %dma_start3A_135 = tpu.memref_slice %arg5[%add3A_68, %mul3A_2] : memref<8x10240xf32, #tpu.memory_space<hbm>> -> memref<1x640xf32, #tpu.memory_space<hbm>>
      %dma_start3A_136 = tpu.memref_squeeze %dma_start3A_135 : memref<1x640xf32, #tpu.memory_space<hbm>> -> memref<640xf32, #tpu.memory_space<hbm>>
      tpu.enqueue_dma source(%arg13 : memref<640xf32, #tpu.memory_space<vmem>>) target(%dma_start3A_136 : memref<640xf32, #tpu.memory_space<hbm>>) target_semaphore(%run_scoped3A_133 : memref<!tpu.dma_semaphore, #tpu.memory_space<semaphore_mem>>)
      %dma_wait3A = tpu.memref_slice %arg5[%add3A_68, %mul3A_2] : memref<8x10240xf32, #tpu.memory_space<hbm>> -> memref<1x640xf32, #tpu.memory_space<hbm>>
      %dma_wait3A_137 = tpu.memref_squeeze %dma_wait3A : memref<1x640xf32, #tpu.memory_space<hbm>> -> memref<640xf32, #tpu.memory_space<hbm>>
      %dma_wait3A_138 = tpu.memref_slice %arg5[%add3A_68, %mul3A_2] : memref<8x10240xf32, #tpu.memory_space<hbm>> -> memref<1x640xf32, #tpu.memory_space<hbm>>
      %dma_wait3A_139 = tpu.memref_squeeze %dma_wait3A_138 : memref<1x640xf32, #tpu.memory_space<hbm>> -> memref<640xf32, #tpu.memory_space<hbm>>
      tpu.wait_dma2 semaphore(%run_scoped3A_133 : memref<!tpu.dma_semaphore, #tpu.memory_space<semaphore_mem>>) src(%arg13 : memref<640xf32, #tpu.memory_space<vmem>>) dst(%dma_wait3A_139 : memref<640xf32, #tpu.memory_space<hbm>>)
      tpu.yield
    }) : () -> ()
    %barrier3A_98 = arith.constant 0 : index
    tpu.barrier barrier_id(%barrier3A_98)
    %mul3A_99 = arith.constant 4 : i32
    %mul3A_100 = arith.muli %arg0, %mul3A_99 : i32
    %add3A_101 = arith.constant 3 : i32
    %add3A_102 = arith.addi %mul3A_100, %add3A_101 : i32
    "tpu.region"() ({
      %run_scoped3A_133 = tpu.sem_alloc : memref<!tpu.dma_semaphore, #tpu.memory_space<semaphore_mem>>
      %dma_start3A = arith.constant 0 : i32
      %dma_start3A_134 = tpu.memref_slice %arg3[%add3A_102, %dma_start3A] : memref<8x10240xf32, #tpu.memory_space<hbm>> -> memref<1x10240xf32, #tpu.memory_space<hbm>>
      %dma_start3A_135 = tpu.memref_squeeze %dma_start3A_134 : memref<1x10240xf32, #tpu.memory_space<hbm>> -> memref<10240xf32, #tpu.memory_space<hbm>>
      %dma_start3A_136 = arith.constant 0 : i32
      %dma_start3A_137 = tpu.memref_slice %arg3[%add3A_102, %dma_start3A_136] : memref<8x10240xf32, #tpu.memory_space<hbm>> -> memref<1x10240xf32, #tpu.memory_space<hbm>>
      %dma_start3A_138 = tpu.memref_squeeze %dma_start3A_137 : memref<1x10240xf32, #tpu.memory_space<hbm>> -> memref<10240xf32, #tpu.memory_space<hbm>>
      tpu.enqueue_dma source(%dma_start3A_138 : memref<10240xf32, #tpu.memory_space<hbm>>) target(%arg7 : memref<10240xf32, #tpu.memory_space<vmem>>) target_semaphore(%run_scoped3A_133 : memref<!tpu.dma_semaphore, #tpu.memory_space<semaphore_mem>>)
      %dma_wait3A = arith.constant 0 : i32
      %dma_wait3A_139 = tpu.memref_slice %arg3[%add3A_102, %dma_wait3A] : memref<8x10240xf32, #tpu.memory_space<hbm>> -> memref<1x10240xf32, #tpu.memory_space<hbm>>
      %dma_wait3A_140 = tpu.memref_squeeze %dma_wait3A_139 : memref<1x10240xf32, #tpu.memory_space<hbm>> -> memref<10240xf32, #tpu.memory_space<hbm>>
      %dma_wait3A_141 = arith.constant 0 : i32
      %dma_wait3A_142 = tpu.memref_slice %arg3[%add3A_102, %dma_wait3A_141] : memref<8x10240xf32, #tpu.memory_space<hbm>> -> memref<1x10240xf32, #tpu.memory_space<hbm>>
      %dma_wait3A_143 = tpu.memref_squeeze %dma_wait3A_142 : memref<1x10240xf32, #tpu.memory_space<hbm>> -> memref<10240xf32, #tpu.memory_space<hbm>>
      tpu.wait_dma2 semaphore(%run_scoped3A_133 : memref<!tpu.dma_semaphore, #tpu.memory_space<semaphore_mem>>) src(%dma_wait3A_143 : memref<10240xf32, #tpu.memory_space<hbm>>) dst(%arg7 : memref<10240xf32, #tpu.memory_space<vmem>>)
      tpu.yield
    }) : () -> ()
    "tpu.region"() ({
      %run_scoped3A_133 = tpu.sem_alloc : memref<!tpu.dma_semaphore, #tpu.memory_space<semaphore_mem>>
      %dma_start3A = arith.constant 0 : i32
      %dma_start3A_134 = tpu.memref_slice %arg4[%add3A_102, %dma_start3A] : memref<8x10240xf32, #tpu.memory_space<hbm>> -> memref<1x10240xf32, #tpu.memory_space<hbm>>
      %dma_start3A_135 = tpu.memref_squeeze %dma_start3A_134 : memref<1x10240xf32, #tpu.memory_space<hbm>> -> memref<10240xf32, #tpu.memory_space<hbm>>
      %dma_start3A_136 = arith.constant 0 : i32
      %dma_start3A_137 = tpu.memref_slice %arg4[%add3A_102, %dma_start3A_136] : memref<8x10240xf32, #tpu.memory_space<hbm>> -> memref<1x10240xf32, #tpu.memory_space<hbm>>
      %dma_start3A_138 = tpu.memref_squeeze %dma_start3A_137 : memref<1x10240xf32, #tpu.memory_space<hbm>> -> memref<10240xf32, #tpu.memory_space<hbm>>
      tpu.enqueue_dma source(%dma_start3A_138 : memref<10240xf32, #tpu.memory_space<hbm>>) target(%arg8 : memref<10240xf32, #tpu.memory_space<vmem>>) target_semaphore(%run_scoped3A_133 : memref<!tpu.dma_semaphore, #tpu.memory_space<semaphore_mem>>)
      %dma_wait3A = arith.constant 0 : i32
      %dma_wait3A_139 = tpu.memref_slice %arg4[%add3A_102, %dma_wait3A] : memref<8x10240xf32, #tpu.memory_space<hbm>> -> memref<1x10240xf32, #tpu.memory_space<hbm>>
      %dma_wait3A_140 = tpu.memref_squeeze %dma_wait3A_139 : memref<1x10240xf32, #tpu.memory_space<hbm>> -> memref<10240xf32, #tpu.memory_space<hbm>>
      %dma_wait3A_141 = arith.constant 0 : i32
      %dma_wait3A_142 = tpu.memref_slice %arg4[%add3A_102, %dma_wait3A_141] : memref<8x10240xf32, #tpu.memory_space<hbm>> -> memref<1x10240xf32, #tpu.memory_space<hbm>>
      %dma_wait3A_143 = tpu.memref_squeeze %dma_wait3A_142 : memref<1x10240xf32, #tpu.memory_space<hbm>> -> memref<10240xf32, #tpu.memory_space<hbm>>
      tpu.wait_dma2 semaphore(%run_scoped3A_133 : memref<!tpu.dma_semaphore, #tpu.memory_space<semaphore_mem>>) src(%dma_wait3A_143 : memref<10240xf32, #tpu.memory_space<hbm>>) dst(%arg8 : memref<10240xf32, #tpu.memory_space<vmem>>)
      tpu.yield
    }) : () -> ()
    %parallel_loop3A_103 = arith.constant 0 : i32
    %parallel_loop3A_104 = arith.constant 640 : i32
    %parallel_loop3A_105 = arith.constant 1 : i32
    scf.for %parallel_loop3A_133 = %parallel_loop3A_103 to %parallel_loop3A_104 step %parallel_loop3A_105  : i32 {
      %parallel_loop3A_134 = arith.constant 16 : i32
      %parallel_loop3A_135 = arith.muli %parallel_loop3A_133, %parallel_loop3A_134 : i32
      %parallel_loop3A_136 = arith.index_cast %parallel_loop3A_135 : i32 to index
      %parallel_loop3A_137 = tpu.vector_load %arg10[%parallel_loop3A_136] {strides = array<i32>} : memref<10240xf32, #tpu.memory_space<vmem>>, vector<16xf32>,
      tpu.vector_store %arg10[%parallel_loop3A_136], %broadcast_in_dim3A_3 {strides = array<i32>} : memref<10240xf32, #tpu.memory_space<vmem>>, vector<16xf32>,
    } {sc.loop_unroll_factor = 8 : i64, sc.parallel_access}
    %parallel_loop3A_106 = arith.constant 0 : i32
    %parallel_loop3A_107 = arith.constant 1290 : i32
    %parallel_loop3A_108 = arith.constant 1 : i32
    scf.for %parallel_loop3A_133 = %parallel_loop3A_106 to %parallel_loop3A_107 step %parallel_loop3A_108  : i32 {
      %parallel_loop3A_134 = arith.constant 16 : i32
      %parallel_loop3A_135 = arith.muli %parallel_loop3A_133, %parallel_loop3A_134 : i32
      %parallel_loop3A_136 = arith.index_cast %parallel_loop3A_135 : i32 to index
      %parallel_loop3A_137 = tpu.vector_load %arg6[%parallel_loop3A_136] {strides = array<i32>} : memref<20640xi32, #tpu.memory_space<vmem>>, vector<16xi32>,
      %parallel_loop3A_138 = arith.constant 16383 : i32
      %parallel_loop3A_139 = vector.broadcast %parallel_loop3A_138 : i32 to vector<16xi32>
      %parallel_loop3A_140 = arith.andi %parallel_loop3A_137, %parallel_loop3A_139 : vector<16xi32>
      %parallel_loop3A_141 = arith.constant 14 : i32
      %parallel_loop3A_142 = vector.broadcast %parallel_loop3A_141 : i32 to vector<16xi32>
      %parallel_loop3A_143 = arith.shrui %parallel_loop3A_137, %parallel_loop3A_142 : vector<16xi32>
      %parallel_loop3A_144 = tpu.vector_load_idx %arg7[%parallel_loop3A_140] : memref<10240xf32, #tpu.memory_space<vmem>>[vector<16xi32>], vector<16xf32>,
      %parallel_loop3A_145 = tpu.vector_load_idx %arg8[%parallel_loop3A_143] : memref<10240xf32, #tpu.memory_space<vmem>>[vector<16xi32>], vector<16xf32>,
      %parallel_loop3A_146 = arith.addf %parallel_loop3A_144, %parallel_loop3A_145 : vector<16xf32>
      %parallel_loop3A_147 = arith.constant 2.000000e-01 : f32
      %parallel_loop3A_148 = vector.broadcast %parallel_loop3A_147 : f32 to vector<16xf32>
      %parallel_loop3A_149 = arith.mulf %parallel_loop3A_146, %parallel_loop3A_148 : vector<16xf32>
      %parallel_loop3A_150 = arith.maximumf %parallel_loop3A_146, %parallel_loop3A_149 : vector<16xf32>
      %parallel_loop3A_151 = math.exp %parallel_loop3A_150 : vector<16xf32>
      %parallel_loop3A_152 = arith.constant 16 : i32
      %parallel_loop3A_153 = arith.muli %parallel_loop3A_133, %parallel_loop3A_152 : i32
      %parallel_loop3A_154 = arith.index_cast %parallel_loop3A_153 : i32 to index
      %parallel_loop3A_155 = tpu.vector_load %arg9[%parallel_loop3A_154] {strides = array<i32>} : memref<20640xf32, #tpu.memory_space<vmem>>, vector<16xf32>,
      tpu.vector_store %arg9[%parallel_loop3A_154], %parallel_loop3A_151 {strides = array<i32>} : memref<20640xf32, #tpu.memory_space<vmem>>, vector<16xf32>,
      tpu.vector_store_idx %arg10[%parallel_loop3A_143], %parallel_loop3A_151 {add = true} : memref<10240xf32, #tpu.memory_space<vmem>>[vector<16xi32>], vector<16xf32>,
    } {sc.loop_unroll_factor = 8 : i64, sc.parallel_access}
    "tpu.region"() ({
      %run_scoped3A_133 = tpu.sem_alloc : memref<!tpu.dma_semaphore, #tpu.memory_space<semaphore_mem>>
      %dma_start3A = arith.constant 0 : i32
      %dma_start3A_134 = tpu.memref_slice %arg14[%arg1, %dma_start3A] : memref<16x10240xf32, #tpu.memory_space<vmem_shared>> -> memref<1x10240xf32, #tpu.memory_space<vmem_shared>>
      %dma_start3A_135 = tpu.memref_squeeze %dma_start3A_134 : memref<1x10240xf32, #tpu.memory_space<vmem_shared>> -> memref<10240xf32, #tpu.memory_space<vmem_shared>>
      %dma_start3A_136 = arith.constant 0 : i32
      %dma_start3A_137 = tpu.memref_slice %arg14[%arg1, %dma_start3A_136] : memref<16x10240xf32, #tpu.memory_space<vmem_shared>> -> memref<1x10240xf32, #tpu.memory_space<vmem_shared>>
      %dma_start3A_138 = tpu.memref_squeeze %dma_start3A_137 : memref<1x10240xf32, #tpu.memory_space<vmem_shared>> -> memref<10240xf32, #tpu.memory_space<vmem_shared>>
      tpu.enqueue_dma source(%arg10 : memref<10240xf32, #tpu.memory_space<vmem>>) target(%dma_start3A_138 : memref<10240xf32, #tpu.memory_space<vmem_shared>>) target_semaphore(%run_scoped3A_133 : memref<!tpu.dma_semaphore, #tpu.memory_space<semaphore_mem>>)
      %dma_wait3A = arith.constant 0 : i32
      %dma_wait3A_139 = tpu.memref_slice %arg14[%arg1, %dma_wait3A] : memref<16x10240xf32, #tpu.memory_space<vmem_shared>> -> memref<1x10240xf32, #tpu.memory_space<vmem_shared>>
      %dma_wait3A_140 = tpu.memref_squeeze %dma_wait3A_139 : memref<1x10240xf32, #tpu.memory_space<vmem_shared>> -> memref<10240xf32, #tpu.memory_space<vmem_shared>>
      %dma_wait3A_141 = arith.constant 0 : i32
      %dma_wait3A_142 = tpu.memref_slice %arg14[%arg1, %dma_wait3A_141] : memref<16x10240xf32, #tpu.memory_space<vmem_shared>> -> memref<1x10240xf32, #tpu.memory_space<vmem_shared>>
      %dma_wait3A_143 = tpu.memref_squeeze %dma_wait3A_142 : memref<1x10240xf32, #tpu.memory_space<vmem_shared>> -> memref<10240xf32, #tpu.memory_space<vmem_shared>>
      tpu.wait_dma2 semaphore(%run_scoped3A_133 : memref<!tpu.dma_semaphore, #tpu.memory_space<semaphore_mem>>) src(%arg10 : memref<10240xf32, #tpu.memory_space<vmem>>) dst(%dma_wait3A_143 : memref<10240xf32, #tpu.memory_space<vmem_shared>>)
      tpu.yield
    }) : () -> ()
    %barrier3A_109 = arith.constant 0 : index
    tpu.barrier barrier_id(%barrier3A_109)
    "tpu.region"() ({
      %run_scoped3A_133 = tpu.sem_alloc : memref<!tpu.dma_semaphore, #tpu.memory_space<semaphore_mem>>
      %dma_start3A = arith.constant 0 : i32
      %dma_start3A_134 = tpu.memref_slice %arg14[%dma_start3A, %mul3A_2] : memref<16x10240xf32, #tpu.memory_space<vmem_shared>> -> memref<16x640xf32, #tpu.memory_space<vmem_shared>>
      %dma_start3A_135 = arith.constant 0 : i32
      %dma_start3A_136 = tpu.memref_slice %arg14[%dma_start3A_135, %mul3A_2] : memref<16x10240xf32, #tpu.memory_space<vmem_shared>> -> memref<16x640xf32, #tpu.memory_space<vmem_shared>>
      tpu.enqueue_dma source(%dma_start3A_136 : memref<16x640xf32, #tpu.memory_space<vmem_shared>>) target(%arg12 : memref<16x640xf32, #tpu.memory_space<vmem>>) target_semaphore(%run_scoped3A_133 : memref<!tpu.dma_semaphore, #tpu.memory_space<semaphore_mem>>)
      %dma_wait3A = arith.constant 0 : i32
      %dma_wait3A_137 = tpu.memref_slice %arg14[%dma_wait3A, %mul3A_2] : memref<16x10240xf32, #tpu.memory_space<vmem_shared>> -> memref<16x640xf32, #tpu.memory_space<vmem_shared>>
      %dma_wait3A_138 = arith.constant 0 : i32
      %dma_wait3A_139 = tpu.memref_slice %arg14[%dma_wait3A_138, %mul3A_2] : memref<16x10240xf32, #tpu.memory_space<vmem_shared>> -> memref<16x640xf32, #tpu.memory_space<vmem_shared>>
      tpu.wait_dma2 semaphore(%run_scoped3A_133 : memref<!tpu.dma_semaphore, #tpu.memory_space<semaphore_mem>>) src(%dma_wait3A_139 : memref<16x640xf32, #tpu.memory_space<vmem_shared>>) dst(%arg12 : memref<16x640xf32, #tpu.memory_space<vmem>>)
      tpu.yield
    }) : () -> ()
    %parallel_loop3A_110 = arith.constant 0 : i32
    %parallel_loop3A_111 = arith.constant 40 : i32
    %parallel_loop3A_112 = arith.constant 1 : i32
    scf.for %parallel_loop3A_133 = %parallel_loop3A_110 to %parallel_loop3A_111 step %parallel_loop3A_112  : i32 {
      %parallel_loop3A_134 = arith.constant 16 : i32
      %parallel_loop3A_135 = arith.muli %parallel_loop3A_133, %parallel_loop3A_134 : i32
      %parallel_loop3A_136 = arith.constant 0 : i32
      %parallel_loop3A_137 = arith.index_cast %parallel_loop3A_136 : i32 to index
      %parallel_loop3A_138 = arith.index_cast %parallel_loop3A_135 : i32 to index
      %parallel_loop3A_139 = tpu.vector_load %arg12[%parallel_loop3A_137, %parallel_loop3A_138] {strides = array<i32>} : memref<16x640xf32, #tpu.memory_space<vmem>>, vector<16xf32>,
      %parallel_loop3A_140 = arith.constant 16 : i32
      %parallel_loop3A_141 = arith.muli %parallel_loop3A_133, %parallel_loop3A_140 : i32
      %parallel_loop3A_142 = arith.constant 1 : i32
      %parallel_loop3A_143 = arith.index_cast %parallel_loop3A_142 : i32 to index
      %parallel_loop3A_144 = arith.index_cast %parallel_loop3A_141 : i32 to index
      %parallel_loop3A_145 = tpu.vector_load %arg12[%parallel_loop3A_143, %parallel_loop3A_144] {strides = array<i32>} : memref<16x640xf32, #tpu.memory_space<vmem>>, vector<16xf32>,
      %parallel_loop3A_146 = arith.addf %parallel_loop3A_139, %parallel_loop3A_145 : vector<16xf32>
      %parallel_loop3A_147 = arith.constant 16 : i32
      %parallel_loop3A_148 = arith.muli %parallel_loop3A_133, %parallel_loop3A_147 : i32
      %parallel_loop3A_149 = arith.constant 2 : i32
      %parallel_loop3A_150 = arith.index_cast %parallel_loop3A_149 : i32 to index
      %parallel_loop3A_151 = arith.index_cast %parallel_loop3A_148 : i32 to index
      %parallel_loop3A_152 = tpu.vector_load %arg12[%parallel_loop3A_150, %parallel_loop3A_151] {strides = array<i32>} : memref<16x640xf32, #tpu.memory_space<vmem>>, vector<16xf32>,
      %parallel_loop3A_153 = arith.addf %parallel_loop3A_146, %parallel_loop3A_152 : vector<16xf32>
      %parallel_loop3A_154 = arith.constant 16 : i32
      %parallel_loop3A_155 = arith.muli %parallel_loop3A_133, %parallel_loop3A_154 : i32
      %parallel_loop3A_156 = arith.constant 3 : i32
      %parallel_loop3A_157 = arith.index_cast %parallel_loop3A_156 : i32 to index
      %parallel_loop3A_158 = arith.index_cast %parallel_loop3A_155 : i32 to index
      %parallel_loop3A_159 = tpu.vector_load %arg12[%parallel_loop3A_157, %parallel_loop3A_158] {strides = array<i32>} : memref<16x640xf32, #tpu.memory_space<vmem>>, vector<16xf32>,
      %parallel_loop3A_160 = arith.addf %parallel_loop3A_153, %parallel_loop3A_159 : vector<16xf32>
      %parallel_loop3A_161 = arith.constant 16 : i32
      %parallel_loop3A_162 = arith.muli %parallel_loop3A_133, %parallel_loop3A_161 : i32
      %parallel_loop3A_163 = arith.constant 4 : i32
      %parallel_loop3A_164 = arith.index_cast %parallel_loop3A_163 : i32 to index
      %parallel_loop3A_165 = arith.index_cast %parallel_loop3A_162 : i32 to index
      %parallel_loop3A_166 = tpu.vector_load %arg12[%parallel_loop3A_164, %parallel_loop3A_165] {strides = array<i32>} : memref<16x640xf32, #tpu.memory_space<vmem>>, vector<16xf32>,
      %parallel_loop3A_167 = arith.addf %parallel_loop3A_160, %parallel_loop3A_166 : vector<16xf32>
      %parallel_loop3A_168 = arith.constant 16 : i32
      %parallel_loop3A_169 = arith.muli %parallel_loop3A_133, %parallel_loop3A_168 : i32
      %parallel_loop3A_170 = arith.constant 5 : i32
      %parallel_loop3A_171 = arith.index_cast %parallel_loop3A_170 : i32 to index
      %parallel_loop3A_172 = arith.index_cast %parallel_loop3A_169 : i32 to index
      %parallel_loop3A_173 = tpu.vector_load %arg12[%parallel_loop3A_171, %parallel_loop3A_172] {strides = array<i32>} : memref<16x640xf32, #tpu.memory_space<vmem>>, vector<16xf32>,
      %parallel_loop3A_174 = arith.addf %parallel_loop3A_167, %parallel_loop3A_173 : vector<16xf32>
      %parallel_loop3A_175 = arith.constant 16 : i32
      %parallel_loop3A_176 = arith.muli %parallel_loop3A_133, %parallel_loop3A_175 : i32
      %parallel_loop3A_177 = arith.constant 6 : i32
      %parallel_loop3A_178 = arith.index_cast %parallel_loop3A_177 : i32 to index
      %parallel_loop3A_179 = arith.index_cast %parallel_loop3A_176 : i32 to index
      %parallel_loop3A_180 = tpu.vector_load %arg12[%parallel_loop3A_178, %parallel_loop3A_179] {strides = array<i32>} : memref<16x640xf32, #tpu.memory_space<vmem>>, vector<16xf32>,
      %parallel_loop3A_181 = arith.addf %parallel_loop3A_174, %parallel_loop3A_180 : vector<16xf32>
      %parallel_loop3A_182 = arith.constant 16 : i32
      %parallel_loop3A_183 = arith.muli %parallel_loop3A_133, %parallel_loop3A_182 : i32
      %parallel_loop3A_184 = arith.constant 7 : i32
      %parallel_loop3A_185 = arith.index_cast %parallel_loop3A_184 : i32 to index
      %parallel_loop3A_186 = arith.index_cast %parallel_loop3A_183 : i32 to index
      %parallel_loop3A_187 = tpu.vector_load %arg12[%parallel_loop3A_185, %parallel_loop3A_186] {strides = array<i32>} : memref<16x640xf32, #tpu.memory_space<vmem>>, vector<16xf32>,
      %parallel_loop3A_188 = arith.addf %parallel_loop3A_181, %parallel_loop3A_187 : vector<16xf32>
      %parallel_loop3A_189 = arith.constant 16 : i32
      %parallel_loop3A_190 = arith.muli %parallel_loop3A_133, %parallel_loop3A_189 : i32
      %parallel_loop3A_191 = arith.constant 8 : i32
      %parallel_loop3A_192 = arith.index_cast %parallel_loop3A_191 : i32 to index
      %parallel_loop3A_193 = arith.index_cast %parallel_loop3A_190 : i32 to index
      %parallel_loop3A_194 = tpu.vector_load %arg12[%parallel_loop3A_192, %parallel_loop3A_193] {strides = array<i32>} : memref<16x640xf32, #tpu.memory_space<vmem>>, vector<16xf32>,
      %parallel_loop3A_195 = arith.addf %parallel_loop3A_188, %parallel_loop3A_194 : vector<16xf32>
      %parallel_loop3A_196 = arith.constant 16 : i32
      %parallel_loop3A_197 = arith.muli %parallel_loop3A_133, %parallel_loop3A_196 : i32
      %parallel_loop3A_198 = arith.constant 9 : i32
      %parallel_loop3A_199 = arith.index_cast %parallel_loop3A_198 : i32 to index
      %parallel_loop3A_200 = arith.index_cast %parallel_loop3A_197 : i32 to index
      %parallel_loop3A_201 = tpu.vector_load %arg12[%parallel_loop3A_199, %parallel_loop3A_200] {strides = array<i32>} : memref<16x640xf32, #tpu.memory_space<vmem>>, vector<16xf32>,
      %parallel_loop3A_202 = arith.addf %parallel_loop3A_195, %parallel_loop3A_201 : vector<16xf32>
      %parallel_loop3A_203 = arith.constant 16 : i32
      %parallel_loop3A_204 = arith.muli %parallel_loop3A_133, %parallel_loop3A_203 : i32
      %parallel_loop3A_205 = arith.constant 10 : i32
      %parallel_loop3A_206 = arith.index_cast %parallel_loop3A_205 : i32 to index
      %parallel_loop3A_207 = arith.index_cast %parallel_loop3A_204 : i32 to index
      %parallel_loop3A_208 = tpu.vector_load %arg12[%parallel_loop3A_206, %parallel_loop3A_207] {strides = array<i32>} : memref<16x640xf32, #tpu.memory_space<vmem>>, vector<16xf32>,
      %parallel_loop3A_209 = arith.addf %parallel_loop3A_202, %parallel_loop3A_208 : vector<16xf32>
      %parallel_loop3A_210 = arith.constant 16 : i32
      %parallel_loop3A_211 = arith.muli %parallel_loop3A_133, %parallel_loop3A_210 : i32
      %parallel_loop3A_212 = arith.constant 11 : i32
      %parallel_loop3A_213 = arith.index_cast %parallel_loop3A_212 : i32 to index
      %parallel_loop3A_214 = arith.index_cast %parallel_loop3A_211 : i32 to index
      %parallel_loop3A_215 = tpu.vector_load %arg12[%parallel_loop3A_213, %parallel_loop3A_214] {strides = array<i32>} : memref<16x640xf32, #tpu.memory_space<vmem>>, vector<16xf32>,
      %parallel_loop3A_216 = arith.addf %parallel_loop3A_209, %parallel_loop3A_215 : vector<16xf32>
      %parallel_loop3A_217 = arith.constant 16 : i32
      %parallel_loop3A_218 = arith.muli %parallel_loop3A_133, %parallel_loop3A_217 : i32
      %parallel_loop3A_219 = arith.constant 12 : i32
      %parallel_loop3A_220 = arith.index_cast %parallel_loop3A_219 : i32 to index
      %parallel_loop3A_221 = arith.index_cast %parallel_loop3A_218 : i32 to index
      %parallel_loop3A_222 = tpu.vector_load %arg12[%parallel_loop3A_220, %parallel_loop3A_221] {strides = array<i32>} : memref<16x640xf32, #tpu.memory_space<vmem>>, vector<16xf32>,
      %parallel_loop3A_223 = arith.addf %parallel_loop3A_216, %parallel_loop3A_222 : vector<16xf32>
      %parallel_loop3A_224 = arith.constant 16 : i32
      %parallel_loop3A_225 = arith.muli %parallel_loop3A_133, %parallel_loop3A_224 : i32
      %parallel_loop3A_226 = arith.constant 13 : i32
      %parallel_loop3A_227 = arith.index_cast %parallel_loop3A_226 : i32 to index
      %parallel_loop3A_228 = arith.index_cast %parallel_loop3A_225 : i32 to index
      %parallel_loop3A_229 = tpu.vector_load %arg12[%parallel_loop3A_227, %parallel_loop3A_228] {strides = array<i32>} : memref<16x640xf32, #tpu.memory_space<vmem>>, vector<16xf32>,
      %parallel_loop3A_230 = arith.addf %parallel_loop3A_223, %parallel_loop3A_229 : vector<16xf32>
      %parallel_loop3A_231 = arith.constant 16 : i32
      %parallel_loop3A_232 = arith.muli %parallel_loop3A_133, %parallel_loop3A_231 : i32
      %parallel_loop3A_233 = arith.constant 14 : i32
      %parallel_loop3A_234 = arith.index_cast %parallel_loop3A_233 : i32 to index
      %parallel_loop3A_235 = arith.index_cast %parallel_loop3A_232 : i32 to index
      %parallel_loop3A_236 = tpu.vector_load %arg12[%parallel_loop3A_234, %parallel_loop3A_235] {strides = array<i32>} : memref<16x640xf32, #tpu.memory_space<vmem>>, vector<16xf32>,
      %parallel_loop3A_237 = arith.addf %parallel_loop3A_230, %parallel_loop3A_236 : vector<16xf32>
      %parallel_loop3A_238 = arith.constant 16 : i32
      %parallel_loop3A_239 = arith.muli %parallel_loop3A_133, %parallel_loop3A_238 : i32
      %parallel_loop3A_240 = arith.constant 15 : i32
      %parallel_loop3A_241 = arith.index_cast %parallel_loop3A_240 : i32 to index
      %parallel_loop3A_242 = arith.index_cast %parallel_loop3A_239 : i32 to index
      %parallel_loop3A_243 = tpu.vector_load %arg12[%parallel_loop3A_241, %parallel_loop3A_242] {strides = array<i32>} : memref<16x640xf32, #tpu.memory_space<vmem>>, vector<16xf32>,
      %parallel_loop3A_244 = arith.addf %parallel_loop3A_237, %parallel_loop3A_243 : vector<16xf32>
      %parallel_loop3A_245 = arith.constant 1.000000e-16 : f32
      %parallel_loop3A_246 = vector.broadcast %parallel_loop3A_245 : f32 to vector<16xf32>
      %parallel_loop3A_247 = arith.addf %parallel_loop3A_244, %parallel_loop3A_246 : vector<16xf32>
      %parallel_loop3A_248 = arith.constant 1.000000e+00 : f32
      %parallel_loop3A_249 = vector.broadcast %parallel_loop3A_248 : f32 to vector<16xf32>
      %parallel_loop3A_250 = arith.divf %parallel_loop3A_249, %parallel_loop3A_247 : vector<16xf32>
      %parallel_loop3A_251 = arith.constant 16 : i32
      %parallel_loop3A_252 = arith.muli %parallel_loop3A_133, %parallel_loop3A_251 : i32
      %parallel_loop3A_253 = arith.index_cast %parallel_loop3A_252 : i32 to index
      %parallel_loop3A_254 = tpu.vector_load %arg13[%parallel_loop3A_253] {strides = array<i32>} : memref<640xf32, #tpu.memory_space<vmem>>, vector<16xf32>,
      tpu.vector_store %arg13[%parallel_loop3A_253], %parallel_loop3A_250 {strides = array<i32>} : memref<640xf32, #tpu.memory_space<vmem>>, vector<16xf32>,
    } {sc.loop_unroll_factor = 2 : i64, sc.parallel_access}
    %run_scoped3A_113 = arith.constant 0 : i32
    "tpu.region"() ({
      %run_scoped3A_133 = tpu.sem_alloc : memref<!tpu.dma_semaphore, #tpu.memory_space<semaphore_mem>>
      %dma_start3A = tpu.memref_slice %arg14[%run_scoped3A_113, %mul3A_2] : memref<16x10240xf32, #tpu.memory_space<vmem_shared>> -> memref<1x640xf32, #tpu.memory_space<vmem_shared>>
      %dma_start3A_134 = tpu.memref_squeeze %dma_start3A : memref<1x640xf32, #tpu.memory_space<vmem_shared>> -> memref<640xf32, #tpu.memory_space<vmem_shared>>
      %dma_start3A_135 = tpu.memref_slice %arg14[%run_scoped3A_113, %mul3A_2] : memref<16x10240xf32, #tpu.memory_space<vmem_shared>> -> memref<1x640xf32, #tpu.memory_space<vmem_shared>>
      %dma_start3A_136 = tpu.memref_squeeze %dma_start3A_135 : memref<1x640xf32, #tpu.memory_space<vmem_shared>> -> memref<640xf32, #tpu.memory_space<vmem_shared>>
      tpu.enqueue_dma source(%arg13 : memref<640xf32, #tpu.memory_space<vmem>>) target(%dma_start3A_136 : memref<640xf32, #tpu.memory_space<vmem_shared>>) target_semaphore(%run_scoped3A_133 : memref<!tpu.dma_semaphore, #tpu.memory_space<semaphore_mem>>)
      %dma_wait3A = tpu.memref_slice %arg14[%run_scoped3A_113, %mul3A_2] : memref<16x10240xf32, #tpu.memory_space<vmem_shared>> -> memref<1x640xf32, #tpu.memory_space<vmem_shared>>
      %dma_wait3A_137 = tpu.memref_squeeze %dma_wait3A : memref<1x640xf32, #tpu.memory_space<vmem_shared>> -> memref<640xf32, #tpu.memory_space<vmem_shared>>
      %dma_wait3A_138 = tpu.memref_slice %arg14[%run_scoped3A_113, %mul3A_2] : memref<16x10240xf32, #tpu.memory_space<vmem_shared>> -> memref<1x640xf32, #tpu.memory_space<vmem_shared>>
      %dma_wait3A_139 = tpu.memref_squeeze %dma_wait3A_138 : memref<1x640xf32, #tpu.memory_space<vmem_shared>> -> memref<640xf32, #tpu.memory_space<vmem_shared>>
      tpu.wait_dma2 semaphore(%run_scoped3A_133 : memref<!tpu.dma_semaphore, #tpu.memory_space<semaphore_mem>>) src(%arg13 : memref<640xf32, #tpu.memory_space<vmem>>) dst(%dma_wait3A_139 : memref<640xf32, #tpu.memory_space<vmem_shared>>)
      tpu.yield
    }) : () -> ()
    %barrier3A_114 = arith.constant 0 : index
    tpu.barrier barrier_id(%barrier3A_114)
    %run_scoped3A_115 = arith.constant 0 : i32
    "tpu.region"() ({
      %run_scoped3A_133 = tpu.sem_alloc : memref<!tpu.dma_semaphore, #tpu.memory_space<semaphore_mem>>
      %dma_start3A = arith.constant 0 : i32
      %dma_start3A_134 = tpu.memref_slice %arg14[%run_scoped3A_115, %dma_start3A] : memref<16x10240xf32, #tpu.memory_space<vmem_shared>> -> memref<1x10240xf32, #tpu.memory_space<vmem_shared>>
      %dma_start3A_135 = tpu.memref_squeeze %dma_start3A_134 : memref<1x10240xf32, #tpu.memory_space<vmem_shared>> -> memref<10240xf32, #tpu.memory_space<vmem_shared>>
      %dma_start3A_136 = arith.constant 0 : i32
      %dma_start3A_137 = tpu.memref_slice %arg14[%run_scoped3A_115, %dma_start3A_136] : memref<16x10240xf32, #tpu.memory_space<vmem_shared>> -> memref<1x10240xf32, #tpu.memory_space<vmem_shared>>
      %dma_start3A_138 = tpu.memref_squeeze %dma_start3A_137 : memref<1x10240xf32, #tpu.memory_space<vmem_shared>> -> memref<10240xf32, #tpu.memory_space<vmem_shared>>
      tpu.enqueue_dma source(%dma_start3A_138 : memref<10240xf32, #tpu.memory_space<vmem_shared>>) target(%arg11 : memref<10240xf32, #tpu.memory_space<vmem>>) target_semaphore(%run_scoped3A_133 : memref<!tpu.dma_semaphore, #tpu.memory_space<semaphore_mem>>)
      %dma_wait3A = arith.constant 0 : i32
      %dma_wait3A_139 = tpu.memref_slice %arg14[%run_scoped3A_115, %dma_wait3A] : memref<16x10240xf32, #tpu.memory_space<vmem_shared>> -> memref<1x10240xf32, #tpu.memory_space<vmem_shared>>
      %dma_wait3A_140 = tpu.memref_squeeze %dma_wait3A_139 : memref<1x10240xf32, #tpu.memory_space<vmem_shared>> -> memref<10240xf32, #tpu.memory_space<vmem_shared>>
      %dma_wait3A_141 = arith.constant 0 : i32
      %dma_wait3A_142 = tpu.memref_slice %arg14[%run_scoped3A_115, %dma_wait3A_141] : memref<16x10240xf32, #tpu.memory_space<vmem_shared>> -> memref<1x10240xf32, #tpu.memory_space<vmem_shared>>
      %dma_wait3A_143 = tpu.memref_squeeze %dma_wait3A_142 : memref<1x10240xf32, #tpu.memory_space<vmem_shared>> -> memref<10240xf32, #tpu.memory_space<vmem_shared>>
      tpu.wait_dma2 semaphore(%run_scoped3A_133 : memref<!tpu.dma_semaphore, #tpu.memory_space<semaphore_mem>>) src(%dma_wait3A_143 : memref<10240xf32, #tpu.memory_space<vmem_shared>>) dst(%arg11 : memref<10240xf32, #tpu.memory_space<vmem>>)
      tpu.yield
    }) : () -> ()
    %barrier3A_116 = arith.constant 0 : index
    tpu.barrier barrier_id(%barrier3A_116)
    %parallel_loop3A_117 = arith.constant 0 : i32
    %parallel_loop3A_118 = arith.constant 640 : i32
    %parallel_loop3A_119 = arith.constant 1 : i32
    scf.for %parallel_loop3A_133 = %parallel_loop3A_117 to %parallel_loop3A_118 step %parallel_loop3A_119  : i32 {
      %parallel_loop3A_134 = arith.constant 16 : i32
      %parallel_loop3A_135 = arith.muli %parallel_loop3A_133, %parallel_loop3A_134 : i32
      %parallel_loop3A_136 = arith.index_cast %parallel_loop3A_135 : i32 to index
      %parallel_loop3A_137 = tpu.vector_load %arg10[%parallel_loop3A_136] {strides = array<i32>} : memref<10240xf32, #tpu.memory_space<vmem>>, vector<16xf32>,
      tpu.vector_store %arg10[%parallel_loop3A_136], %broadcast_in_dim3A_3 {strides = array<i32>} : memref<10240xf32, #tpu.memory_space<vmem>>, vector<16xf32>,
    } {sc.loop_unroll_factor = 8 : i64, sc.parallel_access}
    %parallel_loop3A_120 = arith.constant 0 : i32
    %parallel_loop3A_121 = arith.constant 1290 : i32
    %parallel_loop3A_122 = arith.constant 1 : i32
    scf.for %parallel_loop3A_133 = %parallel_loop3A_120 to %parallel_loop3A_121 step %parallel_loop3A_122  : i32 {
      %parallel_loop3A_134 = arith.constant 16 : i32
      %parallel_loop3A_135 = arith.muli %parallel_loop3A_133, %parallel_loop3A_134 : i32
      %parallel_loop3A_136 = arith.index_cast %parallel_loop3A_135 : i32 to index
      %parallel_loop3A_137 = tpu.vector_load %arg6[%parallel_loop3A_136] {strides = array<i32>} : memref<20640xi32, #tpu.memory_space<vmem>>, vector<16xi32>,
      %parallel_loop3A_138 = arith.constant 16383 : i32
      %parallel_loop3A_139 = vector.broadcast %parallel_loop3A_138 : i32 to vector<16xi32>
      %parallel_loop3A_140 = arith.andi %parallel_loop3A_137, %parallel_loop3A_139 : vector<16xi32>
      %parallel_loop3A_141 = arith.constant 14 : i32
      %parallel_loop3A_142 = vector.broadcast %parallel_loop3A_141 : i32 to vector<16xi32>
      %parallel_loop3A_143 = arith.shrui %parallel_loop3A_137, %parallel_loop3A_142 : vector<16xi32>
      %parallel_loop3A_144 = tpu.vector_load_idx %arg11[%parallel_loop3A_143] : memref<10240xf32, #tpu.memory_space<vmem>>[vector<16xi32>], vector<16xf32>,
      %parallel_loop3A_145 = arith.constant 16 : i32
      %parallel_loop3A_146 = arith.muli %parallel_loop3A_133, %parallel_loop3A_145 : i32
      %parallel_loop3A_147 = arith.index_cast %parallel_loop3A_146 : i32 to index
      %parallel_loop3A_148 = tpu.vector_load %arg9[%parallel_loop3A_147] {strides = array<i32>} : memref<20640xf32, #tpu.memory_space<vmem>>, vector<16xf32>,
      %parallel_loop3A_149 = arith.mulf %parallel_loop3A_148, %parallel_loop3A_144 : vector<16xf32>
      tpu.vector_store_idx %arg10[%parallel_loop3A_140], %parallel_loop3A_149 {add = true} : memref<10240xf32, #tpu.memory_space<vmem>>[vector<16xi32>], vector<16xf32>,
    } {sc.loop_unroll_factor = 8 : i64, sc.parallel_access}
    "tpu.region"() ({
      %run_scoped3A_133 = tpu.sem_alloc : memref<!tpu.dma_semaphore, #tpu.memory_space<semaphore_mem>>
      %dma_start3A = arith.constant 0 : i32
      %dma_start3A_134 = tpu.memref_slice %arg14[%arg1, %dma_start3A] : memref<16x10240xf32, #tpu.memory_space<vmem_shared>> -> memref<1x10240xf32, #tpu.memory_space<vmem_shared>>
      %dma_start3A_135 = tpu.memref_squeeze %dma_start3A_134 : memref<1x10240xf32, #tpu.memory_space<vmem_shared>> -> memref<10240xf32, #tpu.memory_space<vmem_shared>>
      %dma_start3A_136 = arith.constant 0 : i32
      %dma_start3A_137 = tpu.memref_slice %arg14[%arg1, %dma_start3A_136] : memref<16x10240xf32, #tpu.memory_space<vmem_shared>> -> memref<1x10240xf32, #tpu.memory_space<vmem_shared>>
      %dma_start3A_138 = tpu.memref_squeeze %dma_start3A_137 : memref<1x10240xf32, #tpu.memory_space<vmem_shared>> -> memref<10240xf32, #tpu.memory_space<vmem_shared>>
      tpu.enqueue_dma source(%arg10 : memref<10240xf32, #tpu.memory_space<vmem>>) target(%dma_start3A_138 : memref<10240xf32, #tpu.memory_space<vmem_shared>>) target_semaphore(%run_scoped3A_133 : memref<!tpu.dma_semaphore, #tpu.memory_space<semaphore_mem>>)
      %dma_wait3A = arith.constant 0 : i32
      %dma_wait3A_139 = tpu.memref_slice %arg14[%arg1, %dma_wait3A] : memref<16x10240xf32, #tpu.memory_space<vmem_shared>> -> memref<1x10240xf32, #tpu.memory_space<vmem_shared>>
      %dma_wait3A_140 = tpu.memref_squeeze %dma_wait3A_139 : memref<1x10240xf32, #tpu.memory_space<vmem_shared>> -> memref<10240xf32, #tpu.memory_space<vmem_shared>>
      %dma_wait3A_141 = arith.constant 0 : i32
      %dma_wait3A_142 = tpu.memref_slice %arg14[%arg1, %dma_wait3A_141] : memref<16x10240xf32, #tpu.memory_space<vmem_shared>> -> memref<1x10240xf32, #tpu.memory_space<vmem_shared>>
      %dma_wait3A_143 = tpu.memref_squeeze %dma_wait3A_142 : memref<1x10240xf32, #tpu.memory_space<vmem_shared>> -> memref<10240xf32, #tpu.memory_space<vmem_shared>>
      tpu.wait_dma2 semaphore(%run_scoped3A_133 : memref<!tpu.dma_semaphore, #tpu.memory_space<semaphore_mem>>) src(%arg10 : memref<10240xf32, #tpu.memory_space<vmem>>) dst(%dma_wait3A_143 : memref<10240xf32, #tpu.memory_space<vmem_shared>>)
      tpu.yield
    }) : () -> ()
    %barrier3A_123 = arith.constant 0 : index
    tpu.barrier barrier_id(%barrier3A_123)
    "tpu.region"() ({
      %run_scoped3A_133 = tpu.sem_alloc : memref<!tpu.dma_semaphore, #tpu.memory_space<semaphore_mem>>
      %dma_start3A = arith.constant 0 : i32
      %dma_start3A_134 = tpu.memref_slice %arg14[%dma_start3A, %mul3A_2] : memref<16x10240xf32, #tpu.memory_space<vmem_shared>> -> memref<16x640xf32, #tpu.memory_space<vmem_shared>>
      %dma_start3A_135 = arith.constant 0 : i32
      %dma_start3A_136 = tpu.memref_slice %arg14[%dma_start3A_135, %mul3A_2] : memref<16x10240xf32, #tpu.memory_space<vmem_shared>> -> memref<16x640xf32, #tpu.memory_space<vmem_shared>>
      tpu.enqueue_dma source(%dma_start3A_136 : memref<16x640xf32, #tpu.memory_space<vmem_shared>>) target(%arg12 : memref<16x640xf32, #tpu.memory_space<vmem>>) target_semaphore(%run_scoped3A_133 : memref<!tpu.dma_semaphore, #tpu.memory_space<semaphore_mem>>)
      %dma_wait3A = arith.constant 0 : i32
      %dma_wait3A_137 = tpu.memref_slice %arg14[%dma_wait3A, %mul3A_2] : memref<16x10240xf32, #tpu.memory_space<vmem_shared>> -> memref<16x640xf32, #tpu.memory_space<vmem_shared>>
      %dma_wait3A_138 = arith.constant 0 : i32
      %dma_wait3A_139 = tpu.memref_slice %arg14[%dma_wait3A_138, %mul3A_2] : memref<16x10240xf32, #tpu.memory_space<vmem_shared>> -> memref<16x640xf32, #tpu.memory_space<vmem_shared>>
      tpu.wait_dma2 semaphore(%run_scoped3A_133 : memref<!tpu.dma_semaphore, #tpu.memory_space<semaphore_mem>>) src(%dma_wait3A_139 : memref<16x640xf32, #tpu.memory_space<vmem_shared>>) dst(%arg12 : memref<16x640xf32, #tpu.memory_space<vmem>>)
      tpu.yield
    }) : () -> ()
    %parallel_loop3A_124 = arith.constant 0 : i32
    %parallel_loop3A_125 = arith.constant 40 : i32
    %parallel_loop3A_126 = arith.constant 1 : i32
    scf.for %parallel_loop3A_133 = %parallel_loop3A_124 to %parallel_loop3A_125 step %parallel_loop3A_126  : i32 {
      %parallel_loop3A_134 = arith.constant 16 : i32
      %parallel_loop3A_135 = arith.muli %parallel_loop3A_133, %parallel_loop3A_134 : i32
      %parallel_loop3A_136 = arith.constant 0 : i32
      %parallel_loop3A_137 = arith.index_cast %parallel_loop3A_136 : i32 to index
      %parallel_loop3A_138 = arith.index_cast %parallel_loop3A_135 : i32 to index
      %parallel_loop3A_139 = tpu.vector_load %arg12[%parallel_loop3A_137, %parallel_loop3A_138] {strides = array<i32>} : memref<16x640xf32, #tpu.memory_space<vmem>>, vector<16xf32>,
      %parallel_loop3A_140 = arith.constant 16 : i32
      %parallel_loop3A_141 = arith.muli %parallel_loop3A_133, %parallel_loop3A_140 : i32
      %parallel_loop3A_142 = arith.constant 1 : i32
      %parallel_loop3A_143 = arith.index_cast %parallel_loop3A_142 : i32 to index
      %parallel_loop3A_144 = arith.index_cast %parallel_loop3A_141 : i32 to index
      %parallel_loop3A_145 = tpu.vector_load %arg12[%parallel_loop3A_143, %parallel_loop3A_144] {strides = array<i32>} : memref<16x640xf32, #tpu.memory_space<vmem>>, vector<16xf32>,
      %parallel_loop3A_146 = arith.addf %parallel_loop3A_139, %parallel_loop3A_145 : vector<16xf32>
      %parallel_loop3A_147 = arith.constant 16 : i32
      %parallel_loop3A_148 = arith.muli %parallel_loop3A_133, %parallel_loop3A_147 : i32
      %parallel_loop3A_149 = arith.constant 2 : i32
      %parallel_loop3A_150 = arith.index_cast %parallel_loop3A_149 : i32 to index
      %parallel_loop3A_151 = arith.index_cast %parallel_loop3A_148 : i32 to index
      %parallel_loop3A_152 = tpu.vector_load %arg12[%parallel_loop3A_150, %parallel_loop3A_151] {strides = array<i32>} : memref<16x640xf32, #tpu.memory_space<vmem>>, vector<16xf32>,
      %parallel_loop3A_153 = arith.addf %parallel_loop3A_146, %parallel_loop3A_152 : vector<16xf32>
      %parallel_loop3A_154 = arith.constant 16 : i32
      %parallel_loop3A_155 = arith.muli %parallel_loop3A_133, %parallel_loop3A_154 : i32
      %parallel_loop3A_156 = arith.constant 3 : i32
      %parallel_loop3A_157 = arith.index_cast %parallel_loop3A_156 : i32 to index
      %parallel_loop3A_158 = arith.index_cast %parallel_loop3A_155 : i32 to index
      %parallel_loop3A_159 = tpu.vector_load %arg12[%parallel_loop3A_157, %parallel_loop3A_158] {strides = array<i32>} : memref<16x640xf32, #tpu.memory_space<vmem>>, vector<16xf32>,
      %parallel_loop3A_160 = arith.addf %parallel_loop3A_153, %parallel_loop3A_159 : vector<16xf32>
      %parallel_loop3A_161 = arith.constant 16 : i32
      %parallel_loop3A_162 = arith.muli %parallel_loop3A_133, %parallel_loop3A_161 : i32
      %parallel_loop3A_163 = arith.constant 4 : i32
      %parallel_loop3A_164 = arith.index_cast %parallel_loop3A_163 : i32 to index
      %parallel_loop3A_165 = arith.index_cast %parallel_loop3A_162 : i32 to index
      %parallel_loop3A_166 = tpu.vector_load %arg12[%parallel_loop3A_164, %parallel_loop3A_165] {strides = array<i32>} : memref<16x640xf32, #tpu.memory_space<vmem>>, vector<16xf32>,
      %parallel_loop3A_167 = arith.addf %parallel_loop3A_160, %parallel_loop3A_166 : vector<16xf32>
      %parallel_loop3A_168 = arith.constant 16 : i32
      %parallel_loop3A_169 = arith.muli %parallel_loop3A_133, %parallel_loop3A_168 : i32
      %parallel_loop3A_170 = arith.constant 5 : i32
      %parallel_loop3A_171 = arith.index_cast %parallel_loop3A_170 : i32 to index
      %parallel_loop3A_172 = arith.index_cast %parallel_loop3A_169 : i32 to index
      %parallel_loop3A_173 = tpu.vector_load %arg12[%parallel_loop3A_171, %parallel_loop3A_172] {strides = array<i32>} : memref<16x640xf32, #tpu.memory_space<vmem>>, vector<16xf32>,
      %parallel_loop3A_174 = arith.addf %parallel_loop3A_167, %parallel_loop3A_173 : vector<16xf32>
      %parallel_loop3A_175 = arith.constant 16 : i32
      %parallel_loop3A_176 = arith.muli %parallel_loop3A_133, %parallel_loop3A_175 : i32
      %parallel_loop3A_177 = arith.constant 6 : i32
      %parallel_loop3A_178 = arith.index_cast %parallel_loop3A_177 : i32 to index
      %parallel_loop3A_179 = arith.index_cast %parallel_loop3A_176 : i32 to index
      %parallel_loop3A_180 = tpu.vector_load %arg12[%parallel_loop3A_178, %parallel_loop3A_179] {strides = array<i32>} : memref<16x640xf32, #tpu.memory_space<vmem>>, vector<16xf32>,
      %parallel_loop3A_181 = arith.addf %parallel_loop3A_174, %parallel_loop3A_180 : vector<16xf32>
      %parallel_loop3A_182 = arith.constant 16 : i32
      %parallel_loop3A_183 = arith.muli %parallel_loop3A_133, %parallel_loop3A_182 : i32
      %parallel_loop3A_184 = arith.constant 7 : i32
      %parallel_loop3A_185 = arith.index_cast %parallel_loop3A_184 : i32 to index
      %parallel_loop3A_186 = arith.index_cast %parallel_loop3A_183 : i32 to index
      %parallel_loop3A_187 = tpu.vector_load %arg12[%parallel_loop3A_185, %parallel_loop3A_186] {strides = array<i32>} : memref<16x640xf32, #tpu.memory_space<vmem>>, vector<16xf32>,
      %parallel_loop3A_188 = arith.addf %parallel_loop3A_181, %parallel_loop3A_187 : vector<16xf32>
      %parallel_loop3A_189 = arith.constant 16 : i32
      %parallel_loop3A_190 = arith.muli %parallel_loop3A_133, %parallel_loop3A_189 : i32
      %parallel_loop3A_191 = arith.constant 8 : i32
      %parallel_loop3A_192 = arith.index_cast %parallel_loop3A_191 : i32 to index
      %parallel_loop3A_193 = arith.index_cast %parallel_loop3A_190 : i32 to index
      %parallel_loop3A_194 = tpu.vector_load %arg12[%parallel_loop3A_192, %parallel_loop3A_193] {strides = array<i32>} : memref<16x640xf32, #tpu.memory_space<vmem>>, vector<16xf32>,
      %parallel_loop3A_195 = arith.addf %parallel_loop3A_188, %parallel_loop3A_194 : vector<16xf32>
      %parallel_loop3A_196 = arith.constant 16 : i32
      %parallel_loop3A_197 = arith.muli %parallel_loop3A_133, %parallel_loop3A_196 : i32
      %parallel_loop3A_198 = arith.constant 9 : i32
      %parallel_loop3A_199 = arith.index_cast %parallel_loop3A_198 : i32 to index
      %parallel_loop3A_200 = arith.index_cast %parallel_loop3A_197 : i32 to index
      %parallel_loop3A_201 = tpu.vector_load %arg12[%parallel_loop3A_199, %parallel_loop3A_200] {strides = array<i32>} : memref<16x640xf32, #tpu.memory_space<vmem>>, vector<16xf32>,
      %parallel_loop3A_202 = arith.addf %parallel_loop3A_195, %parallel_loop3A_201 : vector<16xf32>
      %parallel_loop3A_203 = arith.constant 16 : i32
      %parallel_loop3A_204 = arith.muli %parallel_loop3A_133, %parallel_loop3A_203 : i32
      %parallel_loop3A_205 = arith.constant 10 : i32
      %parallel_loop3A_206 = arith.index_cast %parallel_loop3A_205 : i32 to index
      %parallel_loop3A_207 = arith.index_cast %parallel_loop3A_204 : i32 to index
      %parallel_loop3A_208 = tpu.vector_load %arg12[%parallel_loop3A_206, %parallel_loop3A_207] {strides = array<i32>} : memref<16x640xf32, #tpu.memory_space<vmem>>, vector<16xf32>,
      %parallel_loop3A_209 = arith.addf %parallel_loop3A_202, %parallel_loop3A_208 : vector<16xf32>
      %parallel_loop3A_210 = arith.constant 16 : i32
      %parallel_loop3A_211 = arith.muli %parallel_loop3A_133, %parallel_loop3A_210 : i32
      %parallel_loop3A_212 = arith.constant 11 : i32
      %parallel_loop3A_213 = arith.index_cast %parallel_loop3A_212 : i32 to index
      %parallel_loop3A_214 = arith.index_cast %parallel_loop3A_211 : i32 to index
      %parallel_loop3A_215 = tpu.vector_load %arg12[%parallel_loop3A_213, %parallel_loop3A_214] {strides = array<i32>} : memref<16x640xf32, #tpu.memory_space<vmem>>, vector<16xf32>,
      %parallel_loop3A_216 = arith.addf %parallel_loop3A_209, %parallel_loop3A_215 : vector<16xf32>
      %parallel_loop3A_217 = arith.constant 16 : i32
      %parallel_loop3A_218 = arith.muli %parallel_loop3A_133, %parallel_loop3A_217 : i32
      %parallel_loop3A_219 = arith.constant 12 : i32
      %parallel_loop3A_220 = arith.index_cast %parallel_loop3A_219 : i32 to index
      %parallel_loop3A_221 = arith.index_cast %parallel_loop3A_218 : i32 to index
      %parallel_loop3A_222 = tpu.vector_load %arg12[%parallel_loop3A_220, %parallel_loop3A_221] {strides = array<i32>} : memref<16x640xf32, #tpu.memory_space<vmem>>, vector<16xf32>,
      %parallel_loop3A_223 = arith.addf %parallel_loop3A_216, %parallel_loop3A_222 : vector<16xf32>
      %parallel_loop3A_224 = arith.constant 16 : i32
      %parallel_loop3A_225 = arith.muli %parallel_loop3A_133, %parallel_loop3A_224 : i32
      %parallel_loop3A_226 = arith.constant 13 : i32
      %parallel_loop3A_227 = arith.index_cast %parallel_loop3A_226 : i32 to index
      %parallel_loop3A_228 = arith.index_cast %parallel_loop3A_225 : i32 to index
      %parallel_loop3A_229 = tpu.vector_load %arg12[%parallel_loop3A_227, %parallel_loop3A_228] {strides = array<i32>} : memref<16x640xf32, #tpu.memory_space<vmem>>, vector<16xf32>,
      %parallel_loop3A_230 = arith.addf %parallel_loop3A_223, %parallel_loop3A_229 : vector<16xf32>
      %parallel_loop3A_231 = arith.constant 16 : i32
      %parallel_loop3A_232 = arith.muli %parallel_loop3A_133, %parallel_loop3A_231 : i32
      %parallel_loop3A_233 = arith.constant 14 : i32
      %parallel_loop3A_234 = arith.index_cast %parallel_loop3A_233 : i32 to index
      %parallel_loop3A_235 = arith.index_cast %parallel_loop3A_232 : i32 to index
      %parallel_loop3A_236 = tpu.vector_load %arg12[%parallel_loop3A_234, %parallel_loop3A_235] {strides = array<i32>} : memref<16x640xf32, #tpu.memory_space<vmem>>, vector<16xf32>,
      %parallel_loop3A_237 = arith.addf %parallel_loop3A_230, %parallel_loop3A_236 : vector<16xf32>
      %parallel_loop3A_238 = arith.constant 16 : i32
      %parallel_loop3A_239 = arith.muli %parallel_loop3A_133, %parallel_loop3A_238 : i32
      %parallel_loop3A_240 = arith.constant 15 : i32
      %parallel_loop3A_241 = arith.index_cast %parallel_loop3A_240 : i32 to index
      %parallel_loop3A_242 = arith.index_cast %parallel_loop3A_239 : i32 to index
      %parallel_loop3A_243 = tpu.vector_load %arg12[%parallel_loop3A_241, %parallel_loop3A_242] {strides = array<i32>} : memref<16x640xf32, #tpu.memory_space<vmem>>, vector<16xf32>,
      %parallel_loop3A_244 = arith.addf %parallel_loop3A_237, %parallel_loop3A_243 : vector<16xf32>
      %parallel_loop3A_245 = arith.constant 16 : i32
      %parallel_loop3A_246 = arith.muli %parallel_loop3A_133, %parallel_loop3A_245 : i32
      %parallel_loop3A_247 = arith.index_cast %parallel_loop3A_246 : i32 to index
      %parallel_loop3A_248 = tpu.vector_load %arg13[%parallel_loop3A_247] {strides = array<i32>} : memref<640xf32, #tpu.memory_space<vmem>>, vector<16xf32>,
      tpu.vector_store %arg13[%parallel_loop3A_247], %parallel_loop3A_244 {strides = array<i32>} : memref<640xf32, #tpu.memory_space<vmem>>, vector<16xf32>,
    } {sc.loop_unroll_factor = 2 : i64, sc.parallel_access}
    %eq3A_127 = arith.constant 15 : i32
    %eq3A_128 = arith.cmpi eq, %arg1, %eq3A_127 : i32
    %convert_element_type3A_129 = arith.extui %eq3A_128 : i1 to i32
    %cond3A_130 = arith.constant 0 : i32
    %cond3A_131 = arith.cmpi ne, %convert_element_type3A_129, %cond3A_130 : i32
    scf.if %cond3A_131 {
      %swap3A = arith.constant 400 : index
      %swap3A_133 = tpu.vector_load %arg13[%swap3A] {strides = array<i32>} : memref<640xf32, #tpu.memory_space<vmem>>, vector<16xf32>,
      tpu.vector_store %arg13[%swap3A], %broadcast_in_dim3A_3 {strides = array<i32>} : memref<640xf32, #tpu.memory_space<vmem>>, vector<16xf32>,
      %swap3A_134 = arith.constant 416 : index
      %swap3A_135 = tpu.vector_load %arg13[%swap3A_134] {strides = array<i32>} : memref<640xf32, #tpu.memory_space<vmem>>, vector<16xf32>,
      tpu.vector_store %arg13[%swap3A_134], %broadcast_in_dim3A_3 {strides = array<i32>} : memref<640xf32, #tpu.memory_space<vmem>>, vector<16xf32>,
      %swap3A_136 = arith.constant 432 : index
      %swap3A_137 = tpu.vector_load %arg13[%swap3A_136] {strides = array<i32>} : memref<640xf32, #tpu.memory_space<vmem>>, vector<16xf32>,
      tpu.vector_store %arg13[%swap3A_136], %broadcast_in_dim3A_3 {strides = array<i32>} : memref<640xf32, #tpu.memory_space<vmem>>, vector<16xf32>,
      %swap3A_138 = arith.constant 448 : index
      %swap3A_139 = tpu.vector_load %arg13[%swap3A_138] {strides = array<i32>} : memref<640xf32, #tpu.memory_space<vmem>>, vector<16xf32>,
      tpu.vector_store %arg13[%swap3A_138], %broadcast_in_dim3A_3 {strides = array<i32>} : memref<640xf32, #tpu.memory_space<vmem>>, vector<16xf32>,
      %swap3A_140 = arith.constant 464 : index
      %swap3A_141 = tpu.vector_load %arg13[%swap3A_140] {strides = array<i32>} : memref<640xf32, #tpu.memory_space<vmem>>, vector<16xf32>,
      tpu.vector_store %arg13[%swap3A_140], %broadcast_in_dim3A_3 {strides = array<i32>} : memref<640xf32, #tpu.memory_space<vmem>>, vector<16xf32>,
      %swap3A_142 = arith.constant 480 : index
      %swap3A_143 = tpu.vector_load %arg13[%swap3A_142] {strides = array<i32>} : memref<640xf32, #tpu.memory_space<vmem>>, vector<16xf32>,
      tpu.vector_store %arg13[%swap3A_142], %broadcast_in_dim3A_3 {strides = array<i32>} : memref<640xf32, #tpu.memory_space<vmem>>, vector<16xf32>,
      %swap3A_144 = arith.constant 496 : index
      %swap3A_145 = tpu.vector_load %arg13[%swap3A_144] {strides = array<i32>} : memref<640xf32, #tpu.memory_space<vmem>>, vector<16xf32>,
      tpu.vector_store %arg13[%swap3A_144], %broadcast_in_dim3A_3 {strides = array<i32>} : memref<640xf32, #tpu.memory_space<vmem>>, vector<16xf32>,
      %swap3A_146 = arith.constant 512 : index
      %swap3A_147 = tpu.vector_load %arg13[%swap3A_146] {strides = array<i32>} : memref<640xf32, #tpu.memory_space<vmem>>, vector<16xf32>,
      tpu.vector_store %arg13[%swap3A_146], %broadcast_in_dim3A_3 {strides = array<i32>} : memref<640xf32, #tpu.memory_space<vmem>>, vector<16xf32>,
      %swap3A_148 = arith.constant 528 : index
      %swap3A_149 = tpu.vector_load %arg13[%swap3A_148] {strides = array<i32>} : memref<640xf32, #tpu.memory_space<vmem>>, vector<16xf32>,
      tpu.vector_store %arg13[%swap3A_148], %broadcast_in_dim3A_3 {strides = array<i32>} : memref<640xf32, #tpu.memory_space<vmem>>, vector<16xf32>,
      %swap3A_150 = arith.constant 544 : index
      %swap3A_151 = tpu.vector_load %arg13[%swap3A_150] {strides = array<i32>} : memref<640xf32, #tpu.memory_space<vmem>>, vector<16xf32>,
      tpu.vector_store %arg13[%swap3A_150], %broadcast_in_dim3A_3 {strides = array<i32>} : memref<640xf32, #tpu.memory_space<vmem>>, vector<16xf32>,
      %swap3A_152 = arith.constant 560 : index
      %swap3A_153 = tpu.vector_load %arg13[%swap3A_152] {strides = array<i32>} : memref<640xf32, #tpu.memory_space<vmem>>, vector<16xf32>,
      tpu.vector_store %arg13[%swap3A_152], %broadcast_in_dim3A_3 {strides = array<i32>} : memref<640xf32, #tpu.memory_space<vmem>>, vector<16xf32>,
      %swap3A_154 = arith.constant 576 : index
      %swap3A_155 = tpu.vector_load %arg13[%swap3A_154] {strides = array<i32>} : memref<640xf32, #tpu.memory_space<vmem>>, vector<16xf32>,
      tpu.vector_store %arg13[%swap3A_154], %broadcast_in_dim3A_3 {strides = array<i32>} : memref<640xf32, #tpu.memory_space<vmem>>, vector<16xf32>,
      %swap3A_156 = arith.constant 592 : index
      %swap3A_157 = tpu.vector_load %arg13[%swap3A_156] {strides = array<i32>} : memref<640xf32, #tpu.memory_space<vmem>>, vector<16xf32>,
      tpu.vector_store %arg13[%swap3A_156], %broadcast_in_dim3A_3 {strides = array<i32>} : memref<640xf32, #tpu.memory_space<vmem>>, vector<16xf32>,
      %swap3A_158 = arith.constant 608 : index
      %swap3A_159 = tpu.vector_load %arg13[%swap3A_158] {strides = array<i32>} : memref<640xf32, #tpu.memory_space<vmem>>, vector<16xf32>,
      tpu.vector_store %arg13[%swap3A_158], %broadcast_in_dim3A_3 {strides = array<i32>} : memref<640xf32, #tpu.memory_space<vmem>>, vector<16xf32>,
      %swap3A_160 = arith.constant 624 : index
      %swap3A_161 = tpu.vector_load %arg13[%swap3A_160] {strides = array<i32>} : memref<640xf32, #tpu.memory_space<vmem>>, vector<16xf32>,
      tpu.vector_store %arg13[%swap3A_160], %broadcast_in_dim3A_3 {strides = array<i32>} : memref<640xf32, #tpu.memory_space<vmem>>, vector<16xf32>,
    } else {
    }
    "tpu.region"() ({
      %run_scoped3A_133 = tpu.sem_alloc : memref<!tpu.dma_semaphore, #tpu.memory_space<semaphore_mem>>
      %dma_start3A = tpu.memref_slice %arg5[%add3A_102, %mul3A_2] : memref<8x10240xf32, #tpu.memory_space<hbm>> -> memref<1x640xf32, #tpu.memory_space<hbm>>
      %dma_start3A_134 = tpu.memref_squeeze %dma_start3A : memref<1x640xf32, #tpu.memory_space<hbm>> -> memref<640xf32, #tpu.memory_space<hbm>>
      %dma_start3A_135 = tpu.memref_slice %arg5[%add3A_102, %mul3A_2] : memref<8x10240xf32, #tpu.memory_space<hbm>> -> memref<1x640xf32, #tpu.memory_space<hbm>>
      %dma_start3A_136 = tpu.memref_squeeze %dma_start3A_135 : memref<1x640xf32, #tpu.memory_space<hbm>> -> memref<640xf32, #tpu.memory_space<hbm>>
      tpu.enqueue_dma source(%arg13 : memref<640xf32, #tpu.memory_space<vmem>>) target(%dma_start3A_136 : memref<640xf32, #tpu.memory_space<hbm>>) target_semaphore(%run_scoped3A_133 : memref<!tpu.dma_semaphore, #tpu.memory_space<semaphore_mem>>)
      %dma_wait3A = tpu.memref_slice %arg5[%add3A_102, %mul3A_2] : memref<8x10240xf32, #tpu.memory_space<hbm>> -> memref<1x640xf32, #tpu.memory_space<hbm>>
      %dma_wait3A_137 = tpu.memref_squeeze %dma_wait3A : memref<1x640xf32, #tpu.memory_space<hbm>> -> memref<640xf32, #tpu.memory_space<hbm>>
      %dma_wait3A_138 = tpu.memref_slice %arg5[%add3A_102, %mul3A_2] : memref<8x10240xf32, #tpu.memory_space<hbm>> -> memref<1x640xf32, #tpu.memory_space<hbm>>
      %dma_wait3A_139 = tpu.memref_squeeze %dma_wait3A_138 : memref<1x640xf32, #tpu.memory_space<hbm>> -> memref<640xf32, #tpu.memory_space<hbm>>
      tpu.wait_dma2 semaphore(%run_scoped3A_133 : memref<!tpu.dma_semaphore, #tpu.memory_space<semaphore_mem>>) src(%arg13 : memref<640xf32, #tpu.memory_space<vmem>>) dst(%dma_wait3A_139 : memref<640xf32, #tpu.memory_space<hbm>>)
      tpu.yield
    }) : () -> ()
    %barrier3A_132 = arith.constant 0 : index
    tpu.barrier barrier_id(%barrier3A_132)
    return
  }
}

module attributes {stable_mosaic.version = 14 : i64} {
  func.func @_att_body(%arg0: i32, %arg1: memref<8x1280x128xf32, #tpu.memory_space<vmem>>, %arg2: memref<128x128xf32, #tpu.memory_space<vmem>>, %arg3: memref<1x128xf32, #tpu.memory_space<vmem>>, %arg4: memref<1x128xf32, #tpu.memory_space<vmem>>, %arg5: memref<8x1280xf32, #tpu.memory_space<vmem>>, %arg6: memref<8x1280xf32, #tpu.memory_space<vmem>>) attributes {dimension_semantics = [#tpu.dimension_semantics<arbitrary>], iteration_bounds = array<i64: 8>, scalar_prefetch = 0 : i64, scratch_operands = 0 : i64, tpu.core_type = #tpu.core_type<tc>, window_params = [{transform_indices = @transform_0, window_bounds = array<i64: 8, 1280, 128>}, {pipeline_mode = #tpu.pipeline_mode<synchronous>, transform_indices = @transform_1, window_bounds = array<i64: 128, 128>}, {pipeline_mode = #tpu.pipeline_mode<synchronous>, transform_indices = @transform_2, window_bounds = array<i64: 1, 128>}, {pipeline_mode = #tpu.pipeline_mode<synchronous>, transform_indices = @transform_3, window_bounds = array<i64: 1, 128>}, {transform_indices = @transform_4, window_bounds = array<i64: 8, 1280>}, {transform_indices = @transform_5, window_bounds = array<i64: 8, 1280>}]} {
    %get3A = arith.constant 0 : index
    %get3A_0 = arith.constant 0 : index
    %get3A_1 = vector.load %arg3[%get3A, %get3A_0] : memref<1x128xf32, #tpu.memory_space<vmem>>, vector<1x128xf32>
    %get3A_2 = arith.constant 0 : index
    %get3A_3 = arith.constant 0 : index
    %get3A_4 = vector.load %arg2[%get3A_2, %get3A_3] : memref<128x128xf32, #tpu.memory_space<vmem>>, vector<128x128xf32>
    %dot_general3A = arith.constant dense<0.000000e+00> : vector<1x128xf32>
    %dot_general3A_5 = tpu.matmul %get3A_1, %get3A_4, %dot_general3A {dimension_numbers = #tpu.dot_dimension_numbers<[1], [0], [0], [1], [0, 0, 1, 1], [], []>, transpose_lhs_hint = false} : vector<1x128xf32>, vector<128x128xf32>, vector<1x128xf32> -> vector<1x128xf32>
    %get3A_6 = arith.constant 0 : index
    %get3A_7 = arith.constant 0 : index
    %get3A_8 = vector.load %arg4[%get3A_6, %get3A_7] : memref<1x128xf32, #tpu.memory_space<vmem>>, vector<1x128xf32>
    %get3A_9 = arith.constant 0 : index
    %get3A_10 = arith.constant 0 : index
    %get3A_11 = vector.load %arg2[%get3A_9, %get3A_10] : memref<128x128xf32, #tpu.memory_space<vmem>>, vector<128x128xf32>
    %dot_general3A_12 = arith.constant dense<0.000000e+00> : vector<1x128xf32>
    %dot_general3A_13 = tpu.matmul %get3A_8, %get3A_11, %dot_general3A_12 {dimension_numbers = #tpu.dot_dimension_numbers<[1], [0], [0], [1], [0, 0, 1, 1], [], []>, transpose_lhs_hint = false} : vector<1x128xf32>, vector<128x128xf32>, vector<1x128xf32> -> vector<1x128xf32>
    %get3A_14 = arith.constant 0 : index
    %get3A_15 = arith.constant 0 : index
    %get3A_16 = arith.constant 0 : index
    %get3A_17 = vector.load %arg1[%get3A_14, %get3A_15, %get3A_16] : memref<8x1280x128xf32, #tpu.memory_space<vmem>>, vector<8x1280x128xf32>
    %squeeze3A = vector.shape_cast %dot_general3A_5 : vector<1x128xf32> to vector<128xf32>
    %broadcast_in_dim3A = vector.shape_cast %squeeze3A : vector<128xf32> to vector<1x1x128xf32>
    %mul3A = vector.broadcast %broadcast_in_dim3A : vector<1x1x128xf32> to vector<8x1280x128xf32>
    %mul3A_18 = arith.mulf %get3A_17, %mul3A : vector<8x1280x128xf32>
    %reduce_sum3A = arith.constant dense<0.000000e+00> : vector<8x1280xf32>
    %reduce_sum3A_19 = vector.multi_reduction <add>, %mul3A_18, %reduce_sum3A [2] : vector<8x1280x128xf32> to vector<8x1280xf32>
    %swap3A = arith.constant 0 : index
    %swap3A_20 = arith.constant 0 : index
    %swap3A_21 = vector.load %arg5[%swap3A, %swap3A_20] : memref<8x1280xf32, #tpu.memory_space<vmem>>, vector<8x1280xf32>
    tpu.vector_store %arg5[%swap3A, %swap3A_20], %reduce_sum3A_19 {strides = array<i32>} : memref<8x1280xf32, #tpu.memory_space<vmem>>, vector<8x1280xf32>,
    %squeeze3A_22 = vector.shape_cast %dot_general3A_13 : vector<1x128xf32> to vector<128xf32>
    %broadcast_in_dim3A_23 = vector.shape_cast %squeeze3A_22 : vector<128xf32> to vector<1x1x128xf32>
    %mul3A_24 = vector.broadcast %broadcast_in_dim3A_23 : vector<1x1x128xf32> to vector<8x1280x128xf32>
    %mul3A_25 = arith.mulf %get3A_17, %mul3A_24 : vector<8x1280x128xf32>
    %reduce_sum3A_26 = arith.constant dense<0.000000e+00> : vector<8x1280xf32>
    %reduce_sum3A_27 = vector.multi_reduction <add>, %mul3A_25, %reduce_sum3A_26 [2] : vector<8x1280x128xf32> to vector<8x1280xf32>
    %swap3A_28 = arith.constant 0 : index
    %swap3A_29 = arith.constant 0 : index
    %swap3A_30 = vector.load %arg6[%swap3A_28, %swap3A_29] : memref<8x1280xf32, #tpu.memory_space<vmem>>, vector<8x1280xf32>
    tpu.vector_store %arg6[%swap3A_28, %swap3A_29], %reduce_sum3A_27 {strides = array<i32>} : memref<8x1280xf32, #tpu.memory_space<vmem>>, vector<8x1280xf32>,
    return
  }
  func.func @transform_0(%arg0: i32) -> (i32, i32, i32) {
    %c0_i32 = arith.constant 0 : i32
    %c0_i32_0 = arith.constant 0 : i32
    %c0_i32_1 = arith.constant 0 : i32
    return %c0_i32, %arg0, %c0_i32_0 : i32, i32, i32
  }
  func.func @transform_1(%arg0: i32) -> (i32, i32) {
    %c0_i32 = arith.constant 0 : i32
    %c0_i32_0 = arith.constant 0 : i32
    %c0_i32_1 = arith.constant 0 : i32
    return %c0_i32, %c0_i32_0 : i32, i32
  }
  func.func @transform_2(%arg0: i32) -> (i32, i32) {
    %c0_i32 = arith.constant 0 : i32
    %c0_i32_0 = arith.constant 0 : i32
    %c0_i32_1 = arith.constant 0 : i32
    return %c0_i32, %c0_i32_0 : i32, i32
  }
  func.func @transform_3(%arg0: i32) -> (i32, i32) {
    %c0_i32 = arith.constant 0 : i32
    %c0_i32_0 = arith.constant 0 : i32
    %c0_i32_1 = arith.constant 0 : i32
    return %c0_i32, %c0_i32_0 : i32, i32
  }
  func.func @transform_4(%arg0: i32) -> (i32, i32) {
    %c0_i32 = arith.constant 0 : i32
    %c0_i32_0 = arith.constant 0 : i32
    return %c0_i32, %arg0 : i32, i32
  }
  func.func @transform_5(%arg0: i32) -> (i32, i32) {
    %c0_i32 = arith.constant 0 : i32
    %c0_i32_0 = arith.constant 0 : i32
    return %c0_i32, %arg0 : i32, i32
  }
}

module attributes {stable_mosaic.version = 14 : i64} {
  func.func @_final_body(%arg0: i32, %arg1: memref<8x1280xf32, #tpu.memory_space<vmem>>, %arg2: memref<8x1280x128xf32, #tpu.memory_space<vmem>>, %arg3: memref<128x128xf32, #tpu.memory_space<vmem>>, %arg4: memref<1x128xf32, #tpu.memory_space<vmem>>, %arg5: memref<8x128xf32, #tpu.memory_space<vmem>>, %arg6: memref<8x128xf32, #tpu.memory_space<vmem>>) attributes {dimension_semantics = [#tpu.dimension_semantics<arbitrary>], iteration_bounds = array<i64: 8>, scalar_prefetch = 0 : i64, scratch_operands = 1 : i64, tpu.core_type = #tpu.core_type<tc>, window_params = [{transform_indices = @transform_0, window_bounds = array<i64: 8, 1280>}, {transform_indices = @transform_1, window_bounds = array<i64: 8, 1280, 128>}, {pipeline_mode = #tpu.pipeline_mode<synchronous>, transform_indices = @transform_2, window_bounds = array<i64: 128, 128>}, {pipeline_mode = #tpu.pipeline_mode<synchronous>, transform_indices = @transform_3, window_bounds = array<i64: 1, 128>}, {pipeline_mode = #tpu.pipeline_mode<synchronous>, transform_indices = @transform_4, window_bounds = array<i64: 8, 128>}]} {
    %eq3A = arith.constant 0 : i32
    %eq3A_0 = arith.cmpi eq, %arg0, %eq3A : i32
    %convert_element_type3A = arith.extui %eq3A_0 : i1 to i32
    %cond3A = arith.constant 0 : i32
    %cond3A_1 = arith.cmpi ne, %convert_element_type3A, %cond3A : i32
    scf.if %cond3A_1 {
      %broadcast_in_dim3A_132 = arith.constant 0.000000e+00 : f32
      %broadcast_in_dim3A_133 = vector.broadcast %broadcast_in_dim3A_132 : f32 to vector<8x128xf32>
      %swap3A_134 = arith.constant 0 : index
      %swap3A_135 = arith.constant 0 : index
      %swap3A_136 = vector.load %arg6[%swap3A_134, %swap3A_135] : memref<8x128xf32, #tpu.memory_space<vmem>>, vector<8x128xf32>
      tpu.vector_store %arg6[%swap3A_134, %swap3A_135], %broadcast_in_dim3A_133 {strides = array<i32>} : memref<8x128xf32, #tpu.memory_space<vmem>>, vector<8x128xf32>,
    } else {
    }
    %mul3A = arith.constant 1280 : i32
    %mul3A_2 = arith.muli %arg0, %mul3A : i32
    %iota3A = tpu.iota {dimensions = array<i32: 0>} : vector<1280x1xi32>
    %add3A = vector.broadcast %mul3A_2 : i32 to vector<1280x1xi32>
    %add3A_3 = arith.addi %add3A, %iota3A : vector<1280x1xi32>
    %lt3A = arith.constant 10000 : i32
    %lt3A_4 = vector.broadcast %lt3A : i32 to vector<1280x1xi32>
    %lt3A_5 = arith.cmpi slt, %add3A_3, %lt3A_4 : vector<1280x1xi32>
    %get3A = arith.constant 0 : index
    %get3A_6 = arith.constant 0 : index
    %get3A_7 = arith.constant 0 : index
    %get3A_8 = vector.load %arg2[%get3A, %get3A_6, %get3A_7] : memref<8x1280x128xf32, #tpu.memory_space<vmem>>, vector<1x1280x128xf32>
    %get3A_9 = vector.shape_cast %get3A_8 : vector<1x1280x128xf32> to vector<1280x128xf32>
    %jit3A = arith.constant 0.000000e+00 : f32
    %broadcast_in_dim3A = vector.shape_cast %lt3A_5 : vector<1280x1xi1> to vector<1280x1xi1>
    %broadcast_in_dim3A_10 = vector.broadcast %broadcast_in_dim3A : vector<1280x1xi1> to vector<1280x128xi1>
    %broadcast_in_dim3A_11 = vector.broadcast %jit3A : f32 to vector<1280x128xf32>
    %select_n3A = arith.select %broadcast_in_dim3A_10, %get3A_9, %broadcast_in_dim3A_11 : vector<1280x128xi1>, vector<1280x128xf32>
    %get3A_12 = arith.constant 0 : index
    %get3A_13 = arith.constant 0 : index
    %get3A_14 = vector.load %arg1[%get3A_12, %get3A_13] : memref<8x1280xf32, #tpu.memory_space<vmem>>, vector<1x1280xf32>
    %dot_general3A = arith.constant dense<0.000000e+00> : vector<1x128xf32>
    %dot_general3A_15 = tpu.matmul %get3A_14, %select_n3A, %dot_general3A {dimension_numbers = #tpu.dot_dimension_numbers<[1], [0], [0], [1], [0, 0, 1, 1], [], []>, transpose_lhs_hint = false} : vector<1x1280xf32>, vector<1280x128xf32>, vector<1x128xf32> -> vector<1x128xf32>
    %get3A_16 = arith.constant 1 : index
    %get3A_17 = arith.constant 0 : index
    %get3A_18 = arith.constant 0 : index
    %get3A_19 = vector.load %arg2[%get3A_16, %get3A_17, %get3A_18] : memref<8x1280x128xf32, #tpu.memory_space<vmem>>, vector<1x1280x128xf32>
    %get3A_20 = vector.shape_cast %get3A_19 : vector<1x1280x128xf32> to vector<1280x128xf32>
    %jit3A_21 = arith.constant 0.000000e+00 : f32
    %broadcast_in_dim3A_22 = vector.shape_cast %lt3A_5 : vector<1280x1xi1> to vector<1280x1xi1>
    %broadcast_in_dim3A_23 = vector.broadcast %broadcast_in_dim3A_22 : vector<1280x1xi1> to vector<1280x128xi1>
    %broadcast_in_dim3A_24 = vector.broadcast %jit3A_21 : f32 to vector<1280x128xf32>
    %select_n3A_25 = arith.select %broadcast_in_dim3A_23, %get3A_20, %broadcast_in_dim3A_24 : vector<1280x128xi1>, vector<1280x128xf32>
    %get3A_26 = arith.constant 1 : index
    %get3A_27 = arith.constant 0 : index
    %get3A_28 = vector.load %arg1[%get3A_26, %get3A_27] : memref<8x1280xf32, #tpu.memory_space<vmem>>, vector<1x1280xf32>
    %dot_general3A_29 = arith.constant dense<0.000000e+00> : vector<1x128xf32>
    %dot_general3A_30 = tpu.matmul %get3A_28, %select_n3A_25, %dot_general3A_29 {dimension_numbers = #tpu.dot_dimension_numbers<[1], [0], [0], [1], [0, 0, 1, 1], [], []>, transpose_lhs_hint = false} : vector<1x1280xf32>, vector<1280x128xf32>, vector<1x128xf32> -> vector<1x128xf32>
    %get3A_31 = arith.constant 2 : index
    %get3A_32 = arith.constant 0 : index
    %get3A_33 = arith.constant 0 : index
    %get3A_34 = vector.load %arg2[%get3A_31, %get3A_32, %get3A_33] : memref<8x1280x128xf32, #tpu.memory_space<vmem>>, vector<1x1280x128xf32>
    %get3A_35 = vector.shape_cast %get3A_34 : vector<1x1280x128xf32> to vector<1280x128xf32>
    %jit3A_36 = arith.constant 0.000000e+00 : f32
    %broadcast_in_dim3A_37 = vector.shape_cast %lt3A_5 : vector<1280x1xi1> to vector<1280x1xi1>
    %broadcast_in_dim3A_38 = vector.broadcast %broadcast_in_dim3A_37 : vector<1280x1xi1> to vector<1280x128xi1>
    %broadcast_in_dim3A_39 = vector.broadcast %jit3A_36 : f32 to vector<1280x128xf32>
    %select_n3A_40 = arith.select %broadcast_in_dim3A_38, %get3A_35, %broadcast_in_dim3A_39 : vector<1280x128xi1>, vector<1280x128xf32>
    %get3A_41 = arith.constant 2 : index
    %get3A_42 = arith.constant 0 : index
    %get3A_43 = vector.load %arg1[%get3A_41, %get3A_42] : memref<8x1280xf32, #tpu.memory_space<vmem>>, vector<1x1280xf32>
    %dot_general3A_44 = arith.constant dense<0.000000e+00> : vector<1x128xf32>
    %dot_general3A_45 = tpu.matmul %get3A_43, %select_n3A_40, %dot_general3A_44 {dimension_numbers = #tpu.dot_dimension_numbers<[1], [0], [0], [1], [0, 0, 1, 1], [], []>, transpose_lhs_hint = false} : vector<1x1280xf32>, vector<1280x128xf32>, vector<1x128xf32> -> vector<1x128xf32>
    %get3A_46 = arith.constant 3 : index
    %get3A_47 = arith.constant 0 : index
    %get3A_48 = arith.constant 0 : index
    %get3A_49 = vector.load %arg2[%get3A_46, %get3A_47, %get3A_48] : memref<8x1280x128xf32, #tpu.memory_space<vmem>>, vector<1x1280x128xf32>
    %get3A_50 = vector.shape_cast %get3A_49 : vector<1x1280x128xf32> to vector<1280x128xf32>
    %jit3A_51 = arith.constant 0.000000e+00 : f32
    %broadcast_in_dim3A_52 = vector.shape_cast %lt3A_5 : vector<1280x1xi1> to vector<1280x1xi1>
    %broadcast_in_dim3A_53 = vector.broadcast %broadcast_in_dim3A_52 : vector<1280x1xi1> to vector<1280x128xi1>
    %broadcast_in_dim3A_54 = vector.broadcast %jit3A_51 : f32 to vector<1280x128xf32>
    %select_n3A_55 = arith.select %broadcast_in_dim3A_53, %get3A_50, %broadcast_in_dim3A_54 : vector<1280x128xi1>, vector<1280x128xf32>
    %get3A_56 = arith.constant 3 : index
    %get3A_57 = arith.constant 0 : index
    %get3A_58 = vector.load %arg1[%get3A_56, %get3A_57] : memref<8x1280xf32, #tpu.memory_space<vmem>>, vector<1x1280xf32>
    %dot_general3A_59 = arith.constant dense<0.000000e+00> : vector<1x128xf32>
    %dot_general3A_60 = tpu.matmul %get3A_58, %select_n3A_55, %dot_general3A_59 {dimension_numbers = #tpu.dot_dimension_numbers<[1], [0], [0], [1], [0, 0, 1, 1], [], []>, transpose_lhs_hint = false} : vector<1x1280xf32>, vector<1280x128xf32>, vector<1x128xf32> -> vector<1x128xf32>
    %get3A_61 = arith.constant 4 : index
    %get3A_62 = arith.constant 0 : index
    %get3A_63 = arith.constant 0 : index
    %get3A_64 = vector.load %arg2[%get3A_61, %get3A_62, %get3A_63] : memref<8x1280x128xf32, #tpu.memory_space<vmem>>, vector<1x1280x128xf32>
    %get3A_65 = vector.shape_cast %get3A_64 : vector<1x1280x128xf32> to vector<1280x128xf32>
    %jit3A_66 = arith.constant 0.000000e+00 : f32
    %broadcast_in_dim3A_67 = vector.shape_cast %lt3A_5 : vector<1280x1xi1> to vector<1280x1xi1>
    %broadcast_in_dim3A_68 = vector.broadcast %broadcast_in_dim3A_67 : vector<1280x1xi1> to vector<1280x128xi1>
    %broadcast_in_dim3A_69 = vector.broadcast %jit3A_66 : f32 to vector<1280x128xf32>
    %select_n3A_70 = arith.select %broadcast_in_dim3A_68, %get3A_65, %broadcast_in_dim3A_69 : vector<1280x128xi1>, vector<1280x128xf32>
    %get3A_71 = arith.constant 4 : index
    %get3A_72 = arith.constant 0 : index
    %get3A_73 = vector.load %arg1[%get3A_71, %get3A_72] : memref<8x1280xf32, #tpu.memory_space<vmem>>, vector<1x1280xf32>
    %dot_general3A_74 = arith.constant dense<0.000000e+00> : vector<1x128xf32>
    %dot_general3A_75 = tpu.matmul %get3A_73, %select_n3A_70, %dot_general3A_74 {dimension_numbers = #tpu.dot_dimension_numbers<[1], [0], [0], [1], [0, 0, 1, 1], [], []>, transpose_lhs_hint = false} : vector<1x1280xf32>, vector<1280x128xf32>, vector<1x128xf32> -> vector<1x128xf32>
    %get3A_76 = arith.constant 5 : index
    %get3A_77 = arith.constant 0 : index
    %get3A_78 = arith.constant 0 : index
    %get3A_79 = vector.load %arg2[%get3A_76, %get3A_77, %get3A_78] : memref<8x1280x128xf32, #tpu.memory_space<vmem>>, vector<1x1280x128xf32>
    %get3A_80 = vector.shape_cast %get3A_79 : vector<1x1280x128xf32> to vector<1280x128xf32>
    %jit3A_81 = arith.constant 0.000000e+00 : f32
    %broadcast_in_dim3A_82 = vector.shape_cast %lt3A_5 : vector<1280x1xi1> to vector<1280x1xi1>
    %broadcast_in_dim3A_83 = vector.broadcast %broadcast_in_dim3A_82 : vector<1280x1xi1> to vector<1280x128xi1>
    %broadcast_in_dim3A_84 = vector.broadcast %jit3A_81 : f32 to vector<1280x128xf32>
    %select_n3A_85 = arith.select %broadcast_in_dim3A_83, %get3A_80, %broadcast_in_dim3A_84 : vector<1280x128xi1>, vector<1280x128xf32>
    %get3A_86 = arith.constant 5 : index
    %get3A_87 = arith.constant 0 : index
    %get3A_88 = vector.load %arg1[%get3A_86, %get3A_87] : memref<8x1280xf32, #tpu.memory_space<vmem>>, vector<1x1280xf32>
    %dot_general3A_89 = arith.constant dense<0.000000e+00> : vector<1x128xf32>
    %dot_general3A_90 = tpu.matmul %get3A_88, %select_n3A_85, %dot_general3A_89 {dimension_numbers = #tpu.dot_dimension_numbers<[1], [0], [0], [1], [0, 0, 1, 1], [], []>, transpose_lhs_hint = false} : vector<1x1280xf32>, vector<1280x128xf32>, vector<1x128xf32> -> vector<1x128xf32>
    %get3A_91 = arith.constant 6 : index
    %get3A_92 = arith.constant 0 : index
    %get3A_93 = arith.constant 0 : index
    %get3A_94 = vector.load %arg2[%get3A_91, %get3A_92, %get3A_93] : memref<8x1280x128xf32, #tpu.memory_space<vmem>>, vector<1x1280x128xf32>
    %get3A_95 = vector.shape_cast %get3A_94 : vector<1x1280x128xf32> to vector<1280x128xf32>
    %jit3A_96 = arith.constant 0.000000e+00 : f32
    %broadcast_in_dim3A_97 = vector.shape_cast %lt3A_5 : vector<1280x1xi1> to vector<1280x1xi1>
    %broadcast_in_dim3A_98 = vector.broadcast %broadcast_in_dim3A_97 : vector<1280x1xi1> to vector<1280x128xi1>
    %broadcast_in_dim3A_99 = vector.broadcast %jit3A_96 : f32 to vector<1280x128xf32>
    %select_n3A_100 = arith.select %broadcast_in_dim3A_98, %get3A_95, %broadcast_in_dim3A_99 : vector<1280x128xi1>, vector<1280x128xf32>
    %get3A_101 = arith.constant 6 : index
    %get3A_102 = arith.constant 0 : index
    %get3A_103 = vector.load %arg1[%get3A_101, %get3A_102] : memref<8x1280xf32, #tpu.memory_space<vmem>>, vector<1x1280xf32>
    %dot_general3A_104 = arith.constant dense<0.000000e+00> : vector<1x128xf32>
    %dot_general3A_105 = tpu.matmul %get3A_103, %select_n3A_100, %dot_general3A_104 {dimension_numbers = #tpu.dot_dimension_numbers<[1], [0], [0], [1], [0, 0, 1, 1], [], []>, transpose_lhs_hint = false} : vector<1x1280xf32>, vector<1280x128xf32>, vector<1x128xf32> -> vector<1x128xf32>
    %get3A_106 = arith.constant 7 : index
    %get3A_107 = arith.constant 0 : index
    %get3A_108 = arith.constant 0 : index
    %get3A_109 = vector.load %arg2[%get3A_106, %get3A_107, %get3A_108] : memref<8x1280x128xf32, #tpu.memory_space<vmem>>, vector<1x1280x128xf32>
    %get3A_110 = vector.shape_cast %get3A_109 : vector<1x1280x128xf32> to vector<1280x128xf32>
    %jit3A_111 = arith.constant 0.000000e+00 : f32
    %broadcast_in_dim3A_112 = vector.shape_cast %lt3A_5 : vector<1280x1xi1> to vector<1280x1xi1>
    %broadcast_in_dim3A_113 = vector.broadcast %broadcast_in_dim3A_112 : vector<1280x1xi1> to vector<1280x128xi1>
    %broadcast_in_dim3A_114 = vector.broadcast %jit3A_111 : f32 to vector<1280x128xf32>
    %select_n3A_115 = arith.select %broadcast_in_dim3A_113, %get3A_110, %broadcast_in_dim3A_114 : vector<1280x128xi1>, vector<1280x128xf32>
    %get3A_116 = arith.constant 7 : index
    %get3A_117 = arith.constant 0 : index
    %get3A_118 = vector.load %arg1[%get3A_116, %get3A_117] : memref<8x1280xf32, #tpu.memory_space<vmem>>, vector<1x1280xf32>
    %dot_general3A_119 = arith.constant dense<0.000000e+00> : vector<1x128xf32>
    %dot_general3A_120 = tpu.matmul %get3A_118, %select_n3A_115, %dot_general3A_119 {dimension_numbers = #tpu.dot_dimension_numbers<[1], [0], [0], [1], [0, 0, 1, 1], [], []>, transpose_lhs_hint = false} : vector<1x1280xf32>, vector<1280x128xf32>, vector<1x128xf32> -> vector<1x128xf32>
    %get3A_121 = arith.constant 0 : index
    %get3A_122 = arith.constant 0 : index
    %get3A_123 = vector.load %arg6[%get3A_121, %get3A_122] : memref<8x128xf32, #tpu.memory_space<vmem>>, vector<8x128xf32>
    %concatenate3A = tpu.concatenate %dot_general3A_15, %dot_general3A_30, %dot_general3A_45, %dot_general3A_60, %dot_general3A_75, %dot_general3A_90, %dot_general3A_105, %dot_general3A_120 in 0 : vector<1x128xf32>, vector<1x128xf32>, vector<1x128xf32>, vector<1x128xf32>, vector<1x128xf32>, vector<1x128xf32>, vector<1x128xf32>, vector<1x128xf32> -> vector<8x128xf32>
    %add3A_124 = arith.addf %get3A_123, %concatenate3A : vector<8x128xf32>
    %swap3A = arith.constant 0 : index
    %swap3A_125 = arith.constant 0 : index
    %swap3A_126 = vector.load %arg6[%swap3A, %swap3A_125] : memref<8x128xf32, #tpu.memory_space<vmem>>, vector<8x128xf32>
    tpu.vector_store %arg6[%swap3A, %swap3A_125], %add3A_124 {strides = array<i32>} : memref<8x128xf32, #tpu.memory_space<vmem>>, vector<8x128xf32>,
    %eq3A_127 = arith.constant 7 : i32
    %eq3A_128 = arith.cmpi eq, %arg0, %eq3A_127 : i32
    %convert_element_type3A_129 = arith.extui %eq3A_128 : i1 to i32
    %cond3A_130 = arith.constant 0 : i32
    %cond3A_131 = arith.cmpi ne, %convert_element_type3A_129, %cond3A_130 : i32
    scf.if %cond3A_131 {
      %get3A_132 = arith.constant 0 : index
      %get3A_133 = arith.constant 0 : index
      %get3A_134 = vector.load %arg6[%get3A_132, %get3A_133] : memref<8x128xf32, #tpu.memory_space<vmem>>, vector<8x128xf32>
      %mul3A_135 = arith.constant 9.99999974E-5 : f32
      %mul3A_136 = vector.broadcast %mul3A_135 : f32 to vector<8x128xf32>
      %mul3A_137 = arith.mulf %get3A_134, %mul3A_136 : vector<8x128xf32>
      %get3A_138 = arith.constant 0 : index
      %get3A_139 = arith.constant 0 : index
      %get3A_140 = vector.load %arg3[%get3A_138, %get3A_139] : memref<128x128xf32, #tpu.memory_space<vmem>>, vector<128x128xf32>
      %dot_general3A_141 = arith.constant dense<0.000000e+00> : vector<8x128xf32>
      %dot_general3A_142 = tpu.matmul %mul3A_137, %get3A_140, %dot_general3A_141 {dimension_numbers = #tpu.dot_dimension_numbers<[1], [0], [0], [1], [0, 0, 1, 1], [], []>, transpose_lhs_hint = false} : vector<8x128xf32>, vector<128x128xf32>, vector<8x128xf32> -> vector<8x128xf32>
      %get3A_143 = arith.constant 0 : index
      %get3A_144 = arith.constant 0 : index
      %get3A_145 = vector.load %arg4[%get3A_143, %get3A_144] : memref<1x128xf32, #tpu.memory_space<vmem>>, vector<1x128xf32>
      %add3A_146 = vector.broadcast %get3A_145 : vector<1x128xf32> to vector<8x128xf32>
      %add3A_147 = arith.addf %dot_general3A_142, %add3A_146 : vector<8x128xf32>
      %swap3A_148 = arith.constant 0 : index
      %swap3A_149 = arith.constant 0 : index
      %swap3A_150 = vector.load %arg5[%swap3A_148, %swap3A_149] : memref<8x128xf32, #tpu.memory_space<vmem>>, vector<8x128xf32>
      tpu.vector_store %arg5[%swap3A_148, %swap3A_149], %add3A_147 {strides = array<i32>} : memref<8x128xf32, #tpu.memory_space<vmem>>, vector<8x128xf32>,
    } else {
    }
    return
  }
  func.func @transform_0(%arg0: i32) -> (i32, i32) {
    %c0_i32 = arith.constant 0 : i32
    %c0_i32_0 = arith.constant 0 : i32
    return %c0_i32, %arg0 : i32, i32
  }
  func.func @transform_1(%arg0: i32) -> (i32, i32, i32) {
    %c0_i32 = arith.constant 0 : i32
    %c0_i32_0 = arith.constant 0 : i32
    %c0_i32_1 = arith.constant 0 : i32
    return %c0_i32, %arg0, %c0_i32_0 : i32, i32, i32
  }
  func.func @transform_2(%arg0: i32) -> (i32, i32) {
    %c0_i32 = arith.constant 0 : i32
    %c0_i32_0 = arith.constant 0 : i32
    %c0_i32_1 = arith.constant 0 : i32
    return %c0_i32, %c0_i32_0 : i32, i32
  }
  func.func @transform_3(%arg0: i32) -> (i32, i32) {
    %c0_i32 = arith.constant 0 : i32
    %c0_i32_0 = arith.constant 0 : i32
    %c0_i32_1 = arith.constant 0 : i32
    return %c0_i32, %c0_i32_0 : i32, i32
  }
  func.func @transform_4(%arg0: i32) -> (i32, i32) {
    %c0_i32 = arith.constant 0 : i32
    %c0_i32_0 = arith.constant 0 : i32
    %c0_i32_1 = arith.constant 0 : i32
    return %c0_i32, %c0_i32_0 : i32, i32
  }
}

</mosaic_0001>

<sc_bundles>
// kernel: kernel.5.cloned.1.call-start
scs
__scs_entry_jumppad:
0x0: {  	(pc) =	sbr.rel $0x88, $3  }
0x1: {  	(tag) =	ssettag $0x0;
	lr =	simm.s32 $0x1  }
0x2: {  	[smem:$0x3F9B] =	sst lr;
	_ =	strace $0xD0000000  }
0x3: {  	_ = 	snop  }
0x4: {  	_ = 	snop  }
0x5: {  	_ = 	snop  }
0x6: {  	_ = 	snop  }
0x7: {  	_ = 	snop  }
__scs_overlays_trampoline_lowered:
0x8: {  	[smem:$0x3FAA] =	sst s0  }
0x9: {  	[smem:$0x3FAB] =	sst s1  }
0xa: {  	[smem:$0x3FAC] =	sst s2  }
0xb: {  	[smem:$0x3FAD] =	sst s3  }
0xc: {  	[smem:$0x3FAE] =	sst s4  }
0xd: {  	[smem:$0x3FAF] =	sst s5  }
0xe: {  	[smem:$0x3FB0] =	sst s6  }
0xf: {  	[smem:$0x3FB1] =	sst s7  }
0x10: {  	[smem:$0x3FB2] =	sst s8  }
0x11: {  	[smem:$0x3FB3] =	sst s9;
	s0 =	simm.s32 @!p0 $0x0  }
0x12: {  	s1 =	sld [smem:$0x3F99];
	s0 =	simm.s32 @p0 $0x1  }
0x13: {  	[smem:$0x3FB4] =	sst s0;
	s0 =	simm.s32 @!p1 $0x0  }
0x14: {  	s2 =	sld [smem:$0x3F98];
	s0 =	simm.s32 @p1 $0x1  }
0x15: {  	[smem:$0x3FB5] =	sst s0;
	s0 =	simm.s32 @!p2 $0x0  }
0x16: {  	s3 =	sld [smem:$0x3FDB];
	s0 =	simm.s32 @p2 $0x1  }
0x17: {  	s4 =	simm.s32 $0x1BF5;
	[smem:$0x3FB7] =	sst s0  }
0x18: {  	s0 =	sld [smem:$0x3F9A];
	_ =	swait.ge [sflag:s4], $0x0  }
0x19: {  	s7 =	sld [smem:$0x3F9B]  }
0x1a: {  	s8 =	sadd.s32 $0xFFFFE003, lr  }
0x1b: {  	s9 =	sadd.s32 $0xFFFFFEF7, lr;
	s5 =	simm.s32 $0xFFFFFFFF;
	p2 =	slt.u32 s8, $0xFFFFF086  }
0x1c: {  	p1 =	slt.u32 s9, $0xF7A;
	s5 =	simm.s32 @!p2 $0x0  }
0x1d: {  	s5 =	simm.s32 @p1 $0x1;
	p0 =	seq.s32 s7, s2  }
0x1e: {  	s7 =	smul.u32 @!p0 $0xF7A, s2;
	p2 =	seq.s32 @!p0 s5, $0x0  }
0x1f: {  	s9 =	smul.u32 $0xF7A, s1;
	s8 =	simm.s32 @!p0 $0x1BF5;
	p2 =	por !p2, p0  }
0x20: {  	[sflag:s8] =	ssyncset.s32 @!p0 $0xFFFFF086;
	s6 =	sadd.s32 @!p0 s3, s7;
	s7 =	simm.s32 @!p0 $0x108  }
0x21: {  	s3 =	sadd.s32 s3, s9;
	s6 =	sadd.s32 @!p0 $0x88, s6;
	s7 =	simm.s32 @p2 $0x1082  }
0x22: {  	[simem:s7], [sflag:s8] =	dma.local @!p0 [hbm:s6], $0xF7A  }
0x23: {  	s9 =	sor.u32 $0xD0000000, s2;
	s6 =	simm.s32 $0x108;
	_ =	swait.ge @!p0 [sflag:s8], $0x0  }
0x24: {  	s3 =	sadd.s32 $0x88, s3;
	s6 =	simm.s32 @!p1 $0x1082;
	[sflag:s4] =	ssyncset.s32 $0xFFFFF086  }
0x25: {  	[simem:s6], [sflag:s4] =	dma.local [hbm:s3], $0xF7A  }
0x26: {  	[smem:$0x3F9B] =	sst s1;
	(tag) =	ssettag s2;
	_ =	strace s9  }
0x27: {  	s1 =	sld [smem:$0x3FAB]  }
0x28: {  	s2 =	sld [smem:$0x3FAC]  }
0x29: {  	s4 =	sld [smem:$0x3FAE]  }
0x2a: {  	p0 =	seq.s32 s5, $0x0;
	s5 =	sld [smem:$0x3FAF]  }
0x2b: {  	s6 =	sld [smem:$0x3FB0]  }
0x2c: {  	s7 =	sld [smem:$0x3FB1]  }
0x2d: {  	s3 =	simm.s32 $0x108;
	s8 =	sld [smem:$0x3FB2]  }
0x2e: {  	s3 =	simm.s32 @!p0 $0x1082;
	s9 =	sld [smem:$0x3FB3]  }
0x2f: {  	lr =	sadd.s32 s0, s3;
	s0 =	sld [smem:$0x3FAA]  }
0x30: {  	s3 =	sld [smem:$0x3FAD]  }
0x31: {  	[smem:$0x3FB6] =	sst s10  }
0x32: {  	s10 =	sld [smem:$0x3FB4];
	_ =	sdelay $0x3  }
0x33: {  	p0 =	seq.s32 s10, $0x1;
	s10 =	sld [smem:$0x3FB6];
	_ =	sdelay $0x3  }
0x34: {  	[smem:$0x3FB6] =	sst s10  }
0x35: {  	s10 =	sld [smem:$0x3FB5];
	_ =	sdelay $0x3  }
0x36: {  	p1 =	seq.s32 s10, $0x1;
	s10 =	sld [smem:$0x3FB6];
	_ =	sdelay $0x3  }
0x37: {  	[smem:$0x3FB6] =	sst s10  }
0x38: {  	s10 =	sld [smem:$0x3FB7]  }
0x39: {  	_ = 	snop;
	(pc) =	sbr.ind lr, $3  }
0x3a: {  	_ = 	snop  }
0x3b: {  	_ = 	snop  }
0x3c: {  	p2 =	seq.s32 s10, $0x1;
	s10 =	sld [smem:$0x3FB6]  }
0x3d: {  	_ =	shalt  }
0x3e: {  	_ =	shalt  }
0x3f: {  	_ =	shalt  }
0x40: {  	_ =	shalt  }
0x41: {  	_ =	shalt  }
0x42: {  	_ =	shalt  }
0x43: {  	_ =	shalt  }
0x44: {  	_ =	shalt  }
0x45: {  	_ =	shalt  }
0x46: {  	_ =	shalt  }
0x47: {  	_ =	shalt  }
0x48: {  	_ =	shalt  }
0x49: {  	_ =	shalt  }
0x4a: {  	_ =	shalt  }
0x4b: {  	_ =	shalt  }
0x4c: {  	_ =	shalt  }
0x4d: {  	_ =	shalt  }
0x4e: {  	_ =	shalt  }
0x4f: {  	_ =	shalt  }
0x50: {  	_ =	shalt  }
0x51: {  	_ =	shalt  }
0x52: {  	_ =	shalt  }
0x53: {  	_ =	shalt  }
0x54: {  	_ =	shalt  }
0x55: {  	_ =	shalt  }
0x56: {  	_ =	shalt  }
0x57: {  	_ =	shalt  }
0x58: {  	_ =	shalt  }
0x59: {  	_ =	shalt  }
0x5a: {  	_ =	shalt  }
0x5b: {  	_ =	shalt  }
0x5c: {  	_ =	shalt  }
0x5d: {  	_ =	shalt  }
0x5e: {  	_ =	shalt  }
0x5f: {  	_ =	shalt  }
0x60: {  	_ =	shalt  }
0x61: {  	_ =	shalt  }
0x62: {  	_ =	shalt  }
0x63: {  	_ =	shalt  }
0x64: {  	_ =	shalt  }
0x65: {  	_ =	shalt  }
0x66: {  	_ =	shalt  }
0x67: {  	_ =	shalt  }
0x68: {  	_ =	shalt  }
0x69: {  	_ =	shalt  }
0x6a: {  	_ =	shalt  }
0x6b: {  	_ =	shalt  }
0x6c: {  	_ =	shalt  }
0x6d: {  	_ =	shalt  }
0x6e: {  	_ =	shalt  }
0x6f: {  	_ =	shalt  }
0x70: {  	_ =	shalt  }
0x71: {  	_ =	shalt  }
0x72: {  	_ =	shalt  }
0x73: {  	_ =	shalt  }
0x74: {  	_ =	shalt  }
0x75: {  	_ =	shalt  }
0x76: {  	_ =	shalt  }
0x77: {  	_ =	shalt  }
0x78: {  	_ =	shalt  }
0x79: {  	_ =	shalt  }
0x7a: {  	_ =	shalt  }
0x7b: {  	_ =	shalt  }
0x7c: {  	_ =	shalt  }
0x7d: {  	_ =	shalt  }
0x7e: {  	_ =	shalt  }
0x7f: {  	_ =	shalt  }
0x80: {  	_ =	shalt  }
0x81: {  	_ =	shalt  }
0x82: {  	_ =	shalt  }
0x83: {  	_ =	shalt  }
0x84: {  	_ =	shalt  }
0x85: {  	_ =	shalt  }
0x86: {  	_ =	shalt  }
0x87: {  	_ =	shalt  }
.Lfunc_end0:
.L_simem_size_0:
called_computation_lowered:
.L_overlay_start_0:
0x88: {  	s2 =	sld [smem:$0x3FD9]  }
0x89: {  	s3 =	sld [smem:$0x3FFE];
	_ =	sdelay $0x1  }
0x8a: {  	s1 =	srdreg.scid  }
0x8b: {  	s0 =	sand.u32 $0x1, s1  }
0x8c: {  	s16 =	sshll.u32 s0, $0xA;
	s2 =	sadd.s32 s3, s2  }
0x8d: {  	s2 =	sadd.s32 s2, s16  }
0x8e: {  	[smem:$0x3FC2] =	sst s2  }
0x8f: {  	_ = 	snop  }
0x90: {  	(tm) =	ssettm $0x1  }
0x91: {  	s17 =	sld [smem:$0x3FFB];
	_ =	sdelay $0x3  }
0x92: {  	_ =	strace s17  }
0x93: {  	s2 =	sld [smem:$0x3FFC];
	_ =	sdelay $0x3  }
0x94: {  	_ =	strace s2  }
0x95: {  	s2 =	sld [smem:$0x3FFD];
	_ =	sdelay $0x3  }
0x96: {  	_ =	strace s2  }
0x97: {  	_ =	strace $0x8FFFFFFF  }
0x98: {  	s18 =	sld [smem:$0x3FDB];
	_ =	sdelay $0x1  }
0x99: {  	s19 =	simm.s32 $_scs_section_size  }
0x9a: {  	s4 =	simm.s32 $_size__tile_overlayer_lowered;
	s5 =	simm.s32 $_tile_overlayer_lowered  }
0x9b: {  	s22 =	simm.s32 $0x1BFF;
	s21 =	sshll.u32 s5, $0x1;
	s2 =	sadd.s32 s19, s18  }
0x9c: {  	s6 =	simm.s32 $0x0;
	s20 =	sshll.u32 s4, $0x1;
	s4 =	sadd.s32 s21, s2  }
0x9d: {  	[timem:s6], [sflag:s22] =	dma.local [hbm:s4], s20  }
0x9e: {  	_ =	swait.ge [sflag:s22], s20  }
0x9f: {  	s3 =	ssub.s32 $0x0, s20;
	[sflag:s22] =	ssyncset.done $0x0  }
0xa0: {  	[sflag:s22] =	ssyncadd.s32 s3;
	_ =	sdelay $0x1  }
0xa1: {  	s23 =	simm.s32 $0x1B8B  }
0xa2: {  	_ =	swait.ge [sflag:s23], $0x1  }
0xa3: {  	[sflag:s23] =	ssyncset.done $0x0  }
0xa4: {  	s25 =	simm.s32 $0x1B8E;
	s24 =	sld [smem:$0x3FFE];
	[sflag:s23] =	ssyncadd.s32 $0xFFFFFFFF  }
0xa5: {  	s26 =	simm.s32 $execute0_lowered;
	[smem:$0x3FD2] =	sst s25  }
0xa6: {  	s4 =	sshll.u32 s26, $0x1;
	_ =	strace $0x80000046;
	[dreg:$0x1] =	wrdreg $0xFFFFFFFF  }
0xa7: {  	s28 =	simm.s32 $_size_execute0_lowered;
	s2 =	sadd.s32 s2, s4;
	[dreg:$0x0] =	wrdreg $0x0  }
0xa8: {  	s4 =	sshll.u32 s28, $0x1;
	[dreg:$0x2] =	wrdreg s2  }
0xa9: {  	[dreg:$0x3] =	wrdreg s4  }
0xaa: {  	[dreg:$0x4] =	wrdreg $0xC0  }
0xab: {  	_ =	task [dreg:s6], $0x5FFFF  }
0xac: {  	[dreg:$0x1] =	wrdreg $0xFFFFFFFF  }
0xad: {  	[dreg:$0x0] =	wrdreg $0x60  }
0xae: {  	[dreg:$0x2] =	wrdreg s24  }
0xaf: {  	[dreg:$0x3] =	wrdreg $0x16C800  }
0xb0: {  	[dreg:$0x4] =	wrdreg $0x9  }
0xb1: {  	_ =	task.clear_ibuf [dreg:s6], $0x5FFFF;
	_ =	strace $0x90000046  }
0xb2: {  	s29 =	simm.s32 $0x9;
	_ =	strace $0x80000048  }
0xb3: {  	_ =	swait.ge [sflag:s29], $0x1  }
0xb4: {  	[sflag:s29] =	ssyncadd.s32 $0xFFFFFFFF  }
0xb5: {  	_ =	strace $0x90000048  }
0xb6: {  	_ =	sfence  }
0xb7: {  	s30 =	sld [smem:$0x0];
	_ =	sdelay $0x2  }
0xb8: {  	s31 =	sshll.u32 s1, $0xD;
	s1 =	sshrl.u32 s1, $0x2  }
0xb9: {  	s3 =	sand.u32 $0x4000, s31;
	s1 =	sadd.s32 s1, s30  }
0xba: {  	s0 =	sor.u32 s3, s0;
	s1 =	sshll.u32 s1, $0x11  }
0xbb: {  	s0 =	sor.u32 s1, s0  }
0xbc: {  	s0 =	sadd.s32 $0x8F2B, s0  }
0xbd: {  	[sflag:s0] =	ssyncadd.remote.s32 $0x1  }
0xbe: {  	_ =	sfence.sel $0xFFFF  }
0xbf: {  	[dreg:$0x0] =	wrdreg $0xFFFFFFFF;
	(pc) =	sbr.abs _section_cstart, $3  }
0xc0: {  	[dreg:$0x1] =	wrdreg $0xFFFFFFFF  }
0xc1: {  	_ =	task.clear_ibuf [dreg:s6], $0x2FFFF;
	_ =	strace $0x9FFFFFFF  }
0xc2: {  	(tm) =	ssettm $0x7FFFFFFF  }
0xc3: {  	_ =	shalt  }
tec
execute0_lowered:
.L_overlay_start_1:
0x0: {  	(tag) =	ssettag $0x1  }
0x1: {  	s0 =	rddreg [dreg:$0x0]  }
0x2: {  	s2 =	rddreg [dreg:$0x1];
	s12 =	stileid.u32;
	s4 =	simm.s32 $0x0  }
0x3: {  	s3 =	srdreg.scid;
	s28 =	simm.s32 $0x14000;
	s29 =	simm.s32 $0x14200  }
0x4: {  	s30 =	simm.s32 $0x16A00;
	s31 =	simm.s32 $0x11A00;
	s1 =	smul.u32 $0xA14, s12  }
0x5: {  	[smem:$0x7FF] =	sst s4;
	s3 =	sand.u32 $0x1, s3;
	s5 =	sadd.s32 $0xAE00, s0  }
0x6: {  	s6 =	sadd.s32 $0xD600, s0;
	s14 =	sshrl.u32 s12, $0x3;
	s9 =	smul.u32 $0x1400, s12  }
0x7: {  	s16 =	sshll.u32 s12, $0x7;
	p0 =	sne.s32 s12, $0xF;
	_ =	strace $0x80000047  }
0x8: {  	s13 =	ssub.s32 $0x2, s3;
	s15 =	sshll.u32 s3, $0x6;
	s3 =	sshll.u32 s3, $0x9  }
0x9: {  	s1 =	sadd.s32 s1, s0;
	s7 =	sshrl.u32 s13, $0x1;
	s0 =	sadd.s32 $0xFE00, s0  }
0xa: {  	s8 =	sadd.s32 s5, s15;
	s17 =	sor.u32 s3, s9;
	s10 =	sor.u32 $0x80, s3  }
0xb: {  	s20 =	sor.u32 $0x100, s3;
	s3 =	sor.u32 $0x180, s3;
	s4 =	ssub.s32 s13, s7  }
0xc: {  	s1 =	sadd.s32 $0xC00, s1;
	s7 =	smul.u32 $0x50000, s14;
	[dreg:$0x4] =	wrdreg s8  }
0xd: {  	s18 =	sshrl.u32 s17, $0x3;
	s8 =	sadd.s32 s9, s2;
	s19 =	sshrl.u32 s10, $0x3  }
0xe: {  	s10 =	sor.u32 s9, s10;
	s22 =	sshrl.u32 s20, $0x3;
	s24 =	sor.u32 s9, s20  }
0xf: {  	s25 =	sshrl.u32 s3, $0x3;
	s3 =	sor.u32 s9, s3;
	s20 =	simm.s32 $0x1  }
0x10: {  	[dreg:$0x3] =	wrdreg s1;
	s1 =	sadd.s32 s6, s15;
	s11 =	sadd.s32 s5, s19  }
0x11: {  	s21 =	sshrl.u32 s10, $0x3;
	s23 =	sadd.s32 s5, s22;
	s10 =	sadd.s32 s6, s22  }
0x12: {  	s5 =	sadd.s32 s5, s25;
	s17 =	sadd.s32 s6, s25;
	[dreg:$0x5] =	wrdreg s1  }
0x13: {  	s26 =	sshrl.u32 s3, $0x3;
	s22 =	simm.s32 $0x400;
	[dreg:$0x7] =	wrdreg s11  }
0x14: {  	s25 =	simm.s32 $0xF200;
	s7 =	sshrl.u32 s7, $0x2;
	[dreg:$0xa] =	wrdreg s23  }
0x15: {  	s1 =	sand.u32 $0x380, s16;
	[dreg:$0xb] =	wrdreg s10;
	s7 =	sadd.s32 s7, s2  }
0x16: {  	[dreg:$0xd] =	wrdreg s5;
	s7 =	sadd.s32 s1, s7;
	s1 =	sadd.s32 s0, s18  }
0x17: {  	s23 =	simm.s32 $0x5100;
	[dreg:$0x6] =	wrdreg s1;
	s1 =	sadd.s32 s6, s19  }
0x18: {  	s18 =	sadd.s32 s0, s26;
	[dreg:$0x8] =	wrdreg s1;
	s1 =	sadd.s32 s0, s21  }
0x19: {  	s26 =	simm.s32 $0x1400;
	[dreg:$0x9] =	wrdreg s1;
	s1 =	sshrl.u32 s24, $0x3  }
0x1a: {  	s19 =	smax.u32 s4, $0x1;
	s21 =	simm.s32 $0x80;
	s1 =	sadd.s32 s0, s1  }
0x1b: {  	v0 =	vimm.f32 $0.0e+00;
	s24 =	simm.s32 $0x7900;
	s0 =	simm.s32 $0x0;
	[dreg:$0xc] =	wrdreg s1  }
.LBB2_1:
0x1c: {  	s1 =	simm.s32 $0x0;
	s3 =	rddreg [dreg:$0x3]  }
0x1d: {  	[tilespmem:s1], [sflag:$0x1] =	stream.linear.gather [hbm4b:s3+s1], $0x50A0, $0x38;
	[tilespmem:$0x19480] =	vst v63  }
0x1e: {  	_ =	swait.ge [sflag:s20], $0x50A0  }
0x1f: {  	[sflag:s20] =	ssyncset.done $0x0  }
0x20: {  	s15 =	rddreg [dreg:$0x4];
	[sflag:s20] =	ssyncadd.s32 $0xFFFFAF60  }
0x21: {  	[tilespmem:s23], [sflag:$0x1] =	stream.strided.gather [hbm4b:s15+s21], $0x2800, s22, s21, $0x38;
	[tilespmem:$0x19480] =	vst v63  }
0x22: {  	_ =	swait.ge [sflag:s20], $0x2800  }
0x23: {  	[sflag:s20] =	ssyncset.done $0x0  }
0x24: {  	s16 =	rddreg [dreg:$0x5];
	[sflag:s20] =	ssyncadd.s32 $0xFFFFD800  }
0x25: {  	[tilespmem:s24], [sflag:$0x1] =	stream.strided.gather [hbm4b:s16+s21], $0x2800, s22, s21, $0x38;
	[tilespmem:$0x19480] =	vst v63  }
0x26: {  	_ =	swait.ge [sflag:s20], $0x2800  }
0x27: {  	[sflag:s20] =	ssyncset.done $0x0  }
0x28: {  	s4 =	simm.s32 $0xF240;
	[sflag:s20] =	ssyncadd.s32 $0xFFFFD800  }
0x29: {  	[tilespmem:s4+$0xFFFFFFC0] =	vst v0  }
0x2a: {  	[tilespmem:s4+$0x30] =	vst v0  }
0x2b: {  	[tilespmem:s4+$0x20] =	vst v0  }
0x2c: {  	[tilespmem:s4+$0x10] =	vst v0  }
0x2d: {  	[tilespmem:s4+$0x0] =	vst v0  }
0x2e: {  	[tilespmem:s4+$0xFFFFFFF0] =	vst v0  }
0x2f: {  	s5 =	simm.s32 $0x0;
	s1 =	simm.s32 $0xA140;
	[tilespmem:s4+$0xFFFFFFE0] =	vst v0  }
.LBB2_2:
0x30: {  	s5 =	sadd.s32 $0x8, s5;
	[tilespmem:s4+$0xFFFFFFD0] =	vst v0;
	s4 =	sadd.s32 $0x80, s4;
	s3 =	simm.s32 $0x40  }
0x31: {  	[tilespmem:s4+$0xFFFFFFC0] =	vst v0;
	p1 =	slt.u32 s5, $0x278  }
0x32: {  	[tilespmem:s4+$0x30] =	vst v0  }
.Ltmp0:
0x33: {  	[tilespmem:s4+$0x20] =	vst v0;
	(pc) =	sbr.rel @p1 .LBB2_2-.Ltmp0, $4  }
0x34: {  	[tilespmem:s4+$0x10] =	vst v0  }
0x35: {  	[tilespmem:s4+$0x0] =	vst v0  }
0x36: {  	[tilespmem:s4+$0xFFFFFFF0] =	vst v0  }
0x37: {  	[tilespmem:s4+$0xFFFFFFE0] =	vst v0  }
0x38: {  	[tilespmem:s4+$0xFFFFFFD0] =	vst v0  }
0x39: {  	v1 =	vld [tilespmem:s3+$0x30];
	_ =	sdelay $0x1  }
0x3a: {  	v3 =	vld [tilespmem:s3+$0xFFFFFFD0];
	_ =	sdelay $0x2  }
0x3b: {  	v2 =	vand.u32 $0x3FFF, v1  }
0x3c: {  	v4 =	vld [tilespmem:s3+$0xFFFFFFE0];
	v1 =	vshrl.u32 v1, $0xE  }
0x3d: {  	v5 =	vld [tilespmem:s3+$0xFFFFFFF0];
	v6 =	vand.u32 $0x3FFF, v3  }
0x3e: {  	v8 =	vld [tilespmem:s3+$0xFFFFFFC0];
	v3 =	vshrl.u32 v3, $0xE  }
0x3f: {  	v11 =	vld [tilespmem:s3+$0x0]  }
0x40: {  	v2 =	vld.idx.msk [tilespmem:v2+s23+$0x0], $0xffff  }
0x41: {  	v7 =	vld.idx.msk [tilespmem:v1+s24+$0x0], $0xffff  }
0x42: {  	v12 =	vand.u32 $0x3FFF, v4;
	v6 =	vld.idx.msk [tilespmem:v6+s23+$0x0], $0xffff  }
0x43: {  	v9 =	vshrl.u32 v4, $0xE;
	v4 =	vand.u32 $0x3FFF, v5;
	v10 =	vshrl.u32 v5, $0xE;
	v5 =	vld.idx.msk [tilespmem:v3+s24+$0x0], $0xffff  }
0x44: {  	s16 =	simm.s32 $0xC0;
	v13 =	vld [tilespmem:s3+$0x10]  }
0x45: {  	v39 =	vld [tilespmem:s16+$0x30]  }
0x46: {  	v21 =	vld [tilespmem:s16+$0xFFFFFFD0];
	v2 =	vadd.f32 v7, v2  }
0x47: {  	v23 =	vld [tilespmem:s16+$0x10]  }
0x48: {  	v15 =	vand.u32 $0x3FFF, v8;
	v7 =	vld [tilespmem:s3+$0x20];
	v5 =	vadd.f32 v5, v6;
	v16 =	vmul.f32 $2.000000030e-01, v2  }
0x49: {  	v14 =	vshrl.u32 v8, $0xE;
	v8 =	vld.idx.msk [tilespmem:v12+s23+$0x0], $0xffff  }
0x4a: {  	v18 =	vld.idx.msk [tilespmem:v9+s24+$0x0], $0xffff;
	v12 =	vshrl.u32 v13, $0xE;
	v20 =	vmul.f32 $2.000000030e-01, v5;
	v2 =	vmax.f32 v2, v16  }
0x4b: {  	v17 =	vand.u32 $0x3FFF, v11;
	v4 =	vld.idx.msk [tilespmem:v4+s23+$0x0], $0xffff;
	v2 =	vmul.f32 $1.442695020e+00, v2  }
0x4c: {  	v11 =	vshrl.u32 v11, $0xE;
	v19 =	vld.idx.msk [tilespmem:v10+s24+$0x0], $0xffff;
	v16 =	vand.u32 $0x3FFF, v13;
	v5 =	vmax.f32 v5, v20  }
0x4d: {  	v6 =	vld.idx.msk [tilespmem:v15+s23+$0x0], $0xffff;
	v13 =	vshrl.u32 v7, $0xE;
	v5 =	vmul.f32 $1.442695020e+00, v5;
	(erf) = vpow2.f32 v2  }
0x4e: {  	v15 =	vld.idx.msk [tilespmem:v14+s24+$0x0], $0xffff;
	v2 =	vand.u32 $0x3FFF, v7  }
0x4f: {  	v38 =	vld.idx.msk [tilespmem:v12+s24+$0x0], $0xffff;
	(erf) = vpow2.f32 v5  }
0x50: {  	v8 =	vadd.f32 v18, v8;
	v7 =	vld.idx.msk [tilespmem:v17+s23+$0x0], $0xffff  }
0x51: {  	v17 =	vld.idx.msk [tilespmem:v11+s24+$0x0], $0xffff  }
0x52: {  	v4 =	vadd.f32 v19, v4;
	v18 =	vmul.f32 $2.000000030e-01, v8;
	v5 =	vld.idx.msk [tilespmem:v13+s24+$0x0], $0xffff  }
0x53: {  	v2 =	vld.idx.msk [tilespmem:v2+s23+$0x0], $0xffff  }
0x54: {  	v8 =	vmax.f32 v8, v18;
	v6 =	vadd.f32 v15, v6;
	v15 =	vmul.f32 $2.000000030e-01, v4;
	v16 =	vld.idx.msk [tilespmem:v16+s23+$0x0], $0xffff  }
0x55: {  	v40 =	vld [tilespmem:s16+$0xFFFFFFE0];
	v8 =	vmul.f32 $1.442695020e+00, v8  }
0x56: {  	v41 =	vand.u32 $0x3FFF, v39;
	v4 =	vmax.f32 v4, v15;
	v15 =	vld [tilespmem:s16+$0xFFFFFFF0];
	v22 =	vpop (erf)  }
0x57: {  	v26 =	vand.u32 $0x3FFF, v23;
	v7 =	vadd.f32 v17, v7;
	(erf) = vpow2.f32 v8;
	v8 =	vld [tilespmem:s16+$0x0];
	[tilespmem:s1+$0x30] =	vst v22  }
0x58: {  	v17 =	vmul.f32 $1.442695020e+00, v4;
	v43 =	vpop (erf);
	v5 =	vadd.f32 v5, v2;
	[tilespmem:v1+s25+$0x0] =	vst.idx.add.f32.msk $0xffff, v22;
	v1 =	vmul.f32 $2.000000030e-01, v6  }
0x59: {  	v25 =	vld [tilespmem:s16+$0x20];
	v24 =	vand.u32 $0x3FFF, v21;
	v4 =	vshrl.u32 v39, $0xE;
	v16 =	vadd.f32 v38, v16;
	[tilespmem:s1+$0xFFFFFFD0] =	vst v43  }
0x5a: {  	(erf) = vpow2.f32 v17;
	[tilespmem:v3+s25+$0x0] =	vst.idx.add.f32.msk $0xffff, v43;
	v3 =	vmul.f32 $2.000000030e-01, v5;
	v1 =	vmax.f32 v6, v1  }
0x5b: {  	v17 =	vld [tilespmem:s16+$0xFFFFFFC0];
	v6 =	vmul.f32 $2.000000030e-01, v7;
	v42 =	vmul.f32 $1.442695020e+00, v1;
	v1 =	vshrl.u32 v21, $0xE  }
0x5c: {  	v45 =	vld.idx.msk [tilespmem:v41+s23+$0x0], $0xffff;
	v5 =	vmax.f32 v5, v3;
	v3 =	vshrl.u32 v15, $0xE  }
0x5d: {  	v26 =	vld.idx.msk [tilespmem:v26+s23+$0x0], $0xffff;
	v50 =	vand.u32 $0x3FFF, v8;
	v2 =	vmax.f32 v7, v6;
	v6 =	vmul.f32 $2.000000030e-01, v16  }
0x5e: {  	v46 =	vld.idx.msk [tilespmem:v4+s24+$0x0], $0xffff;
	v7 =	vand.u32 $0x3FFF, v40;
	v44 =	vmul.f32 $1.442695020e+00, v2  }
0x5f: {  	v2 =	vshrl.u32 v40, $0xE;
	v6 =	vmax.f32 v16, v6;
	v16 =	vand.u32 $0x3FFF, v15;
	v15 =	vld.idx.msk [tilespmem:v24+s23+$0x0], $0xffff  }
0x60: {  	v48 =	vand.u32 $0x3FFF, v17;
	v49 =	vld.idx.msk [tilespmem:v1+s24+$0x0], $0xffff  }
0x61: {  	v27 =	vld.idx.msk [tilespmem:v3+s24+$0x0], $0xffff  }
0x62: {  	v47 =	vmul.f32 $1.442695020e+00, v5;
	v5 =	vshrl.u32 v17, $0xE;
	(erf) = vpow2.f32 v42;
	v20 =	vld.idx.msk [tilespmem:v50+s23+$0x0], $0xffff  }
0x63: {  	v54 =	vand.u32 $0x3FFF, v25;
	v6 =	vmul.f32 $1.442695020e+00, v6;
	v17 =	vld.idx.msk [tilespmem:v7+s23+$0x0], $0xffff  }
0x64: {  	v18 =	vadd.f32 v46, v45;
	(erf) = vpow2.f32 v44;
	v51 =	vld.idx.msk [tilespmem:v2+s24+$0x0], $0xffff  }
0x65: {  	(erf) = vpow2.f32 v6;
	v6 =	vshrl.u32 v8, $0xE;
	v52 =	vld.idx.msk [tilespmem:v48+s23+$0x0], $0xffff  }
0x66: {  	v55 =	vmul.f32 $2.000000030e-01, v18;
	v16 =	vld.idx.msk [tilespmem:v16+s23+$0x0], $0xffff  }
0x67: {  	v53 =	vpop (erf);
	v7 =	vshrl.u32 v23, $0xE;
	v28 =	vld.idx.msk [tilespmem:v5+s24+$0x0], $0xffff;
	(erf) = vpow2.f32 v47;
	v15 =	vadd.f32 v49, v15  }
0x68: {  	[tilespmem:s1+$0xFFFFFFE0] =	vst v53;
	v18 =	vmax.f32 v18, v55;
	v23 =	vld.idx.msk [tilespmem:v54+s23+$0x0], $0xffff  }
0x69: {  	v29 =	vpop (erf);
	v8 =	vshrl.u32 v25, $0xE;
	[tilespmem:v9+s25+$0x0] =	vst.idx.add.f32.msk $0xffff, v53;
	v30 =	vmul.f32 $2.000000030e-01, v15;
	v17 =	vadd.f32 v51, v17  }
0x6a: {  	[tilespmem:s1+$0xFFFFFFF0] =	vst v29;
	v18 =	vmul.f32 $1.442695020e+00, v18;
	v57 =	vld.idx.msk [tilespmem:v6+s24+$0x0], $0xffff  }
0x6b: {  	[tilespmem:v10+s25+$0x0] =	vst.idx.add.f32.msk $0xffff, v29;
	v56 =	vpop (erf);
	v16 =	vadd.f32 v27, v16;
	v15 =	vmax.f32 v15, v30;
	v59 =	vmul.f32 $2.000000030e-01, v17  }
0x6c: {  	(erf) = vpow2.f32 v18;
	v60 =	vld.idx.msk [tilespmem:v7+s24+$0x0], $0xffff;
	[tilespmem:s1+$0xFFFFFFC0] =	vst v56;
	v15 =	vmul.f32 $1.442695020e+00, v15  }
0x6d: {  	v61 =	vadd.f32 v28, v52;
	v58 =	vpop (erf);
	[tilespmem:v14+s25+$0x0] =	vst.idx.add.f32.msk $0xffff, v56;
	v62 =	vmul.f32 $2.000000030e-01, v16;
	v17 =	vmax.f32 v17, v59  }
0x6e: {  	v63 =	vld.idx.msk [tilespmem:v8+s24+$0x0], $0xffff;
	[tilespmem:s1+$0x0] =	vst v58;
	v17 =	vmul.f32 $1.442695020e+00, v17;
	(erf) = vpow2.f32 v15  }
0x6f: {  	v14 =	vmul.f32 $2.000000030e-01, v61;
	v31 =	vpop (erf);
	[tilespmem:v11+s25+$0x0] =	vst.idx.add.f32.msk $0xffff, v58;
	v15 =	vmax.f32 v16, v62;
	v16 =	vadd.f32 v57, v20  }
0x70: {  	[tilespmem:s1+$0x10] =	vst v31;
	v32 =	vpop (erf);
	v9 =	vmul.f32 $1.442695020e+00, v15;
	(erf) = vpow2.f32 v17  }
0x71: {  	v14 =	vmax.f32 v61, v14;
	v10 =	vadd.f32 v60, v26;
	[tilespmem:s1+$0x20] =	vst v32;
	v15 =	vmul.f32 $2.000000030e-01, v16  }
0x72: {  	v14 =	vmul.f32 $1.442695020e+00, v14;
	[tilespmem:v12+s25+$0x0] =	vst.idx.add.f32.msk $0xffff, v31;
	(erf) = vpow2.f32 v9  }
0x73: {  	s4 =	simm.s32 $0x140;
	s3 =	simm.s32 $0x8;
	v11 =	vadd.f32 v63, v23;
	v12 =	vmul.f32 $2.000000030e-01, v10;
	[tilespmem:v13+s25+$0x0] =	vst.idx.add.f32.msk $0xffff, v32;
	v15 =	vmax.f32 v16, v15  }
.LBB2_4:
0x74: {  	v13 =	vld [tilespmem:s4+$0x30];
	v15 =	vmul.f32 $1.442695020e+00, v15;
	(erf) = vpow2.f32 v14;
	v9 =	vmov v8  }
0x75: {  	s1 =	sadd.s32 $0x80, s1;
	v8 =	vld [tilespmem:s4+$0xFFFFFFD0];
	v10 =	vmax.f32 v10, v12;
	v17 =	vmul.f32 $2.000000030e-01, v11;
	v14 =	vpop (erf)  }
0x76: {  	s3 =	sadd.s32 $0x8, s3;
	v16 =	vld [tilespmem:s4+$0xFFFFFFE0];
	v10 =	vmul.f32 $1.442695020e+00, v10;
	[tilespmem:s1+$0x30] =	vst v14;
	(erf) = vpow2.f32 v15  }
0x77: {  	p1 =	slt.u32 s3, $0x500;
	v11 =	vmax.f32 v11, v17;
	[tilespmem:v4+s25+$0x0] =	vst.idx.add.f32.msk $0xffff, v14;
	v12 =	vpop (erf)  }
0x78: {  	v14 =	vld [tilespmem:s4+$0xFFFFFFF0];
	[tilespmem:s1+$0xFFFFFFD0] =	vst v12;
	v11 =	vmul.f32 $1.442695020e+00, v11;
	(erf) = vpow2.f32 v10  }
0x79: {  	v10 =	vld [tilespmem:s4+$0x0];
	v15 =	vand.u32 $0x3FFF, v13;
	v17 =	vpop (erf)  }
0x7a: {  	v4 =	vshrl.u32 v13, $0xE;
	v18 =	vshrl.u32 v8, $0xE;
	v8 =	vand.u32 $0x3FFF, v8;
	v19 =	vld [tilespmem:s4+$0x10];
	[tilespmem:s1+$0xFFFFFFE0] =	vst v17  }
0x7b: {  	v13 =	vshrl.u32 v16, $0xE;
	v16 =	vand.u32 $0x3FFF, v16;
	v20 =	vld [tilespmem:s4+$0x20];
	v21 =	vpop (erf);
	(erf) = vpow2.f32 v11  }
0x7c: {  	v11 =	vld [tilespmem:s4+$0xFFFFFFC0];
	[tilespmem:s1+$0xFFFFFFF0] =	vst v21  }
0x7d: {  	v22 =	vshrl.u32 v14, $0xE;
	v14 =	vand.u32 $0x3FFF, v14;
	[tilespmem:v1+s25+$0x0] =	vst.idx.add.f32.msk $0xffff, v12;
	v12 =	vpop (erf);
	v1 =	vmov v18  }
0x7e: {  	v23 =	vshrl.u32 v10, $0xE;
	v10 =	vand.u32 $0x3FFF, v10;
	v15 =	vld.idx.msk [tilespmem:v15+s23+$0x0], $0xffff;
	[tilespmem:s1+$0xFFFFFFC0] =	vst v12  }
0x7f: {  	v24 =	vshrl.u32 v19, $0xE;
	v19 =	vand.u32 $0x3FFF, v19;
	v25 =	vld.idx.msk [tilespmem:v4+s24+$0x0], $0xffff;
	v26 =	vpop (erf)  }
0x80: {  	v27 =	vld.idx.msk [tilespmem:v8+s23+$0x0], $0xffff;
	v8 =	vshrl.u32 v20, $0xE;
	v20 =	vand.u32 $0x3FFF, v20;
	[tilespmem:s1+$0x0] =	vst v26  }
0x81: {  	v28 =	vshrl.u32 v11, $0xE;
	v11 =	vand.u32 $0x3FFF, v11;
	v18 =	vld.idx.msk [tilespmem:v18+s24+$0x0], $0xffff;
	v29 =	vpop (erf)  }
0x82: {  	v16 =	vld.idx.msk [tilespmem:v16+s23+$0x0], $0xffff;
	[tilespmem:s1+$0x10] =	vst v29  }
0x83: {  	v30 =	vld.idx.msk [tilespmem:v13+s24+$0x0], $0xffff  }
0x84: {  	v14 =	vld.idx.msk [tilespmem:v14+s23+$0x0], $0xffff;
	v31 =	vpop (erf)  }
0x85: {  	v15 =	vadd.f32 v25, v15;
	v32 =	vld.idx.msk [tilespmem:v22+s24+$0x0], $0xffff;
	[tilespmem:s1+$0x20] =	vst v31  }
0x86: {  	v11 =	vld.idx.msk [tilespmem:v11+s23+$0x0], $0xffff  }
0x87: {  	v18 =	vadd.f32 v18, v27;
	v27 =	vmul.f32 $2.000000030e-01, v15;
	v25 =	vld.idx.msk [tilespmem:v28+s24+$0x0], $0xffff  }
0x88: {  	v10 =	vld.idx.msk [tilespmem:v10+s23+$0x0], $0xffff  }
0x89: {  	v33 =	vmul.f32 $2.000000030e-01, v18;
	v16 =	vadd.f32 v30, v16;
	v15 =	vmax.f32 v15, v27;
	v30 =	vld.idx.msk [tilespmem:v23+s24+$0x0], $0xffff  }
0x8a: {  	v15 =	vmul.f32 $1.442695020e+00, v15;
	v19 =	vld.idx.msk [tilespmem:v19+s23+$0x0], $0xffff  }
0x8b: {  	v18 =	vmax.f32 v18, v33;
	v27 =	vmul.f32 $2.000000030e-01, v16;
	v14 =	vadd.f32 v32, v14;
	v32 =	vld.idx.msk [tilespmem:v24+s24+$0x0], $0xffff  }
0x8c: {  	v18 =	vmul.f32 $1.442695020e+00, v18;
	v20 =	vld.idx.msk [tilespmem:v20+s23+$0x0], $0xffff;
	(erf) = vpow2.f32 v15  }
0x8d: {  	v11 =	vadd.f32 v25, v11;
	v15 =	vmax.f32 v16, v27;
	v16 =	vmul.f32 $2.000000030e-01, v14;
	v25 =	vld.idx.msk [tilespmem:v8+s24+$0x0], $0xffff  }
0x8e: {  	v15 =	vmul.f32 $1.442695020e+00, v15;
	(erf) = vpow2.f32 v18;
	[tilespmem:v5+s25+$0x0] =	vst.idx.add.f32.msk $0xffff, v12;
	v5 =	vmov v28  }
.Ltmp1:
0x8f: {  	v12 =	vmul.f32 $2.000000030e-01, v11;
	v14 =	vmax.f32 v14, v16;
	v16 =	vadd.f32 v30, v10;
	[tilespmem:v2+s25+$0x0] =	vst.idx.add.f32.msk $0xffff, v17;
	(pc) =	sbr.rel @p1 .LBB2_4-.Ltmp1, $4  }
0x90: {  	v17 =	vmul.f32 $1.442695020e+00, v14;
	v2 =	vmovc v13;
	(erf) = vpow2.f32 v15;
	[tilespmem:v3+s25+$0x0] =	vst.idx.add.f32.msk $0xffff, v21;
	v3 =	vmov v22  }
0x91: {  	v11 =	vmax.f32 v11, v12;
	v12 =	vmul.f32 $2.000000030e-01, v16;
	v10 =	vadd.f32 v32, v19;
	[tilespmem:v6+s25+$0x0] =	vst.idx.add.f32.msk $0xffff, v26  }
0x92: {  	v14 =	vmul.f32 $1.442695020e+00, v11;
	v6 =	vmovc v23;
	(erf) = vpow2.f32 v17;
	[tilespmem:v7+s25+$0x0] =	vst.idx.add.f32.msk $0xffff, v29;
	v7 =	vmov v24  }
0x93: {  	s4 =	sadd.s32 $0x80, s4;
	v15 =	vmax.f32 v16, v12;
	v12 =	vmul.f32 $2.000000030e-01, v10;
	v11 =	vadd.f32 v25, v20;
	[tilespmem:v9+s25+$0x0] =	vst.idx.add.f32.msk $0xffff, v31  }
0x94: {  	_ = 	snop  }
0x95: {  	v56 =	vmul.f32 $1.442695020e+00, v15;
	(erf) = vpow2.f32 v14  }
0x96: {  	s1 =	sadd.s32 $0x80, s1;
	v9 =	vmul.f32 $2.000000030e-01, v11;
	v10 =	vmax.f32 v10, v12;
	v57 =	vpop (erf)  }
0x97: {  	v10 =	vmul.f32 $1.442695020e+00, v10;
	(erf) = vpow2.f32 v56;
	[tilespmem:s1+$0x30] =	vst v57  }
0x98: {  	v9 =	vmax.f32 v11, v9;
	v58 =	vpop (erf);
	[tilespmem:v4+s25+$0x0] =	vst.idx.add.f32.msk $0xffff, v57  }
0x99: {  	v9 =	vmul.f32 $1.442695020e+00, v9;
	(erf) = vpow2.f32 v10;
	[tilespmem:s1+$0xFFFFFFD0] =	vst v58  }
0x9a: {  	v59 =	vpop (erf);
	[tilespmem:v1+s25+$0x0] =	vst.idx.add.f32.msk $0xffff, v58  }
0x9b: {  	(erf) = vpow2.f32 v9;
	[tilespmem:s1+$0xFFFFFFE0] =	vst v59  }
0x9c: {  	v60 =	vpop (erf);
	[tilespmem:v2+s25+$0x0] =	vst.idx.add.f32.msk $0xffff, v59  }
0x9d: {  	[tilespmem:s1+$0xFFFFFFF0] =	vst v60  }
0x9e: {  	v1 =	vpop (erf);
	[tilespmem:v3+s25+$0x0] =	vst.idx.add.f32.msk $0xffff, v60  }
0x9f: {  	[tilespmem:s1+$0xFFFFFFC0] =	vst v1  }
0xa0: {  	v61 =	vpop (erf);
	[tilespmem:v5+s25+$0x0] =	vst.idx.add.f32.msk $0xffff, v1  }
0xa1: {  	[tilespmem:s1+$0x0] =	vst v61  }
0xa2: {  	v62 =	vpop (erf);
	[tilespmem:v6+s25+$0x0] =	vst.idx.add.f32.msk $0xffff, v61  }
0xa3: {  	[tilespmem:s1+$0x10] =	vst v62  }
0xa4: {  	v63 =	vpop (erf);
	[tilespmem:v7+s25+$0x0] =	vst.idx.add.f32.msk $0xffff, v62  }
0xa5: {  	[tilespmem:s1+$0x20] =	vst v63  }
0xa6: {  	s1 =	simm.s32 $0x0;
	[tilespmem:v8+s25+$0x0] =	vst.idx.add.f32.msk $0xffff, v63  }
.LBB2_6:
0xa7: {  	s3 =	sshra.s32 s1, $0x2  }
0xa8: {  	v1 =	vld [tilespmem:s3+$0x5080];
	_ =	sdelay $0x4  }
0xa9: {  	v2 =	vand.u32 $0x3FFF, v1  }
0xaa: {  	v1 =	vshrl.u32 v1, $0xE;
	_ =	sdelay $0x3  }
0xab: {  	v2 =	vld.idx.msk [tilespmem:v2+s23+$0x0], $0xffff  }
0xac: {  	v3 =	vld.idx.msk [tilespmem:v1+s24+$0x0], $0xffff;
	_ =	sdelay $0x4  }
0xad: {  	v2 =	vadd.f32 v3, v2;
	_ =	sdelay $0x1  }
0xae: {  	v3 =	vmul.f32 $2.000000030e-01, v2;
	_ =	sdelay $0x1  }
0xaf: {  	v2 =	vmax.f32 v2, v3  }
0xb0: {  	v2 =	vmul.f32 $1.442695020e+00, v2;
	_ =	sdelay $0x1  }
0xb1: {  	(erf) = vpow2.f32 v2;
	_ =	sdelay $0x5  }
0xb2: {  	p1 =	sne.s32 s1, $0x40  }
.Ltmp2:
0xb3: {  	_ = 	snop;
	(pc) =	sbr.rel @p1 .LBB2_6-.Ltmp2, $4  }
0xb4: {  	_ = 	snop  }
0xb5: {  	v2 =	vpop (erf)  }
0xb6: {  	[tilespmem:s3+$0xF180] =	vst v2  }
0xb7: {  	s1 =	sadd.s32 $0x40, s1;
	[tilespmem:v1+s25+$0x0] =	vst.idx.add.f32.msk $0xffff, v2  }
0xb8: {  	[spmem:s7] =	stream.strided.scatter [tilespmem:s25], [sflag:$0x1], $0x2800, s22, s21, $0x38;
	[tilespmem:$0x19480] =	vst v63  }
0xb9: {  	_ =	swait.ge [sflag:s20], $0x2800  }
0xba: {  	[sflag:s20] =	ssyncset.done $0x0  }
0xbb: {  	[sflag:s20] =	ssyncadd.s32 $0xFFFFD800  }
0xbc: {  	s6 =	simm.s32 $0x0;
	[bflag:$0x0] =	sbarrier.arrive $0xFFFF  }
0xbd: {  	[tilespmem:s29], [sflag:$0x1] =	stream.strided.gather [spmem:s8], $0x2800, s28, s26, $0x38;
	[tilespmem:$0x19480] =	vst v63  }
0xbe: {  	s1 =	sand.u32 $0x60, s6;
	s3 =	sand.u32 $0x1C00, s6;
	_ =	swait.ge [sflag:s20], $0x2800  }
0xbf: {  	s4 =	sor.u32 $0x14200, s3;
	s9 =	sor.u32 $0x10, s1;
	[sflag:s20] =	ssyncset.done $0x0  }
0xc0: {  	s5 =	sor.u32 s9, s4;
	[sflag:s20] =	ssyncadd.s32 $0xFFFFD800  }
0xc1: {  	v1 =	vld [tilespmem:s5+$0x0]  }
0xc2: {  	s4 =	sor.u32 s1, s4;
	v2 =	vld [tilespmem:s5+$0x80]  }
0xc3: {  	v3 =	vld [tilespmem:s4+$0x0]  }
0xc4: {  	v4 =	vld [tilespmem:s5+$0x100]  }
0xc5: {  	v5 =	vld [tilespmem:s4+$0x80]  }
0xc6: {  	v6 =	vld [tilespmem:s5+$0x180]  }
0xc7: {  	v7 =	vld [tilespmem:s4+$0x100]  }
0xc8: {  	v8 =	vld [tilespmem:s5+$0x200]  }
0xc9: {  	v9 =	vld [tilespmem:s4+$0x180]  }
0xca: {  	v10 =	vld [tilespmem:s5+$0x280]  }
0xcb: {  	v11 =	vld [tilespmem:s4+$0x200]  }
0xcc: {  	v12 =	vld [tilespmem:s5+$0x300]  }
0xcd: {  	v13 =	vld [tilespmem:s4+$0x280]  }
0xce: {  	s10 =	sadd.s32 $0x15600, s3;
	v14 =	vld [tilespmem:s5+$0x380]  }
0xcf: {  	s16 =	sor.u32 s9, s10;
	v15 =	vld [tilespmem:s4+$0x300]  }
0xd0: {  	s11 =	sadd.s32 $0x15680, s3;
	v16 =	vld [tilespmem:s16+$0x0]  }
0xd1: {  	v17 =	vld [tilespmem:s4+$0x380];
	s5 =	sor.u32 s9, s11;
	v1 =	vadd.f32 v2, v1  }
0xd2: {  	s13 =	sadd.s32 $0x15700, s3;
	s12 =	sor.u32 s1, s10;
	v2 =	vld [tilespmem:s5+$0x0];
	v3 =	vadd.f32 v5, v3  }
0xd3: {  	v5 =	vld [tilespmem:s12+$0x0];
	s12 =	sor.u32 s1, s13;
	v1 =	vadd.f32 v4, v1  }
0xd4: {  	s14 =	sor.u32 s9, s13;
	v51 =	vld [tilespmem:s12+$0x0];
	v3 =	vadd.f32 v7, v3  }
0xd5: {  	s15 =	sor.u32 s1, s11;
	s13 =	sadd.s32 $0x15800, s3;
	v4 =	vld [tilespmem:s14+$0x0];
	v1 =	vadd.f32 v6, v1  }
0xd6: {  	s16 =	sadd.s32 $0x15780, s3;
	s12 =	sor.u32 s1, s13;
	v7 =	vld [tilespmem:s15+$0x0];
	v3 =	vadd.f32 v9, v3  }
0xd7: {  	s10 =	sadd.s32 $0x15900, s3;
	s15 =	sor.u32 s1, s16;
	v54 =	vld [tilespmem:s12+$0x0];
	v1 =	vadd.f32 v8, v1  }
0xd8: {  	s14 =	sor.u32 s9, s13;
	s13 =	sor.u32 s9, s10;
	v52 =	vld [tilespmem:s15+$0x0];
	v3 =	vadd.f32 v11, v3  }
0xd9: {  	s5 =	sor.u32 s9, s16;
	v55 =	vld [tilespmem:s13+$0x0];
	v1 =	vadd.f32 v10, v1  }
0xda: {  	s16 =	sadd.s32 $0x15880, s3;
	s13 =	sor.u32 s1, s10;
	v6 =	vld [tilespmem:s5+$0x0];
	v3 =	vadd.f32 v13, v3  }
0xdb: {  	s15 =	sadd.s32 $0x15980, s3;
	s5 =	sor.u32 s9, s16;
	v58 =	vld [tilespmem:s13+$0x0];
	v1 =	vadd.f32 v12, v1  }
0xdc: {  	s11 =	sor.u32 s1, s15;
	v53 =	vld [tilespmem:s5+$0x0];
	v3 =	vadd.f32 v15, v3  }
0xdd: {  	s12 =	simm.s32 $0x100;
	s3 =	simm.s32 $0x20;
	v59 =	vld [tilespmem:s11+$0x0];
	v1 =	vadd.f32 v14, v1  }
0xde: {  	s10 =	sand.u32 $0x1C00, s12;
	s4 =	sand.u32 $0x60, s3;
	v8 =	vld [tilespmem:s14+$0x0];
	s14 =	sor.u32 s1, s16;
	v3 =	vadd.f32 v17, v3  }
0xdf: {  	s12 =	sor.u32 $0x14200, s10;
	s16 =	sor.u32 s9, s15;
	s1 =	sor.u32 $0x10, s4;
	v56 =	vld [tilespmem:s14+$0x0];
	v1 =	vadd.f32 v16, v1  }
0xe0: {  	v57 =	vld [tilespmem:s16+$0x0];
	s14 =	sor.u32 s1, s12;
	v3 =	vadd.f32 v5, v3  }
0xe1: {  	v5 =	vld [tilespmem:s14+$0x0];
	v1 =	vadd.f32 v2, v1  }
0xe2: {  	s15 =	sor.u32 s4, s12;
	v2 =	vld [tilespmem:s14+$0x80];
	v3 =	vadd.f32 v7, v3  }
0xe3: {  	v60 =	vld [tilespmem:s15+$0x80];
	v1 =	vadd.f32 v4, v1  }
0xe4: {  	v4 =	vld [tilespmem:s14+$0x100];
	v3 =	vadd.f32 v51, v3  }
0xe5: {  	v7 =	vld [tilespmem:s15+$0x0];
	v1 =	vadd.f32 v6, v1  }
0xe6: {  	v6 =	vld [tilespmem:s14+$0x180];
	v3 =	vadd.f32 v52, v3  }
0xe7: {  	v2 =	vadd.f32 v2, v5;
	v5 =	vld [tilespmem:s15+$0x100];
	v1 =	vadd.f32 v8, v1  }
0xe8: {  	v8 =	vld [tilespmem:s14+$0x200];
	v3 =	vadd.f32 v54, v3  }
0xe9: {  	v2 =	vadd.f32 v4, v2;
	v4 =	vld [tilespmem:s15+$0x180];
	v1 =	vadd.f32 v53, v1  }
0xea: {  	v61 =	vld [tilespmem:s14+$0x280];
	v7 =	vadd.f32 v60, v7;
	v3 =	vadd.f32 v56, v3  }
0xeb: {  	v2 =	vadd.f32 v6, v2;
	v6 =	vld [tilespmem:s15+$0x200];
	v1 =	vadd.f32 v55, v1  }
0xec: {  	v5 =	vadd.f32 v5, v7;
	v7 =	vld [tilespmem:s14+$0x300];
	v3 =	vadd.f32 v58, v3  }
0xed: {  	v2 =	vadd.f32 v8, v2;
	v8 =	vld [tilespmem:s15+$0x280];
	v1 =	vadd.f32 v57, v1  }
0xee: {  	s16 =	sadd.s32 $0x15600, s10;
	v4 =	vadd.f32 v4, v5;
	v5 =	vld [tilespmem:s14+$0x380];
	v3 =	vadd.f32 v59, v3  }
0xef: {  	v62 =	vld [tilespmem:s15+$0x300];
	s13 =	sor.u32 s1, s16;
	v2 =	vadd.f32 v61, v2;
	v1 =	vadd.f32 $1.000000020e-16, v1  }
0xf0: {  	s14 =	sadd.s32 $0x15680, s10;
	v4 =	vadd.f32 v6, v4;
	v6 =	vld [tilespmem:s13+$0x0];
	v3 =	vadd.f32 $1.000000020e-16, v3  }
0xf1: {  	v2 =	vadd.f32 v7, v2;
	v7 =	vld [tilespmem:s15+$0x380];
	s15 =	sor.u32 s1, s14;
	(erf) = vrcp.f32 v1  }
0xf2: {  	s11 =	sor.u32 s4, s16;
	s16 =	sadd.s32 $0x15700, s10;
	v1 =	vld [tilespmem:s15+$0x0];
	(erf) = vrcp.f32 v3;
	v3 =	vadd.f32 v8, v4  }
0xf3: {  	v4 =	vld [tilespmem:s11+$0x0];
	v2 =	vadd.f32 v5, v2;
	s11 =	sor.u32 s1, s16  }
0xf4: {  	s13 =	sadd.s32 $0x15780, s10;
	s14 =	sor.u32 s4, s14;
	v5 =	vld [tilespmem:s11+$0x0];
	v3 =	vadd.f32 v62, v3  }
0xf5: {  	s15 =	sor.u32 s1, s13;
	v8 =	vld [tilespmem:s14+$0x0];
	v2 =	vadd.f32 v6, v2  }
0xf6: {  	s12 =	sadd.s32 $0x15800, s10;
	s16 =	sor.u32 s4, s16;
	v6 =	vld [tilespmem:s15+$0x0];
	v3 =	vadd.f32 v7, v3  }
0xf7: {  	s14 =	sor.u32 s1, s12;
	v7 =	vld [tilespmem:s16+$0x0];
	v1 =	vadd.f32 v1, v2  }
0xf8: {  	v63 =	vld [tilespmem:s14+$0x0];
	s15 =	sor.u32 s4, s13;
	s13 =	sadd.s32 $0x15880, s10;
	v3 =	vadd.f32 v4, v3  }
0xf9: {  	s5 =	simm.s32 $0x16A00;
	v2 =	vld [tilespmem:s15+$0x0];
	s16 =	sor.u32 s1, s13;
	v4 =	vadd.f32 v5, v1  }
0xfa: {  	s12 =	sor.u32 s4, s12;
	s14 =	sand.u32 $0x380, s6;
	s15 =	sadd.s32 $0x15900, s10;
	v1 =	vld [tilespmem:s16+$0x0];
	v8 =	vadd.f32 v8, v3  }
0xfb: {  	s6 =	simm.s32 $0x2;
	s9 =	sor.u32 s9, s14;
	s14 =	sor.u32 s1, s15;
	v5 =	vpop (erf);
	v3 =	vld [tilespmem:s12+$0x0];
	v6 =	vadd.f32 v6, v4  }
0xfc: {  	s16 =	sor.u32 s4, s13;
	s13 =	sor.u32 s4, s15;
	s12 =	sadd.s32 $0x15980, s10;
	v4 =	vld [tilespmem:s14+$0x0];
	[tilespmem:s9+$0x16A00] =	vst v5;
	v5 =	vpop (erf);
	v7 =	vadd.f32 v7, v8  }
0xfd: {  	s10 =	simm.s32 $0x40;
	s14 =	sor.u32 s1, s12;
	s9 =	simm.s32 $0x200;
	[tilespmem:s5+$0x0] =	vst v5;
	v5 =	vld [tilespmem:s16+$0x0];
	v6 =	vadd.f32 v63, v6  }
.LBB2_8:
0xfe: {  	s11 =	sand.u32 $0x1C00, s9;
	v2 =	vadd.f32 v2, v7;
	s15 =	sor.u32 s4, s12;
	s4 =	sand.u32 $0x60, s10;
	v7 =	vld [tilespmem:s14+$0x0]  }
0xff: {  	s6 =	sadd.s32 $0x2, s6;
	s14 =	sor.u32 $0x14200, s11;
	s12 =	sor.u32 $0x10, s4;
	v8 =	vld [tilespmem:s13+$0x0];
	v1 =	vadd.f32 v1, v6  }
0x100: {  	p1 =	slt.u32 s6, $0x26;
	s13 =	sor.u32 s4, s14;
	s14 =	sor.u32 s12, s14;
	v2 =	vadd.f32 v3, v2;
	v3 =	vld [tilespmem:s15+$0x0]  }
0x101: {  	v6 =	vld [tilespmem:s14+$0x0];
	v1 =	vadd.f32 v4, v1  }
0x102: {  	v4 =	vld [tilespmem:s14+$0x80];
	v2 =	vadd.f32 v5, v2  }
0x103: {  	v5 =	vld [tilespmem:s13+$0x0];
	v1 =	vadd.f32 v7, v1  }
0x104: {  	v7 =	vld [tilespmem:s14+$0x100];
	v2 =	vadd.f32 v8, v2  }
0x105: {  	v8 =	vld [tilespmem:s13+$0x80];
	v1 =	vadd.f32 $1.000000020e-16, v1  }
0x106: {  	v9 =	vld [tilespmem:s14+$0x180];
	v2 =	vadd.f32 v3, v2  }
0x107: {  	v3 =	vld [tilespmem:s13+$0x100];
	v4 =	vadd.f32 v4, v6;
	(erf) = vrcp.f32 v1  }
0x108: {  	v1 =	vld [tilespmem:s14+$0x200];
	v2 =	vadd.f32 $1.000000020e-16, v2  }
0x109: {  	v6 =	vld [tilespmem:s13+$0x180];
	v4 =	vadd.f32 v7, v4  }
0x10a: {  	v5 =	vadd.f32 v8, v5;
	v7 =	vld [tilespmem:s14+$0x280];
	(erf) = vrcp.f32 v2  }
0x10b: {  	v2 =	vld [tilespmem:s13+$0x200];
	v4 =	vadd.f32 v9, v4  }
0x10c: {  	v3 =	vadd.f32 v3, v5;
	v5 =	vld [tilespmem:s14+$0x300]  }
0x10d: {  	v8 =	vld [tilespmem:s13+$0x280];
	v1 =	vadd.f32 v1, v4  }
0x10e: {  	s15 =	sadd.s32 $0x15600, s11;
	v3 =	vadd.f32 v6, v3;
	v4 =	vld [tilespmem:s14+$0x380]  }
0x10f: {  	s3 =	sand.u32 $0x380, s3;
	s14 =	sor.u32 s4, s15;
	s15 =	sor.u32 s12, s15;
	v6 =	vld [tilespmem:s13+$0x300];
	v1 =	vadd.f32 v7, v1  }
0x110: {  	s16 =	sadd.s32 $0x15680, s11;
	s3 =	sor.u32 s1, s3;
	s1 =	smov.u32 s12;
	v2 =	vadd.f32 v2, v3;
	v3 =	vld [tilespmem:s15+$0x0];
	v7 =	vpop (erf)  }
0x111: {  	s12 =	sor.u32 s4, s16;
	v9 =	vld [tilespmem:s13+$0x380];
	v1 =	vadd.f32 v5, v1;
	s13 =	sor.u32 s1, s16;
	[tilespmem:s3+$0x16A00] =	vst v7;
	s3 =	smov.u32 s10  }
0x112: {  	s15 =	sadd.s32 $0x15700, s11;
	v2 =	vadd.f32 v8, v2;
	v5 =	vld [tilespmem:s13+$0x0]  }
0x113: {  	s5 =	sadd.s32 $0x20, s5;
	s13 =	sor.u32 s4, s15;
	v7 =	vld [tilespmem:s14+$0x0];
	v1 =	vadd.f32 v4, v1;
	s14 =	sor.u32 s1, s15;
	v4 =	vpop (erf)  }
0x114: {  	s15 =	sadd.s32 $0x15780, s11;
	v2 =	vadd.f32 v6, v2;
	v6 =	vld [tilespmem:s14+$0x0];
	[tilespmem:s5+$0x0] =	vst v4  }
0x115: {  	s14 =	sor.u32 s1, s15;
	v4 =	vld [tilespmem:s12+$0x0];
	s12 =	sor.u32 s4, s15;
	v1 =	vadd.f32 v3, v1  }
0x116: {  	s15 =	sadd.s32 $0x15800, s11;
	v2 =	vadd.f32 v9, v2;
	v8 =	vld [tilespmem:s14+$0x0]  }
0x117: {  	s14 =	sor.u32 s1, s15;
	v9 =	vld [tilespmem:s13+$0x0];
	s13 =	sor.u32 s4, s15;
	v1 =	vadd.f32 v5, v1  }
0x118: {  	s15 =	sadd.s32 $0x15880, s11;
	v3 =	vadd.f32 v7, v2;
	v10 =	vld [tilespmem:s14+$0x0]  }
.Ltmp3:
0x119: {  	s14 =	sor.u32 s4, s15;
	v2 =	vld [tilespmem:s12+$0x0];
	v5 =	vadd.f32 v6, v1;
	s12 =	sor.u32 s1, s15;
	(pc) =	sbr.rel @p1 .LBB2_8-.Ltmp3, $4  }
0x11a: {  	s15 =	sadd.s32 $0x15900, s11;
	v4 =	vadd.f32 v4, v3;
	v1 =	vld [tilespmem:s12+$0x0]  }
0x11b: {  	v3 =	vld [tilespmem:s13+$0x0];
	s13 =	sor.u32 s4, s15;
	v6 =	vadd.f32 v8, v5;
	s15 =	sor.u32 s1, s15  }
0x11c: {  	s12 =	sadd.s32 $0x15980, s11;
	v7 =	vadd.f32 v9, v4;
	v4 =	vld [tilespmem:s15+$0x0]  }
0x11d: {  	s9 =	sadd.s32 $0x100, s9;
	s10 =	sadd.s32 $0x20, s10;
	v5 =	vld [tilespmem:s14+$0x0];
	v6 =	vadd.f32 v10, v6;
	s14 =	sor.u32 s1, s12  }
0x11e: {  	v2 =	vadd.f32 v2, v7  }
0x11f: {  	v63 =	vld [tilespmem:s13+$0x0]  }
0x120: {  	s4 =	sor.u32 s4, s12;
	v8 =	vld [tilespmem:s14+$0x0];
	v2 =	vadd.f32 v3, v2  }
0x121: {  	v1 =	vadd.f32 v1, v6;
	v3 =	vld [tilespmem:s4+$0x0]  }
0x122: {  	v2 =	vadd.f32 v5, v2  }
0x123: {  	v1 =	vadd.f32 v4, v1  }
0x124: {  	v2 =	vadd.f32 v63, v2  }
0x125: {  	v1 =	vadd.f32 v8, v1  }
0x126: {  	v2 =	vadd.f32 v3, v2  }
0x127: {  	v1 =	vadd.f32 $1.000000020e-16, v1  }
0x128: {  	v2 =	vadd.f32 $1.000000020e-16, v2  }
0x129: {  	(erf) = vrcp.f32 v1  }
0x12a: {  	(erf) = vrcp.f32 v2;
	_ =	sdelay $0x6  }
0x12b: {  	s3 =	sand.u32 $0x380, s3  }
0x12c: {  	s1 =	sor.u32 s1, s3;
	v1 =	vpop (erf)  }
0x12d: {  	s16 =	sadd.s32 $0x20, s5;
	[tilespmem:s1+$0x16A00] =	vst v1;
	v1 =	vpop (erf)  }
0x12e: {  	[tilespmem:s16+$0x0] =	vst v1  }
0x12f: {  	[spmem:s8] =	stream.strided.scatter [tilespmem:s30], [sflag:$0x1], $0x280, s22, s21, $0x38;
	[tilespmem:$0x19480] =	vst v63  }
0x130: {  	_ =	swait.ge [sflag:s20], $0x280  }
0x131: {  	[sflag:s20] =	ssyncset.done $0x0  }
0x132: {  	[sflag:s20] =	ssyncadd.s32 $0xFFFFFD80  }
0x133: {  	[bflag:$0x0] =	sbarrier.arrive $0xFFFF  }
0x134: {  	[tilespmem:s31], [sflag:$0x1] =	stream.strided.gather [spmem:s2], $0x2800, s22, s21, $0x38;
	[tilespmem:$0x19480] =	vst v63  }
0x135: {  	_ =	swait.ge [sflag:s20], $0x2800  }
0x136: {  	[sflag:s20] =	ssyncset.done $0x0  }
0x137: {  	[sflag:s20] =	ssyncadd.s32 $0xFFFFD800  }
0x138: {  	s3 =	simm.s32 $0xF240;
	[bflag:$0x0] =	sbarrier.arrive $0xFFFF  }
0x139: {  	[tilespmem:s3+$0xFFFFFFC0] =	vst v0  }
0x13a: {  	[tilespmem:s3+$0x30] =	vst v0  }
0x13b: {  	[tilespmem:s3+$0x20] =	vst v0  }
0x13c: {  	[tilespmem:s3+$0x10] =	vst v0  }
0x13d: {  	[tilespmem:s3+$0x0] =	vst v0  }
0x13e: {  	[tilespmem:s3+$0xFFFFFFF0] =	vst v0  }
0x13f: {  	s4 =	simm.s32 $0x0;
	[tilespmem:s3+$0xFFFFFFE0] =	vst v0  }
.LBB2_10:
0x140: {  	s4 =	sadd.s32 $0x8, s4;
	[tilespmem:s3+$0xFFFFFFD0] =	vst v0;
	s3 =	sadd.s32 $0x80, s3  }
0x141: {  	[tilespmem:s3+$0xFFFFFFC0] =	vst v0;
	p1 =	slt.u32 s4, $0x278  }
0x142: {  	[tilespmem:s3+$0x30] =	vst v0  }
.Ltmp4:
0x143: {  	[tilespmem:s3+$0x20] =	vst v0;
	(pc) =	sbr.rel @p1 .LBB2_10-.Ltmp4, $4  }
0x144: {  	[tilespmem:s3+$0x10] =	vst v0  }
0x145: {  	[tilespmem:s3+$0x0] =	vst v0  }
0x146: {  	[tilespmem:s3+$0xFFFFFFF0] =	vst v0  }
0x147: {  	s1 =	simm.s32 $0xA140;
	[tilespmem:s3+$0xFFFFFFE0] =	vst v0  }
0x148: {  	[tilespmem:s3+$0xFFFFFFD0] =	vst v0;
	s16 =	simm.s32 $0x40  }
0x149: {  	v1 =	vld [tilespmem:s16+$0x30]  }
0x14a: {  	v2 =	vld [tilespmem:s16+$0xFFFFFFD0]  }
0x14b: {  	v3 =	vld [tilespmem:s16+$0xFFFFFFE0]  }
0x14c: {  	v4 =	vld [tilespmem:s16+$0xFFFFFFF0]  }
0x14d: {  	v5 =	vld [tilespmem:s16+$0x0]  }
0x14e: {  	v7 =	vld [tilespmem:s16+$0x10]  }
0x14f: {  	v9 =	vld [tilespmem:s16+$0xFFFFFFC0]  }
0x150: {  	v11 =	vld [tilespmem:s16+$0x20];
	v6 =	vshrl.u32 v1, $0xE  }
0x151: {  	v15 =	vld [tilespmem:s1+$0x30]  }
0x152: {  	v59 =	vld [tilespmem:s1+$0xFFFFFFD0]  }
0x153: {  	v60 =	vld [tilespmem:s1+$0xFFFFFFE0]  }
0x154: {  	v18 =	vld [tilespmem:s1+$0xFFFFFFF0];
	v8 =	vshrl.u32 v2, $0xE  }
0x155: {  	v13 =	vshrl.u32 v5, $0xE;
	v6 =	vld.idx.msk [tilespmem:v6+s31+$0x0], $0xffff  }
0x156: {  	v19 =	vld [tilespmem:s1+$0x0];
	v16 =	vshrl.u32 v9, $0xE  }
0x157: {  	v61 =	vld [tilespmem:s1+$0x10];
	v1 =	vand.u32 $0x3FFF, v1  }
0x158: {  	v62 =	vld [tilespmem:s1+$0x20]  }
0x159: {  	v12 =	vshrl.u32 v4, $0xE;
	v8 =	vld.idx.msk [tilespmem:v8+s31+$0x0], $0xffff  }
0x15a: {  	v10 =	vshrl.u32 v3, $0xE;
	v13 =	vld.idx.msk [tilespmem:v13+s31+$0x0], $0xffff;
	v6 =	vmul.f32 v15, v6  }
0x15b: {  	v14 =	vshrl.u32 v7, $0xE;
	v58 =	vld.idx.msk [tilespmem:v16+s31+$0x0], $0xffff  }
0x15c: {  	v17 =	vshrl.u32 v11, $0xE;
	[tilespmem:v1+s25+$0x0] =	vst.idx.add.f32.msk $0xffff, v6  }
0x15d: {  	v2 =	vand.u32 $0x3FFF, v2;
	v1 =	vld [tilespmem:s1+$0xFFFFFFC0]  }
0x15e: {  	v5 =	vand.u32 $0x3FFF, v5;
	v12 =	vld.idx.msk [tilespmem:v12+s31+$0x0], $0xffff  }
0x15f: {  	v9 =	vand.u32 $0x3FFF, v9;
	v10 =	vld.idx.msk [tilespmem:v10+s31+$0x0], $0xffff  }
0x160: {  	v4 =	vand.u32 $0x3FFF, v4;
	v14 =	vld.idx.msk [tilespmem:v14+s31+$0x0], $0xffff;
	v8 =	vmul.f32 v59, v8  }
0x161: {  	v3 =	vand.u32 $0x3FFF, v3;
	v63 =	vmul.f32 v19, v13;
	v6 =	vld.idx.msk [tilespmem:v17+s31+$0x0], $0xffff  }
0x162: {  	[tilespmem:v2+s25+$0x0] =	vst.idx.add.f32.msk $0xffff, v8;
	v1 =	vmul.f32 v1, v58  }
0x163: {  	v2 =	vmul.f32 v18, v12;
	[tilespmem:v5+s25+$0x0] =	vst.idx.add.f32.msk $0xffff, v63  }
0x164: {  	[tilespmem:v9+s25+$0x0] =	vst.idx.add.f32.msk $0xffff, v1;
	v1 =	vmul.f32 v60, v10  }
0x165: {  	[tilespmem:v4+s25+$0x0] =	vst.idx.add.f32.msk $0xffff, v2;
	v2 =	vand.u32 $0x3FFF, v11  }
0x166: {  	s3 =	simm.s32 $0x0;
	s4 =	simm.s32 $0xC0;
	v4 =	vmul.f32 v62, v6;
	[tilespmem:v3+s25+$0x0] =	vst.idx.add.f32.msk $0xffff, v1;
	v1 =	vand.u32 $0x3FFF, v7;
	v3 =	vmul.f32 v61, v14  }
.LBB2_12:
0x167: {  	v5 =	vld [tilespmem:s4+$0x30];
	s3 =	sadd.s32 $0x8, s3  }
0x168: {  	v6 =	vld [tilespmem:s4+$0xFFFFFFD0];
	p1 =	slt.u32 s3, $0x500  }
0x169: {  	v7 =	vld [tilespmem:s4+$0xFFFFFFE0]  }
0x16a: {  	v8 =	vld [tilespmem:s4+$0xFFFFFFF0]  }
0x16b: {  	v9 =	vld [tilespmem:s4+$0x0]  }
0x16c: {  	v10 =	vld [tilespmem:s4+$0x10];
	v11 =	vshrl.u32 v5, $0xE  }
0x16d: {  	v12 =	vshrl.u32 v6, $0xE;
	v6 =	vand.u32 $0x3FFF, v6;
	v13 =	vld [tilespmem:s4+$0x20]  }
0x16e: {  	v14 =	vld [tilespmem:s4+$0xFFFFFFC0];
	v15 =	vshrl.u32 v7, $0xE;
	v7 =	vand.u32 $0x3FFF, v7  }
0x16f: {  	v16 =	vshrl.u32 v8, $0xE;
	v8 =	vand.u32 $0x3FFF, v8;
	[tilespmem:v1+s25+$0x0] =	vst.idx.add.f32.msk $0xffff, v3  }
0x170: {  	v3 =	vshrl.u32 v9, $0xE;
	v9 =	vand.u32 $0x3FFF, v9;
	[tilespmem:v2+s25+$0x0] =	vst.idx.add.f32.msk $0xffff, v4  }
0x171: {  	s1 =	sadd.s32 $0x80, s1;
	v4 =	vshrl.u32 v10, $0xE;
	v1 =	vand.u32 $0x3FFF, v10;
	v10 =	vld.idx.msk [tilespmem:v11+s31+$0x0], $0xffff  }
0x172: {  	v11 =	vshrl.u32 v13, $0xE;
	v2 =	vand.u32 $0x3FFF, v13;
	v13 =	vld [tilespmem:s1+$0x30]  }
0x173: {  	v17 =	vshrl.u32 v14, $0xE;
	v14 =	vand.u32 $0x3FFF, v14;
	v12 =	vld.idx.msk [tilespmem:v12+s31+$0x0], $0xffff  }
0x174: {  	v5 =	vand.u32 $0x3FFF, v5;
	v15 =	vld.idx.msk [tilespmem:v15+s31+$0x0], $0xffff  }
0x175: {  	v16 =	vld.idx.msk [tilespmem:v16+s31+$0x0], $0xffff  }
0x176: {  	v3 =	vld.idx.msk [tilespmem:v3+s31+$0x0], $0xffff  }
0x177: {  	v4 =	vld.idx.msk [tilespmem:v4+s31+$0x0], $0xffff;
	v10 =	vmul.f32 v13, v10  }
0x178: {  	v13 =	vld.idx.msk [tilespmem:v17+s31+$0x0], $0xffff  }
0x179: {  	s5 =	simm.s32 $0x0;
	[tilespmem:v5+s25+$0x0] =	vst.idx.add.f32.msk $0xffff, v10  }
0x17a: {  	v5 =	vld.idx.msk [tilespmem:v11+s31+$0x0], $0xffff  }
0x17b: {  	v10 =	vld [tilespmem:s1+$0xFFFFFFC0]  }
0x17c: {  	v11 =	vld [tilespmem:s1+$0xFFFFFFD0]  }
0x17d: {  	v17 =	vld [tilespmem:s1+$0xFFFFFFE0]  }
0x17e: {  	v18 =	vld [tilespmem:s1+$0xFFFFFFF0]  }
0x17f: {  	v19 =	vld [tilespmem:s1+$0x0]  }
0x180: {  	v10 =	vmul.f32 v10, v13;
	v13 =	vld [tilespmem:s1+$0x10]  }
0x181: {  	v11 =	vmul.f32 v11, v12;
	v12 =	vld [tilespmem:s1+$0x20]  }
.Ltmp5:
0x182: {  	[tilespmem:v14+s25+$0x0] =	vst.idx.add.f32.msk $0xffff, v10;
	v10 =	vmul.f32 v17, v15;
	(pc) =	sbr.rel @p1 .LBB2_12-.Ltmp5, $4  }
0x183: {  	[tilespmem:v6+s25+$0x0] =	vst.idx.add.f32.msk $0xffff, v11;
	v6 =	vmul.f32 v18, v16  }
0x184: {  	[tilespmem:v7+s25+$0x0] =	vst.idx.add.f32.msk $0xffff, v10;
	v7 =	vmul.f32 v19, v3  }
0x185: {  	[tilespmem:v8+s25+$0x0] =	vst.idx.add.f32.msk $0xffff, v6;
	v3 =	vmul.f32 v13, v4  }
0x186: {  	s4 =	sadd.s32 $0x80, s4;
	[tilespmem:v9+s25+$0x0] =	vst.idx.add.f32.msk $0xffff, v7;
	v4 =	vmul.f32 v12, v5  }
0x187: {  	_ =	sdelay $0x3  }
0x188: {  	[tilespmem:v1+s25+$0x0] =	vst.idx.add.f32.msk $0xffff, v3  }
0x189: {  	[tilespmem:v2+s25+$0x0] =	vst.idx.add.f32.msk $0xffff, v4  }
.LBB2_14:
0x18a: {  	s1 =	sshra.s32 s5, $0x2  }
0x18b: {  	v1 =	vld [tilespmem:s1+$0x5080];
	_ =	sdelay $0x4  }
0x18c: {  	v2 =	vshrl.u32 v1, $0xE;
	_ =	sdelay $0x3  }
0x18d: {  	v3 =	vld [tilespmem:s1+$0xF180]  }
0x18e: {  	v2 =	vld.idx.msk [tilespmem:v2+s31+$0x0], $0xffff;
	_ =	sdelay $0x1  }
0x18f: {  	p1 =	sne.s32 s5, $0x40;
	v1 =	vand.u32 $0x3FFF, v1  }
.Ltmp6:
0x190: {  	_ = 	snop;
	(pc) =	sbr.rel @p1 .LBB2_14-.Ltmp6, $3  }
0x191: {  	_ = 	snop  }
0x192: {  	v2 =	vmul.f32 v3, v2;
	_ =	sdelay $0x1  }
0x193: {  	s5 =	sadd.s32 $0x40, s5;
	[tilespmem:v1+s25+$0x0] =	vst.idx.add.f32.msk $0xffff, v2  }
0x194: {  	[spmem:s7] =	stream.strided.scatter [tilespmem:s25], [sflag:$0x1], $0x2800, s22, s21, $0x38;
	[tilespmem:$0x19480] =	vst v63  }
0x195: {  	_ =	swait.ge [sflag:s20], $0x2800  }
0x196: {  	[sflag:s20] =	ssyncset.done $0x0  }
0x197: {  	[sflag:s20] =	ssyncadd.s32 $0xFFFFD800  }
0x198: {  	s9 =	simm.s32 $0x0;
	[bflag:$0x0] =	sbarrier.arrive $0xFFFF  }
0x199: {  	[tilespmem:s29], [sflag:$0x1] =	stream.strided.gather [spmem:s8], $0x2800, s28, s26, $0x38;
	[tilespmem:$0x19480] =	vst v63  }
0x19a: {  	s3 =	sand.u32 $0x60, s9;
	s1 =	sand.u32 $0x1C00, s9;
	_ =	swait.ge [sflag:s20], $0x2800  }
0x19b: {  	s4 =	sor.u32 $0x14200, s1;
	s6 =	sor.u32 $0x10, s3;
	[sflag:s20] =	ssyncset.done $0x0  }
0x19c: {  	s5 =	sor.u32 s6, s4;
	[sflag:s20] =	ssyncadd.s32 $0xFFFFD800  }
0x19d: {  	v1 =	vld [tilespmem:s5+$0x0]  }
0x19e: {  	s4 =	sor.u32 s3, s4;
	v2 =	vld [tilespmem:s5+$0x80]  }
0x19f: {  	v3 =	vld [tilespmem:s4+$0x0]  }
0x1a0: {  	v4 =	vld [tilespmem:s5+$0x100]  }
0x1a1: {  	v5 =	vld [tilespmem:s4+$0x80]  }
0x1a2: {  	v6 =	vld [tilespmem:s5+$0x180]  }
0x1a3: {  	v7 =	vld [tilespmem:s4+$0x100]  }
0x1a4: {  	v8 =	vld [tilespmem:s5+$0x200]  }
0x1a5: {  	v9 =	vld [tilespmem:s4+$0x180]  }
0x1a6: {  	v10 =	vld [tilespmem:s5+$0x280]  }
0x1a7: {  	v11 =	vld [tilespmem:s4+$0x200]  }
0x1a8: {  	v12 =	vld [tilespmem:s5+$0x300]  }
0x1a9: {  	v13 =	vld [tilespmem:s4+$0x280]  }
0x1aa: {  	s10 =	sadd.s32 $0x15600, s1;
	v14 =	vld [tilespmem:s5+$0x380]  }
0x1ab: {  	s16 =	sor.u32 s6, s10;
	v15 =	vld [tilespmem:s4+$0x300]  }
0x1ac: {  	v16 =	vld [tilespmem:s16+$0x0]  }
0x1ad: {  	s13 =	sadd.s32 $0x15700, s1;
	s12 =	sor.u32 s3, s10;
	v17 =	vld [tilespmem:s4+$0x380]  }
0x1ae: {  	s11 =	sadd.s32 $0x15680, s1;
	s14 =	sor.u32 s6, s13;
	v19 =	vld [tilespmem:s12+$0x0]  }
0x1af: {  	s15 =	sor.u32 s3, s11;
	v20 =	vld [tilespmem:s14+$0x0]  }
0x1b0: {  	s5 =	sor.u32 s6, s11;
	v21 =	vld [tilespmem:s15+$0x0]  }
0x1b1: {  	s16 =	sadd.s32 $0x15780, s1;
	s12 =	sor.u32 s3, s13;
	v18 =	vld [tilespmem:s5+$0x0]  }
0x1b2: {  	s13 =	sadd.s32 $0x15800, s1;
	s5 =	sor.u32 s6, s16;
	v23 =	vld [tilespmem:s12+$0x0]  }
0x1b3: {  	s14 =	sor.u32 s6, s13;
	v22 =	vld [tilespmem:s5+$0x0]  }
0x1b4: {  	s15 =	sor.u32 s3, s16;
	v24 =	vld [tilespmem:s14+$0x0]  }
0x1b5: {  	s10 =	sadd.s32 $0x15900, s1;
	s12 =	sor.u32 s3, s13;
	v25 =	vld [tilespmem:s15+$0x0]  }
0x1b6: {  	s16 =	sadd.s32 $0x15880, s1;
	s13 =	sor.u32 s6, s10;
	v27 =	vld [tilespmem:s12+$0x0]  }
0x1b7: {  	s5 =	sor.u32 s6, s16;
	s14 =	sor.u32 s3, s16;
	v28 =	vld [tilespmem:s13+$0x0]  }
0x1b8: {  	s15 =	sadd.s32 $0x15980, s1;
	s12 =	simm.s32 $0x100;
	s1 =	simm.s32 $0x20;
	v26 =	vld [tilespmem:s5+$0x0]  }
0x1b9: {  	s13 =	sor.u32 s3, s10;
	v29 =	vld [tilespmem:s14+$0x0];
	s16 =	sor.u32 s6, s15;
	s10 =	sand.u32 $0x1C00, s12;
	v1 =	vadd.f32 v2, v1  }
0x1ba: {  	s4 =	sand.u32 $0x60, s1;
	s12 =	sor.u32 $0x14200, s10;
	v2 =	vadd.f32 v5, v3;
	v3 =	vld [tilespmem:s16+$0x0]  }
0x1bb: {  	s11 =	sor.u32 s3, s15;
	s3 =	sor.u32 $0x10, s4;
	v5 =	vld [tilespmem:s13+$0x0];
	s15 =	sor.u32 s4, s12;
	v1 =	vadd.f32 v4, v1  }
0x1bc: {  	s14 =	sor.u32 s3, s12;
	v45 =	vld [tilespmem:s15+$0x0];
	v2 =	vadd.f32 v7, v2  }
0x1bd: {  	v7 =	vld [tilespmem:s14+$0x0];
	v1 =	vadd.f32 v6, v1  }
0x1be: {  	v2 =	vadd.f32 v9, v2;
	v6 =	vld [tilespmem:s14+$0x80]  }
0x1bf: {  	v46 =	vld [tilespmem:s15+$0x80];
	v1 =	vadd.f32 v8, v1  }
0x1c0: {  	v2 =	vadd.f32 v11, v2;
	v8 =	vld [tilespmem:s14+$0x100]  }
0x1c1: {  	v47 =	vld [tilespmem:s14+$0x180];
	v1 =	vadd.f32 v10, v1  }
0x1c2: {  	v48 =	vld [tilespmem:s14+$0x200];
	v2 =	vadd.f32 v13, v2  }
0x1c3: {  	v6 =	vadd.f32 v6, v7;
	v7 =	vld [tilespmem:s15+$0x100];
	v1 =	vadd.f32 v12, v1  }
0x1c4: {  	v49 =	vld [tilespmem:s14+$0x280];
	v2 =	vadd.f32 v15, v2  }
0x1c5: {  	v6 =	vadd.f32 v8, v6;
	v8 =	vld [tilespmem:s15+$0x180];
	v1 =	vadd.f32 v14, v1  }
0x1c6: {  	v50 =	vld [tilespmem:s15+$0x200];
	v9 =	vadd.f32 v46, v45;
	v2 =	vadd.f32 v17, v2  }
0x1c7: {  	v51 =	vld [tilespmem:s14+$0x300];
	v6 =	vadd.f32 v47, v6;
	v1 =	vadd.f32 v16, v1  }
0x1c8: {  	v52 =	vld [tilespmem:s15+$0x280];
	v2 =	vadd.f32 v19, v2;
	v7 =	vadd.f32 v7, v9  }
0x1c9: {  	v53 =	vld [tilespmem:s14+$0x380];
	v6 =	vadd.f32 v48, v6;
	v1 =	vadd.f32 v18, v1  }
0x1ca: {  	s16 =	sadd.s32 $0x15600, s10;
	v55 =	vld [tilespmem:s15+$0x380];
	v2 =	vadd.f32 v21, v2;
	v7 =	vadd.f32 v8, v7  }
0x1cb: {  	s13 =	sor.u32 s3, s16;
	v8 =	vld [tilespmem:s15+$0x300];
	v6 =	vadd.f32 v49, v6;
	v1 =	vadd.f32 v20, v1  }
0x1cc: {  	v54 =	vld [tilespmem:s13+$0x0];
	s14 =	sadd.s32 $0x15680, s10;
	v2 =	vadd.f32 v23, v2;
	v7 =	vadd.f32 v50, v7  }
0x1cd: {  	v4 =	vld [tilespmem:s11+$0x0];
	s15 =	sor.u32 s3, s14;
	v6 =	vadd.f32 v51, v6;
	v1 =	vadd.f32 v22, v1  }
0x1ce: {  	s11 =	sor.u32 s4, s16;
	s16 =	sadd.s32 $0x15700, s10;
	v56 =	vld [tilespmem:s15+$0x0];
	v2 =	vadd.f32 v25, v2;
	v7 =	vadd.f32 v52, v7  }
0x1cf: {  	v57 =	vld [tilespmem:s11+$0x0];
	s11 =	sor.u32 s3, s16;
	v6 =	vadd.f32 v53, v6;
	v1 =	vadd.f32 v24, v1  }
0x1d0: {  	s13 =	sadd.s32 $0x15780, s10;
	v58 =	vld [tilespmem:s11+$0x0];
	s14 =	sor.u32 s4, s14;
	v2 =	vadd.f32 v27, v2;
	v7 =	vadd.f32 v8, v7  }
0x1d1: {  	s15 =	sor.u32 s3, s13;
	v8 =	vld [tilespmem:s14+$0x0];
	v6 =	vadd.f32 v54, v6;
	v1 =	vadd.f32 v26, v1  }
0x1d2: {  	s12 =	sadd.s32 $0x15800, s10;
	s16 =	sor.u32 s4, s16;
	v59 =	vld [tilespmem:s15+$0x0];
	v2 =	vadd.f32 v29, v2;
	v7 =	vadd.f32 v55, v7  }
0x1d3: {  	v60 =	vld [tilespmem:s16+$0x0];
	s14 =	sor.u32 s3, s12;
	v6 =	vadd.f32 v56, v6;
	v61 =	vadd.f32 v28, v1  }
0x1d4: {  	s15 =	sor.u32 s4, s13;
	s13 =	sadd.s32 $0x15880, s10;
	v62 =	vld [tilespmem:s14+$0x0];
	v2 =	vadd.f32 v5, v2;
	v5 =	vadd.f32 v57, v7  }
0x1d5: {  	s5 =	simm.s32 $0x16A00;
	s16 =	sor.u32 s3, s13;
	v1 =	vld [tilespmem:s15+$0x0];
	v6 =	vadd.f32 v58, v6;
	v7 =	vadd.f32 v3, v61  }
0x1d6: {  	s12 =	sor.u32 s4, s12;
	s14 =	sand.u32 $0x380, s9;
	s15 =	sadd.s32 $0x15900, s10;
	v63 =	vadd.f32 v4, v2;
	v2 =	vld [tilespmem:s16+$0x0];
	v5 =	vadd.f32 v8, v5  }
0x1d7: {  	s9 =	simm.s32 $0x2;
	s6 =	sor.u32 s6, s14;
	s14 =	sor.u32 s3, s15;
	v3 =	vld [tilespmem:s12+$0x0];
	v6 =	vadd.f32 v59, v6  }
0x1d8: {  	s16 =	sor.u32 s4, s13;
	s12 =	sor.u32 s4, s15;
	s13 =	sadd.s32 $0x15980, s10;
	v4 =	vld [tilespmem:s14+$0x0];
	[tilespmem:s6+$0x16A00] =	vst v7;
	v7 =	vadd.f32 v60, v5  }
0x1d9: {  	s10 =	simm.s32 $0x40;
	s14 =	sor.u32 s3, s13;
	[tilespmem:s5+$0x0] =	vst v63;
	v5 =	vld [tilespmem:s16+$0x0];
	s6 =	simm.s32 $0x200;
	v6 =	vadd.f32 v62, v6  }
.LBB2_16:
0x1da: {  	s11 =	sand.u32 $0x1C00, s6;
	v1 =	vadd.f32 v1, v7;
	s13 =	sor.u32 s4, s13;
	s4 =	sand.u32 $0x60, s10;
	v7 =	vld [tilespmem:s14+$0x0]  }
0x1db: {  	s9 =	sadd.s32 $0x2, s9;
	s14 =	sor.u32 $0x14200, s11;
	s15 =	sor.u32 $0x10, s4;
	v8 =	vld [tilespmem:s12+$0x0];
	v2 =	vadd.f32 v2, v6  }
0x1dc: {  	p1 =	slt.u32 s9, $0x26;
	s12 =	sor.u32 s4, s14;
	s14 =	sor.u32 s15, s14;
	v1 =	vadd.f32 v3, v1;
	v3 =	vld [tilespmem:s13+$0x0]  }
0x1dd: {  	v6 =	vld [tilespmem:s14+$0x0];
	v2 =	vadd.f32 v4, v2  }
0x1de: {  	v4 =	vld [tilespmem:s14+$0x80];
	v1 =	vadd.f32 v5, v1  }
0x1df: {  	s13 =	sand.u32 $0x380, s1;
	s1 =	smov.u32 s10;
	v5 =	vld [tilespmem:s12+$0x0];
	v2 =	vadd.f32 v7, v2  }
0x1e0: {  	s13 =	sor.u32 s3, s13;
	s3 =	smov.u32 s15;
	v7 =	vld [tilespmem:s14+$0x100];
	v1 =	vadd.f32 v8, v1  }
0x1e1: {  	v8 =	vld [tilespmem:s12+$0x80];
	[tilespmem:s13+$0x16A00] =	vst v2  }
0x1e2: {  	v2 =	vld [tilespmem:s14+$0x180];
	v1 =	vadd.f32 v3, v1  }
0x1e3: {  	s5 =	sadd.s32 $0x20, s5;
	v3 =	vld [tilespmem:s12+$0x100];
	v4 =	vadd.f32 v4, v6  }
0x1e4: {  	v6 =	vld [tilespmem:s14+$0x200];
	[tilespmem:s5+$0x0] =	vst v1  }
0x1e5: {  	v1 =	vld [tilespmem:s12+$0x180];
	v4 =	vadd.f32 v7, v4  }
0x1e6: {  	v5 =	vadd.f32 v8, v5;
	v7 =	vld [tilespmem:s14+$0x280]  }
0x1e7: {  	v8 =	vld [tilespmem:s12+$0x200];
	v2 =	vadd.f32 v2, v4  }
0x1e8: {  	v3 =	vadd.f32 v3, v5;
	v4 =	vld [tilespmem:s14+$0x300]  }
0x1e9: {  	v5 =	vld [tilespmem:s12+$0x280];
	v2 =	vadd.f32 v6, v2  }
0x1ea: {  	s13 =	sadd.s32 $0x15600, s11;
	v1 =	vadd.f32 v1, v3;
	v3 =	vld [tilespmem:s14+$0x380]  }
0x1eb: {  	s14 =	sor.u32 s4, s13;
	s13 =	sor.u32 s3, s13;
	v6 =	vld [tilespmem:s12+$0x300];
	v2 =	vadd.f32 v7, v2  }
0x1ec: {  	s15 =	sadd.s32 $0x15680, s11;
	v1 =	vadd.f32 v8, v1;
	v7 =	vld [tilespmem:s13+$0x0]  }
0x1ed: {  	s13 =	sor.u32 s3, s15;
	v8 =	vld [tilespmem:s12+$0x380];
	s12 =	sor.u32 s4, s15;
	v2 =	vadd.f32 v4, v2  }
0x1ee: {  	s15 =	sadd.s32 $0x15700, s11;
	v1 =	vadd.f32 v5, v1;
	v4 =	vld [tilespmem:s13+$0x0]  }
0x1ef: {  	s13 =	sor.u32 s4, s15;
	v5 =	vld [tilespmem:s14+$0x0];
	v2 =	vadd.f32 v3, v2;
	s14 =	sor.u32 s3, s15  }
0x1f0: {  	s15 =	sadd.s32 $0x15780, s11;
	v1 =	vadd.f32 v6, v1;
	v3 =	vld [tilespmem:s14+$0x0]  }
0x1f1: {  	s14 =	sor.u32 s3, s15;
	v6 =	vld [tilespmem:s12+$0x0];
	s12 =	sor.u32 s4, s15;
	v2 =	vadd.f32 v7, v2  }
0x1f2: {  	s15 =	sadd.s32 $0x15800, s11;
	v1 =	vadd.f32 v8, v1;
	v7 =	vld [tilespmem:s14+$0x0]  }
0x1f3: {  	s14 =	sor.u32 s3, s15;
	v8 =	vld [tilespmem:s13+$0x0];
	s13 =	sor.u32 s4, s15;
	v2 =	vadd.f32 v4, v2  }
0x1f4: {  	s15 =	sadd.s32 $0x15880, s11;
	v4 =	vadd.f32 v5, v1;
	v9 =	vld [tilespmem:s14+$0x0]  }
.Ltmp7:
0x1f5: {  	s14 =	sor.u32 s4, s15;
	v1 =	vld [tilespmem:s12+$0x0];
	v5 =	vadd.f32 v3, v2;
	s12 =	sor.u32 s3, s15;
	(pc) =	sbr.rel @p1 .LBB2_16-.Ltmp7, $4  }
0x1f6: {  	s15 =	sadd.s32 $0x15900, s11;
	v4 =	vadd.f32 v6, v4;
	v2 =	vld [tilespmem:s12+$0x0]  }
0x1f7: {  	s12 =	sor.u32 s4, s15;
	s15 =	sor.u32 s3, s15;
	v3 =	vld [tilespmem:s13+$0x0];
	v6 =	vadd.f32 v7, v5  }
0x1f8: {  	s13 =	sadd.s32 $0x15980, s11;
	v7 =	vadd.f32 v8, v4;
	v4 =	vld [tilespmem:s15+$0x0]  }
0x1f9: {  	s6 =	sadd.s32 $0x100, s6;
	s10 =	sadd.s32 $0x20, s10;
	v5 =	vld [tilespmem:s14+$0x0];
	v6 =	vadd.f32 v9, v6;
	s14 =	sor.u32 s3, s13  }
0x1fa: {  	v1 =	vadd.f32 v1, v7  }
0x1fb: {  	v63 =	vld [tilespmem:s12+$0x0]  }
0x1fc: {  	s4 =	sor.u32 s4, s13;
	v8 =	vld [tilespmem:s14+$0x0];
	v1 =	vadd.f32 v3, v1  }
0x1fd: {  	v2 =	vadd.f32 v2, v6;
	v3 =	vld [tilespmem:s4+$0x0]  }
0x1fe: {  	v1 =	vadd.f32 v5, v1  }
0x1ff: {  	v2 =	vadd.f32 v4, v2  }
0x200: {  	v1 =	vadd.f32 v63, v1  }
0x201: {  	s1 =	sand.u32 $0x380, s1;
	v2 =	vadd.f32 v8, v2  }
0x202: {  	s1 =	sor.u32 s3, s1;
	v1 =	vadd.f32 v3, v1  }
0x203: {  	s14 =	sadd.s32 $0x20, s5;
	[tilespmem:s1+$0x16A00] =	vst v2  }
0x204: {  	[tilespmem:s14+$0x0] =	vst v1;
	v1 =	vimm.f32 @!p0 $0.0e+00  }
0x205: {  	[tilespmem:$0x16B90] =	vst @!p0 v1  }
0x206: {  	[tilespmem:$0x16BA0] =	vst @!p0 v1  }
0x207: {  	[tilespmem:$0x16BB0] =	vst @!p0 v1  }
0x208: {  	[tilespmem:$0x16BC0] =	vst @!p0 v1  }
0x209: {  	[tilespmem:$0x16BD0] =	vst @!p0 v1  }
0x20a: {  	[tilespmem:$0x16BE0] =	vst @!p0 v1  }
0x20b: {  	[tilespmem:$0x16BF0] =	vst @!p0 v1  }
0x20c: {  	[tilespmem:$0x16C00] =	vst @!p0 v1  }
0x20d: {  	[tilespmem:$0x16C10] =	vst @!p0 v1  }
0x20e: {  	[tilespmem:$0x16C20] =	vst @!p0 v1  }
0x20f: {  	[tilespmem:$0x16C30] =	vst @!p0 v1  }
0x210: {  	[tilespmem:$0x16C40] =	vst @!p0 v1  }
0x211: {  	[tilespmem:$0x16C50] =	vst @!p0 v1  }
0x212: {  	[tilespmem:$0x16C60] =	vst @!p0 v1  }
0x213: {  	[tilespmem:$0x16C70] =	vst @!p0 v1;
	s1 =	rddreg [dreg:$0x6]  }
0x214: {  	[hbm4b:s1+s21] =	stream.strided.scatter [tilespmem:s30], [sflag:$0x1], $0x280, s22, s21, $0x38;
	[tilespmem:$0x19480] =	vst v63  }
0x215: {  	_ =	swait.ge [sflag:s20], $0x280  }
0x216: {  	[sflag:s20] =	ssyncset.done $0x0  }
0x217: {  	[sflag:s20] =	ssyncadd.s32 $0xFFFFFD80  }
0x218: {  	[bflag:$0x0] =	sbarrier.arrive $0xFFFF  }
0x219: {  	s15 =	rddreg [dreg:$0x7]  }
0x21a: {  	[tilespmem:s23], [sflag:$0x1] =	stream.strided.gather [hbm4b:s15+s21], $0x2800, s22, s21, $0x38;
	[tilespmem:$0x19480] =	vst v63  }
0x21b: {  	_ =	swait.ge [sflag:s20], $0x2800  }
0x21c: {  	[sflag:s20] =	ssyncset.done $0x0  }
0x21d: {  	s16 =	rddreg [dreg:$0x8];
	[sflag:s20] =	ssyncadd.s32 $0xFFFFD800  }
0x21e: {  	[tilespmem:s24], [sflag:$0x1] =	stream.strided.gather [hbm4b:s16+s21], $0x2800, s22, s21, $0x38;
	[tilespmem:$0x19480] =	vst v63  }
0x21f: {  	_ =	swait.ge [sflag:s20], $0x2800  }
0x220: {  	[sflag:s20] =	ssyncset.done $0x0  }
0x221: {  	s3 =	simm.s32 $0xF240;
	[sflag:s20] =	ssyncadd.s32 $0xFFFFD800  }
0x222: {  	[tilespmem:s3+$0xFFFFFFC0] =	vst v0  }
0x223: {  	[tilespmem:s3+$0x30] =	vst v0  }
0x224: {  	[tilespmem:s3+$0x20] =	vst v0  }
0x225: {  	[tilespmem:s3+$0x10] =	vst v0  }
0x226: {  	[tilespmem:s3+$0x0] =	vst v0  }
0x227: {  	[tilespmem:s3+$0xFFFFFFF0] =	vst v0  }
0x228: {  	s4 =	simm.s32 $0x0;
	[tilespmem:s3+$0xFFFFFFE0] =	vst v0  }
.LBB2_18:
0x229: {  	s4 =	sadd.s32 $0x8, s4;
	[tilespmem:s3+$0xFFFFFFD0] =	vst v0;
	s3 =	sadd.s32 $0x80, s3  }
0x22a: {  	[tilespmem:s3+$0xFFFFFFC0] =	vst v0;
	p1 =	slt.u32 s4, $0x278  }
0x22b: {  	[tilespmem:s3+$0x30] =	vst v0  }
.Ltmp8:
0x22c: {  	[tilespmem:s3+$0x20] =	vst v0;
	(pc) =	sbr.rel @p1 .LBB2_18-.Ltmp8, $4  }
0x22d: {  	[tilespmem:s3+$0x10] =	vst v0  }
0x22e: {  	[tilespmem:s3+$0x0] =	vst v0  }
0x22f: {  	[tilespmem:s3+$0xFFFFFFF0] =	vst v0  }
0x230: {  	s1 =	simm.s32 $0xA140;
	[tilespmem:s3+$0xFFFFFFE0] =	vst v0  }
0x231: {  	[tilespmem:s3+$0xFFFFFFD0] =	vst v0;
	s15 =	simm.s32 $0x40  }
0x232: {  	v1 =	vld [tilespmem:s15+$0x30];
	_ =	sdelay $0x1  }
0x233: {  	v3 =	vld [tilespmem:s15+$0xFFFFFFD0];
	_ =	sdelay $0x2  }
0x234: {  	v2 =	vand.u32 $0x3FFF, v1  }
0x235: {  	v4 =	vld [tilespmem:s15+$0xFFFFFFE0];
	v1 =	vshrl.u32 v1, $0xE  }
0x236: {  	v5 =	vld [tilespmem:s15+$0xFFFFFFF0];
	v6 =	vand.u32 $0x3FFF, v3  }
0x237: {  	v8 =	vld [tilespmem:s15+$0xFFFFFFC0];
	v3 =	vshrl.u32 v3, $0xE  }
0x238: {  	v11 =	vld [tilespmem:s15+$0x0]  }
0x239: {  	v2 =	vld.idx.msk [tilespmem:v2+s23+$0x0], $0xffff  }
0x23a: {  	v7 =	vld.idx.msk [tilespmem:v1+s24+$0x0], $0xffff  }
0x23b: {  	v12 =	vand.u32 $0x3FFF, v4;
	v6 =	vld.idx.msk [tilespmem:v6+s23+$0x0], $0xffff  }
0x23c: {  	v9 =	vshrl.u32 v4, $0xE;
	v4 =	vand.u32 $0x3FFF, v5;
	v10 =	vshrl.u32 v5, $0xE;
	v5 =	vld.idx.msk [tilespmem:v3+s24+$0x0], $0xffff  }
0x23d: {  	s16 =	simm.s32 $0xC0;
	v13 =	vld [tilespmem:s15+$0x10]  }
0x23e: {  	v39 =	vld [tilespmem:s16+$0x30]  }
0x23f: {  	v21 =	vld [tilespmem:s16+$0xFFFFFFD0];
	v2 =	vadd.f32 v7, v2  }
0x240: {  	v23 =	vld [tilespmem:s16+$0x10]  }
0x241: {  	v15 =	vand.u32 $0x3FFF, v8;
	v7 =	vld [tilespmem:s15+$0x20];
	v5 =	vadd.f32 v5, v6;
	v16 =	vmul.f32 $2.000000030e-01, v2  }
0x242: {  	v14 =	vshrl.u32 v8, $0xE;
	v8 =	vld.idx.msk [tilespmem:v12+s23+$0x0], $0xffff  }
0x243: {  	v18 =	vld.idx.msk [tilespmem:v9+s24+$0x0], $0xffff;
	v12 =	vshrl.u32 v13, $0xE;
	v20 =	vmul.f32 $2.000000030e-01, v5;
	v2 =	vmax.f32 v2, v16  }
0x244: {  	v17 =	vand.u32 $0x3FFF, v11;
	v4 =	vld.idx.msk [tilespmem:v4+s23+$0x0], $0xffff;
	v2 =	vmul.f32 $1.442695020e+00, v2  }
0x245: {  	v11 =	vshrl.u32 v11, $0xE;
	v19 =	vld.idx.msk [tilespmem:v10+s24+$0x0], $0xffff;
	v16 =	vand.u32 $0x3FFF, v13;
	v5 =	vmax.f32 v5, v20  }
0x246: {  	v6 =	vld.idx.msk [tilespmem:v15+s23+$0x0], $0xffff;
	v13 =	vshrl.u32 v7, $0xE;
	v5 =	vmul.f32 $1.442695020e+00, v5;
	(erf) = vpow2.f32 v2  }
0x247: {  	v15 =	vld.idx.msk [tilespmem:v14+s24+$0x0], $0xffff;
	v2 =	vand.u32 $0x3FFF, v7  }
0x248: {  	v38 =	vld.idx.msk [tilespmem:v12+s24+$0x0], $0xffff;
	(erf) = vpow2.f32 v5  }
0x249: {  	v8 =	vadd.f32 v18, v8;
	v7 =	vld.idx.msk [tilespmem:v17+s23+$0x0], $0xffff  }
0x24a: {  	v17 =	vld.idx.msk [tilespmem:v11+s24+$0x0], $0xffff  }
0x24b: {  	v4 =	vadd.f32 v19, v4;
	v18 =	vmul.f32 $2.000000030e-01, v8;
	v5 =	vld.idx.msk [tilespmem:v13+s24+$0x0], $0xffff  }
0x24c: {  	v2 =	vld.idx.msk [tilespmem:v2+s23+$0x0], $0xffff  }
0x24d: {  	v8 =	vmax.f32 v8, v18;
	v6 =	vadd.f32 v15, v6;
	v15 =	vmul.f32 $2.000000030e-01, v4;
	v16 =	vld.idx.msk [tilespmem:v16+s23+$0x0], $0xffff  }
0x24e: {  	v40 =	vld [tilespmem:s16+$0xFFFFFFE0];
	v8 =	vmul.f32 $1.442695020e+00, v8  }
0x24f: {  	v41 =	vand.u32 $0x3FFF, v39;
	v4 =	vmax.f32 v4, v15;
	v15 =	vld [tilespmem:s16+$0xFFFFFFF0];
	v22 =	vpop (erf)  }
0x250: {  	v26 =	vand.u32 $0x3FFF, v23;
	v7 =	vadd.f32 v17, v7;
	(erf) = vpow2.f32 v8;
	v8 =	vld [tilespmem:s16+$0x0];
	[tilespmem:s1+$0x30] =	vst v22  }
0x251: {  	v17 =	vmul.f32 $1.442695020e+00, v4;
	v43 =	vpop (erf);
	v5 =	vadd.f32 v5, v2;
	[tilespmem:v1+s25+$0x0] =	vst.idx.add.f32.msk $0xffff, v22;
	v1 =	vmul.f32 $2.000000030e-01, v6  }
0x252: {  	v25 =	vld [tilespmem:s16+$0x20];
	v24 =	vand.u32 $0x3FFF, v21;
	v4 =	vshrl.u32 v39, $0xE;
	v16 =	vadd.f32 v38, v16;
	[tilespmem:s1+$0xFFFFFFD0] =	vst v43  }
0x253: {  	(erf) = vpow2.f32 v17;
	[tilespmem:v3+s25+$0x0] =	vst.idx.add.f32.msk $0xffff, v43;
	v3 =	vmul.f32 $2.000000030e-01, v5;
	v1 =	vmax.f32 v6, v1  }
0x254: {  	v17 =	vld [tilespmem:s16+$0xFFFFFFC0];
	v6 =	vmul.f32 $2.000000030e-01, v7;
	v42 =	vmul.f32 $1.442695020e+00, v1;
	v1 =	vshrl.u32 v21, $0xE  }
0x255: {  	v45 =	vld.idx.msk [tilespmem:v41+s23+$0x0], $0xffff;
	v5 =	vmax.f32 v5, v3;
	v3 =	vshrl.u32 v15, $0xE  }
0x256: {  	v26 =	vld.idx.msk [tilespmem:v26+s23+$0x0], $0xffff;
	v50 =	vand.u32 $0x3FFF, v8;
	v2 =	vmax.f32 v7, v6;
	v6 =	vmul.f32 $2.000000030e-01, v16  }
0x257: {  	v46 =	vld.idx.msk [tilespmem:v4+s24+$0x0], $0xffff;
	v7 =	vand.u32 $0x3FFF, v40;
	v44 =	vmul.f32 $1.442695020e+00, v2  }
0x258: {  	v2 =	vshrl.u32 v40, $0xE;
	v6 =	vmax.f32 v16, v6;
	v16 =	vand.u32 $0x3FFF, v15;
	v15 =	vld.idx.msk [tilespmem:v24+s23+$0x0], $0xffff  }
0x259: {  	v48 =	vand.u32 $0x3FFF, v17;
	v49 =	vld.idx.msk [tilespmem:v1+s24+$0x0], $0xffff  }
0x25a: {  	v27 =	vld.idx.msk [tilespmem:v3+s24+$0x0], $0xffff  }
0x25b: {  	v47 =	vmul.f32 $1.442695020e+00, v5;
	v5 =	vshrl.u32 v17, $0xE;
	(erf) = vpow2.f32 v42;
	v20 =	vld.idx.msk [tilespmem:v50+s23+$0x0], $0xffff  }
0x25c: {  	v54 =	vand.u32 $0x3FFF, v25;
	v6 =	vmul.f32 $1.442695020e+00, v6;
	v17 =	vld.idx.msk [tilespmem:v7+s23+$0x0], $0xffff  }
0x25d: {  	v18 =	vadd.f32 v46, v45;
	(erf) = vpow2.f32 v44;
	v51 =	vld.idx.msk [tilespmem:v2+s24+$0x0], $0xffff  }
0x25e: {  	(erf) = vpow2.f32 v6;
	v6 =	vshrl.u32 v8, $0xE;
	v52 =	vld.idx.msk [tilespmem:v48+s23+$0x0], $0xffff  }
0x25f: {  	v55 =	vmul.f32 $2.000000030e-01, v18;
	v16 =	vld.idx.msk [tilespmem:v16+s23+$0x0], $0xffff  }
0x260: {  	v53 =	vpop (erf);
	v7 =	vshrl.u32 v23, $0xE;
	v28 =	vld.idx.msk [tilespmem:v5+s24+$0x0], $0xffff;
	(erf) = vpow2.f32 v47;
	v15 =	vadd.f32 v49, v15  }
0x261: {  	[tilespmem:s1+$0xFFFFFFE0] =	vst v53;
	v18 =	vmax.f32 v18, v55;
	v23 =	vld.idx.msk [tilespmem:v54+s23+$0x0], $0xffff  }
0x262: {  	v29 =	vpop (erf);
	v8 =	vshrl.u32 v25, $0xE;
	[tilespmem:v9+s25+$0x0] =	vst.idx.add.f32.msk $0xffff, v53;
	v30 =	vmul.f32 $2.000000030e-01, v15;
	v17 =	vadd.f32 v51, v17  }
0x263: {  	[tilespmem:s1+$0xFFFFFFF0] =	vst v29;
	v18 =	vmul.f32 $1.442695020e+00, v18;
	v57 =	vld.idx.msk [tilespmem:v6+s24+$0x0], $0xffff  }
0x264: {  	[tilespmem:v10+s25+$0x0] =	vst.idx.add.f32.msk $0xffff, v29;
	v56 =	vpop (erf);
	v16 =	vadd.f32 v27, v16;
	v15 =	vmax.f32 v15, v30;
	v59 =	vmul.f32 $2.000000030e-01, v17  }
0x265: {  	(erf) = vpow2.f32 v18;
	v60 =	vld.idx.msk [tilespmem:v7+s24+$0x0], $0xffff;
	[tilespmem:s1+$0xFFFFFFC0] =	vst v56;
	v15 =	vmul.f32 $1.442695020e+00, v15  }
0x266: {  	v61 =	vadd.f32 v28, v52;
	v58 =	vpop (erf);
	[tilespmem:v14+s25+$0x0] =	vst.idx.add.f32.msk $0xffff, v56;
	v62 =	vmul.f32 $2.000000030e-01, v16;
	v17 =	vmax.f32 v17, v59  }
0x267: {  	v63 =	vld.idx.msk [tilespmem:v8+s24+$0x0], $0xffff;
	[tilespmem:s1+$0x0] =	vst v58;
	v17 =	vmul.f32 $1.442695020e+00, v17;
	(erf) = vpow2.f32 v15  }
0x268: {  	v14 =	vmul.f32 $2.000000030e-01, v61;
	v31 =	vpop (erf);
	[tilespmem:v11+s25+$0x0] =	vst.idx.add.f32.msk $0xffff, v58;
	v15 =	vmax.f32 v16, v62;
	v16 =	vadd.f32 v57, v20  }
0x269: {  	[tilespmem:s1+$0x10] =	vst v31;
	v32 =	vpop (erf);
	v9 =	vmul.f32 $1.442695020e+00, v15;
	(erf) = vpow2.f32 v17  }
0x26a: {  	v14 =	vmax.f32 v61, v14;
	v10 =	vadd.f32 v60, v26;
	[tilespmem:s1+$0x20] =	vst v32;
	v15 =	vmul.f32 $2.000000030e-01, v16  }
0x26b: {  	v14 =	vmul.f32 $1.442695020e+00, v14;
	[tilespmem:v12+s25+$0x0] =	vst.idx.add.f32.msk $0xffff, v31;
	(erf) = vpow2.f32 v9  }
0x26c: {  	s3 =	simm.s32 $0x8;
	s4 =	simm.s32 $0x140;
	v11 =	vadd.f32 v63, v23;
	v12 =	vmul.f32 $2.000000030e-01, v10;
	[tilespmem:v13+s25+$0x0] =	vst.idx.add.f32.msk $0xffff, v32;
	v15 =	vmax.f32 v16, v15  }
.LBB2_20:
0x26d: {  	v13 =	vld [tilespmem:s4+$0x30];
	v15 =	vmul.f32 $1.442695020e+00, v15;
	(erf) = vpow2.f32 v14;
	v9 =	vmov v8  }
0x26e: {  	s1 =	sadd.s32 $0x80, s1;
	v8 =	vld [tilespmem:s4+$0xFFFFFFD0];
	v10 =	vmax.f32 v10, v12;
	v17 =	vmul.f32 $2.000000030e-01, v11;
	v14 =	vpop (erf)  }
0x26f: {  	s3 =	sadd.s32 $0x8, s3;
	v16 =	vld [tilespmem:s4+$0xFFFFFFE0];
	v10 =	vmul.f32 $1.442695020e+00, v10;
	[tilespmem:s1+$0x30] =	vst v14;
	(erf) = vpow2.f32 v15  }
0x270: {  	p1 =	slt.u32 s3, $0x500;
	v11 =	vmax.f32 v11, v17;
	[tilespmem:v4+s25+$0x0] =	vst.idx.add.f32.msk $0xffff, v14;
	v12 =	vpop (erf)  }
0x271: {  	v14 =	vld [tilespmem:s4+$0xFFFFFFF0];
	[tilespmem:s1+$0xFFFFFFD0] =	vst v12;
	v11 =	vmul.f32 $1.442695020e+00, v11;
	(erf) = vpow2.f32 v10  }
0x272: {  	v10 =	vld [tilespmem:s4+$0x0];
	v15 =	vand.u32 $0x3FFF, v13;
	v17 =	vpop (erf)  }
0x273: {  	v4 =	vshrl.u32 v13, $0xE;
	v18 =	vshrl.u32 v8, $0xE;
	v8 =	vand.u32 $0x3FFF, v8;
	v19 =	vld [tilespmem:s4+$0x10];
	[tilespmem:s1+$0xFFFFFFE0] =	vst v17  }
0x274: {  	v13 =	vshrl.u32 v16, $0xE;
	v16 =	vand.u32 $0x3FFF, v16;
	v20 =	vld [tilespmem:s4+$0x20];
	v21 =	vpop (erf);
	(erf) = vpow2.f32 v11  }
0x275: {  	v11 =	vld [tilespmem:s4+$0xFFFFFFC0];
	[tilespmem:s1+$0xFFFFFFF0] =	vst v21  }
0x276: {  	v22 =	vshrl.u32 v14, $0xE;
	v14 =	vand.u32 $0x3FFF, v14;
	[tilespmem:v1+s25+$0x0] =	vst.idx.add.f32.msk $0xffff, v12;
	v12 =	vpop (erf);
	v1 =	vmov v18  }
0x277: {  	v23 =	vshrl.u32 v10, $0xE;
	v10 =	vand.u32 $0x3FFF, v10;
	v15 =	vld.idx.msk [tilespmem:v15+s23+$0x0], $0xffff;
	[tilespmem:s1+$0xFFFFFFC0] =	vst v12  }
0x278: {  	v24 =	vshrl.u32 v19, $0xE;
	v19 =	vand.u32 $0x3FFF, v19;
	v25 =	vld.idx.msk [tilespmem:v4+s24+$0x0], $0xffff;
	v26 =	vpop (erf)  }
0x279: {  	v27 =	vld.idx.msk [tilespmem:v8+s23+$0x0], $0xffff;
	v8 =	vshrl.u32 v20, $0xE;
	v20 =	vand.u32 $0x3FFF, v20;
	[tilespmem:s1+$0x0] =	vst v26  }
0x27a: {  	v28 =	vshrl.u32 v11, $0xE;
	v11 =	vand.u32 $0x3FFF, v11;
	v18 =	vld.idx.msk [tilespmem:v18+s24+$0x0], $0xffff;
	v29 =	vpop (erf)  }
0x27b: {  	v16 =	vld.idx.msk [tilespmem:v16+s23+$0x0], $0xffff;
	[tilespmem:s1+$0x10] =	vst v29  }
0x27c: {  	v30 =	vld.idx.msk [tilespmem:v13+s24+$0x0], $0xffff  }
0x27d: {  	v14 =	vld.idx.msk [tilespmem:v14+s23+$0x0], $0xffff;
	v31 =	vpop (erf)  }
0x27e: {  	v15 =	vadd.f32 v25, v15;
	v32 =	vld.idx.msk [tilespmem:v22+s24+$0x0], $0xffff;
	[tilespmem:s1+$0x20] =	vst v31  }
0x27f: {  	v11 =	vld.idx.msk [tilespmem:v11+s23+$0x0], $0xffff  }
0x280: {  	v18 =	vadd.f32 v18, v27;
	v27 =	vmul.f32 $2.000000030e-01, v15;
	v25 =	vld.idx.msk [tilespmem:v28+s24+$0x0], $0xffff  }
0x281: {  	v10 =	vld.idx.msk [tilespmem:v10+s23+$0x0], $0xffff  }
0x282: {  	v33 =	vmul.f32 $2.000000030e-01, v18;
	v16 =	vadd.f32 v30, v16;
	v15 =	vmax.f32 v15, v27;
	v30 =	vld.idx.msk [tilespmem:v23+s24+$0x0], $0xffff  }
0x283: {  	v15 =	vmul.f32 $1.442695020e+00, v15;
	v19 =	vld.idx.msk [tilespmem:v19+s23+$0x0], $0xffff  }
0x284: {  	v18 =	vmax.f32 v18, v33;
	v27 =	vmul.f32 $2.000000030e-01, v16;
	v14 =	vadd.f32 v32, v14;
	v32 =	vld.idx.msk [tilespmem:v24+s24+$0x0], $0xffff  }
0x285: {  	v18 =	vmul.f32 $1.442695020e+00, v18;
	v20 =	vld.idx.msk [tilespmem:v20+s23+$0x0], $0xffff;
	(erf) = vpow2.f32 v15  }
0x286: {  	v11 =	vadd.f32 v25, v11;
	v15 =	vmax.f32 v16, v27;
	v16 =	vmul.f32 $2.000000030e-01, v14;
	v25 =	vld.idx.msk [tilespmem:v8+s24+$0x0], $0xffff  }
0x287: {  	v15 =	vmul.f32 $1.442695020e+00, v15;
	(erf) = vpow2.f32 v18;
	[tilespmem:v5+s25+$0x0] =	vst.idx.add.f32.msk $0xffff, v12;
	v5 =	vmov v28  }
.Ltmp9:
0x288: {  	v12 =	vmul.f32 $2.000000030e-01, v11;
	v14 =	vmax.f32 v14, v16;
	v16 =	vadd.f32 v30, v10;
	[tilespmem:v2+s25+$0x0] =	vst.idx.add.f32.msk $0xffff, v17;
	(pc) =	sbr.rel @p1 .LBB2_20-.Ltmp9, $4  }
0x289: {  	v17 =	vmul.f32 $1.442695020e+00, v14;
	v2 =	vmovc v13;
	(erf) = vpow2.f32 v15;
	[tilespmem:v3+s25+$0x0] =	vst.idx.add.f32.msk $0xffff, v21;
	v3 =	vmov v22  }
0x28a: {  	v11 =	vmax.f32 v11, v12;
	v12 =	vmul.f32 $2.000000030e-01, v16;
	v10 =	vadd.f32 v32, v19;
	[tilespmem:v6+s25+$0x0] =	vst.idx.add.f32.msk $0xffff, v26  }
0x28b: {  	v14 =	vmul.f32 $1.442695020e+00, v11;
	v6 =	vmovc v23;
	(erf) = vpow2.f32 v17;
	[tilespmem:v7+s25+$0x0] =	vst.idx.add.f32.msk $0xffff, v29;
	v7 =	vmov v24  }
0x28c: {  	s4 =	sadd.s32 $0x80, s4;
	v15 =	vmax.f32 v16, v12;
	v12 =	vmul.f32 $2.000000030e-01, v10;
	v11 =	vadd.f32 v25, v20;
	[tilespmem:v9+s25+$0x0] =	vst.idx.add.f32.msk $0xffff, v31  }
0x28d: {  	_ = 	snop  }
0x28e: {  	v56 =	vmul.f32 $1.442695020e+00, v15;
	(erf) = vpow2.f32 v14  }
0x28f: {  	s1 =	sadd.s32 $0x80, s1;
	v9 =	vmul.f32 $2.000000030e-01, v11;
	v10 =	vmax.f32 v10, v12;
	v57 =	vpop (erf)  }
0x290: {  	v10 =	vmul.f32 $1.442695020e+00, v10;
	(erf) = vpow2.f32 v56;
	[tilespmem:s1+$0x30] =	vst v57  }
0x291: {  	v9 =	vmax.f32 v11, v9;
	v58 =	vpop (erf);
	[tilespmem:v4+s25+$0x0] =	vst.idx.add.f32.msk $0xffff, v57  }
0x292: {  	v9 =	vmul.f32 $1.442695020e+00, v9;
	(erf) = vpow2.f32 v10;
	[tilespmem:s1+$0xFFFFFFD0] =	vst v58  }
0x293: {  	v59 =	vpop (erf);
	[tilespmem:v1+s25+$0x0] =	vst.idx.add.f32.msk $0xffff, v58  }
0x294: {  	(erf) = vpow2.f32 v9;
	[tilespmem:s1+$0xFFFFFFE0] =	vst v59  }
0x295: {  	v60 =	vpop (erf);
	[tilespmem:v2+s25+$0x0] =	vst.idx.add.f32.msk $0xffff, v59  }
0x296: {  	[tilespmem:s1+$0xFFFFFFF0] =	vst v60  }
0x297: {  	v1 =	vpop (erf);
	[tilespmem:v3+s25+$0x0] =	vst.idx.add.f32.msk $0xffff, v60  }
0x298: {  	[tilespmem:s1+$0xFFFFFFC0] =	vst v1  }
0x299: {  	v61 =	vpop (erf);
	[tilespmem:v5+s25+$0x0] =	vst.idx.add.f32.msk $0xffff, v1  }
0x29a: {  	[tilespmem:s1+$0x0] =	vst v61  }
0x29b: {  	v62 =	vpop (erf);
	[tilespmem:v6+s25+$0x0] =	vst.idx.add.f32.msk $0xffff, v61  }
0x29c: {  	[tilespmem:s1+$0x10] =	vst v62  }
0x29d: {  	v63 =	vpop (erf);
	[tilespmem:v7+s25+$0x0] =	vst.idx.add.f32.msk $0xffff, v62  }
0x29e: {  	[tilespmem:s1+$0x20] =	vst v63  }
0x29f: {  	s1 =	simm.s32 $0x0;
	[tilespmem:v8+s25+$0x0] =	vst.idx.add.f32.msk $0xffff, v63  }
.LBB2_22:
0x2a0: {  	s3 =	sshra.s32 s1, $0x2  }
0x2a1: {  	v1 =	vld [tilespmem:s3+$0x5080];
	_ =	sdelay $0x4  }
0x2a2: {  	v2 =	vand.u32 $0x3FFF, v1  }
0x2a3: {  	v1 =	vshrl.u32 v1, $0xE;
	_ =	sdelay $0x3  }
0x2a4: {  	v2 =	vld.idx.msk [tilespmem:v2+s23+$0x0], $0xffff  }
0x2a5: {  	v3 =	vld.idx.msk [tilespmem:v1+s24+$0x0], $0xffff;
	_ =	sdelay $0x4  }
0x2a6: {  	v2 =	vadd.f32 v3, v2;
	_ =	sdelay $0x1  }
0x2a7: {  	v3 =	vmul.f32 $2.000000030e-01, v2;
	_ =	sdelay $0x1  }
0x2a8: {  	v2 =	vmax.f32 v2, v3  }
0x2a9: {  	v2 =	vmul.f32 $1.442695020e+00, v2;
	_ =	sdelay $0x1  }
0x2aa: {  	(erf) = vpow2.f32 v2;
	_ =	sdelay $0x5  }
0x2ab: {  	p1 =	sne.s32 s1, $0x40  }
.Ltmp10:
0x2ac: {  	_ = 	snop;
	(pc) =	sbr.rel @p1 .LBB2_22-.Ltmp10, $4  }
0x2ad: {  	_ = 	snop  }
0x2ae: {  	v2 =	vpop (erf)  }
0x2af: {  	[tilespmem:s3+$0xF180] =	vst v2  }
0x2b0: {  	s1 =	sadd.s32 $0x40, s1;
	[tilespmem:v1+s25+$0x0] =	vst.idx.add.f32.msk $0xffff, v2  }
0x2b1: {  	[spmem:s7] =	stream.strided.scatter [tilespmem:s25], [sflag:$0x1], $0x2800, s22, s21, $0x38;
	[tilespmem:$0x19480] =	vst v63  }
0x2b2: {  	_ =	swait.ge [sflag:s20], $0x2800  }
0x2b3: {  	[sflag:s20] =	ssyncset.done $0x0  }
0x2b4: {  	[sflag:s20] =	ssyncadd.s32 $0xFFFFD800  }
0x2b5: {  	s6 =	simm.s32 $0x0;
	[bflag:$0x0] =	sbarrier.arrive $0xFFFF  }
0x2b6: {  	[tilespmem:s29], [sflag:$0x1] =	stream.strided.gather [spmem:s8], $0x2800, s28, s26, $0x38;
	[tilespmem:$0x19480] =	vst v63  }
0x2b7: {  	s1 =	sand.u32 $0x60, s6;
	s3 =	sand.u32 $0x1C00, s6;
	_ =	swait.ge [sflag:s20], $0x2800  }
0x2b8: {  	s4 =	sor.u32 $0x14200, s3;
	s9 =	sor.u32 $0x10, s1;
	[sflag:s20] =	ssyncset.done $0x0  }
0x2b9: {  	s5 =	sor.u32 s9, s4;
	[sflag:s20] =	ssyncadd.s32 $0xFFFFD800  }
0x2ba: {  	v1 =	vld [tilespmem:s5+$0x0]  }
0x2bb: {  	s4 =	sor.u32 s1, s4;
	v2 =	vld [tilespmem:s5+$0x80]  }
0x2bc: {  	v3 =	vld [tilespmem:s4+$0x0]  }
0x2bd: {  	v4 =	vld [tilespmem:s5+$0x100]  }
0x2be: {  	v5 =	vld [tilespmem:s4+$0x80]  }
0x2bf: {  	v6 =	vld [tilespmem:s5+$0x180]  }
0x2c0: {  	v7 =	vld [tilespmem:s4+$0x100]  }
0x2c1: {  	v8 =	vld [tilespmem:s5+$0x200]  }
0x2c2: {  	v9 =	vld [tilespmem:s4+$0x180]  }
0x2c3: {  	v10 =	vld [tilespmem:s5+$0x280]  }
0x2c4: {  	v11 =	vld [tilespmem:s4+$0x200]  }
0x2c5: {  	v12 =	vld [tilespmem:s5+$0x300]  }
0x2c6: {  	v13 =	vld [tilespmem:s4+$0x280]  }
0x2c7: {  	s10 =	sadd.s32 $0x15600, s3;
	v14 =	vld [tilespmem:s5+$0x380]  }
0x2c8: {  	s16 =	sor.u32 s9, s10;
	v15 =	vld [tilespmem:s4+$0x300]  }
0x2c9: {  	s11 =	sadd.s32 $0x15680, s3;
	v16 =	vld [tilespmem:s16+$0x0]  }
0x2ca: {  	v17 =	vld [tilespmem:s4+$0x380];
	s5 =	sor.u32 s9, s11;
	v1 =	vadd.f32 v2, v1  }
0x2cb: {  	s13 =	sadd.s32 $0x15700, s3;
	s12 =	sor.u32 s1, s10;
	v2 =	vld [tilespmem:s5+$0x0];
	v3 =	vadd.f32 v5, v3  }
0x2cc: {  	v5 =	vld [tilespmem:s12+$0x0];
	s12 =	sor.u32 s1, s13;
	v1 =	vadd.f32 v4, v1  }
0x2cd: {  	s14 =	sor.u32 s9, s13;
	v51 =	vld [tilespmem:s12+$0x0];
	v3 =	vadd.f32 v7, v3  }
0x2ce: {  	s15 =	sor.u32 s1, s11;
	s13 =	sadd.s32 $0x15800, s3;
	v4 =	vld [tilespmem:s14+$0x0];
	v1 =	vadd.f32 v6, v1  }
0x2cf: {  	s16 =	sadd.s32 $0x15780, s3;
	s12 =	sor.u32 s1, s13;
	v7 =	vld [tilespmem:s15+$0x0];
	v3 =	vadd.f32 v9, v3  }
0x2d0: {  	s10 =	sadd.s32 $0x15900, s3;
	s15 =	sor.u32 s1, s16;
	v54 =	vld [tilespmem:s12+$0x0];
	v1 =	vadd.f32 v8, v1  }
0x2d1: {  	s14 =	sor.u32 s9, s13;
	s13 =	sor.u32 s9, s10;
	v52 =	vld [tilespmem:s15+$0x0];
	v3 =	vadd.f32 v11, v3  }
0x2d2: {  	s5 =	sor.u32 s9, s16;
	v55 =	vld [tilespmem:s13+$0x0];
	v1 =	vadd.f32 v10, v1  }
0x2d3: {  	s16 =	sadd.s32 $0x15880, s3;
	s13 =	sor.u32 s1, s10;
	v6 =	vld [tilespmem:s5+$0x0];
	v3 =	vadd.f32 v13, v3  }
0x2d4: {  	s15 =	sadd.s32 $0x15980, s3;
	s5 =	sor.u32 s9, s16;
	v58 =	vld [tilespmem:s13+$0x0];
	v1 =	vadd.f32 v12, v1  }
0x2d5: {  	s11 =	sor.u32 s1, s15;
	v53 =	vld [tilespmem:s5+$0x0];
	v3 =	vadd.f32 v15, v3  }
0x2d6: {  	s12 =	simm.s32 $0x100;
	s3 =	simm.s32 $0x20;
	v59 =	vld [tilespmem:s11+$0x0];
	v1 =	vadd.f32 v14, v1  }
0x2d7: {  	s10 =	sand.u32 $0x1C00, s12;
	s4 =	sand.u32 $0x60, s3;
	v8 =	vld [tilespmem:s14+$0x0];
	s14 =	sor.u32 s1, s16;
	v3 =	vadd.f32 v17, v3  }
0x2d8: {  	s12 =	sor.u32 $0x14200, s10;
	s16 =	sor.u32 s9, s15;
	s1 =	sor.u32 $0x10, s4;
	v56 =	vld [tilespmem:s14+$0x0];
	v1 =	vadd.f32 v16, v1  }
0x2d9: {  	v57 =	vld [tilespmem:s16+$0x0];
	s14 =	sor.u32 s1, s12;
	v3 =	vadd.f32 v5, v3  }
0x2da: {  	v5 =	vld [tilespmem:s14+$0x0];
	v1 =	vadd.f32 v2, v1  }
0x2db: {  	s15 =	sor.u32 s4, s12;
	v2 =	vld [tilespmem:s14+$0x80];
	v3 =	vadd.f32 v7, v3  }
0x2dc: {  	v60 =	vld [tilespmem:s15+$0x80];
	v1 =	vadd.f32 v4, v1  }
0x2dd: {  	v4 =	vld [tilespmem:s14+$0x100];
	v3 =	vadd.f32 v51, v3  }
0x2de: {  	v7 =	vld [tilespmem:s15+$0x0];
	v1 =	vadd.f32 v6, v1  }
0x2df: {  	v6 =	vld [tilespmem:s14+$0x180];
	v3 =	vadd.f32 v52, v3  }
0x2e0: {  	v2 =	vadd.f32 v2, v5;
	v5 =	vld [tilespmem:s15+$0x100];
	v1 =	vadd.f32 v8, v1  }
0x2e1: {  	v8 =	vld [tilespmem:s14+$0x200];
	v3 =	vadd.f32 v54, v3  }
0x2e2: {  	v2 =	vadd.f32 v4, v2;
	v4 =	vld [tilespmem:s15+$0x180];
	v1 =	vadd.f32 v53, v1  }
0x2e3: {  	v61 =	vld [tilespmem:s14+$0x280];
	v7 =	vadd.f32 v60, v7;
	v3 =	vadd.f32 v56, v3  }
0x2e4: {  	v2 =	vadd.f32 v6, v2;
	v6 =	vld [tilespmem:s15+$0x200];
	v1 =	vadd.f32 v55, v1  }
0x2e5: {  	v5 =	vadd.f32 v5, v7;
	v7 =	vld [tilespmem:s14+$0x300];
	v3 =	vadd.f32 v58, v3  }
0x2e6: {  	v2 =	vadd.f32 v8, v2;
	v8 =	vld [tilespmem:s15+$0x280];
	v1 =	vadd.f32 v57, v1  }
0x2e7: {  	s16 =	sadd.s32 $0x15600, s10;
	v4 =	vadd.f32 v4, v5;
	v5 =	vld [tilespmem:s14+$0x380];
	v3 =	vadd.f32 v59, v3  }
0x2e8: {  	v62 =	vld [tilespmem:s15+$0x300];
	s13 =	sor.u32 s1, s16;
	v2 =	vadd.f32 v61, v2;
	v1 =	vadd.f32 $1.000000020e-16, v1  }
0x2e9: {  	s14 =	sadd.s32 $0x15680, s10;
	v4 =	vadd.f32 v6, v4;
	v6 =	vld [tilespmem:s13+$0x0];
	v3 =	vadd.f32 $1.000000020e-16, v3  }
0x2ea: {  	v2 =	vadd.f32 v7, v2;
	v7 =	vld [tilespmem:s15+$0x380];
	s15 =	sor.u32 s1, s14;
	(erf) = vrcp.f32 v1  }
0x2eb: {  	s11 =	sor.u32 s4, s16;
	s16 =	sadd.s32 $0x15700, s10;
	v1 =	vld [tilespmem:s15+$0x0];
	(erf) = vrcp.f32 v3;
	v3 =	vadd.f32 v8, v4  }
0x2ec: {  	v4 =	vld [tilespmem:s11+$0x0];
	v2 =	vadd.f32 v5, v2;
	s11 =	sor.u32 s1, s16  }
0x2ed: {  	s13 =	sadd.s32 $0x15780, s10;
	s14 =	sor.u32 s4, s14;
	v5 =	vld [tilespmem:s11+$0x0];
	v3 =	vadd.f32 v62, v3  }
0x2ee: {  	s15 =	sor.u32 s1, s13;
	v8 =	vld [tilespmem:s14+$0x0];
	v2 =	vadd.f32 v6, v2  }
0x2ef: {  	s12 =	sadd.s32 $0x15800, s10;
	s16 =	sor.u32 s4, s16;
	v6 =	vld [tilespmem:s15+$0x0];
	v3 =	vadd.f32 v7, v3  }
0x2f0: {  	s14 =	sor.u32 s1, s12;
	v7 =	vld [tilespmem:s16+$0x0];
	v1 =	vadd.f32 v1, v2  }
0x2f1: {  	v63 =	vld [tilespmem:s14+$0x0];
	s15 =	sor.u32 s4, s13;
	s13 =	sadd.s32 $0x15880, s10;
	v3 =	vadd.f32 v4, v3  }
0x2f2: {  	s5 =	simm.s32 $0x16A00;
	v2 =	vld [tilespmem:s15+$0x0];
	s16 =	sor.u32 s1, s13;
	v4 =	vadd.f32 v5, v1  }
0x2f3: {  	s12 =	sor.u32 s4, s12;
	s14 =	sand.u32 $0x380, s6;
	s15 =	sadd.s32 $0x15900, s10;
	v1 =	vld [tilespmem:s16+$0x0];
	v8 =	vadd.f32 v8, v3  }
0x2f4: {  	s6 =	simm.s32 $0x2;
	s9 =	sor.u32 s9, s14;
	s14 =	sor.u32 s1, s15;
	v5 =	vpop (erf);
	v3 =	vld [tilespmem:s12+$0x0];
	v6 =	vadd.f32 v6, v4  }
0x2f5: {  	s16 =	sor.u32 s4, s13;
	s13 =	sor.u32 s4, s15;
	s12 =	sadd.s32 $0x15980, s10;
	v4 =	vld [tilespmem:s14+$0x0];
	[tilespmem:s9+$0x16A00] =	vst v5;
	v5 =	vpop (erf);
	v7 =	vadd.f32 v7, v8  }
0x2f6: {  	s10 =	simm.s32 $0x40;
	s14 =	sor.u32 s1, s12;
	s9 =	simm.s32 $0x200;
	[tilespmem:s5+$0x0] =	vst v5;
	v5 =	vld [tilespmem:s16+$0x0];
	v6 =	vadd.f32 v63, v6  }
.LBB2_24:
0x2f7: {  	s11 =	sand.u32 $0x1C00, s9;
	v2 =	vadd.f32 v2, v7;
	s15 =	sor.u32 s4, s12;
	s4 =	sand.u32 $0x60, s10;
	v7 =	vld [tilespmem:s14+$0x0]  }
0x2f8: {  	s6 =	sadd.s32 $0x2, s6;
	s14 =	sor.u32 $0x14200, s11;
	s12 =	sor.u32 $0x10, s4;
	v8 =	vld [tilespmem:s13+$0x0];
	v1 =	vadd.f32 v1, v6  }
0x2f9: {  	p1 =	slt.u32 s6, $0x26;
	s13 =	sor.u32 s4, s14;
	s14 =	sor.u32 s12, s14;
	v2 =	vadd.f32 v3, v2;
	v3 =	vld [tilespmem:s15+$0x0]  }
0x2fa: {  	v6 =	vld [tilespmem:s14+$0x0];
	v1 =	vadd.f32 v4, v1  }
0x2fb: {  	v4 =	vld [tilespmem:s14+$0x80];
	v2 =	vadd.f32 v5, v2  }
0x2fc: {  	v5 =	vld [tilespmem:s13+$0x0];
	v1 =	vadd.f32 v7, v1  }
0x2fd: {  	v7 =	vld [tilespmem:s14+$0x100];
	v2 =	vadd.f32 v8, v2  }
0x2fe: {  	v8 =	vld [tilespmem:s13+$0x80];
	v1 =	vadd.f32 $1.000000020e-16, v1  }
0x2ff: {  	v9 =	vld [tilespmem:s14+$0x180];
	v2 =	vadd.f32 v3, v2  }
0x300: {  	v3 =	vld [tilespmem:s13+$0x100];
	v4 =	vadd.f32 v4, v6;
	(erf) = vrcp.f32 v1  }
0x301: {  	v1 =	vld [tilespmem:s14+$0x200];
	v2 =	vadd.f32 $1.000000020e-16, v2  }
0x302: {  	v6 =	vld [tilespmem:s13+$0x180];
	v4 =	vadd.f32 v7, v4  }
0x303: {  	v5 =	vadd.f32 v8, v5;
	v7 =	vld [tilespmem:s14+$0x280];
	(erf) = vrcp.f32 v2  }
0x304: {  	v2 =	vld [tilespmem:s13+$0x200];
	v4 =	vadd.f32 v9, v4  }
0x305: {  	v3 =	vadd.f32 v3, v5;
	v5 =	vld [tilespmem:s14+$0x300]  }
0x306: {  	v8 =	vld [tilespmem:s13+$0x280];
	v1 =	vadd.f32 v1, v4  }
0x307: {  	s15 =	sadd.s32 $0x15600, s11;
	v3 =	vadd.f32 v6, v3;
	v4 =	vld [tilespmem:s14+$0x380]  }
0x308: {  	s3 =	sand.u32 $0x380, s3;
	s14 =	sor.u32 s4, s15;
	s15 =	sor.u32 s12, s15;
	v6 =	vld [tilespmem:s13+$0x300];
	v1 =	vadd.f32 v7, v1  }
0x309: {  	s16 =	sadd.s32 $0x15680, s11;
	s3 =	sor.u32 s1, s3;
	s1 =	smov.u32 s12;
	v2 =	vadd.f32 v2, v3;
	v3 =	vld [tilespmem:s15+$0x0];
	v7 =	vpop (erf)  }
0x30a: {  	s12 =	sor.u32 s4, s16;
	v9 =	vld [tilespmem:s13+$0x380];
	v1 =	vadd.f32 v5, v1;
	s13 =	sor.u32 s1, s16;
	[tilespmem:s3+$0x16A00] =	vst v7;
	s3 =	smov.u32 s10  }
0x30b: {  	s15 =	sadd.s32 $0x15700, s11;
	v2 =	vadd.f32 v8, v2;
	v5 =	vld [tilespmem:s13+$0x0]  }
0x30c: {  	s5 =	sadd.s32 $0x20, s5;
	s13 =	sor.u32 s4, s15;
	v7 =	vld [tilespmem:s14+$0x0];
	v1 =	vadd.f32 v4, v1;
	s14 =	sor.u32 s1, s15;
	v4 =	vpop (erf)  }
0x30d: {  	s15 =	sadd.s32 $0x15780, s11;
	v2 =	vadd.f32 v6, v2;
	v6 =	vld [tilespmem:s14+$0x0];
	[tilespmem:s5+$0x0] =	vst v4  }
0x30e: {  	s14 =	sor.u32 s1, s15;
	v4 =	vld [tilespmem:s12+$0x0];
	s12 =	sor.u32 s4, s15;
	v1 =	vadd.f32 v3, v1  }
0x30f: {  	s15 =	sadd.s32 $0x15800, s11;
	v2 =	vadd.f32 v9, v2;
	v8 =	vld [tilespmem:s14+$0x0]  }
0x310: {  	s14 =	sor.u32 s1, s15;
	v9 =	vld [tilespmem:s13+$0x0];
	s13 =	sor.u32 s4, s15;
	v1 =	vadd.f32 v5, v1  }
0x311: {  	s15 =	sadd.s32 $0x15880, s11;
	v3 =	vadd.f32 v7, v2;
	v10 =	vld [tilespmem:s14+$0x0]  }
.Ltmp11:
0x312: {  	s14 =	sor.u32 s4, s15;
	v2 =	vld [tilespmem:s12+$0x0];
	v5 =	vadd.f32 v6, v1;
	s12 =	sor.u32 s1, s15;
	(pc) =	sbr.rel @p1 .LBB2_24-.Ltmp11, $4  }
0x313: {  	s15 =	sadd.s32 $0x15900, s11;
	v4 =	vadd.f32 v4, v3;
	v1 =	vld [tilespmem:s12+$0x0]  }
0x314: {  	v3 =	vld [tilespmem:s13+$0x0];
	s13 =	sor.u32 s4, s15;
	v6 =	vadd.f32 v8, v5;
	s15 =	sor.u32 s1, s15  }
0x315: {  	s12 =	sadd.s32 $0x15980, s11;
	v7 =	vadd.f32 v9, v4;
	v4 =	vld [tilespmem:s15+$0x0]  }
0x316: {  	s9 =	sadd.s32 $0x100, s9;
	s10 =	sadd.s32 $0x20, s10;
	v5 =	vld [tilespmem:s14+$0x0];
	v6 =	vadd.f32 v10, v6;
	s14 =	sor.u32 s1, s12  }
0x317: {  	v2 =	vadd.f32 v2, v7  }
0x318: {  	v63 =	vld [tilespmem:s13+$0x0]  }
0x319: {  	s4 =	sor.u32 s4, s12;
	v8 =	vld [tilespmem:s14+$0x0];
	v2 =	vadd.f32 v3, v2  }
0x31a: {  	v1 =	vadd.f32 v1, v6;
	v3 =	vld [tilespmem:s4+$0x0]  }
0x31b: {  	v2 =	vadd.f32 v5, v2  }
0x31c: {  	v1 =	vadd.f32 v4, v1  }
0x31d: {  	v2 =	vadd.f32 v63, v2  }
0x31e: {  	v1 =	vadd.f32 v8, v1  }
0x31f: {  	v2 =	vadd.f32 v3, v2  }
0x320: {  	v1 =	vadd.f32 $1.000000020e-16, v1  }
0x321: {  	v2 =	vadd.f32 $1.000000020e-16, v2  }
0x322: {  	(erf) = vrcp.f32 v1  }
0x323: {  	(erf) = vrcp.f32 v2;
	_ =	sdelay $0x6  }
0x324: {  	s3 =	sand.u32 $0x380, s3  }
0x325: {  	s1 =	sor.u32 s1, s3;
	v1 =	vpop (erf)  }
0x326: {  	s16 =	sadd.s32 $0x20, s5;
	[tilespmem:s1+$0x16A00] =	vst v1;
	v1 =	vpop (erf)  }
0x327: {  	[tilespmem:s16+$0x0] =	vst v1  }
0x328: {  	[spmem:s8] =	stream.strided.scatter [tilespmem:s30], [sflag:$0x1], $0x280, s22, s21, $0x38;
	[tilespmem:$0x19480] =	vst v63  }
0x329: {  	_ =	swait.ge [sflag:s20], $0x280  }
0x32a: {  	[sflag:s20] =	ssyncset.done $0x0  }
0x32b: {  	[sflag:s20] =	ssyncadd.s32 $0xFFFFFD80  }
0x32c: {  	[bflag:$0x0] =	sbarrier.arrive $0xFFFF  }
0x32d: {  	[tilespmem:s31], [sflag:$0x1] =	stream.strided.gather [spmem:s2], $0x2800, s22, s21, $0x38;
	[tilespmem:$0x19480] =	vst v63  }
0x32e: {  	_ =	swait.ge [sflag:s20], $0x2800  }
0x32f: {  	[sflag:s20] =	ssyncset.done $0x0  }
0x330: {  	[sflag:s20] =	ssyncadd.s32 $0xFFFFD800  }
0x331: {  	s3 =	simm.s32 $0xF240;
	[bflag:$0x0] =	sbarrier.arrive $0xFFFF  }
0x332: {  	[tilespmem:s3+$0xFFFFFFC0] =	vst v0  }
0x333: {  	[tilespmem:s3+$0x30] =	vst v0  }
0x334: {  	[tilespmem:s3+$0x20] =	vst v0  }
0x335: {  	[tilespmem:s3+$0x10] =	vst v0  }
0x336: {  	[tilespmem:s3+$0x0] =	vst v0  }
0x337: {  	[tilespmem:s3+$0xFFFFFFF0] =	vst v0  }
0x338: {  	s4 =	simm.s32 $0x0;
	[tilespmem:s3+$0xFFFFFFE0] =	vst v0  }
.LBB2_26:
0x339: {  	s4 =	sadd.s32 $0x8, s4;
	[tilespmem:s3+$0xFFFFFFD0] =	vst v0;
	s3 =	sadd.s32 $0x80, s3  }
0x33a: {  	[tilespmem:s3+$0xFFFFFFC0] =	vst v0;
	p1 =	slt.u32 s4, $0x278  }
0x33b: {  	[tilespmem:s3+$0x30] =	vst v0  }
.Ltmp12:
0x33c: {  	[tilespmem:s3+$0x20] =	vst v0;
	(pc) =	sbr.rel @p1 .LBB2_26-.Ltmp12, $4  }
0x33d: {  	[tilespmem:s3+$0x10] =	vst v0  }
0x33e: {  	[tilespmem:s3+$0x0] =	vst v0  }
0x33f: {  	[tilespmem:s3+$0xFFFFFFF0] =	vst v0  }
0x340: {  	s1 =	simm.s32 $0xA140;
	[tilespmem:s3+$0xFFFFFFE0] =	vst v0  }
0x341: {  	[tilespmem:s3+$0xFFFFFFD0] =	vst v0;
	s16 =	simm.s32 $0x40  }
0x342: {  	v1 =	vld [tilespmem:s16+$0x30]  }
0x343: {  	v2 =	vld [tilespmem:s16+$0xFFFFFFD0]  }
0x344: {  	v3 =	vld [tilespmem:s16+$0xFFFFFFE0]  }
0x345: {  	v4 =	vld [tilespmem:s16+$0xFFFFFFF0]  }
0x346: {  	v5 =	vld [tilespmem:s16+$0x0]  }
0x347: {  	v7 =	vld [tilespmem:s16+$0x10]  }
0x348: {  	v9 =	vld [tilespmem:s16+$0xFFFFFFC0]  }
0x349: {  	v11 =	vld [tilespmem:s16+$0x20];
	v6 =	vshrl.u32 v1, $0xE  }
0x34a: {  	v15 =	vld [tilespmem:s1+$0x30]  }
0x34b: {  	v59 =	vld [tilespmem:s1+$0xFFFFFFD0]  }
0x34c: {  	v60 =	vld [tilespmem:s1+$0xFFFFFFE0]  }
0x34d: {  	v18 =	vld [tilespmem:s1+$0xFFFFFFF0];
	v8 =	vshrl.u32 v2, $0xE  }
0x34e: {  	v13 =	vshrl.u32 v5, $0xE;
	v6 =	vld.idx.msk [tilespmem:v6+s31+$0x0], $0xffff  }
0x34f: {  	v19 =	vld [tilespmem:s1+$0x0];
	v16 =	vshrl.u32 v9, $0xE  }
0x350: {  	v61 =	vld [tilespmem:s1+$0x10];
	v1 =	vand.u32 $0x3FFF, v1  }
0x351: {  	v62 =	vld [tilespmem:s1+$0x20]  }
0x352: {  	v12 =	vshrl.u32 v4, $0xE;
	v8 =	vld.idx.msk [tilespmem:v8+s31+$0x0], $0xffff  }
0x353: {  	v10 =	vshrl.u32 v3, $0xE;
	v13 =	vld.idx.msk [tilespmem:v13+s31+$0x0], $0xffff;
	v6 =	vmul.f32 v15, v6  }
0x354: {  	v14 =	vshrl.u32 v7, $0xE;
	v58 =	vld.idx.msk [tilespmem:v16+s31+$0x0], $0xffff  }
0x355: {  	v17 =	vshrl.u32 v11, $0xE;
	[tilespmem:v1+s25+$0x0] =	vst.idx.add.f32.msk $0xffff, v6  }
0x356: {  	v2 =	vand.u32 $0x3FFF, v2;
	v1 =	vld [tilespmem:s1+$0xFFFFFFC0]  }
0x357: {  	v5 =	vand.u32 $0x3FFF, v5;
	v12 =	vld.idx.msk [tilespmem:v12+s31+$0x0], $0xffff  }
0x358: {  	v9 =	vand.u32 $0x3FFF, v9;
	v10 =	vld.idx.msk [tilespmem:v10+s31+$0x0], $0xffff  }
0x359: {  	v4 =	vand.u32 $0x3FFF, v4;
	v14 =	vld.idx.msk [tilespmem:v14+s31+$0x0], $0xffff;
	v8 =	vmul.f32 v59, v8  }
0x35a: {  	v3 =	vand.u32 $0x3FFF, v3;
	v63 =	vmul.f32 v19, v13;
	v6 =	vld.idx.msk [tilespmem:v17+s31+$0x0], $0xffff  }
0x35b: {  	[tilespmem:v2+s25+$0x0] =	vst.idx.add.f32.msk $0xffff, v8;
	v1 =	vmul.f32 v1, v58  }
0x35c: {  	v2 =	vmul.f32 v18, v12;
	[tilespmem:v5+s25+$0x0] =	vst.idx.add.f32.msk $0xffff, v63  }
0x35d: {  	[tilespmem:v9+s25+$0x0] =	vst.idx.add.f32.msk $0xffff, v1;
	v1 =	vmul.f32 v60, v10  }
0x35e: {  	[tilespmem:v4+s25+$0x0] =	vst.idx.add.f32.msk $0xffff, v2;
	v2 =	vand.u32 $0x3FFF, v11  }
0x35f: {  	s3 =	simm.s32 $0x0;
	s4 =	simm.s32 $0xC0;
	v4 =	vmul.f32 v62, v6;
	[tilespmem:v3+s25+$0x0] =	vst.idx.add.f32.msk $0xffff, v1;
	v1 =	vand.u32 $0x3FFF, v7;
	v3 =	vmul.f32 v61, v14  }
.LBB2_28:
0x360: {  	v5 =	vld [tilespmem:s4+$0x30];
	s3 =	sadd.s32 $0x8, s3  }
0x361: {  	v6 =	vld [tilespmem:s4+$0xFFFFFFD0];
	p1 =	slt.u32 s3, $0x500  }
0x362: {  	v7 =	vld [tilespmem:s4+$0xFFFFFFE0]  }
0x363: {  	v8 =	vld [tilespmem:s4+$0xFFFFFFF0]  }
0x364: {  	v9 =	vld [tilespmem:s4+$0x0]  }
0x365: {  	v10 =	vld [tilespmem:s4+$0x10];
	v11 =	vshrl.u32 v5, $0xE  }
0x366: {  	v12 =	vshrl.u32 v6, $0xE;
	v6 =	vand.u32 $0x3FFF, v6;
	v13 =	vld [tilespmem:s4+$0x20]  }
0x367: {  	v14 =	vld [tilespmem:s4+$0xFFFFFFC0];
	v15 =	vshrl.u32 v7, $0xE;
	v7 =	vand.u32 $0x3FFF, v7  }
0x368: {  	v16 =	vshrl.u32 v8, $0xE;
	v8 =	vand.u32 $0x3FFF, v8;
	[tilespmem:v1+s25+$0x0] =	vst.idx.add.f32.msk $0xffff, v3  }
0x369: {  	v3 =	vshrl.u32 v9, $0xE;
	v9 =	vand.u32 $0x3FFF, v9;
	[tilespmem:v2+s25+$0x0] =	vst.idx.add.f32.msk $0xffff, v4  }
0x36a: {  	s1 =	sadd.s32 $0x80, s1;
	v4 =	vshrl.u32 v10, $0xE;
	v1 =	vand.u32 $0x3FFF, v10;
	v10 =	vld.idx.msk [tilespmem:v11+s31+$0x0], $0xffff  }
0x36b: {  	v11 =	vshrl.u32 v13, $0xE;
	v2 =	vand.u32 $0x3FFF, v13;
	v13 =	vld [tilespmem:s1+$0x30]  }
0x36c: {  	v17 =	vshrl.u32 v14, $0xE;
	v14 =	vand.u32 $0x3FFF, v14;
	v12 =	vld.idx.msk [tilespmem:v12+s31+$0x0], $0xffff  }
0x36d: {  	v5 =	vand.u32 $0x3FFF, v5;
	v15 =	vld.idx.msk [tilespmem:v15+s31+$0x0], $0xffff  }
0x36e: {  	v16 =	vld.idx.msk [tilespmem:v16+s31+$0x0], $0xffff  }
0x36f: {  	v3 =	vld.idx.msk [tilespmem:v3+s31+$0x0], $0xffff  }
0x370: {  	v4 =	vld.idx.msk [tilespmem:v4+s31+$0x0], $0xffff;
	v10 =	vmul.f32 v13, v10  }
0x371: {  	v13 =	vld.idx.msk [tilespmem:v17+s31+$0x0], $0xffff  }
0x372: {  	s5 =	simm.s32 $0x0;
	[tilespmem:v5+s25+$0x0] =	vst.idx.add.f32.msk $0xffff, v10  }
0x373: {  	v5 =	vld.idx.msk [tilespmem:v11+s31+$0x0], $0xffff  }
0x374: {  	v10 =	vld [tilespmem:s1+$0xFFFFFFC0]  }
0x375: {  	v11 =	vld [tilespmem:s1+$0xFFFFFFD0]  }
0x376: {  	v17 =	vld [tilespmem:s1+$0xFFFFFFE0]  }
0x377: {  	v18 =	vld [tilespmem:s1+$0xFFFFFFF0]  }
0x378: {  	v19 =	vld [tilespmem:s1+$0x0]  }
0x379: {  	v10 =	vmul.f32 v10, v13;
	v13 =	vld [tilespmem:s1+$0x10]  }
0x37a: {  	v11 =	vmul.f32 v11, v12;
	v12 =	vld [tilespmem:s1+$0x20]  }
.Ltmp13:
0x37b: {  	[tilespmem:v14+s25+$0x0] =	vst.idx.add.f32.msk $0xffff, v10;
	v10 =	vmul.f32 v17, v15;
	(pc) =	sbr.rel @p1 .LBB2_28-.Ltmp13, $4  }
0x37c: {  	[tilespmem:v6+s25+$0x0] =	vst.idx.add.f32.msk $0xffff, v11;
	v6 =	vmul.f32 v18, v16  }
0x37d: {  	[tilespmem:v7+s25+$0x0] =	vst.idx.add.f32.msk $0xffff, v10;
	v7 =	vmul.f32 v19, v3  }
0x37e: {  	[tilespmem:v8+s25+$0x0] =	vst.idx.add.f32.msk $0xffff, v6;
	v3 =	vmul.f32 v13, v4  }
0x37f: {  	s4 =	sadd.s32 $0x80, s4;
	[tilespmem:v9+s25+$0x0] =	vst.idx.add.f32.msk $0xffff, v7;
	v4 =	vmul.f32 v12, v5  }
0x380: {  	_ =	sdelay $0x3  }
0x381: {  	[tilespmem:v1+s25+$0x0] =	vst.idx.add.f32.msk $0xffff, v3  }
0x382: {  	[tilespmem:v2+s25+$0x0] =	vst.idx.add.f32.msk $0xffff, v4  }
.LBB2_30:
0x383: {  	s1 =	sshra.s32 s5, $0x2  }
0x384: {  	v1 =	vld [tilespmem:s1+$0x5080];
	_ =	sdelay $0x4  }
0x385: {  	v2 =	vshrl.u32 v1, $0xE;
	_ =	sdelay $0x3  }
0x386: {  	v3 =	vld [tilespmem:s1+$0xF180]  }
0x387: {  	v2 =	vld.idx.msk [tilespmem:v2+s31+$0x0], $0xffff;
	_ =	sdelay $0x1  }
0x388: {  	p1 =	sne.s32 s5, $0x40;
	v1 =	vand.u32 $0x3FFF, v1  }
.Ltmp14:
0x389: {  	_ = 	snop;
	(pc) =	sbr.rel @p1 .LBB2_30-.Ltmp14, $3  }
0x38a: {  	_ = 	snop  }
0x38b: {  	v2 =	vmul.f32 v3, v2;
	_ =	sdelay $0x1  }
0x38c: {  	s5 =	sadd.s32 $0x40, s5;
	[tilespmem:v1+s25+$0x0] =	vst.idx.add.f32.msk $0xffff, v2  }
0x38d: {  	[spmem:s7] =	stream.strided.scatter [tilespmem:s25], [sflag:$0x1], $0x2800, s22, s21, $0x38;
	[tilespmem:$0x19480] =	vst v63  }
0x38e: {  	_ =	swait.ge [sflag:s20], $0x2800  }
0x38f: {  	[sflag:s20] =	ssyncset.done $0x0  }
0x390: {  	[sflag:s20] =	ssyncadd.s32 $0xFFFFD800  }
0x391: {  	s9 =	simm.s32 $0x0;
	[bflag:$0x0] =	sbarrier.arrive $0xFFFF  }
0x392: {  	[tilespmem:s29], [sflag:$0x1] =	stream.strided.gather [spmem:s8], $0x2800, s28, s26, $0x38;
	[tilespmem:$0x19480] =	vst v63  }
0x393: {  	s3 =	sand.u32 $0x60, s9;
	s1 =	sand.u32 $0x1C00, s9;
	_ =	swait.ge [sflag:s20], $0x2800  }
0x394: {  	s4 =	sor.u32 $0x14200, s1;
	s6 =	sor.u32 $0x10, s3;
	[sflag:s20] =	ssyncset.done $0x0  }
0x395: {  	s5 =	sor.u32 s6, s4;
	[sflag:s20] =	ssyncadd.s32 $0xFFFFD800  }
0x396: {  	v1 =	vld [tilespmem:s5+$0x0]  }
0x397: {  	s4 =	sor.u32 s3, s4;
	v2 =	vld [tilespmem:s5+$0x80]  }
0x398: {  	v3 =	vld [tilespmem:s4+$0x0]  }
0x399: {  	v4 =	vld [tilespmem:s5+$0x100]  }
0x39a: {  	v5 =	vld [tilespmem:s4+$0x80]  }
0x39b: {  	v6 =	vld [tilespmem:s5+$0x180]  }
0x39c: {  	v7 =	vld [tilespmem:s4+$0x100]  }
0x39d: {  	v8 =	vld [tilespmem:s5+$0x200]  }
0x39e: {  	v9 =	vld [tilespmem:s4+$0x180]  }
0x39f: {  	v10 =	vld [tilespmem:s5+$0x280]  }
0x3a0: {  	v11 =	vld [tilespmem:s4+$0x200]  }
0x3a1: {  	v12 =	vld [tilespmem:s5+$0x300]  }
0x3a2: {  	v13 =	vld [tilespmem:s4+$0x280]  }
0x3a3: {  	s10 =	sadd.s32 $0x15600, s1;
	v14 =	vld [tilespmem:s5+$0x380]  }
0x3a4: {  	s16 =	sor.u32 s6, s10;
	v15 =	vld [tilespmem:s4+$0x300]  }
0x3a5: {  	v16 =	vld [tilespmem:s16+$0x0]  }
0x3a6: {  	s13 =	sadd.s32 $0x15700, s1;
	s12 =	sor.u32 s3, s10;
	v17 =	vld [tilespmem:s4+$0x380]  }
0x3a7: {  	s11 =	sadd.s32 $0x15680, s1;
	s14 =	sor.u32 s6, s13;
	v19 =	vld [tilespmem:s12+$0x0]  }
0x3a8: {  	s15 =	sor.u32 s3, s11;
	v20 =	vld [tilespmem:s14+$0x0]  }
0x3a9: {  	s5 =	sor.u32 s6, s11;
	v21 =	vld [tilespmem:s15+$0x0]  }
0x3aa: {  	s16 =	sadd.s32 $0x15780, s1;
	s12 =	sor.u32 s3, s13;
	v18 =	vld [tilespmem:s5+$0x0]  }
0x3ab: {  	s13 =	sadd.s32 $0x15800, s1;
	s5 =	sor.u32 s6, s16;
	v23 =	vld [tilespmem:s12+$0x0]  }
0x3ac: {  	s14 =	sor.u32 s6, s13;
	v22 =	vld [tilespmem:s5+$0x0]  }
0x3ad: {  	s15 =	sor.u32 s3, s16;
	v24 =	vld [tilespmem:s14+$0x0]  }
0x3ae: {  	s10 =	sadd.s32 $0x15900, s1;
	s12 =	sor.u32 s3, s13;
	v25 =	vld [tilespmem:s15+$0x0]  }
0x3af: {  	s16 =	sadd.s32 $0x15880, s1;
	s13 =	sor.u32 s6, s10;
	v27 =	vld [tilespmem:s12+$0x0]  }
0x3b0: {  	s5 =	sor.u32 s6, s16;
	s14 =	sor.u32 s3, s16;
	v28 =	vld [tilespmem:s13+$0x0]  }
0x3b1: {  	s15 =	sadd.s32 $0x15980, s1;
	s12 =	simm.s32 $0x100;
	s1 =	simm.s32 $0x20;
	v26 =	vld [tilespmem:s5+$0x0]  }
0x3b2: {  	s13 =	sor.u32 s3, s10;
	v29 =	vld [tilespmem:s14+$0x0];
	s16 =	sor.u32 s6, s15;
	s10 =	sand.u32 $0x1C00, s12;
	v1 =	vadd.f32 v2, v1  }
0x3b3: {  	s4 =	sand.u32 $0x60, s1;
	s12 =	sor.u32 $0x14200, s10;
	v2 =	vadd.f32 v5, v3;
	v3 =	vld [tilespmem:s16+$0x0]  }
0x3b4: {  	s11 =	sor.u32 s3, s15;
	s3 =	sor.u32 $0x10, s4;
	v5 =	vld [tilespmem:s13+$0x0];
	s15 =	sor.u32 s4, s12;
	v1 =	vadd.f32 v4, v1  }
0x3b5: {  	s14 =	sor.u32 s3, s12;
	v45 =	vld [tilespmem:s15+$0x0];
	v2 =	vadd.f32 v7, v2  }
0x3b6: {  	v7 =	vld [tilespmem:s14+$0x0];
	v1 =	vadd.f32 v6, v1  }
0x3b7: {  	v2 =	vadd.f32 v9, v2;
	v6 =	vld [tilespmem:s14+$0x80]  }
0x3b8: {  	v46 =	vld [tilespmem:s15+$0x80];
	v1 =	vadd.f32 v8, v1  }
0x3b9: {  	v2 =	vadd.f32 v11, v2;
	v8 =	vld [tilespmem:s14+$0x100]  }
0x3ba: {  	v47 =	vld [tilespmem:s14+$0x180];
	v1 =	vadd.f32 v10, v1  }
0x3bb: {  	v48 =	vld [tilespmem:s14+$0x200];
	v2 =	vadd.f32 v13, v2  }
0x3bc: {  	v6 =	vadd.f32 v6, v7;
	v7 =	vld [tilespmem:s15+$0x100];
	v1 =	vadd.f32 v12, v1  }
0x3bd: {  	v49 =	vld [tilespmem:s14+$0x280];
	v2 =	vadd.f32 v15, v2  }
0x3be: {  	v6 =	vadd.f32 v8, v6;
	v8 =	vld [tilespmem:s15+$0x180];
	v1 =	vadd.f32 v14, v1  }
0x3bf: {  	v50 =	vld [tilespmem:s15+$0x200];
	v9 =	vadd.f32 v46, v45;
	v2 =	vadd.f32 v17, v2  }
0x3c0: {  	v51 =	vld [tilespmem:s14+$0x300];
	v6 =	vadd.f32 v47, v6;
	v1 =	vadd.f32 v16, v1  }
0x3c1: {  	v52 =	vld [tilespmem:s15+$0x280];
	v2 =	vadd.f32 v19, v2;
	v7 =	vadd.f32 v7, v9  }
0x3c2: {  	v53 =	vld [tilespmem:s14+$0x380];
	v6 =	vadd.f32 v48, v6;
	v1 =	vadd.f32 v18, v1  }
0x3c3: {  	s16 =	sadd.s32 $0x15600, s10;
	v55 =	vld [tilespmem:s15+$0x380];
	v2 =	vadd.f32 v21, v2;
	v7 =	vadd.f32 v8, v7  }
0x3c4: {  	s13 =	sor.u32 s3, s16;
	v8 =	vld [tilespmem:s15+$0x300];
	v6 =	vadd.f32 v49, v6;
	v1 =	vadd.f32 v20, v1  }
0x3c5: {  	v54 =	vld [tilespmem:s13+$0x0];
	s14 =	sadd.s32 $0x15680, s10;
	v2 =	vadd.f32 v23, v2;
	v7 =	vadd.f32 v50, v7  }
0x3c6: {  	v4 =	vld [tilespmem:s11+$0x0];
	s15 =	sor.u32 s3, s14;
	v6 =	vadd.f32 v51, v6;
	v1 =	vadd.f32 v22, v1  }
0x3c7: {  	s11 =	sor.u32 s4, s16;
	s16 =	sadd.s32 $0x15700, s10;
	v56 =	vld [tilespmem:s15+$0x0];
	v2 =	vadd.f32 v25, v2;
	v7 =	vadd.f32 v52, v7  }
0x3c8: {  	v57 =	vld [tilespmem:s11+$0x0];
	s11 =	sor.u32 s3, s16;
	v6 =	vadd.f32 v53, v6;
	v1 =	vadd.f32 v24, v1  }
0x3c9: {  	s13 =	sadd.s32 $0x15780, s10;
	v58 =	vld [tilespmem:s11+$0x0];
	s14 =	sor.u32 s4, s14;
	v2 =	vadd.f32 v27, v2;
	v7 =	vadd.f32 v8, v7  }
0x3ca: {  	s15 =	sor.u32 s3, s13;
	v8 =	vld [tilespmem:s14+$0x0];
	v6 =	vadd.f32 v54, v6;
	v1 =	vadd.f32 v26, v1  }
0x3cb: {  	s12 =	sadd.s32 $0x15800, s10;
	s16 =	sor.u32 s4, s16;
	v59 =	vld [tilespmem:s15+$0x0];
	v2 =	vadd.f32 v29, v2;
	v7 =	vadd.f32 v55, v7  }
0x3cc: {  	v60 =	vld [tilespmem:s16+$0x0];
	s14 =	sor.u32 s3, s12;
	v6 =	vadd.f32 v56, v6;
	v61 =	vadd.f32 v28, v1  }
0x3cd: {  	s15 =	sor.u32 s4, s13;
	s13 =	sadd.s32 $0x15880, s10;
	v62 =	vld [tilespmem:s14+$0x0];
	v2 =	vadd.f32 v5, v2;
	v5 =	vadd.f32 v57, v7  }
0x3ce: {  	s5 =	simm.s32 $0x16A00;
	s16 =	sor.u32 s3, s13;
	v1 =	vld [tilespmem:s15+$0x0];
	v6 =	vadd.f32 v58, v6;
	v7 =	vadd.f32 v3, v61  }
0x3cf: {  	s12 =	sor.u32 s4, s12;
	s14 =	sand.u32 $0x380, s9;
	s15 =	sadd.s32 $0x15900, s10;
	v63 =	vadd.f32 v4, v2;
	v2 =	vld [tilespmem:s16+$0x0];
	v5 =	vadd.f32 v8, v5  }
0x3d0: {  	s9 =	simm.s32 $0x2;
	s6 =	sor.u32 s6, s14;
	s14 =	sor.u32 s3, s15;
	v3 =	vld [tilespmem:s12+$0x0];
	v6 =	vadd.f32 v59, v6  }
0x3d1: {  	s16 =	sor.u32 s4, s13;
	s12 =	sor.u32 s4, s15;
	s13 =	sadd.s32 $0x15980, s10;
	v4 =	vld [tilespmem:s14+$0x0];
	[tilespmem:s6+$0x16A00] =	vst v7;
	v7 =	vadd.f32 v60, v5  }
0x3d2: {  	s10 =	simm.s32 $0x40;
	s14 =	sor.u32 s3, s13;
	[tilespmem:s5+$0x0] =	vst v63;
	v5 =	vld [tilespmem:s16+$0x0];
	s6 =	simm.s32 $0x200;
	v6 =	vadd.f32 v62, v6  }
.LBB2_32:
0x3d3: {  	s11 =	sand.u32 $0x1C00, s6;
	v1 =	vadd.f32 v1, v7;
	s13 =	sor.u32 s4, s13;
	s4 =	sand.u32 $0x60, s10;
	v7 =	vld [tilespmem:s14+$0x0]  }
0x3d4: {  	s9 =	sadd.s32 $0x2, s9;
	s14 =	sor.u32 $0x14200, s11;
	s15 =	sor.u32 $0x10, s4;
	v8 =	vld [tilespmem:s12+$0x0];
	v2 =	vadd.f32 v2, v6  }
0x3d5: {  	p1 =	slt.u32 s9, $0x26;
	s12 =	sor.u32 s4, s14;
	s14 =	sor.u32 s15, s14;
	v1 =	vadd.f32 v3, v1;
	v3 =	vld [tilespmem:s13+$0x0]  }
0x3d6: {  	v6 =	vld [tilespmem:s14+$0x0];
	v2 =	vadd.f32 v4, v2  }
0x3d7: {  	v4 =	vld [tilespmem:s14+$0x80];
	v1 =	vadd.f32 v5, v1  }
0x3d8: {  	s13 =	sand.u32 $0x380, s1;
	s1 =	smov.u32 s10;
	v5 =	vld [tilespmem:s12+$0x0];
	v2 =	vadd.f32 v7, v2  }
0x3d9: {  	s13 =	sor.u32 s3, s13;
	s3 =	smov.u32 s15;
	v7 =	vld [tilespmem:s14+$0x100];
	v1 =	vadd.f32 v8, v1  }
0x3da: {  	v8 =	vld [tilespmem:s12+$0x80];
	[tilespmem:s13+$0x16A00] =	vst v2  }
0x3db: {  	v2 =	vld [tilespmem:s14+$0x180];
	v1 =	vadd.f32 v3, v1  }
0x3dc: {  	s5 =	sadd.s32 $0x20, s5;
	v3 =	vld [tilespmem:s12+$0x100];
	v4 =	vadd.f32 v4, v6  }
0x3dd: {  	v6 =	vld [tilespmem:s14+$0x200];
	[tilespmem:s5+$0x0] =	vst v1  }
0x3de: {  	v1 =	vld [tilespmem:s12+$0x180];
	v4 =	vadd.f32 v7, v4  }
0x3df: {  	v5 =	vadd.f32 v8, v5;
	v7 =	vld [tilespmem:s14+$0x280]  }
0x3e0: {  	v8 =	vld [tilespmem:s12+$0x200];
	v2 =	vadd.f32 v2, v4  }
0x3e1: {  	v3 =	vadd.f32 v3, v5;
	v4 =	vld [tilespmem:s14+$0x300]  }
0x3e2: {  	v5 =	vld [tilespmem:s12+$0x280];
	v2 =	vadd.f32 v6, v2  }
0x3e3: {  	s13 =	sadd.s32 $0x15600, s11;
	v1 =	vadd.f32 v1, v3;
	v3 =	vld [tilespmem:s14+$0x380]  }
0x3e4: {  	s14 =	sor.u32 s4, s13;
	s13 =	sor.u32 s3, s13;
	v6 =	vld [tilespmem:s12+$0x300];
	v2 =	vadd.f32 v7, v2  }
0x3e5: {  	s15 =	sadd.s32 $0x15680, s11;
	v1 =	vadd.f32 v8, v1;
	v7 =	vld [tilespmem:s13+$0x0]  }
0x3e6: {  	s13 =	sor.u32 s3, s15;
	v8 =	vld [tilespmem:s12+$0x380];
	s12 =	sor.u32 s4, s15;
	v2 =	vadd.f32 v4, v2  }
0x3e7: {  	s15 =	sadd.s32 $0x15700, s11;
	v1 =	vadd.f32 v5, v1;
	v4 =	vld [tilespmem:s13+$0x0]  }
0x3e8: {  	s13 =	sor.u32 s4, s15;
	v5 =	vld [tilespmem:s14+$0x0];
	v2 =	vadd.f32 v3, v2;
	s14 =	sor.u32 s3, s15  }
0x3e9: {  	s15 =	sadd.s32 $0x15780, s11;
	v1 =	vadd.f32 v6, v1;
	v3 =	vld [tilespmem:s14+$0x0]  }
0x3ea: {  	s14 =	sor.u32 s3, s15;
	v6 =	vld [tilespmem:s12+$0x0];
	s12 =	sor.u32 s4, s15;
	v2 =	vadd.f32 v7, v2  }
0x3eb: {  	s15 =	sadd.s32 $0x15800, s11;
	v1 =	vadd.f32 v8, v1;
	v7 =	vld [tilespmem:s14+$0x0]  }
0x3ec: {  	s14 =	sor.u32 s3, s15;
	v8 =	vld [tilespmem:s13+$0x0];
	s13 =	sor.u32 s4, s15;
	v2 =	vadd.f32 v4, v2  }
0x3ed: {  	s15 =	sadd.s32 $0x15880, s11;
	v4 =	vadd.f32 v5, v1;
	v9 =	vld [tilespmem:s14+$0x0]  }
.Ltmp15:
0x3ee: {  	s14 =	sor.u32 s4, s15;
	v1 =	vld [tilespmem:s12+$0x0];
	v5 =	vadd.f32 v3, v2;
	s12 =	sor.u32 s3, s15;
	(pc) =	sbr.rel @p1 .LBB2_32-.Ltmp15, $4  }
0x3ef: {  	s15 =	sadd.s32 $0x15900, s11;
	v4 =	vadd.f32 v6, v4;
	v2 =	vld [tilespmem:s12+$0x0]  }
0x3f0: {  	s12 =	sor.u32 s4, s15;
	s15 =	sor.u32 s3, s15;
	v3 =	vld [tilespmem:s13+$0x0];
	v6 =	vadd.f32 v7, v5  }
0x3f1: {  	s13 =	sadd.s32 $0x15980, s11;
	v7 =	vadd.f32 v8, v4;
	v4 =	vld [tilespmem:s15+$0x0]  }
0x3f2: {  	s6 =	sadd.s32 $0x100, s6;
	s10 =	sadd.s32 $0x20, s10;
	v5 =	vld [tilespmem:s14+$0x0];
	v6 =	vadd.f32 v9, v6;
	s14 =	sor.u32 s3, s13  }
0x3f3: {  	v1 =	vadd.f32 v1, v7  }
0x3f4: {  	v63 =	vld [tilespmem:s12+$0x0]  }
0x3f5: {  	s4 =	sor.u32 s4, s13;
	v8 =	vld [tilespmem:s14+$0x0];
	v1 =	vadd.f32 v3, v1  }
0x3f6: {  	v2 =	vadd.f32 v2, v6;
	v3 =	vld [tilespmem:s4+$0x0]  }
0x3f7: {  	v1 =	vadd.f32 v5, v1  }
0x3f8: {  	v2 =	vadd.f32 v4, v2  }
0x3f9: {  	v1 =	vadd.f32 v63, v1  }
0x3fa: {  	s1 =	sand.u32 $0x380, s1;
	v2 =	vadd.f32 v8, v2  }
0x3fb: {  	s1 =	sor.u32 s3, s1;
	v1 =	vadd.f32 v3, v1  }
0x3fc: {  	s14 =	sadd.s32 $0x20, s5;
	[tilespmem:s1+$0x16A00] =	vst v2  }
0x3fd: {  	[tilespmem:s14+$0x0] =	vst v1;
	v1 =	vimm.f32 @!p0 $0.0e+00  }
0x3fe: {  	[tilespmem:$0x16B90] =	vst @!p0 v1  }
0x3ff: {  	[tilespmem:$0x16BA0] =	vst @!p0 v1  }
0x400: {  	[tilespmem:$0x16BB0] =	vst @!p0 v1  }
0x401: {  	[tilespmem:$0x16BC0] =	vst @!p0 v1  }
0x402: {  	[tilespmem:$0x16BD0] =	vst @!p0 v1  }
0x403: {  	[tilespmem:$0x16BE0] =	vst @!p0 v1  }
0x404: {  	[tilespmem:$0x16BF0] =	vst @!p0 v1  }
0x405: {  	[tilespmem:$0x16C00] =	vst @!p0 v1  }
0x406: {  	[tilespmem:$0x16C10] =	vst @!p0 v1  }
0x407: {  	[tilespmem:$0x16C20] =	vst @!p0 v1  }
0x408: {  	[tilespmem:$0x16C30] =	vst @!p0 v1  }
0x409: {  	[tilespmem:$0x16C40] =	vst @!p0 v1  }
0x40a: {  	[tilespmem:$0x16C50] =	vst @!p0 v1  }
0x40b: {  	[tilespmem:$0x16C60] =	vst @!p0 v1  }
0x40c: {  	[tilespmem:$0x16C70] =	vst @!p0 v1;
	s1 =	rddreg [dreg:$0x9]  }
0x40d: {  	[hbm4b:s1+s21] =	stream.strided.scatter [tilespmem:s30], [sflag:$0x1], $0x280, s22, s21, $0x38;
	[tilespmem:$0x19480] =	vst v63  }
0x40e: {  	_ =	swait.ge [sflag:s20], $0x280  }
0x40f: {  	[sflag:s20] =	ssyncset.done $0x0  }
0x410: {  	[sflag:s20] =	ssyncadd.s32 $0xFFFFFD80  }
0x411: {  	[bflag:$0x0] =	sbarrier.arrive $0xFFFF  }
0x412: {  	s15 =	rddreg [dreg:$0xa]  }
0x413: {  	[tilespmem:s23], [sflag:$0x1] =	stream.strided.gather [hbm4b:s15+s21], $0x2800, s22, s21, $0x38;
	[tilespmem:$0x19480] =	vst v63  }
0x414: {  	_ =	swait.ge [sflag:s20], $0x2800  }
0x415: {  	[sflag:s20] =	ssyncset.done $0x0  }
0x416: {  	s16 =	rddreg [dreg:$0xb];
	[sflag:s20] =	ssyncadd.s32 $0xFFFFD800  }
0x417: {  	[tilespmem:s24], [sflag:$0x1] =	stream.strided.gather [hbm4b:s16+s21], $0x2800, s22, s21, $0x38;
	[tilespmem:$0x19480] =	vst v63  }
0x418: {  	_ =	swait.ge [sflag:s20], $0x2800  }
0x419: {  	[sflag:s20] =	ssyncset.done $0x0  }
0x41a: {  	s3 =	simm.s32 $0xF240;
	[sflag:s20] =	ssyncadd.s32 $0xFFFFD800  }
0x41b: {  	[tilespmem:s3+$0xFFFFFFC0] =	vst v0  }
0x41c: {  	[tilespmem:s3+$0x30] =	vst v0  }
0x41d: {  	[tilespmem:s3+$0x20] =	vst v0  }
0x41e: {  	[tilespmem:s3+$0x10] =	vst v0  }
0x41f: {  	[tilespmem:s3+$0x0] =	vst v0  }
0x420: {  	[tilespmem:s3+$0xFFFFFFF0] =	vst v0  }
0x421: {  	s4 =	simm.s32 $0x0;
	[tilespmem:s3+$0xFFFFFFE0] =	vst v0  }
.LBB2_34:
0x422: {  	s4 =	sadd.s32 $0x8, s4;
	[tilespmem:s3+$0xFFFFFFD0] =	vst v0;
	s3 =	sadd.s32 $0x80, s3  }
0x423: {  	[tilespmem:s3+$0xFFFFFFC0] =	vst v0;
	p1 =	slt.u32 s4, $0x278  }
0x424: {  	[tilespmem:s3+$0x30] =	vst v0  }
.Ltmp16:
0x425: {  	[tilespmem:s3+$0x20] =	vst v0;
	(pc) =	sbr.rel @p1 .LBB2_34-.Ltmp16, $4  }
0x426: {  	[tilespmem:s3+$0x10] =	vst v0  }
0x427: {  	[tilespmem:s3+$0x0] =	vst v0  }
0x428: {  	[tilespmem:s3+$0xFFFFFFF0] =	vst v0  }
0x429: {  	s1 =	simm.s32 $0xA140;
	[tilespmem:s3+$0xFFFFFFE0] =	vst v0  }
0x42a: {  	[tilespmem:s3+$0xFFFFFFD0] =	vst v0;
	s15 =	simm.s32 $0x40  }
0x42b: {  	v1 =	vld [tilespmem:s15+$0x30];
	_ =	sdelay $0x1  }
0x42c: {  	v3 =	vld [tilespmem:s15+$0xFFFFFFD0];
	_ =	sdelay $0x2  }
0x42d: {  	v2 =	vand.u32 $0x3FFF, v1  }
0x42e: {  	v4 =	vld [tilespmem:s15+$0xFFFFFFE0];
	v1 =	vshrl.u32 v1, $0xE  }
0x42f: {  	v5 =	vld [tilespmem:s15+$0xFFFFFFF0];
	v6 =	vand.u32 $0x3FFF, v3  }
0x430: {  	v8 =	vld [tilespmem:s15+$0xFFFFFFC0];
	v3 =	vshrl.u32 v3, $0xE  }
0x431: {  	v11 =	vld [tilespmem:s15+$0x0]  }
0x432: {  	v2 =	vld.idx.msk [tilespmem:v2+s23+$0x0], $0xffff  }
0x433: {  	v7 =	vld.idx.msk [tilespmem:v1+s24+$0x0], $0xffff  }
0x434: {  	v12 =	vand.u32 $0x3FFF, v4;
	v6 =	vld.idx.msk [tilespmem:v6+s23+$0x0], $0xffff  }
0x435: {  	v9 =	vshrl.u32 v4, $0xE;
	v4 =	vand.u32 $0x3FFF, v5;
	v10 =	vshrl.u32 v5, $0xE;
	v5 =	vld.idx.msk [tilespmem:v3+s24+$0x0], $0xffff  }
0x436: {  	s16 =	simm.s32 $0xC0;
	v13 =	vld [tilespmem:s15+$0x10]  }
0x437: {  	v39 =	vld [tilespmem:s16+$0x30]  }
0x438: {  	v21 =	vld [tilespmem:s16+$0xFFFFFFD0];
	v2 =	vadd.f32 v7, v2  }
0x439: {  	v23 =	vld [tilespmem:s16+$0x10]  }
0x43a: {  	v15 =	vand.u32 $0x3FFF, v8;
	v7 =	vld [tilespmem:s15+$0x20];
	v5 =	vadd.f32 v5, v6;
	v16 =	vmul.f32 $2.000000030e-01, v2  }
0x43b: {  	v14 =	vshrl.u32 v8, $0xE;
	v8 =	vld.idx.msk [tilespmem:v12+s23+$0x0], $0xffff  }
0x43c: {  	v18 =	vld.idx.msk [tilespmem:v9+s24+$0x0], $0xffff;
	v12 =	vshrl.u32 v13, $0xE;
	v20 =	vmul.f32 $2.000000030e-01, v5;
	v2 =	vmax.f32 v2, v16  }
0x43d: {  	v17 =	vand.u32 $0x3FFF, v11;
	v4 =	vld.idx.msk [tilespmem:v4+s23+$0x0], $0xffff;
	v2 =	vmul.f32 $1.442695020e+00, v2  }
0x43e: {  	v11 =	vshrl.u32 v11, $0xE;
	v19 =	vld.idx.msk [tilespmem:v10+s24+$0x0], $0xffff;
	v16 =	vand.u32 $0x3FFF, v13;
	v5 =	vmax.f32 v5, v20  }
0x43f: {  	v6 =	vld.idx.msk [tilespmem:v15+s23+$0x0], $0xffff;
	v13 =	vshrl.u32 v7, $0xE;
	v5 =	vmul.f32 $1.442695020e+00, v5;
	(erf) = vpow2.f32 v2  }
0x440: {  	v15 =	vld.idx.msk [tilespmem:v14+s24+$0x0], $0xffff;
	v2 =	vand.u32 $0x3FFF, v7  }
0x441: {  	v38 =	vld.idx.msk [tilespmem:v12+s24+$0x0], $0xffff;
	(erf) = vpow2.f32 v5  }
0x442: {  	v8 =	vadd.f32 v18, v8;
	v7 =	vld.idx.msk [tilespmem:v17+s23+$0x0], $0xffff  }
0x443: {  	v17 =	vld.idx.msk [tilespmem:v11+s24+$0x0], $0xffff  }
0x444: {  	v4 =	vadd.f32 v19, v4;
	v18 =	vmul.f32 $2.000000030e-01, v8;
	v5 =	vld.idx.msk [tilespmem:v13+s24+$0x0], $0xffff  }
0x445: {  	v2 =	vld.idx.msk [tilespmem:v2+s23+$0x0], $0xffff  }
0x446: {  	v8 =	vmax.f32 v8, v18;
	v6 =	vadd.f32 v15, v6;
	v15 =	vmul.f32 $2.000000030e-01, v4;
	v16 =	vld.idx.msk [tilespmem:v16+s23+$0x0], $0xffff  }
0x447: {  	v40 =	vld [tilespmem:s16+$0xFFFFFFE0];
	v8 =	vmul.f32 $1.442695020e+00, v8  }
0x448: {  	v41 =	vand.u32 $0x3FFF, v39;
	v4 =	vmax.f32 v4, v15;
	v15 =	vld [tilespmem:s16+$0xFFFFFFF0];
	v22 =	vpop (erf)  }
0x449: {  	v26 =	vand.u32 $0x3FFF, v23;
	v7 =	vadd.f32 v17, v7;
	(erf) = vpow2.f32 v8;
	v8 =	vld [tilespmem:s16+$0x0];
	[tilespmem:s1+$0x30] =	vst v22  }
0x44a: {  	v17 =	vmul.f32 $1.442695020e+00, v4;
	v43 =	vpop (erf);
	v5 =	vadd.f32 v5, v2;
	[tilespmem:v1+s25+$0x0] =	vst.idx.add.f32.msk $0xffff, v22;
	v1 =	vmul.f32 $2.000000030e-01, v6  }
0x44b: {  	v25 =	vld [tilespmem:s16+$0x20];
	v24 =	vand.u32 $0x3FFF, v21;
	v4 =	vshrl.u32 v39, $0xE;
	v16 =	vadd.f32 v38, v16;
	[tilespmem:s1+$0xFFFFFFD0] =	vst v43  }
0x44c: {  	(erf) = vpow2.f32 v17;
	[tilespmem:v3+s25+$0x0] =	vst.idx.add.f32.msk $0xffff, v43;
	v3 =	vmul.f32 $2.000000030e-01, v5;
	v1 =	vmax.f32 v6, v1  }
0x44d: {  	v17 =	vld [tilespmem:s16+$0xFFFFFFC0];
	v6 =	vmul.f32 $2.000000030e-01, v7;
	v42 =	vmul.f32 $1.442695020e+00, v1;
	v1 =	vshrl.u32 v21, $0xE  }
0x44e: {  	v45 =	vld.idx.msk [tilespmem:v41+s23+$0x0], $0xffff;
	v5 =	vmax.f32 v5, v3;
	v3 =	vshrl.u32 v15, $0xE  }
0x44f: {  	v26 =	vld.idx.msk [tilespmem:v26+s23+$0x0], $0xffff;
	v50 =	vand.u32 $0x3FFF, v8;
	v2 =	vmax.f32 v7, v6;
	v6 =	vmul.f32 $2.000000030e-01, v16  }
0x450: {  	v46 =	vld.idx.msk [tilespmem:v4+s24+$0x0], $0xffff;
	v7 =	vand.u32 $0x3FFF, v40;
	v44 =	vmul.f32 $1.442695020e+00, v2  }
0x451: {  	v2 =	vshrl.u32 v40, $0xE;
	v6 =	vmax.f32 v16, v6;
	v16 =	vand.u32 $0x3FFF, v15;
	v15 =	vld.idx.msk [tilespmem:v24+s23+$0x0], $0xffff  }
0x452: {  	v48 =	vand.u32 $0x3FFF, v17;
	v49 =	vld.idx.msk [tilespmem:v1+s24+$0x0], $0xffff  }
0x453: {  	v27 =	vld.idx.msk [tilespmem:v3+s24+$0x0], $0xffff  }
0x454: {  	v47 =	vmul.f32 $1.442695020e+00, v5;
	v5 =	vshrl.u32 v17, $0xE;
	(erf) = vpow2.f32 v42;
	v20 =	vld.idx.msk [tilespmem:v50+s23+$0x0], $0xffff  }
0x455: {  	v54 =	vand.u32 $0x3FFF, v25;
	v6 =	vmul.f32 $1.442695020e+00, v6;
	v17 =	vld.idx.msk [tilespmem:v7+s23+$0x0], $0xffff  }
0x456: {  	v18 =	vadd.f32 v46, v45;
	(erf) = vpow2.f32 v44;
	v51 =	vld.idx.msk [tilespmem:v2+s24+$0x0], $0xffff  }
0x457: {  	(erf) = vpow2.f32 v6;
	v6 =	vshrl.u32 v8, $0xE;
	v52 =	vld.idx.msk [tilespmem:v48+s23+$0x0], $0xffff  }
0x458: {  	v55 =	vmul.f32 $2.000000030e-01, v18;
	v16 =	vld.idx.msk [tilespmem:v16+s23+$0x0], $0xffff  }
0x459: {  	v53 =	vpop (erf);
	v7 =	vshrl.u32 v23, $0xE;
	v28 =	vld.idx.msk [tilespmem:v5+s24+$0x0], $0xffff;
	(erf) = vpow2.f32 v47;
	v15 =	vadd.f32 v49, v15  }
0x45a: {  	[tilespmem:s1+$0xFFFFFFE0] =	vst v53;
	v18 =	vmax.f32 v18, v55;
	v23 =	vld.idx.msk [tilespmem:v54+s23+$0x0], $0xffff  }
0x45b: {  	v29 =	vpop (erf);
	v8 =	vshrl.u32 v25, $0xE;
	[tilespmem:v9+s25+$0x0] =	vst.idx.add.f32.msk $0xffff, v53;
	v30 =	vmul.f32 $2.000000030e-01, v15;
	v17 =	vadd.f32 v51, v17  }
0x45c: {  	[tilespmem:s1+$0xFFFFFFF0] =	vst v29;
	v18 =	vmul.f32 $1.442695020e+00, v18;
	v57 =	vld.idx.msk [tilespmem:v6+s24+$0x0], $0xffff  }
0x45d: {  	[tilespmem:v10+s25+$0x0] =	vst.idx.add.f32.msk $0xffff, v29;
	v56 =	vpop (erf);
	v16 =	vadd.f32 v27, v16;
	v15 =	vmax.f32 v15, v30;
	v59 =	vmul.f32 $2.000000030e-01, v17  }
0x45e: {  	(erf) = vpow2.f32 v18;
	v60 =	vld.idx.msk [tilespmem:v7+s24+$0x0], $0xffff;
	[tilespmem:s1+$0xFFFFFFC0] =	vst v56;
	v15 =	vmul.f32 $1.442695020e+00, v15  }
0x45f: {  	v61 =	vadd.f32 v28, v52;
	v58 =	vpop (erf);
	[tilespmem:v14+s25+$0x0] =	vst.idx.add.f32.msk $0xffff, v56;
	v62 =	vmul.f32 $2.000000030e-01, v16;
	v17 =	vmax.f32 v17, v59  }
0x460: {  	v63 =	vld.idx.msk [tilespmem:v8+s24+$0x0], $0xffff;
	[tilespmem:s1+$0x0] =	vst v58;
	v17 =	vmul.f32 $1.442695020e+00, v17;
	(erf) = vpow2.f32 v15  }
0x461: {  	v14 =	vmul.f32 $2.000000030e-01, v61;
	v31 =	vpop (erf);
	[tilespmem:v11+s25+$0x0] =	vst.idx.add.f32.msk $0xffff, v58;
	v15 =	vmax.f32 v16, v62;
	v16 =	vadd.f32 v57, v20  }
0x462: {  	[tilespmem:s1+$0x10] =	vst v31;
	v32 =	vpop (erf);
	v9 =	vmul.f32 $1.442695020e+00, v15;
	(erf) = vpow2.f32 v17  }
0x463: {  	v14 =	vmax.f32 v61, v14;
	v10 =	vadd.f32 v60, v26;
	[tilespmem:s1+$0x20] =	vst v32;
	v15 =	vmul.f32 $2.000000030e-01, v16  }
0x464: {  	v14 =	vmul.f32 $1.442695020e+00, v14;
	[tilespmem:v12+s25+$0x0] =	vst.idx.add.f32.msk $0xffff, v31;
	(erf) = vpow2.f32 v9  }
0x465: {  	s3 =	simm.s32 $0x8;
	s4 =	simm.s32 $0x140;
	v11 =	vadd.f32 v63, v23;
	v12 =	vmul.f32 $2.000000030e-01, v10;
	[tilespmem:v13+s25+$0x0] =	vst.idx.add.f32.msk $0xffff, v32;
	v15 =	vmax.f32 v16, v15  }
.LBB2_36:
0x466: {  	v13 =	vld [tilespmem:s4+$0x30];
	v15 =	vmul.f32 $1.442695020e+00, v15;
	(erf) = vpow2.f32 v14;
	v9 =	vmov v8  }
0x467: {  	s1 =	sadd.s32 $0x80, s1;
	v8 =	vld [tilespmem:s4+$0xFFFFFFD0];
	v10 =	vmax.f32 v10, v12;
	v17 =	vmul.f32 $2.000000030e-01, v11;
	v14 =	vpop (erf)  }
0x468: {  	s3 =	sadd.s32 $0x8, s3;
	v16 =	vld [tilespmem:s4+$0xFFFFFFE0];
	v10 =	vmul.f32 $1.442695020e+00, v10;
	[tilespmem:s1+$0x30] =	vst v14;
	(erf) = vpow2.f32 v15  }
0x469: {  	p1 =	slt.u32 s3, $0x500;
	v11 =	vmax.f32 v11, v17;
	[tilespmem:v4+s25+$0x0] =	vst.idx.add.f32.msk $0xffff, v14;
	v12 =	vpop (erf)  }
0x46a: {  	v14 =	vld [tilespmem:s4+$0xFFFFFFF0];
	[tilespmem:s1+$0xFFFFFFD0] =	vst v12;
	v11 =	vmul.f32 $1.442695020e+00, v11;
	(erf) = vpow2.f32 v10  }
0x46b: {  	v10 =	vld [tilespmem:s4+$0x0];
	v15 =	vand.u32 $0x3FFF, v13;
	v17 =	vpop (erf)  }
0x46c: {  	v4 =	vshrl.u32 v13, $0xE;
	v18 =	vshrl.u32 v8, $0xE;
	v8 =	vand.u32 $0x3FFF, v8;
	v19 =	vld [tilespmem:s4+$0x10];
	[tilespmem:s1+$0xFFFFFFE0] =	vst v17  }
0x46d: {  	v13 =	vshrl.u32 v16, $0xE;
	v16 =	vand.u32 $0x3FFF, v16;
	v20 =	vld [tilespmem:s4+$0x20];
	v21 =	vpop (erf);
	(erf) = vpow2.f32 v11  }
0x46e: {  	v11 =	vld [tilespmem:s4+$0xFFFFFFC0];
	[tilespmem:s1+$0xFFFFFFF0] =	vst v21  }
0x46f: {  	v22 =	vshrl.u32 v14, $0xE;
	v14 =	vand.u32 $0x3FFF, v14;
	[tilespmem:v1+s25+$0x0] =	vst.idx.add.f32.msk $0xffff, v12;
	v12 =	vpop (erf);
	v1 =	vmov v18  }
0x470: {  	v23 =	vshrl.u32 v10, $0xE;
	v10 =	vand.u32 $0x3FFF, v10;
	v15 =	vld.idx.msk [tilespmem:v15+s23+$0x0], $0xffff;
	[tilespmem:s1+$0xFFFFFFC0] =	vst v12  }
0x471: {  	v24 =	vshrl.u32 v19, $0xE;
	v19 =	vand.u32 $0x3FFF, v19;
	v25 =	vld.idx.msk [tilespmem:v4+s24+$0x0], $0xffff;
	v26 =	vpop (erf)  }
0x472: {  	v27 =	vld.idx.msk [tilespmem:v8+s23+$0x0], $0xffff;
	v8 =	vshrl.u32 v20, $0xE;
	v20 =	vand.u32 $0x3FFF, v20;
	[tilespmem:s1+$0x0] =	vst v26  }
0x473: {  	v28 =	vshrl.u32 v11, $0xE;
	v11 =	vand.u32 $0x3FFF, v11;
	v18 =	vld.idx.msk [tilespmem:v18+s24+$0x0], $0xffff;
	v29 =	vpop (erf)  }
0x474: {  	v16 =	vld.idx.msk [tilespmem:v16+s23+$0x0], $0xffff;
	[tilespmem:s1+$0x10] =	vst v29  }
0x475: {  	v30 =	vld.idx.msk [tilespmem:v13+s24+$0x0], $0xffff  }
0x476: {  	v14 =	vld.idx.msk [tilespmem:v14+s23+$0x0], $0xffff;
	v31 =	vpop (erf)  }
0x477: {  	v15 =	vadd.f32 v25, v15;
	v32 =	vld.idx.msk [tilespmem:v22+s24+$0x0], $0xffff;
	[tilespmem:s1+$0x20] =	vst v31  }
0x478: {  	v11 =	vld.idx.msk [tilespmem:v11+s23+$0x0], $0xffff  }
0x479: {  	v18 =	vadd.f32 v18, v27;
	v27 =	vmul.f32 $2.000000030e-01, v15;
	v25 =	vld.idx.msk [tilespmem:v28+s24+$0x0], $0xffff  }
0x47a: {  	v10 =	vld.idx.msk [tilespmem:v10+s23+$0x0], $0xffff  }
0x47b: {  	v33 =	vmul.f32 $2.000000030e-01, v18;
	v16 =	vadd.f32 v30, v16;
	v15 =	vmax.f32 v15, v27;
	v30 =	vld.idx.msk [tilespmem:v23+s24+$0x0], $0xffff  }
0x47c: {  	v15 =	vmul.f32 $1.442695020e+00, v15;
	v19 =	vld.idx.msk [tilespmem:v19+s23+$0x0], $0xffff  }
0x47d: {  	v18 =	vmax.f32 v18, v33;
	v27 =	vmul.f32 $2.000000030e-01, v16;
	v14 =	vadd.f32 v32, v14;
	v32 =	vld.idx.msk [tilespmem:v24+s24+$0x0], $0xffff  }
0x47e: {  	v18 =	vmul.f32 $1.442695020e+00, v18;
	v20 =	vld.idx.msk [tilespmem:v20+s23+$0x0], $0xffff;
	(erf) = vpow2.f32 v15  }
0x47f: {  	v11 =	vadd.f32 v25, v11;
	v15 =	vmax.f32 v16, v27;
	v16 =	vmul.f32 $2.000000030e-01, v14;
	v25 =	vld.idx.msk [tilespmem:v8+s24+$0x0], $0xffff  }
0x480: {  	v15 =	vmul.f32 $1.442695020e+00, v15;
	(erf) = vpow2.f32 v18;
	[tilespmem:v5+s25+$0x0] =	vst.idx.add.f32.msk $0xffff, v12;
	v5 =	vmov v28  }
.Ltmp17:
0x481: {  	v12 =	vmul.f32 $2.000000030e-01, v11;
	v14 =	vmax.f32 v14, v16;
	v16 =	vadd.f32 v30, v10;
	[tilespmem:v2+s25+$0x0] =	vst.idx.add.f32.msk $0xffff, v17;
	(pc) =	sbr.rel @p1 .LBB2_36-.Ltmp17, $4  }
0x482: {  	v17 =	vmul.f32 $1.442695020e+00, v14;
	v2 =	vmovc v13;
	(erf) = vpow2.f32 v15;
	[tilespmem:v3+s25+$0x0] =	vst.idx.add.f32.msk $0xffff, v21;
	v3 =	vmov v22  }
0x483: {  	v11 =	vmax.f32 v11, v12;
	v12 =	vmul.f32 $2.000000030e-01, v16;
	v10 =	vadd.f32 v32, v19;
	[tilespmem:v6+s25+$0x0] =	vst.idx.add.f32.msk $0xffff, v26  }
0x484: {  	v14 =	vmul.f32 $1.442695020e+00, v11;
	v6 =	vmovc v23;
	(erf) = vpow2.f32 v17;
	[tilespmem:v7+s25+$0x0] =	vst.idx.add.f32.msk $0xffff, v29;
	v7 =	vmov v24  }
0x485: {  	s4 =	sadd.s32 $0x80, s4;
	v15 =	vmax.f32 v16, v12;
	v12 =	vmul.f32 $2.000000030e-01, v10;
	v11 =	vadd.f32 v25, v20;
	[tilespmem:v9+s25+$0x0] =	vst.idx.add.f32.msk $0xffff, v31  }
0x486: {  	_ = 	snop  }
0x487: {  	v56 =	vmul.f32 $1.442695020e+00, v15;
	(erf) = vpow2.f32 v14  }
0x488: {  	s1 =	sadd.s32 $0x80, s1;
	v9 =	vmul.f32 $2.000000030e-01, v11;
	v10 =	vmax.f32 v10, v12;
	v57 =	vpop (erf)  }
0x489: {  	v10 =	vmul.f32 $1.442695020e+00, v10;
	(erf) = vpow2.f32 v56;
	[tilespmem:s1+$0x30] =	vst v57  }
0x48a: {  	v9 =	vmax.f32 v11, v9;
	v58 =	vpop (erf);
	[tilespmem:v4+s25+$0x0] =	vst.idx.add.f32.msk $0xffff, v57  }
0x48b: {  	v9 =	vmul.f32 $1.442695020e+00, v9;
	(erf) = vpow2.f32 v10;
	[tilespmem:s1+$0xFFFFFFD0] =	vst v58  }
0x48c: {  	v59 =	vpop (erf);
	[tilespmem:v1+s25+$0x0] =	vst.idx.add.f32.msk $0xffff, v58  }
0x48d: {  	(erf) = vpow2.f32 v9;
	[tilespmem:s1+$0xFFFFFFE0] =	vst v59  }
0x48e: {  	v60 =	vpop (erf);
	[tilespmem:v2+s25+$0x0] =	vst.idx.add.f32.msk $0xffff, v59  }
0x48f: {  	[tilespmem:s1+$0xFFFFFFF0] =	vst v60  }
0x490: {  	v1 =	vpop (erf);
	[tilespmem:v3+s25+$0x0] =	vst.idx.add.f32.msk $0xffff, v60  }
0x491: {  	[tilespmem:s1+$0xFFFFFFC0] =	vst v1  }
0x492: {  	v61 =	vpop (erf);
	[tilespmem:v5+s25+$0x0] =	vst.idx.add.f32.msk $0xffff, v1  }
0x493: {  	[tilespmem:s1+$0x0] =	vst v61  }
0x494: {  	v62 =	vpop (erf);
	[tilespmem:v6+s25+$0x0] =	vst.idx.add.f32.msk $0xffff, v61  }
0x495: {  	[tilespmem:s1+$0x10] =	vst v62  }
0x496: {  	v63 =	vpop (erf);
	[tilespmem:v7+s25+$0x0] =	vst.idx.add.f32.msk $0xffff, v62  }
0x497: {  	[tilespmem:s1+$0x20] =	vst v63  }
0x498: {  	s1 =	simm.s32 $0x0;
	[tilespmem:v8+s25+$0x0] =	vst.idx.add.f32.msk $0xffff, v63  }
.LBB2_38:
0x499: {  	s3 =	sshra.s32 s1, $0x2  }
0x49a: {  	v1 =	vld [tilespmem:s3+$0x5080];
	_ =	sdelay $0x4  }
0x49b: {  	v2 =	vand.u32 $0x3FFF, v1  }
0x49c: {  	v1 =	vshrl.u32 v1, $0xE;
	_ =	sdelay $0x3  }
0x49d: {  	v2 =	vld.idx.msk [tilespmem:v2+s23+$0x0], $0xffff  }
0x49e: {  	v3 =	vld.idx.msk [tilespmem:v1+s24+$0x0], $0xffff;
	_ =	sdelay $0x4  }
0x49f: {  	v2 =	vadd.f32 v3, v2;
	_ =	sdelay $0x1  }
0x4a0: {  	v3 =	vmul.f32 $2.000000030e-01, v2;
	_ =	sdelay $0x1  }
0x4a1: {  	v2 =	vmax.f32 v2, v3  }
0x4a2: {  	v2 =	vmul.f32 $1.442695020e+00, v2;
	_ =	sdelay $0x1  }
0x4a3: {  	(erf) = vpow2.f32 v2;
	_ =	sdelay $0x5  }
0x4a4: {  	p1 =	sne.s32 s1, $0x40  }
.Ltmp18:
0x4a5: {  	_ = 	snop;
	(pc) =	sbr.rel @p1 .LBB2_38-.Ltmp18, $4  }
0x4a6: {  	_ = 	snop  }
0x4a7: {  	v2 =	vpop (erf)  }
0x4a8: {  	[tilespmem:s3+$0xF180] =	vst v2  }
0x4a9: {  	s1 =	sadd.s32 $0x40, s1;
	[tilespmem:v1+s25+$0x0] =	vst.idx.add.f32.msk $0xffff, v2  }
0x4aa: {  	[spmem:s7] =	stream.strided.scatter [tilespmem:s25], [sflag:$0x1], $0x2800, s22, s21, $0x38;
	[tilespmem:$0x19480] =	vst v63  }
0x4ab: {  	_ =	swait.ge [sflag:s20], $0x2800  }
0x4ac: {  	[sflag:s20] =	ssyncset.done $0x0  }
0x4ad: {  	[sflag:s20] =	ssyncadd.s32 $0xFFFFD800  }
0x4ae: {  	s6 =	simm.s32 $0x0;
	[bflag:$0x0] =	sbarrier.arrive $0xFFFF  }
0x4af: {  	[tilespmem:s29], [sflag:$0x1] =	stream.strided.gather [spmem:s8], $0x2800, s28, s26, $0x38;
	[tilespmem:$0x19480] =	vst v63  }
0x4b0: {  	s1 =	sand.u32 $0x60, s6;
	s3 =	sand.u32 $0x1C00, s6;
	_ =	swait.ge [sflag:s20], $0x2800  }
0x4b1: {  	s4 =	sor.u32 $0x14200, s3;
	s9 =	sor.u32 $0x10, s1;
	[sflag:s20] =	ssyncset.done $0x0  }
0x4b2: {  	s5 =	sor.u32 s9, s4;
	[sflag:s20] =	ssyncadd.s32 $0xFFFFD800  }
0x4b3: {  	v1 =	vld [tilespmem:s5+$0x0]  }
0x4b4: {  	s4 =	sor.u32 s1, s4;
	v2 =	vld [tilespmem:s5+$0x80]  }
0x4b5: {  	v3 =	vld [tilespmem:s4+$0x0]  }
0x4b6: {  	v4 =	vld [tilespmem:s5+$0x100]  }
0x4b7: {  	v5 =	vld [tilespmem:s4+$0x80]  }
0x4b8: {  	v6 =	vld [tilespmem:s5+$0x180]  }
0x4b9: {  	v7 =	vld [tilespmem:s4+$0x100]  }
0x4ba: {  	v8 =	vld [tilespmem:s5+$0x200]  }
0x4bb: {  	v9 =	vld [tilespmem:s4+$0x180]  }
0x4bc: {  	v10 =	vld [tilespmem:s5+$0x280]  }
0x4bd: {  	v11 =	vld [tilespmem:s4+$0x200]  }
0x4be: {  	v12 =	vld [tilespmem:s5+$0x300]  }
0x4bf: {  	v13 =	vld [tilespmem:s4+$0x280]  }
0x4c0: {  	s10 =	sadd.s32 $0x15600, s3;
	v14 =	vld [tilespmem:s5+$0x380]  }
0x4c1: {  	s16 =	sor.u32 s9, s10;
	v15 =	vld [tilespmem:s4+$0x300]  }
0x4c2: {  	s11 =	sadd.s32 $0x15680, s3;
	v16 =	vld [tilespmem:s16+$0x0]  }
0x4c3: {  	v17 =	vld [tilespmem:s4+$0x380];
	s5 =	sor.u32 s9, s11;
	v1 =	vadd.f32 v2, v1  }
0x4c4: {  	s13 =	sadd.s32 $0x15700, s3;
	s12 =	sor.u32 s1, s10;
	v2 =	vld [tilespmem:s5+$0x0];
	v3 =	vadd.f32 v5, v3  }
0x4c5: {  	v5 =	vld [tilespmem:s12+$0x0];
	s12 =	sor.u32 s1, s13;
	v1 =	vadd.f32 v4, v1  }
0x4c6: {  	s14 =	sor.u32 s9, s13;
	v51 =	vld [tilespmem:s12+$0x0];
	v3 =	vadd.f32 v7, v3  }
0x4c7: {  	s15 =	sor.u32 s1, s11;
	s13 =	sadd.s32 $0x15800, s3;
	v4 =	vld [tilespmem:s14+$0x0];
	v1 =	vadd.f32 v6, v1  }
0x4c8: {  	s16 =	sadd.s32 $0x15780, s3;
	s12 =	sor.u32 s1, s13;
	v7 =	vld [tilespmem:s15+$0x0];
	v3 =	vadd.f32 v9, v3  }
0x4c9: {  	s10 =	sadd.s32 $0x15900, s3;
	s15 =	sor.u32 s1, s16;
	v54 =	vld [tilespmem:s12+$0x0];
	v1 =	vadd.f32 v8, v1  }
0x4ca: {  	s14 =	sor.u32 s9, s13;
	s13 =	sor.u32 s9, s10;
	v52 =	vld [tilespmem:s15+$0x0];
	v3 =	vadd.f32 v11, v3  }
0x4cb: {  	s5 =	sor.u32 s9, s16;
	v55 =	vld [tilespmem:s13+$0x0];
	v1 =	vadd.f32 v10, v1  }
0x4cc: {  	s16 =	sadd.s32 $0x15880, s3;
	s13 =	sor.u32 s1, s10;
	v6 =	vld [tilespmem:s5+$0x0];
	v3 =	vadd.f32 v13, v3  }
0x4cd: {  	s15 =	sadd.s32 $0x15980, s3;
	s5 =	sor.u32 s9, s16;
	v58 =	vld [tilespmem:s13+$0x0];
	v1 =	vadd.f32 v12, v1  }
0x4ce: {  	s11 =	sor.u32 s1, s15;
	v53 =	vld [tilespmem:s5+$0x0];
	v3 =	vadd.f32 v15, v3  }
0x4cf: {  	s12 =	simm.s32 $0x100;
	s3 =	simm.s32 $0x20;
	v59 =	vld [tilespmem:s11+$0x0];
	v1 =	vadd.f32 v14, v1  }
0x4d0: {  	s10 =	sand.u32 $0x1C00, s12;
	s4 =	sand.u32 $0x60, s3;
	v8 =	vld [tilespmem:s14+$0x0];
	s14 =	sor.u32 s1, s16;
	v3 =	vadd.f32 v17, v3  }
0x4d1: {  	s12 =	sor.u32 $0x14200, s10;
	s16 =	sor.u32 s9, s15;
	s1 =	sor.u32 $0x10, s4;
	v56 =	vld [tilespmem:s14+$0x0];
	v1 =	vadd.f32 v16, v1  }
0x4d2: {  	v57 =	vld [tilespmem:s16+$0x0];
	s14 =	sor.u32 s1, s12;
	v3 =	vadd.f32 v5, v3  }
0x4d3: {  	v5 =	vld [tilespmem:s14+$0x0];
	v1 =	vadd.f32 v2, v1  }
0x4d4: {  	s15 =	sor.u32 s4, s12;
	v2 =	vld [tilespmem:s14+$0x80];
	v3 =	vadd.f32 v7, v3  }
0x4d5: {  	v60 =	vld [tilespmem:s15+$0x80];
	v1 =	vadd.f32 v4, v1  }
0x4d6: {  	v4 =	vld [tilespmem:s14+$0x100];
	v3 =	vadd.f32 v51, v3  }
0x4d7: {  	v7 =	vld [tilespmem:s15+$0x0];
	v1 =	vadd.f32 v6, v1  }
0x4d8: {  	v6 =	vld [tilespmem:s14+$0x180];
	v3 =	vadd.f32 v52, v3  }
0x4d9: {  	v2 =	vadd.f32 v2, v5;
	v5 =	vld [tilespmem:s15+$0x100];
	v1 =	vadd.f32 v8, v1  }
0x4da: {  	v8 =	vld [tilespmem:s14+$0x200];
	v3 =	vadd.f32 v54, v3  }
0x4db: {  	v2 =	vadd.f32 v4, v2;
	v4 =	vld [tilespmem:s15+$0x180];
	v1 =	vadd.f32 v53, v1  }
0x4dc: {  	v61 =	vld [tilespmem:s14+$0x280];
	v7 =	vadd.f32 v60, v7;
	v3 =	vadd.f32 v56, v3  }
0x4dd: {  	v2 =	vadd.f32 v6, v2;
	v6 =	vld [tilespmem:s15+$0x200];
	v1 =	vadd.f32 v55, v1  }
0x4de: {  	v5 =	vadd.f32 v5, v7;
	v7 =	vld [tilespmem:s14+$0x300];
	v3 =	vadd.f32 v58, v3  }
0x4df: {  	v2 =	vadd.f32 v8, v2;
	v8 =	vld [tilespmem:s15+$0x280];
	v1 =	vadd.f32 v57, v1  }
0x4e0: {  	s16 =	sadd.s32 $0x15600, s10;
	v4 =	vadd.f32 v4, v5;
	v5 =	vld [tilespmem:s14+$0x380];
	v3 =	vadd.f32 v59, v3  }
0x4e1: {  	v62 =	vld [tilespmem:s15+$0x300];
	s13 =	sor.u32 s1, s16;
	v2 =	vadd.f32 v61, v2;
	v1 =	vadd.f32 $1.000000020e-16, v1  }
0x4e2: {  	s14 =	sadd.s32 $0x15680, s10;
	v4 =	vadd.f32 v6, v4;
	v6 =	vld [tilespmem:s13+$0x0];
	v3 =	vadd.f32 $1.000000020e-16, v3  }
0x4e3: {  	v2 =	vadd.f32 v7, v2;
	v7 =	vld [tilespmem:s15+$0x380];
	s15 =	sor.u32 s1, s14;
	(erf) = vrcp.f32 v1  }
0x4e4: {  	s11 =	sor.u32 s4, s16;
	s16 =	sadd.s32 $0x15700, s10;
	v1 =	vld [tilespmem:s15+$0x0];
	(erf) = vrcp.f32 v3;
	v3 =	vadd.f32 v8, v4  }
0x4e5: {  	v4 =	vld [tilespmem:s11+$0x0];
	v2 =	vadd.f32 v5, v2;
	s11 =	sor.u32 s1, s16  }
0x4e6: {  	s13 =	sadd.s32 $0x15780, s10;
	s14 =	sor.u32 s4, s14;
	v5 =	vld [tilespmem:s11+$0x0];
	v3 =	vadd.f32 v62, v3  }
0x4e7: {  	s15 =	sor.u32 s1, s13;
	v8 =	vld [tilespmem:s14+$0x0];
	v2 =	vadd.f32 v6, v2  }
0x4e8: {  	s12 =	sadd.s32 $0x15800, s10;
	s16 =	sor.u32 s4, s16;
	v6 =	vld [tilespmem:s15+$0x0];
	v3 =	vadd.f32 v7, v3  }
0x4e9: {  	s14 =	sor.u32 s1, s12;
	v7 =	vld [tilespmem:s16+$0x0];
	v1 =	vadd.f32 v1, v2  }
0x4ea: {  	v63 =	vld [tilespmem:s14+$0x0];
	s15 =	sor.u32 s4, s13;
	s13 =	sadd.s32 $0x15880, s10;
	v3 =	vadd.f32 v4, v3  }
0x4eb: {  	s5 =	simm.s32 $0x16A00;
	v2 =	vld [tilespmem:s15+$0x0];
	s16 =	sor.u32 s1, s13;
	v4 =	vadd.f32 v5, v1  }
0x4ec: {  	s12 =	sor.u32 s4, s12;
	s14 =	sand.u32 $0x380, s6;
	s15 =	sadd.s32 $0x15900, s10;
	v1 =	vld [tilespmem:s16+$0x0];
	v8 =	vadd.f32 v8, v3  }
0x4ed: {  	s6 =	simm.s32 $0x2;
	s9 =	sor.u32 s9, s14;
	s14 =	sor.u32 s1, s15;
	v5 =	vpop (erf);
	v3 =	vld [tilespmem:s12+$0x0];
	v6 =	vadd.f32 v6, v4  }
0x4ee: {  	s16 =	sor.u32 s4, s13;
	s13 =	sor.u32 s4, s15;
	s12 =	sadd.s32 $0x15980, s10;
	v4 =	vld [tilespmem:s14+$0x0];
	[tilespmem:s9+$0x16A00] =	vst v5;
	v5 =	vpop (erf);
	v7 =	vadd.f32 v7, v8  }
0x4ef: {  	s10 =	simm.s32 $0x40;
	s14 =	sor.u32 s1, s12;
	s9 =	simm.s32 $0x200;
	[tilespmem:s5+$0x0] =	vst v5;
	v5 =	vld [tilespmem:s16+$0x0];
	v6 =	vadd.f32 v63, v6  }
.LBB2_40:
0x4f0: {  	s11 =	sand.u32 $0x1C00, s9;
	v2 =	vadd.f32 v2, v7;
	s15 =	sor.u32 s4, s12;
	s4 =	sand.u32 $0x60, s10;
	v7 =	vld [tilespmem:s14+$0x0]  }
0x4f1: {  	s6 =	sadd.s32 $0x2, s6;
	s14 =	sor.u32 $0x14200, s11;
	s12 =	sor.u32 $0x10, s4;
	v8 =	vld [tilespmem:s13+$0x0];
	v1 =	vadd.f32 v1, v6  }
0x4f2: {  	p1 =	slt.u32 s6, $0x26;
	s13 =	sor.u32 s4, s14;
	s14 =	sor.u32 s12, s14;
	v2 =	vadd.f32 v3, v2;
	v3 =	vld [tilespmem:s15+$0x0]  }
0x4f3: {  	v6 =	vld [tilespmem:s14+$0x0];
	v1 =	vadd.f32 v4, v1  }
0x4f4: {  	v4 =	vld [tilespmem:s14+$0x80];
	v2 =	vadd.f32 v5, v2  }
0x4f5: {  	v5 =	vld [tilespmem:s13+$0x0];
	v1 =	vadd.f32 v7, v1  }
0x4f6: {  	v7 =	vld [tilespmem:s14+$0x100];
	v2 =	vadd.f32 v8, v2  }
0x4f7: {  	v8 =	vld [tilespmem:s13+$0x80];
	v1 =	vadd.f32 $1.000000020e-16, v1  }
0x4f8: {  	v9 =	vld [tilespmem:s14+$0x180];
	v2 =	vadd.f32 v3, v2  }
0x4f9: {  	v3 =	vld [tilespmem:s13+$0x100];
	v4 =	vadd.f32 v4, v6;
	(erf) = vrcp.f32 v1  }
0x4fa: {  	v1 =	vld [tilespmem:s14+$0x200];
	v2 =	vadd.f32 $1.000000020e-16, v2  }
0x4fb: {  	v6 =	vld [tilespmem:s13+$0x180];
	v4 =	vadd.f32 v7, v4  }
0x4fc: {  	v5 =	vadd.f32 v8, v5;
	v7 =	vld [tilespmem:s14+$0x280];
	(erf) = vrcp.f32 v2  }
0x4fd: {  	v2 =	vld [tilespmem:s13+$0x200];
	v4 =	vadd.f32 v9, v4  }
0x4fe: {  	v3 =	vadd.f32 v3, v5;
	v5 =	vld [tilespmem:s14+$0x300]  }
0x4ff: {  	v8 =	vld [tilespmem:s13+$0x280];
	v1 =	vadd.f32 v1, v4  }
0x500: {  	s15 =	sadd.s32 $0x15600, s11;
	v3 =	vadd.f32 v6, v3;
	v4 =	vld [tilespmem:s14+$0x380]  }
0x501: {  	s3 =	sand.u32 $0x380, s3;
	s14 =	sor.u32 s4, s15;
	s15 =	sor.u32 s12, s15;
	v6 =	vld [tilespmem:s13+$0x300];
	v1 =	vadd.f32 v7, v1  }
0x502: {  	s16 =	sadd.s32 $0x15680, s11;
	s3 =	sor.u32 s1, s3;
	s1 =	smov.u32 s12;
	v2 =	vadd.f32 v2, v3;
	v3 =	vld [tilespmem:s15+$0x0];
	v7 =	vpop (erf)  }
0x503: {  	s12 =	sor.u32 s4, s16;
	v9 =	vld [tilespmem:s13+$0x380];
	v1 =	vadd.f32 v5, v1;
	s13 =	sor.u32 s1, s16;
	[tilespmem:s3+$0x16A00] =	vst v7;
	s3 =	smov.u32 s10  }
0x504: {  	s15 =	sadd.s32 $0x15700, s11;
	v2 =	vadd.f32 v8, v2;
	v5 =	vld [tilespmem:s13+$0x0]  }
0x505: {  	s5 =	sadd.s32 $0x20, s5;
	s13 =	sor.u32 s4, s15;
	v7 =	vld [tilespmem:s14+$0x0];
	v1 =	vadd.f32 v4, v1;
	s14 =	sor.u32 s1, s15;
	v4 =	vpop (erf)  }
0x506: {  	s15 =	sadd.s32 $0x15780, s11;
	v2 =	vadd.f32 v6, v2;
	v6 =	vld [tilespmem:s14+$0x0];
	[tilespmem:s5+$0x0] =	vst v4  }
0x507: {  	s14 =	sor.u32 s1, s15;
	v4 =	vld [tilespmem:s12+$0x0];
	s12 =	sor.u32 s4, s15;
	v1 =	vadd.f32 v3, v1  }
0x508: {  	s15 =	sadd.s32 $0x15800, s11;
	v2 =	vadd.f32 v9, v2;
	v8 =	vld [tilespmem:s14+$0x0]  }
0x509: {  	s14 =	sor.u32 s1, s15;
	v9 =	vld [tilespmem:s13+$0x0];
	s13 =	sor.u32 s4, s15;
	v1 =	vadd.f32 v5, v1  }
0x50a: {  	s15 =	sadd.s32 $0x15880, s11;
	v3 =	vadd.f32 v7, v2;
	v10 =	vld [tilespmem:s14+$0x0]  }
.Ltmp19:
0x50b: {  	s14 =	sor.u32 s4, s15;
	v2 =	vld [tilespmem:s12+$0x0];
	v5 =	vadd.f32 v6, v1;
	s12 =	sor.u32 s1, s15;
	(pc) =	sbr.rel @p1 .LBB2_40-.Ltmp19, $4  }
0x50c: {  	s15 =	sadd.s32 $0x15900, s11;
	v4 =	vadd.f32 v4, v3;
	v1 =	vld [tilespmem:s12+$0x0]  }
0x50d: {  	v3 =	vld [tilespmem:s13+$0x0];
	s13 =	sor.u32 s4, s15;
	v6 =	vadd.f32 v8, v5;
	s15 =	sor.u32 s1, s15  }
0x50e: {  	s12 =	sadd.s32 $0x15980, s11;
	v7 =	vadd.f32 v9, v4;
	v4 =	vld [tilespmem:s15+$0x0]  }
0x50f: {  	s9 =	sadd.s32 $0x100, s9;
	s10 =	sadd.s32 $0x20, s10;
	v5 =	vld [tilespmem:s14+$0x0];
	v6 =	vadd.f32 v10, v6;
	s14 =	sor.u32 s1, s12  }
0x510: {  	v2 =	vadd.f32 v2, v7  }
0x511: {  	v63 =	vld [tilespmem:s13+$0x0]  }
0x512: {  	s4 =	sor.u32 s4, s12;
	v8 =	vld [tilespmem:s14+$0x0];
	v2 =	vadd.f32 v3, v2  }
0x513: {  	v1 =	vadd.f32 v1, v6;
	v3 =	vld [tilespmem:s4+$0x0]  }
0x514: {  	v2 =	vadd.f32 v5, v2  }
0x515: {  	v1 =	vadd.f32 v4, v1  }
0x516: {  	v2 =	vadd.f32 v63, v2  }
0x517: {  	v1 =	vadd.f32 v8, v1  }
0x518: {  	v2 =	vadd.f32 v3, v2  }
0x519: {  	v1 =	vadd.f32 $1.000000020e-16, v1  }
0x51a: {  	v2 =	vadd.f32 $1.000000020e-16, v2  }
0x51b: {  	(erf) = vrcp.f32 v1  }
0x51c: {  	(erf) = vrcp.f32 v2;
	_ =	sdelay $0x6  }
0x51d: {  	s3 =	sand.u32 $0x380, s3  }
0x51e: {  	s1 =	sor.u32 s1, s3;
	v1 =	vpop (erf)  }
0x51f: {  	s16 =	sadd.s32 $0x20, s5;
	[tilespmem:s1+$0x16A00] =	vst v1;
	v1 =	vpop (erf)  }
0x520: {  	[tilespmem:s16+$0x0] =	vst v1  }
0x521: {  	[spmem:s8] =	stream.strided.scatter [tilespmem:s30], [sflag:$0x1], $0x280, s22, s21, $0x38;
	[tilespmem:$0x19480] =	vst v63  }
0x522: {  	_ =	swait.ge [sflag:s20], $0x280  }
0x523: {  	[sflag:s20] =	ssyncset.done $0x0  }
0x524: {  	[sflag:s20] =	ssyncadd.s32 $0xFFFFFD80  }
0x525: {  	[bflag:$0x0] =	sbarrier.arrive $0xFFFF  }
0x526: {  	[tilespmem:s31], [sflag:$0x1] =	stream.strided.gather [spmem:s2], $0x2800, s22, s21, $0x38;
	[tilespmem:$0x19480] =	vst v63  }
0x527: {  	_ =	swait.ge [sflag:s20], $0x2800  }
0x528: {  	[sflag:s20] =	ssyncset.done $0x0  }
0x529: {  	[sflag:s20] =	ssyncadd.s32 $0xFFFFD800  }
0x52a: {  	s3 =	simm.s32 $0xF240;
	[bflag:$0x0] =	sbarrier.arrive $0xFFFF  }
0x52b: {  	[tilespmem:s3+$0xFFFFFFC0] =	vst v0  }
0x52c: {  	[tilespmem:s3+$0x30] =	vst v0  }
0x52d: {  	[tilespmem:s3+$0x20] =	vst v0  }
0x52e: {  	[tilespmem:s3+$0x10] =	vst v0  }
0x52f: {  	[tilespmem:s3+$0x0] =	vst v0  }
0x530: {  	[tilespmem:s3+$0xFFFFFFF0] =	vst v0  }
0x531: {  	s4 =	simm.s32 $0x0;
	[tilespmem:s3+$0xFFFFFFE0] =	vst v0  }
.LBB2_42:
0x532: {  	s4 =	sadd.s32 $0x8, s4;
	[tilespmem:s3+$0xFFFFFFD0] =	vst v0;
	s3 =	sadd.s32 $0x80, s3  }
0x533: {  	[tilespmem:s3+$0xFFFFFFC0] =	vst v0;
	p1 =	slt.u32 s4, $0x278  }
0x534: {  	[tilespmem:s3+$0x30] =	vst v0  }
.Ltmp20:
0x535: {  	[tilespmem:s3+$0x20] =	vst v0;
	(pc) =	sbr.rel @p1 .LBB2_42-.Ltmp20, $4  }
0x536: {  	[tilespmem:s3+$0x10] =	vst v0  }
0x537: {  	[tilespmem:s3+$0x0] =	vst v0  }
0x538: {  	[tilespmem:s3+$0xFFFFFFF0] =	vst v0  }
0x539: {  	s1 =	simm.s32 $0xA140;
	[tilespmem:s3+$0xFFFFFFE0] =	vst v0  }
0x53a: {  	[tilespmem:s3+$0xFFFFFFD0] =	vst v0;
	s16 =	simm.s32 $0x40  }
0x53b: {  	v1 =	vld [tilespmem:s16+$0x30]  }
0x53c: {  	v2 =	vld [tilespmem:s16+$0xFFFFFFD0]  }
0x53d: {  	v3 =	vld [tilespmem:s16+$0xFFFFFFE0]  }
0x53e: {  	v4 =	vld [tilespmem:s16+$0xFFFFFFF0]  }
0x53f: {  	v5 =	vld [tilespmem:s16+$0x0]  }
0x540: {  	v7 =	vld [tilespmem:s16+$0x10]  }
0x541: {  	v9 =	vld [tilespmem:s16+$0xFFFFFFC0]  }
0x542: {  	v11 =	vld [tilespmem:s16+$0x20];
	v6 =	vshrl.u32 v1, $0xE  }
0x543: {  	v15 =	vld [tilespmem:s1+$0x30]  }
0x544: {  	v59 =	vld [tilespmem:s1+$0xFFFFFFD0]  }
0x545: {  	v60 =	vld [tilespmem:s1+$0xFFFFFFE0]  }
0x546: {  	v18 =	vld [tilespmem:s1+$0xFFFFFFF0];
	v8 =	vshrl.u32 v2, $0xE  }
0x547: {  	v13 =	vshrl.u32 v5, $0xE;
	v6 =	vld.idx.msk [tilespmem:v6+s31+$0x0], $0xffff  }
0x548: {  	v19 =	vld [tilespmem:s1+$0x0];
	v16 =	vshrl.u32 v9, $0xE  }
0x549: {  	v61 =	vld [tilespmem:s1+$0x10];
	v1 =	vand.u32 $0x3FFF, v1  }
0x54a: {  	v62 =	vld [tilespmem:s1+$0x20]  }
0x54b: {  	v12 =	vshrl.u32 v4, $0xE;
	v8 =	vld.idx.msk [tilespmem:v8+s31+$0x0], $0xffff  }
0x54c: {  	v10 =	vshrl.u32 v3, $0xE;
	v13 =	vld.idx.msk [tilespmem:v13+s31+$0x0], $0xffff;
	v6 =	vmul.f32 v15, v6  }
0x54d: {  	v14 =	vshrl.u32 v7, $0xE;
	v58 =	vld.idx.msk [tilespmem:v16+s31+$0x0], $0xffff  }
0x54e: {  	v17 =	vshrl.u32 v11, $0xE;
	[tilespmem:v1+s25+$0x0] =	vst.idx.add.f32.msk $0xffff, v6  }
0x54f: {  	v2 =	vand.u32 $0x3FFF, v2;
	v1 =	vld [tilespmem:s1+$0xFFFFFFC0]  }
0x550: {  	v5 =	vand.u32 $0x3FFF, v5;
	v12 =	vld.idx.msk [tilespmem:v12+s31+$0x0], $0xffff  }
0x551: {  	v9 =	vand.u32 $0x3FFF, v9;
	v10 =	vld.idx.msk [tilespmem:v10+s31+$0x0], $0xffff  }
0x552: {  	v4 =	vand.u32 $0x3FFF, v4;
	v14 =	vld.idx.msk [tilespmem:v14+s31+$0x0], $0xffff;
	v8 =	vmul.f32 v59, v8  }
0x553: {  	v3 =	vand.u32 $0x3FFF, v3;
	v63 =	vmul.f32 v19, v13;
	v6 =	vld.idx.msk [tilespmem:v17+s31+$0x0], $0xffff  }
0x554: {  	[tilespmem:v2+s25+$0x0] =	vst.idx.add.f32.msk $0xffff, v8;
	v1 =	vmul.f32 v1, v58  }
0x555: {  	v2 =	vmul.f32 v18, v12;
	[tilespmem:v5+s25+$0x0] =	vst.idx.add.f32.msk $0xffff, v63  }
0x556: {  	[tilespmem:v9+s25+$0x0] =	vst.idx.add.f32.msk $0xffff, v1;
	v1 =	vmul.f32 v60, v10  }
0x557: {  	[tilespmem:v4+s25+$0x0] =	vst.idx.add.f32.msk $0xffff, v2;
	v2 =	vand.u32 $0x3FFF, v11  }
0x558: {  	s3 =	simm.s32 $0x0;
	s4 =	simm.s32 $0xC0;
	v4 =	vmul.f32 v62, v6;
	[tilespmem:v3+s25+$0x0] =	vst.idx.add.f32.msk $0xffff, v1;
	v1 =	vand.u32 $0x3FFF, v7;
	v3 =	vmul.f32 v61, v14  }
.LBB2_44:
0x559: {  	v5 =	vld [tilespmem:s4+$0x30];
	s3 =	sadd.s32 $0x8, s3  }
0x55a: {  	v6 =	vld [tilespmem:s4+$0xFFFFFFD0];
	p1 =	slt.u32 s3, $0x500  }
0x55b: {  	v7 =	vld [tilespmem:s4+$0xFFFFFFE0]  }
0x55c: {  	v8 =	vld [tilespmem:s4+$0xFFFFFFF0]  }
0x55d: {  	v9 =	vld [tilespmem:s4+$0x0]  }
0x55e: {  	v10 =	vld [tilespmem:s4+$0x10];
	v11 =	vshrl.u32 v5, $0xE  }
0x55f: {  	v12 =	vshrl.u32 v6, $0xE;
	v6 =	vand.u32 $0x3FFF, v6;
	v13 =	vld [tilespmem:s4+$0x20]  }
0x560: {  	v14 =	vld [tilespmem:s4+$0xFFFFFFC0];
	v15 =	vshrl.u32 v7, $0xE;
	v7 =	vand.u32 $0x3FFF, v7  }
0x561: {  	v16 =	vshrl.u32 v8, $0xE;
	v8 =	vand.u32 $0x3FFF, v8;
	[tilespmem:v1+s25+$0x0] =	vst.idx.add.f32.msk $0xffff, v3  }
0x562: {  	v3 =	vshrl.u32 v9, $0xE;
	v9 =	vand.u32 $0x3FFF, v9;
	[tilespmem:v2+s25+$0x0] =	vst.idx.add.f32.msk $0xffff, v4  }
0x563: {  	s1 =	sadd.s32 $0x80, s1;
	v4 =	vshrl.u32 v10, $0xE;
	v1 =	vand.u32 $0x3FFF, v10;
	v10 =	vld.idx.msk [tilespmem:v11+s31+$0x0], $0xffff  }
0x564: {  	v11 =	vshrl.u32 v13, $0xE;
	v2 =	vand.u32 $0x3FFF, v13;
	v13 =	vld [tilespmem:s1+$0x30]  }
0x565: {  	v17 =	vshrl.u32 v14, $0xE;
	v14 =	vand.u32 $0x3FFF, v14;
	v12 =	vld.idx.msk [tilespmem:v12+s31+$0x0], $0xffff  }
0x566: {  	v5 =	vand.u32 $0x3FFF, v5;
	v15 =	vld.idx.msk [tilespmem:v15+s31+$0x0], $0xffff  }
0x567: {  	v16 =	vld.idx.msk [tilespmem:v16+s31+$0x0], $0xffff  }
0x568: {  	v3 =	vld.idx.msk [tilespmem:v3+s31+$0x0], $0xffff  }
0x569: {  	v4 =	vld.idx.msk [tilespmem:v4+s31+$0x0], $0xffff;
	v10 =	vmul.f32 v13, v10  }
0x56a: {  	v13 =	vld.idx.msk [tilespmem:v17+s31+$0x0], $0xffff  }
0x56b: {  	s5 =	simm.s32 $0x0;
	[tilespmem:v5+s25+$0x0] =	vst.idx.add.f32.msk $0xffff, v10  }
0x56c: {  	v5 =	vld.idx.msk [tilespmem:v11+s31+$0x0], $0xffff  }
0x56d: {  	v10 =	vld [tilespmem:s1+$0xFFFFFFC0]  }
0x56e: {  	v11 =	vld [tilespmem:s1+$0xFFFFFFD0]  }
0x56f: {  	v17 =	vld [tilespmem:s1+$0xFFFFFFE0]  }
0x570: {  	v18 =	vld [tilespmem:s1+$0xFFFFFFF0]  }
0x571: {  	v19 =	vld [tilespmem:s1+$0x0]  }
0x572: {  	v10 =	vmul.f32 v10, v13;
	v13 =	vld [tilespmem:s1+$0x10]  }
0x573: {  	v11 =	vmul.f32 v11, v12;
	v12 =	vld [tilespmem:s1+$0x20]  }
.Ltmp21:
0x574: {  	[tilespmem:v14+s25+$0x0] =	vst.idx.add.f32.msk $0xffff, v10;
	v10 =	vmul.f32 v17, v15;
	(pc) =	sbr.rel @p1 .LBB2_44-.Ltmp21, $4  }
0x575: {  	[tilespmem:v6+s25+$0x0] =	vst.idx.add.f32.msk $0xffff, v11;
	v6 =	vmul.f32 v18, v16  }
0x576: {  	[tilespmem:v7+s25+$0x0] =	vst.idx.add.f32.msk $0xffff, v10;
	v7 =	vmul.f32 v19, v3  }
0x577: {  	[tilespmem:v8+s25+$0x0] =	vst.idx.add.f32.msk $0xffff, v6;
	v3 =	vmul.f32 v13, v4  }
0x578: {  	s4 =	sadd.s32 $0x80, s4;
	[tilespmem:v9+s25+$0x0] =	vst.idx.add.f32.msk $0xffff, v7;
	v4 =	vmul.f32 v12, v5  }
0x579: {  	_ =	sdelay $0x3  }
0x57a: {  	[tilespmem:v1+s25+$0x0] =	vst.idx.add.f32.msk $0xffff, v3  }
0x57b: {  	[tilespmem:v2+s25+$0x0] =	vst.idx.add.f32.msk $0xffff, v4  }
.LBB2_46:
0x57c: {  	s1 =	sshra.s32 s5, $0x2  }
0x57d: {  	v1 =	vld [tilespmem:s1+$0x5080];
	_ =	sdelay $0x4  }
0x57e: {  	v2 =	vshrl.u32 v1, $0xE;
	_ =	sdelay $0x3  }
0x57f: {  	v3 =	vld [tilespmem:s1+$0xF180]  }
0x580: {  	v2 =	vld.idx.msk [tilespmem:v2+s31+$0x0], $0xffff;
	_ =	sdelay $0x1  }
0x581: {  	p1 =	sne.s32 s5, $0x40;
	v1 =	vand.u32 $0x3FFF, v1  }
.Ltmp22:
0x582: {  	_ = 	snop;
	(pc) =	sbr.rel @p1 .LBB2_46-.Ltmp22, $3  }
0x583: {  	_ = 	snop  }
0x584: {  	v2 =	vmul.f32 v3, v2;
	_ =	sdelay $0x1  }
0x585: {  	s5 =	sadd.s32 $0x40, s5;
	[tilespmem:v1+s25+$0x0] =	vst.idx.add.f32.msk $0xffff, v2  }
0x586: {  	[spmem:s7] =	stream.strided.scatter [tilespmem:s25], [sflag:$0x1], $0x2800, s22, s21, $0x38;
	[tilespmem:$0x19480] =	vst v63  }
0x587: {  	_ =	swait.ge [sflag:s20], $0x2800  }
0x588: {  	[sflag:s20] =	ssyncset.done $0x0  }
0x589: {  	[sflag:s20] =	ssyncadd.s32 $0xFFFFD800  }
0x58a: {  	s9 =	simm.s32 $0x0;
	[bflag:$0x0] =	sbarrier.arrive $0xFFFF  }
0x58b: {  	[tilespmem:s29], [sflag:$0x1] =	stream.strided.gather [spmem:s8], $0x2800, s28, s26, $0x38;
	[tilespmem:$0x19480] =	vst v63  }
0x58c: {  	s3 =	sand.u32 $0x60, s9;
	s1 =	sand.u32 $0x1C00, s9;
	_ =	swait.ge [sflag:s20], $0x2800  }
0x58d: {  	s4 =	sor.u32 $0x14200, s1;
	s6 =	sor.u32 $0x10, s3;
	[sflag:s20] =	ssyncset.done $0x0  }
0x58e: {  	s5 =	sor.u32 s6, s4;
	[sflag:s20] =	ssyncadd.s32 $0xFFFFD800  }
0x58f: {  	v1 =	vld [tilespmem:s5+$0x0]  }
0x590: {  	s4 =	sor.u32 s3, s4;
	v2 =	vld [tilespmem:s5+$0x80]  }
0x591: {  	v3 =	vld [tilespmem:s4+$0x0]  }
0x592: {  	v4 =	vld [tilespmem:s5+$0x100]  }
0x593: {  	v5 =	vld [tilespmem:s4+$0x80]  }
0x594: {  	v6 =	vld [tilespmem:s5+$0x180]  }
0x595: {  	v7 =	vld [tilespmem:s4+$0x100]  }
0x596: {  	v8 =	vld [tilespmem:s5+$0x200]  }
0x597: {  	v9 =	vld [tilespmem:s4+$0x180]  }
0x598: {  	v10 =	vld [tilespmem:s5+$0x280]  }
0x599: {  	v11 =	vld [tilespmem:s4+$0x200]  }
0x59a: {  	v12 =	vld [tilespmem:s5+$0x300]  }
0x59b: {  	v13 =	vld [tilespmem:s4+$0x280]  }
0x59c: {  	s10 =	sadd.s32 $0x15600, s1;
	v14 =	vld [tilespmem:s5+$0x380]  }
0x59d: {  	s16 =	sor.u32 s6, s10;
	v15 =	vld [tilespmem:s4+$0x300]  }
0x59e: {  	v16 =	vld [tilespmem:s16+$0x0]  }
0x59f: {  	s13 =	sadd.s32 $0x15700, s1;
	s12 =	sor.u32 s3, s10;
	v17 =	vld [tilespmem:s4+$0x380]  }
0x5a0: {  	s11 =	sadd.s32 $0x15680, s1;
	s14 =	sor.u32 s6, s13;
	v19 =	vld [tilespmem:s12+$0x0]  }
0x5a1: {  	s15 =	sor.u32 s3, s11;
	v20 =	vld [tilespmem:s14+$0x0]  }
0x5a2: {  	s5 =	sor.u32 s6, s11;
	v21 =	vld [tilespmem:s15+$0x0]  }
0x5a3: {  	s16 =	sadd.s32 $0x15780, s1;
	s12 =	sor.u32 s3, s13;
	v18 =	vld [tilespmem:s5+$0x0]  }
0x5a4: {  	s13 =	sadd.s32 $0x15800, s1;
	s5 =	sor.u32 s6, s16;
	v23 =	vld [tilespmem:s12+$0x0]  }
0x5a5: {  	s14 =	sor.u32 s6, s13;
	v22 =	vld [tilespmem:s5+$0x0]  }
0x5a6: {  	s15 =	sor.u32 s3, s16;
	v24 =	vld [tilespmem:s14+$0x0]  }
0x5a7: {  	s10 =	sadd.s32 $0x15900, s1;
	s12 =	sor.u32 s3, s13;
	v25 =	vld [tilespmem:s15+$0x0]  }
0x5a8: {  	s16 =	sadd.s32 $0x15880, s1;
	s13 =	sor.u32 s6, s10;
	v27 =	vld [tilespmem:s12+$0x0]  }
0x5a9: {  	s5 =	sor.u32 s6, s16;
	s14 =	sor.u32 s3, s16;
	v28 =	vld [tilespmem:s13+$0x0]  }
0x5aa: {  	s15 =	sadd.s32 $0x15980, s1;
	s12 =	simm.s32 $0x100;
	s1 =	simm.s32 $0x20;
	v26 =	vld [tilespmem:s5+$0x0]  }
0x5ab: {  	s13 =	sor.u32 s3, s10;
	v29 =	vld [tilespmem:s14+$0x0];
	s16 =	sor.u32 s6, s15;
	s10 =	sand.u32 $0x1C00, s12;
	v1 =	vadd.f32 v2, v1  }
0x5ac: {  	s4 =	sand.u32 $0x60, s1;
	s12 =	sor.u32 $0x14200, s10;
	v2 =	vadd.f32 v5, v3;
	v3 =	vld [tilespmem:s16+$0x0]  }
0x5ad: {  	s11 =	sor.u32 s3, s15;
	s3 =	sor.u32 $0x10, s4;
	v5 =	vld [tilespmem:s13+$0x0];
	s15 =	sor.u32 s4, s12;
	v1 =	vadd.f32 v4, v1  }
0x5ae: {  	s14 =	sor.u32 s3, s12;
	v45 =	vld [tilespmem:s15+$0x0];
	v2 =	vadd.f32 v7, v2  }
0x5af: {  	v7 =	vld [tilespmem:s14+$0x0];
	v1 =	vadd.f32 v6, v1  }
0x5b0: {  	v2 =	vadd.f32 v9, v2;
	v6 =	vld [tilespmem:s14+$0x80]  }
0x5b1: {  	v46 =	vld [tilespmem:s15+$0x80];
	v1 =	vadd.f32 v8, v1  }
0x5b2: {  	v2 =	vadd.f32 v11, v2;
	v8 =	vld [tilespmem:s14+$0x100]  }
0x5b3: {  	v47 =	vld [tilespmem:s14+$0x180];
	v1 =	vadd.f32 v10, v1  }
0x5b4: {  	v48 =	vld [tilespmem:s14+$0x200];
	v2 =	vadd.f32 v13, v2  }
0x5b5: {  	v6 =	vadd.f32 v6, v7;
	v7 =	vld [tilespmem:s15+$0x100];
	v1 =	vadd.f32 v12, v1  }
0x5b6: {  	v49 =	vld [tilespmem:s14+$0x280];
	v2 =	vadd.f32 v15, v2  }
0x5b7: {  	v6 =	vadd.f32 v8, v6;
	v8 =	vld [tilespmem:s15+$0x180];
	v1 =	vadd.f32 v14, v1  }
0x5b8: {  	v50 =	vld [tilespmem:s15+$0x200];
	v9 =	vadd.f32 v46, v45;
	v2 =	vadd.f32 v17, v2  }
0x5b9: {  	v51 =	vld [tilespmem:s14+$0x300];
	v6 =	vadd.f32 v47, v6;
	v1 =	vadd.f32 v16, v1  }
0x5ba: {  	v52 =	vld [tilespmem:s15+$0x280];
	v2 =	vadd.f32 v19, v2;
	v7 =	vadd.f32 v7, v9  }
0x5bb: {  	v53 =	vld [tilespmem:s14+$0x380];
	v6 =	vadd.f32 v48, v6;
	v1 =	vadd.f32 v18, v1  }
0x5bc: {  	s16 =	sadd.s32 $0x15600, s10;
	v55 =	vld [tilespmem:s15+$0x380];
	v2 =	vadd.f32 v21, v2;
	v7 =	vadd.f32 v8, v7  }
0x5bd: {  	s13 =	sor.u32 s3, s16;
	v8 =	vld [tilespmem:s15+$0x300];
	v6 =	vadd.f32 v49, v6;
	v1 =	vadd.f32 v20, v1  }
0x5be: {  	v54 =	vld [tilespmem:s13+$0x0];
	s14 =	sadd.s32 $0x15680, s10;
	v2 =	vadd.f32 v23, v2;
	v7 =	vadd.f32 v50, v7  }
0x5bf: {  	v4 =	vld [tilespmem:s11+$0x0];
	s15 =	sor.u32 s3, s14;
	v6 =	vadd.f32 v51, v6;
	v1 =	vadd.f32 v22, v1  }
0x5c0: {  	s11 =	sor.u32 s4, s16;
	s16 =	sadd.s32 $0x15700, s10;
	v56 =	vld [tilespmem:s15+$0x0];
	v2 =	vadd.f32 v25, v2;
	v7 =	vadd.f32 v52, v7  }
0x5c1: {  	v57 =	vld [tilespmem:s11+$0x0];
	s11 =	sor.u32 s3, s16;
	v6 =	vadd.f32 v53, v6;
	v1 =	vadd.f32 v24, v1  }
0x5c2: {  	s13 =	sadd.s32 $0x15780, s10;
	v58 =	vld [tilespmem:s11+$0x0];
	s14 =	sor.u32 s4, s14;
	v2 =	vadd.f32 v27, v2;
	v7 =	vadd.f32 v8, v7  }
0x5c3: {  	s15 =	sor.u32 s3, s13;
	v8 =	vld [tilespmem:s14+$0x0];
	v6 =	vadd.f32 v54, v6;
	v1 =	vadd.f32 v26, v1  }
0x5c4: {  	s12 =	sadd.s32 $0x15800, s10;
	s16 =	sor.u32 s4, s16;
	v59 =	vld [tilespmem:s15+$0x0];
	v2 =	vadd.f32 v29, v2;
	v7 =	vadd.f32 v55, v7  }
0x5c5: {  	v60 =	vld [tilespmem:s16+$0x0];
	s14 =	sor.u32 s3, s12;
	v6 =	vadd.f32 v56, v6;
	v61 =	vadd.f32 v28, v1  }
0x5c6: {  	s15 =	sor.u32 s4, s13;
	s13 =	sadd.s32 $0x15880, s10;
	v62 =	vld [tilespmem:s14+$0x0];
	v2 =	vadd.f32 v5, v2;
	v5 =	vadd.f32 v57, v7  }
0x5c7: {  	s5 =	simm.s32 $0x16A00;
	s16 =	sor.u32 s3, s13;
	v1 =	vld [tilespmem:s15+$0x0];
	v6 =	vadd.f32 v58, v6;
	v7 =	vadd.f32 v3, v61  }
0x5c8: {  	s12 =	sor.u32 s4, s12;
	s14 =	sand.u32 $0x380, s9;
	s15 =	sadd.s32 $0x15900, s10;
	v63 =	vadd.f32 v4, v2;
	v2 =	vld [tilespmem:s16+$0x0];
	v5 =	vadd.f32 v8, v5  }
0x5c9: {  	s9 =	simm.s32 $0x2;
	s6 =	sor.u32 s6, s14;
	s14 =	sor.u32 s3, s15;
	v3 =	vld [tilespmem:s12+$0x0];
	v6 =	vadd.f32 v59, v6  }
0x5ca: {  	s16 =	sor.u32 s4, s13;
	s12 =	sor.u32 s4, s15;
	s13 =	sadd.s32 $0x15980, s10;
	v4 =	vld [tilespmem:s14+$0x0];
	[tilespmem:s6+$0x16A00] =	vst v7;
	v7 =	vadd.f32 v60, v5  }
0x5cb: {  	s10 =	simm.s32 $0x40;
	s14 =	sor.u32 s3, s13;
	[tilespmem:s5+$0x0] =	vst v63;
	v5 =	vld [tilespmem:s16+$0x0];
	s6 =	simm.s32 $0x200;
	v6 =	vadd.f32 v62, v6  }
.LBB2_48:
0x5cc: {  	s11 =	sand.u32 $0x1C00, s6;
	v1 =	vadd.f32 v1, v7;
	s13 =	sor.u32 s4, s13;
	s4 =	sand.u32 $0x60, s10;
	v7 =	vld [tilespmem:s14+$0x0]  }
0x5cd: {  	s9 =	sadd.s32 $0x2, s9;
	s14 =	sor.u32 $0x14200, s11;
	s15 =	sor.u32 $0x10, s4;
	v8 =	vld [tilespmem:s12+$0x0];
	v2 =	vadd.f32 v2, v6  }
0x5ce: {  	p1 =	slt.u32 s9, $0x26;
	s12 =	sor.u32 s4, s14;
	s14 =	sor.u32 s15, s14;
	v1 =	vadd.f32 v3, v1;
	v3 =	vld [tilespmem:s13+$0x0]  }
0x5cf: {  	v6 =	vld [tilespmem:s14+$0x0];
	v2 =	vadd.f32 v4, v2  }
0x5d0: {  	v4 =	vld [tilespmem:s14+$0x80];
	v1 =	vadd.f32 v5, v1  }
0x5d1: {  	s13 =	sand.u32 $0x380, s1;
	s1 =	smov.u32 s10;
	v5 =	vld [tilespmem:s12+$0x0];
	v2 =	vadd.f32 v7, v2  }
0x5d2: {  	s13 =	sor.u32 s3, s13;
	s3 =	smov.u32 s15;
	v7 =	vld [tilespmem:s14+$0x100];
	v1 =	vadd.f32 v8, v1  }
0x5d3: {  	v8 =	vld [tilespmem:s12+$0x80];
	[tilespmem:s13+$0x16A00] =	vst v2  }
0x5d4: {  	v2 =	vld [tilespmem:s14+$0x180];
	v1 =	vadd.f32 v3, v1  }
0x5d5: {  	s5 =	sadd.s32 $0x20, s5;
	v3 =	vld [tilespmem:s12+$0x100];
	v4 =	vadd.f32 v4, v6  }
0x5d6: {  	v6 =	vld [tilespmem:s14+$0x200];
	[tilespmem:s5+$0x0] =	vst v1  }
0x5d7: {  	v1 =	vld [tilespmem:s12+$0x180];
	v4 =	vadd.f32 v7, v4  }
0x5d8: {  	v5 =	vadd.f32 v8, v5;
	v7 =	vld [tilespmem:s14+$0x280]  }
0x5d9: {  	v8 =	vld [tilespmem:s12+$0x200];
	v2 =	vadd.f32 v2, v4  }
0x5da: {  	v3 =	vadd.f32 v3, v5;
	v4 =	vld [tilespmem:s14+$0x300]  }
0x5db: {  	v5 =	vld [tilespmem:s12+$0x280];
	v2 =	vadd.f32 v6, v2  }
0x5dc: {  	s13 =	sadd.s32 $0x15600, s11;
	v1 =	vadd.f32 v1, v3;
	v3 =	vld [tilespmem:s14+$0x380]  }
0x5dd: {  	s14 =	sor.u32 s4, s13;
	s13 =	sor.u32 s3, s13;
	v6 =	vld [tilespmem:s12+$0x300];
	v2 =	vadd.f32 v7, v2  }
0x5de: {  	s15 =	sadd.s32 $0x15680, s11;
	v1 =	vadd.f32 v8, v1;
	v7 =	vld [tilespmem:s13+$0x0]  }
0x5df: {  	s13 =	sor.u32 s3, s15;
	v8 =	vld [tilespmem:s12+$0x380];
	s12 =	sor.u32 s4, s15;
	v2 =	vadd.f32 v4, v2  }
0x5e0: {  	s15 =	sadd.s32 $0x15700, s11;
	v1 =	vadd.f32 v5, v1;
	v4 =	vld [tilespmem:s13+$0x0]  }
0x5e1: {  	s13 =	sor.u32 s4, s15;
	v5 =	vld [tilespmem:s14+$0x0];
	v2 =	vadd.f32 v3, v2;
	s14 =	sor.u32 s3, s15  }
0x5e2: {  	s15 =	sadd.s32 $0x15780, s11;
	v1 =	vadd.f32 v6, v1;
	v3 =	vld [tilespmem:s14+$0x0]  }
0x5e3: {  	s14 =	sor.u32 s3, s15;
	v6 =	vld [tilespmem:s12+$0x0];
	s12 =	sor.u32 s4, s15;
	v2 =	vadd.f32 v7, v2  }
0x5e4: {  	s15 =	sadd.s32 $0x15800, s11;
	v1 =	vadd.f32 v8, v1;
	v7 =	vld [tilespmem:s14+$0x0]  }
0x5e5: {  	s14 =	sor.u32 s3, s15;
	v8 =	vld [tilespmem:s13+$0x0];
	s13 =	sor.u32 s4, s15;
	v2 =	vadd.f32 v4, v2  }
0x5e6: {  	s15 =	sadd.s32 $0x15880, s11;
	v4 =	vadd.f32 v5, v1;
	v9 =	vld [tilespmem:s14+$0x0]  }
.Ltmp23:
0x5e7: {  	s14 =	sor.u32 s4, s15;
	v1 =	vld [tilespmem:s12+$0x0];
	v5 =	vadd.f32 v3, v2;
	s12 =	sor.u32 s3, s15;
	(pc) =	sbr.rel @p1 .LBB2_48-.Ltmp23, $4  }
0x5e8: {  	s15 =	sadd.s32 $0x15900, s11;
	v4 =	vadd.f32 v6, v4;
	v2 =	vld [tilespmem:s12+$0x0]  }
0x5e9: {  	s12 =	sor.u32 s4, s15;
	s15 =	sor.u32 s3, s15;
	v3 =	vld [tilespmem:s13+$0x0];
	v6 =	vadd.f32 v7, v5  }
0x5ea: {  	s13 =	sadd.s32 $0x15980, s11;
	v7 =	vadd.f32 v8, v4;
	v4 =	vld [tilespmem:s15+$0x0]  }
0x5eb: {  	s6 =	sadd.s32 $0x100, s6;
	s10 =	sadd.s32 $0x20, s10;
	v5 =	vld [tilespmem:s14+$0x0];
	v6 =	vadd.f32 v9, v6;
	s14 =	sor.u32 s3, s13  }
0x5ec: {  	v1 =	vadd.f32 v1, v7  }
0x5ed: {  	v63 =	vld [tilespmem:s12+$0x0]  }
0x5ee: {  	s4 =	sor.u32 s4, s13;
	v8 =	vld [tilespmem:s14+$0x0];
	v1 =	vadd.f32 v3, v1  }
0x5ef: {  	v2 =	vadd.f32 v2, v6;
	v3 =	vld [tilespmem:s4+$0x0]  }
0x5f0: {  	v1 =	vadd.f32 v5, v1  }
0x5f1: {  	v2 =	vadd.f32 v4, v2  }
0x5f2: {  	v1 =	vadd.f32 v63, v1  }
0x5f3: {  	s1 =	sand.u32 $0x380, s1;
	v2 =	vadd.f32 v8, v2  }
0x5f4: {  	s1 =	sor.u32 s3, s1;
	v1 =	vadd.f32 v3, v1  }
0x5f5: {  	s15 =	sadd.s32 $0x20, s5;
	[tilespmem:s1+$0x16A00] =	vst v2  }
0x5f6: {  	[tilespmem:s15+$0x0] =	vst v1;
	v1 =	vimm.f32 @!p0 $0.0e+00  }
0x5f7: {  	[tilespmem:$0x16B90] =	vst @!p0 v1  }
0x5f8: {  	[tilespmem:$0x16BA0] =	vst @!p0 v1  }
0x5f9: {  	[tilespmem:$0x16BB0] =	vst @!p0 v1  }
0x5fa: {  	[tilespmem:$0x16BC0] =	vst @!p0 v1  }
0x5fb: {  	[tilespmem:$0x16BD0] =	vst @!p0 v1  }
0x5fc: {  	[tilespmem:$0x16BE0] =	vst @!p0 v1  }
0x5fd: {  	[tilespmem:$0x16BF0] =	vst @!p0 v1  }
0x5fe: {  	[tilespmem:$0x16C00] =	vst @!p0 v1  }
0x5ff: {  	[tilespmem:$0x16C10] =	vst @!p0 v1  }
0x600: {  	[tilespmem:$0x16C20] =	vst @!p0 v1  }
0x601: {  	[tilespmem:$0x16C30] =	vst @!p0 v1  }
0x602: {  	[tilespmem:$0x16C40] =	vst @!p0 v1  }
0x603: {  	[tilespmem:$0x16C50] =	vst @!p0 v1  }
0x604: {  	[tilespmem:$0x16C60] =	vst @!p0 v1  }
0x605: {  	[tilespmem:$0x16C70] =	vst @!p0 v1;
	s1 =	rddreg [dreg:$0xc]  }
0x606: {  	[hbm4b:s1+s21] =	stream.strided.scatter [tilespmem:s30], [sflag:$0x1], $0x280, s22, s21, $0x38;
	[tilespmem:$0x19480] =	vst v63  }
0x607: {  	_ =	swait.ge [sflag:s20], $0x280  }
0x608: {  	[sflag:s20] =	ssyncset.done $0x0  }
0x609: {  	[sflag:s20] =	ssyncadd.s32 $0xFFFFFD80  }
0x60a: {  	[bflag:$0x0] =	sbarrier.arrive $0xFFFF  }
0x60b: {  	s16 =	rddreg [dreg:$0xd]  }
0x60c: {  	[tilespmem:s23], [sflag:$0x1] =	stream.strided.gather [hbm4b:s16+s21], $0x2800, s22, s21, $0x38;
	[tilespmem:$0x19480] =	vst v63  }
0x60d: {  	_ =	swait.ge [sflag:s20], $0x2800  }
0x60e: {  	[sflag:s20] =	ssyncset.done $0x0  }
0x60f: {  	[sflag:s20] =	ssyncadd.s32 $0xFFFFD800  }
0x610: {  	[tilespmem:s24], [sflag:$0x1] =	stream.strided.gather [hbm4b:s17+s21], $0x2800, s22, s21, $0x38;
	[tilespmem:$0x19480] =	vst v63  }
0x611: {  	_ =	swait.ge [sflag:s20], $0x2800  }
0x612: {  	[sflag:s20] =	ssyncset.done $0x0  }
0x613: {  	s3 =	simm.s32 $0xF240;
	[sflag:s20] =	ssyncadd.s32 $0xFFFFD800  }
0x614: {  	[tilespmem:s3+$0xFFFFFFC0] =	vst v0  }
0x615: {  	[tilespmem:s3+$0x30] =	vst v0  }
0x616: {  	[tilespmem:s3+$0x20] =	vst v0  }
0x617: {  	[tilespmem:s3+$0x10] =	vst v0  }
0x618: {  	[tilespmem:s3+$0x0] =	vst v0  }
0x619: {  	[tilespmem:s3+$0xFFFFFFF0] =	vst v0  }
0x61a: {  	s4 =	simm.s32 $0x0;
	[tilespmem:s3+$0xFFFFFFE0] =	vst v0  }
.LBB2_50:
0x61b: {  	s4 =	sadd.s32 $0x8, s4;
	[tilespmem:s3+$0xFFFFFFD0] =	vst v0;
	s3 =	sadd.s32 $0x80, s3  }
0x61c: {  	[tilespmem:s3+$0xFFFFFFC0] =	vst v0;
	p1 =	slt.u32 s4, $0x278  }
0x61d: {  	[tilespmem:s3+$0x30] =	vst v0  }
.Ltmp24:
0x61e: {  	[tilespmem:s3+$0x20] =	vst v0;
	(pc) =	sbr.rel @p1 .LBB2_50-.Ltmp24, $4  }
0x61f: {  	[tilespmem:s3+$0x10] =	vst v0  }
0x620: {  	[tilespmem:s3+$0x0] =	vst v0  }
0x621: {  	[tilespmem:s3+$0xFFFFFFF0] =	vst v0  }
0x622: {  	s1 =	simm.s32 $0xA140;
	[tilespmem:s3+$0xFFFFFFE0] =	vst v0  }
0x623: {  	[tilespmem:s3+$0xFFFFFFD0] =	vst v0;
	s15 =	simm.s32 $0x40  }
0x624: {  	v1 =	vld [tilespmem:s15+$0x30];
	_ =	sdelay $0x1  }
0x625: {  	v3 =	vld [tilespmem:s15+$0xFFFFFFD0];
	_ =	sdelay $0x2  }
0x626: {  	v2 =	vand.u32 $0x3FFF, v1  }
0x627: {  	v4 =	vld [tilespmem:s15+$0xFFFFFFE0];
	v1 =	vshrl.u32 v1, $0xE  }
0x628: {  	v5 =	vld [tilespmem:s15+$0xFFFFFFF0];
	v6 =	vand.u32 $0x3FFF, v3  }
0x629: {  	v8 =	vld [tilespmem:s15+$0xFFFFFFC0];
	v3 =	vshrl.u32 v3, $0xE  }
0x62a: {  	v11 =	vld [tilespmem:s15+$0x0]  }
0x62b: {  	v2 =	vld.idx.msk [tilespmem:v2+s23+$0x0], $0xffff  }
0x62c: {  	v7 =	vld.idx.msk [tilespmem:v1+s24+$0x0], $0xffff  }
0x62d: {  	v12 =	vand.u32 $0x3FFF, v4;
	v6 =	vld.idx.msk [tilespmem:v6+s23+$0x0], $0xffff  }
0x62e: {  	v9 =	vshrl.u32 v4, $0xE;
	v4 =	vand.u32 $0x3FFF, v5;
	v10 =	vshrl.u32 v5, $0xE;
	v5 =	vld.idx.msk [tilespmem:v3+s24+$0x0], $0xffff  }
0x62f: {  	s16 =	simm.s32 $0xC0;
	v13 =	vld [tilespmem:s15+$0x10]  }
0x630: {  	v39 =	vld [tilespmem:s16+$0x30]  }
0x631: {  	v21 =	vld [tilespmem:s16+$0xFFFFFFD0];
	v2 =	vadd.f32 v7, v2  }
0x632: {  	v23 =	vld [tilespmem:s16+$0x10]  }
0x633: {  	v15 =	vand.u32 $0x3FFF, v8;
	v7 =	vld [tilespmem:s15+$0x20];
	v5 =	vadd.f32 v5, v6;
	v16 =	vmul.f32 $2.000000030e-01, v2  }
0x634: {  	v14 =	vshrl.u32 v8, $0xE;
	v8 =	vld.idx.msk [tilespmem:v12+s23+$0x0], $0xffff  }
0x635: {  	v18 =	vld.idx.msk [tilespmem:v9+s24+$0x0], $0xffff;
	v12 =	vshrl.u32 v13, $0xE;
	v20 =	vmul.f32 $2.000000030e-01, v5;
	v2 =	vmax.f32 v2, v16  }
0x636: {  	v17 =	vand.u32 $0x3FFF, v11;
	v4 =	vld.idx.msk [tilespmem:v4+s23+$0x0], $0xffff;
	v2 =	vmul.f32 $1.442695020e+00, v2  }
0x637: {  	v11 =	vshrl.u32 v11, $0xE;
	v19 =	vld.idx.msk [tilespmem:v10+s24+$0x0], $0xffff;
	v16 =	vand.u32 $0x3FFF, v13;
	v5 =	vmax.f32 v5, v20  }
0x638: {  	v6 =	vld.idx.msk [tilespmem:v15+s23+$0x0], $0xffff;
	v13 =	vshrl.u32 v7, $0xE;
	v5 =	vmul.f32 $1.442695020e+00, v5;
	(erf) = vpow2.f32 v2  }
0x639: {  	v15 =	vld.idx.msk [tilespmem:v14+s24+$0x0], $0xffff;
	v2 =	vand.u32 $0x3FFF, v7  }
0x63a: {  	v38 =	vld.idx.msk [tilespmem:v12+s24+$0x0], $0xffff;
	(erf) = vpow2.f32 v5  }
0x63b: {  	v8 =	vadd.f32 v18, v8;
	v7 =	vld.idx.msk [tilespmem:v17+s23+$0x0], $0xffff  }
0x63c: {  	v17 =	vld.idx.msk [tilespmem:v11+s24+$0x0], $0xffff  }
0x63d: {  	v4 =	vadd.f32 v19, v4;
	v18 =	vmul.f32 $2.000000030e-01, v8;
	v5 =	vld.idx.msk [tilespmem:v13+s24+$0x0], $0xffff  }
0x63e: {  	v2 =	vld.idx.msk [tilespmem:v2+s23+$0x0], $0xffff  }
0x63f: {  	v8 =	vmax.f32 v8, v18;
	v6 =	vadd.f32 v15, v6;
	v15 =	vmul.f32 $2.000000030e-01, v4;
	v16 =	vld.idx.msk [tilespmem:v16+s23+$0x0], $0xffff  }
0x640: {  	v40 =	vld [tilespmem:s16+$0xFFFFFFE0];
	v8 =	vmul.f32 $1.442695020e+00, v8  }
0x641: {  	v41 =	vand.u32 $0x3FFF, v39;
	v4 =	vmax.f32 v4, v15;
	v15 =	vld [tilespmem:s16+$0xFFFFFFF0];
	v22 =	vpop (erf)  }
0x642: {  	v26 =	vand.u32 $0x3FFF, v23;
	v7 =	vadd.f32 v17, v7;
	(erf) = vpow2.f32 v8;
	v8 =	vld [tilespmem:s16+$0x0];
	[tilespmem:s1+$0x30] =	vst v22  }
0x643: {  	v17 =	vmul.f32 $1.442695020e+00, v4;
	v43 =	vpop (erf);
	v5 =	vadd.f32 v5, v2;
	[tilespmem:v1+s25+$0x0] =	vst.idx.add.f32.msk $0xffff, v22;
	v1 =	vmul.f32 $2.000000030e-01, v6  }
0x644: {  	v25 =	vld [tilespmem:s16+$0x20];
	v24 =	vand.u32 $0x3FFF, v21;
	v4 =	vshrl.u32 v39, $0xE;
	v16 =	vadd.f32 v38, v16;
	[tilespmem:s1+$0xFFFFFFD0] =	vst v43  }
0x645: {  	(erf) = vpow2.f32 v17;
	[tilespmem:v3+s25+$0x0] =	vst.idx.add.f32.msk $0xffff, v43;
	v3 =	vmul.f32 $2.000000030e-01, v5;
	v1 =	vmax.f32 v6, v1  }
0x646: {  	v17 =	vld [tilespmem:s16+$0xFFFFFFC0];
	v6 =	vmul.f32 $2.000000030e-01, v7;
	v42 =	vmul.f32 $1.442695020e+00, v1;
	v1 =	vshrl.u32 v21, $0xE  }
0x647: {  	v45 =	vld.idx.msk [tilespmem:v41+s23+$0x0], $0xffff;
	v5 =	vmax.f32 v5, v3;
	v3 =	vshrl.u32 v15, $0xE  }
0x648: {  	v26 =	vld.idx.msk [tilespmem:v26+s23+$0x0], $0xffff;
	v50 =	vand.u32 $0x3FFF, v8;
	v2 =	vmax.f32 v7, v6;
	v6 =	vmul.f32 $2.000000030e-01, v16  }
0x649: {  	v46 =	vld.idx.msk [tilespmem:v4+s24+$0x0], $0xffff;
	v7 =	vand.u32 $0x3FFF, v40;
	v44 =	vmul.f32 $1.442695020e+00, v2  }
0x64a: {  	v2 =	vshrl.u32 v40, $0xE;
	v6 =	vmax.f32 v16, v6;
	v16 =	vand.u32 $0x3FFF, v15;
	v15 =	vld.idx.msk [tilespmem:v24+s23+$0x0], $0xffff  }
0x64b: {  	v48 =	vand.u32 $0x3FFF, v17;
	v49 =	vld.idx.msk [tilespmem:v1+s24+$0x0], $0xffff  }
0x64c: {  	v27 =	vld.idx.msk [tilespmem:v3+s24+$0x0], $0xffff  }
0x64d: {  	v47 =	vmul.f32 $1.442695020e+00, v5;
	v5 =	vshrl.u32 v17, $0xE;
	(erf) = vpow2.f32 v42;
	v20 =	vld.idx.msk [tilespmem:v50+s23+$0x0], $0xffff  }
0x64e: {  	v54 =	vand.u32 $0x3FFF, v25;
	v6 =	vmul.f32 $1.442695020e+00, v6;
	v17 =	vld.idx.msk [tilespmem:v7+s23+$0x0], $0xffff  }
0x64f: {  	v18 =	vadd.f32 v46, v45;
	(erf) = vpow2.f32 v44;
	v51 =	vld.idx.msk [tilespmem:v2+s24+$0x0], $0xffff  }
0x650: {  	(erf) = vpow2.f32 v6;
	v6 =	vshrl.u32 v8, $0xE;
	v52 =	vld.idx.msk [tilespmem:v48+s23+$0x0], $0xffff  }
0x651: {  	v55 =	vmul.f32 $2.000000030e-01, v18;
	v16 =	vld.idx.msk [tilespmem:v16+s23+$0x0], $0xffff  }
0x652: {  	v53 =	vpop (erf);
	v7 =	vshrl.u32 v23, $0xE;
	v28 =	vld.idx.msk [tilespmem:v5+s24+$0x0], $0xffff;
	(erf) = vpow2.f32 v47;
	v15 =	vadd.f32 v49, v15  }
0x653: {  	[tilespmem:s1+$0xFFFFFFE0] =	vst v53;
	v18 =	vmax.f32 v18, v55;
	v23 =	vld.idx.msk [tilespmem:v54+s23+$0x0], $0xffff  }
0x654: {  	v29 =	vpop (erf);
	v8 =	vshrl.u32 v25, $0xE;
	[tilespmem:v9+s25+$0x0] =	vst.idx.add.f32.msk $0xffff, v53;
	v30 =	vmul.f32 $2.000000030e-01, v15;
	v17 =	vadd.f32 v51, v17  }
0x655: {  	[tilespmem:s1+$0xFFFFFFF0] =	vst v29;
	v18 =	vmul.f32 $1.442695020e+00, v18;
	v57 =	vld.idx.msk [tilespmem:v6+s24+$0x0], $0xffff  }
0x656: {  	[tilespmem:v10+s25+$0x0] =	vst.idx.add.f32.msk $0xffff, v29;
	v56 =	vpop (erf);
	v16 =	vadd.f32 v27, v16;
	v15 =	vmax.f32 v15, v30;
	v59 =	vmul.f32 $2.000000030e-01, v17  }
0x657: {  	(erf) = vpow2.f32 v18;
	v60 =	vld.idx.msk [tilespmem:v7+s24+$0x0], $0xffff;
	[tilespmem:s1+$0xFFFFFFC0] =	vst v56;
	v15 =	vmul.f32 $1.442695020e+00, v15  }
0x658: {  	v61 =	vadd.f32 v28, v52;
	v58 =	vpop (erf);
	[tilespmem:v14+s25+$0x0] =	vst.idx.add.f32.msk $0xffff, v56;
	v62 =	vmul.f32 $2.000000030e-01, v16;
	v17 =	vmax.f32 v17, v59  }
0x659: {  	v63 =	vld.idx.msk [tilespmem:v8+s24+$0x0], $0xffff;
	[tilespmem:s1+$0x0] =	vst v58;
	v17 =	vmul.f32 $1.442695020e+00, v17;
	(erf) = vpow2.f32 v15  }
0x65a: {  	v14 =	vmul.f32 $2.000000030e-01, v61;
	v31 =	vpop (erf);
	[tilespmem:v11+s25+$0x0] =	vst.idx.add.f32.msk $0xffff, v58;
	v15 =	vmax.f32 v16, v62;
	v16 =	vadd.f32 v57, v20  }
0x65b: {  	[tilespmem:s1+$0x10] =	vst v31;
	v32 =	vpop (erf);
	v9 =	vmul.f32 $1.442695020e+00, v15;
	(erf) = vpow2.f32 v17  }
0x65c: {  	v14 =	vmax.f32 v61, v14;
	v10 =	vadd.f32 v60, v26;
	[tilespmem:s1+$0x20] =	vst v32;
	v15 =	vmul.f32 $2.000000030e-01, v16  }
0x65d: {  	v14 =	vmul.f32 $1.442695020e+00, v14;
	[tilespmem:v12+s25+$0x0] =	vst.idx.add.f32.msk $0xffff, v31;
	(erf) = vpow2.f32 v9  }
0x65e: {  	s3 =	simm.s32 $0x8;
	s4 =	simm.s32 $0x140;
	v11 =	vadd.f32 v63, v23;
	v12 =	vmul.f32 $2.000000030e-01, v10;
	[tilespmem:v13+s25+$0x0] =	vst.idx.add.f32.msk $0xffff, v32;
	v15 =	vmax.f32 v16, v15  }
.LBB2_52:
0x65f: {  	v13 =	vld [tilespmem:s4+$0x30];
	v15 =	vmul.f32 $1.442695020e+00, v15;
	(erf) = vpow2.f32 v14;
	v9 =	vmov v8  }
0x660: {  	s1 =	sadd.s32 $0x80, s1;
	v8 =	vld [tilespmem:s4+$0xFFFFFFD0];
	v10 =	vmax.f32 v10, v12;
	v17 =	vmul.f32 $2.000000030e-01, v11;
	v14 =	vpop (erf)  }
0x661: {  	s3 =	sadd.s32 $0x8, s3;
	v16 =	vld [tilespmem:s4+$0xFFFFFFE0];
	v10 =	vmul.f32 $1.442695020e+00, v10;
	[tilespmem:s1+$0x30] =	vst v14;
	(erf) = vpow2.f32 v15  }
0x662: {  	p1 =	slt.u32 s3, $0x500;
	v11 =	vmax.f32 v11, v17;
	[tilespmem:v4+s25+$0x0] =	vst.idx.add.f32.msk $0xffff, v14;
	v12 =	vpop (erf)  }
0x663: {  	v14 =	vld [tilespmem:s4+$0xFFFFFFF0];
	[tilespmem:s1+$0xFFFFFFD0] =	vst v12;
	v11 =	vmul.f32 $1.442695020e+00, v11;
	(erf) = vpow2.f32 v10  }
0x664: {  	v10 =	vld [tilespmem:s4+$0x0];
	v15 =	vand.u32 $0x3FFF, v13;
	v17 =	vpop (erf)  }
0x665: {  	v4 =	vshrl.u32 v13, $0xE;
	v18 =	vshrl.u32 v8, $0xE;
	v8 =	vand.u32 $0x3FFF, v8;
	v19 =	vld [tilespmem:s4+$0x10];
	[tilespmem:s1+$0xFFFFFFE0] =	vst v17  }
0x666: {  	v13 =	vshrl.u32 v16, $0xE;
	v16 =	vand.u32 $0x3FFF, v16;
	v20 =	vld [tilespmem:s4+$0x20];
	v21 =	vpop (erf);
	(erf) = vpow2.f32 v11  }
0x667: {  	v11 =	vld [tilespmem:s4+$0xFFFFFFC0];
	[tilespmem:s1+$0xFFFFFFF0] =	vst v21  }
0x668: {  	v22 =	vshrl.u32 v14, $0xE;
	v14 =	vand.u32 $0x3FFF, v14;
	[tilespmem:v1+s25+$0x0] =	vst.idx.add.f32.msk $0xffff, v12;
	v12 =	vpop (erf);
	v1 =	vmov v18  }
0x669: {  	v23 =	vshrl.u32 v10, $0xE;
	v10 =	vand.u32 $0x3FFF, v10;
	v15 =	vld.idx.msk [tilespmem:v15+s23+$0x0], $0xffff;
	[tilespmem:s1+$0xFFFFFFC0] =	vst v12  }
0x66a: {  	v24 =	vshrl.u32 v19, $0xE;
	v19 =	vand.u32 $0x3FFF, v19;
	v25 =	vld.idx.msk [tilespmem:v4+s24+$0x0], $0xffff;
	v26 =	vpop (erf)  }
0x66b: {  	v27 =	vld.idx.msk [tilespmem:v8+s23+$0x0], $0xffff;
	v8 =	vshrl.u32 v20, $0xE;
	v20 =	vand.u32 $0x3FFF, v20;
	[tilespmem:s1+$0x0] =	vst v26  }
0x66c: {  	v28 =	vshrl.u32 v11, $0xE;
	v11 =	vand.u32 $0x3FFF, v11;
	v18 =	vld.idx.msk [tilespmem:v18+s24+$0x0], $0xffff;
	v29 =	vpop (erf)  }
0x66d: {  	v16 =	vld.idx.msk [tilespmem:v16+s23+$0x0], $0xffff;
	[tilespmem:s1+$0x10] =	vst v29  }
0x66e: {  	v30 =	vld.idx.msk [tilespmem:v13+s24+$0x0], $0xffff  }
0x66f: {  	v14 =	vld.idx.msk [tilespmem:v14+s23+$0x0], $0xffff;
	v31 =	vpop (erf)  }
0x670: {  	v15 =	vadd.f32 v25, v15;
	v32 =	vld.idx.msk [tilespmem:v22+s24+$0x0], $0xffff;
	[tilespmem:s1+$0x20] =	vst v31  }
0x671: {  	v11 =	vld.idx.msk [tilespmem:v11+s23+$0x0], $0xffff  }
0x672: {  	v18 =	vadd.f32 v18, v27;
	v27 =	vmul.f32 $2.000000030e-01, v15;
	v25 =	vld.idx.msk [tilespmem:v28+s24+$0x0], $0xffff  }
0x673: {  	v10 =	vld.idx.msk [tilespmem:v10+s23+$0x0], $0xffff  }
0x674: {  	v33 =	vmul.f32 $2.000000030e-01, v18;
	v16 =	vadd.f32 v30, v16;
	v15 =	vmax.f32 v15, v27;
	v30 =	vld.idx.msk [tilespmem:v23+s24+$0x0], $0xffff  }
0x675: {  	v15 =	vmul.f32 $1.442695020e+00, v15;
	v19 =	vld.idx.msk [tilespmem:v19+s23+$0x0], $0xffff  }
0x676: {  	v18 =	vmax.f32 v18, v33;
	v27 =	vmul.f32 $2.000000030e-01, v16;
	v14 =	vadd.f32 v32, v14;
	v32 =	vld.idx.msk [tilespmem:v24+s24+$0x0], $0xffff  }
0x677: {  	v18 =	vmul.f32 $1.442695020e+00, v18;
	v20 =	vld.idx.msk [tilespmem:v20+s23+$0x0], $0xffff;
	(erf) = vpow2.f32 v15  }
0x678: {  	v11 =	vadd.f32 v25, v11;
	v15 =	vmax.f32 v16, v27;
	v16 =	vmul.f32 $2.000000030e-01, v14;
	v25 =	vld.idx.msk [tilespmem:v8+s24+$0x0], $0xffff  }
0x679: {  	v15 =	vmul.f32 $1.442695020e+00, v15;
	(erf) = vpow2.f32 v18;
	[tilespmem:v5+s25+$0x0] =	vst.idx.add.f32.msk $0xffff, v12;
	v5 =	vmov v28  }
.Ltmp25:
0x67a: {  	v12 =	vmul.f32 $2.000000030e-01, v11;
	v14 =	vmax.f32 v14, v16;
	v16 =	vadd.f32 v30, v10;
	[tilespmem:v2+s25+$0x0] =	vst.idx.add.f32.msk $0xffff, v17;
	(pc) =	sbr.rel @p1 .LBB2_52-.Ltmp25, $4  }
0x67b: {  	v17 =	vmul.f32 $1.442695020e+00, v14;
	v2 =	vmovc v13;
	(erf) = vpow2.f32 v15;
	[tilespmem:v3+s25+$0x0] =	vst.idx.add.f32.msk $0xffff, v21;
	v3 =	vmov v22  }
0x67c: {  	v11 =	vmax.f32 v11, v12;
	v12 =	vmul.f32 $2.000000030e-01, v16;
	v10 =	vadd.f32 v32, v19;
	[tilespmem:v6+s25+$0x0] =	vst.idx.add.f32.msk $0xffff, v26  }
0x67d: {  	v14 =	vmul.f32 $1.442695020e+00, v11;
	v6 =	vmovc v23;
	(erf) = vpow2.f32 v17;
	[tilespmem:v7+s25+$0x0] =	vst.idx.add.f32.msk $0xffff, v29;
	v7 =	vmov v24  }
0x67e: {  	s4 =	sadd.s32 $0x80, s4;
	v15 =	vmax.f32 v16, v12;
	v12 =	vmul.f32 $2.000000030e-01, v10;
	v11 =	vadd.f32 v25, v20;
	[tilespmem:v9+s25+$0x0] =	vst.idx.add.f32.msk $0xffff, v31  }
0x67f: {  	_ = 	snop  }
0x680: {  	v56 =	vmul.f32 $1.442695020e+00, v15;
	(erf) = vpow2.f32 v14  }
0x681: {  	s1 =	sadd.s32 $0x80, s1;
	v9 =	vmul.f32 $2.000000030e-01, v11;
	v10 =	vmax.f32 v10, v12;
	v57 =	vpop (erf)  }
0x682: {  	v10 =	vmul.f32 $1.442695020e+00, v10;
	(erf) = vpow2.f32 v56;
	[tilespmem:s1+$0x30] =	vst v57  }
0x683: {  	v9 =	vmax.f32 v11, v9;
	v58 =	vpop (erf);
	[tilespmem:v4+s25+$0x0] =	vst.idx.add.f32.msk $0xffff, v57  }
0x684: {  	v9 =	vmul.f32 $1.442695020e+00, v9;
	(erf) = vpow2.f32 v10;
	[tilespmem:s1+$0xFFFFFFD0] =	vst v58  }
0x685: {  	v59 =	vpop (erf);
	[tilespmem:v1+s25+$0x0] =	vst.idx.add.f32.msk $0xffff, v58  }
0x686: {  	(erf) = vpow2.f32 v9;
	[tilespmem:s1+$0xFFFFFFE0] =	vst v59  }
0x687: {  	v60 =	vpop (erf);
	[tilespmem:v2+s25+$0x0] =	vst.idx.add.f32.msk $0xffff, v59  }
0x688: {  	[tilespmem:s1+$0xFFFFFFF0] =	vst v60  }
0x689: {  	v1 =	vpop (erf);
	[tilespmem:v3+s25+$0x0] =	vst.idx.add.f32.msk $0xffff, v60  }
0x68a: {  	[tilespmem:s1+$0xFFFFFFC0] =	vst v1  }
0x68b: {  	v61 =	vpop (erf);
	[tilespmem:v5+s25+$0x0] =	vst.idx.add.f32.msk $0xffff, v1  }
0x68c: {  	[tilespmem:s1+$0x0] =	vst v61  }
0x68d: {  	v62 =	vpop (erf);
	[tilespmem:v6+s25+$0x0] =	vst.idx.add.f32.msk $0xffff, v61  }
0x68e: {  	[tilespmem:s1+$0x10] =	vst v62  }
0x68f: {  	v63 =	vpop (erf);
	[tilespmem:v7+s25+$0x0] =	vst.idx.add.f32.msk $0xffff, v62  }
0x690: {  	[tilespmem:s1+$0x20] =	vst v63  }
0x691: {  	s1 =	simm.s32 $0x0;
	[tilespmem:v8+s25+$0x0] =	vst.idx.add.f32.msk $0xffff, v63  }
.LBB2_54:
0x692: {  	s3 =	sshra.s32 s1, $0x2  }
0x693: {  	v1 =	vld [tilespmem:s3+$0x5080];
	_ =	sdelay $0x4  }
0x694: {  	v2 =	vand.u32 $0x3FFF, v1  }
0x695: {  	v1 =	vshrl.u32 v1, $0xE;
	_ =	sdelay $0x3  }
0x696: {  	v2 =	vld.idx.msk [tilespmem:v2+s23+$0x0], $0xffff  }
0x697: {  	v3 =	vld.idx.msk [tilespmem:v1+s24+$0x0], $0xffff;
	_ =	sdelay $0x4  }
0x698: {  	v2 =	vadd.f32 v3, v2;
	_ =	sdelay $0x1  }
0x699: {  	v3 =	vmul.f32 $2.000000030e-01, v2;
	_ =	sdelay $0x1  }
0x69a: {  	v2 =	vmax.f32 v2, v3  }
0x69b: {  	v2 =	vmul.f32 $1.442695020e+00, v2;
	_ =	sdelay $0x1  }
0x69c: {  	(erf) = vpow2.f32 v2;
	_ =	sdelay $0x5  }
0x69d: {  	p1 =	sne.s32 s1, $0x40  }
.Ltmp26:
0x69e: {  	_ = 	snop;
	(pc) =	sbr.rel @p1 .LBB2_54-.Ltmp26, $4  }
0x69f: {  	_ = 	snop  }
0x6a0: {  	v2 =	vpop (erf)  }
0x6a1: {  	[tilespmem:s3+$0xF180] =	vst v2  }
0x6a2: {  	s1 =	sadd.s32 $0x40, s1;
	[tilespmem:v1+s25+$0x0] =	vst.idx.add.f32.msk $0xffff, v2  }
0x6a3: {  	[spmem:s7] =	stream.strided.scatter [tilespmem:s25], [sflag:$0x1], $0x2800, s22, s21, $0x38;
	[tilespmem:$0x19480] =	vst v63  }
0x6a4: {  	_ =	swait.ge [sflag:s20], $0x2800  }
0x6a5: {  	[sflag:s20] =	ssyncset.done $0x0  }
0x6a6: {  	[sflag:s20] =	ssyncadd.s32 $0xFFFFD800  }
0x6a7: {  	s6 =	simm.s32 $0x0;
	[bflag:$0x0] =	sbarrier.arrive $0xFFFF  }
0x6a8: {  	[tilespmem:s29], [sflag:$0x1] =	stream.strided.gather [spmem:s8], $0x2800, s28, s26, $0x38;
	[tilespmem:$0x19480] =	vst v63  }
0x6a9: {  	s1 =	sand.u32 $0x60, s6;
	s3 =	sand.u32 $0x1C00, s6;
	_ =	swait.ge [sflag:s20], $0x2800  }
0x6aa: {  	s4 =	sor.u32 $0x14200, s3;
	s9 =	sor.u32 $0x10, s1;
	[sflag:s20] =	ssyncset.done $0x0  }
0x6ab: {  	s5 =	sor.u32 s9, s4;
	[sflag:s20] =	ssyncadd.s32 $0xFFFFD800  }
0x6ac: {  	v1 =	vld [tilespmem:s5+$0x0]  }
0x6ad: {  	s4 =	sor.u32 s1, s4;
	v2 =	vld [tilespmem:s5+$0x80]  }
0x6ae: {  	v3 =	vld [tilespmem:s4+$0x0]  }
0x6af: {  	v4 =	vld [tilespmem:s5+$0x100]  }
0x6b0: {  	v5 =	vld [tilespmem:s4+$0x80]  }
0x6b1: {  	v6 =	vld [tilespmem:s5+$0x180]  }
0x6b2: {  	v7 =	vld [tilespmem:s4+$0x100]  }
0x6b3: {  	v8 =	vld [tilespmem:s5+$0x200]  }
0x6b4: {  	v9 =	vld [tilespmem:s4+$0x180]  }
0x6b5: {  	v10 =	vld [tilespmem:s5+$0x280]  }
0x6b6: {  	v11 =	vld [tilespmem:s4+$0x200]  }
0x6b7: {  	v12 =	vld [tilespmem:s5+$0x300]  }
0x6b8: {  	v13 =	vld [tilespmem:s4+$0x280]  }
0x6b9: {  	s10 =	sadd.s32 $0x15600, s3;
	v14 =	vld [tilespmem:s5+$0x380]  }
0x6ba: {  	s16 =	sor.u32 s9, s10;
	v15 =	vld [tilespmem:s4+$0x300]  }
0x6bb: {  	s11 =	sadd.s32 $0x15680, s3;
	v16 =	vld [tilespmem:s16+$0x0]  }
0x6bc: {  	v17 =	vld [tilespmem:s4+$0x380];
	s5 =	sor.u32 s9, s11;
	v1 =	vadd.f32 v2, v1  }
0x6bd: {  	s13 =	sadd.s32 $0x15700, s3;
	s12 =	sor.u32 s1, s10;
	v2 =	vld [tilespmem:s5+$0x0];
	v3 =	vadd.f32 v5, v3  }
0x6be: {  	v5 =	vld [tilespmem:s12+$0x0];
	s12 =	sor.u32 s1, s13;
	v1 =	vadd.f32 v4, v1  }
0x6bf: {  	s14 =	sor.u32 s9, s13;
	v51 =	vld [tilespmem:s12+$0x0];
	v3 =	vadd.f32 v7, v3  }
0x6c0: {  	s15 =	sor.u32 s1, s11;
	s13 =	sadd.s32 $0x15800, s3;
	v4 =	vld [tilespmem:s14+$0x0];
	v1 =	vadd.f32 v6, v1  }
0x6c1: {  	s16 =	sadd.s32 $0x15780, s3;
	s12 =	sor.u32 s1, s13;
	v7 =	vld [tilespmem:s15+$0x0];
	v3 =	vadd.f32 v9, v3  }
0x6c2: {  	s10 =	sadd.s32 $0x15900, s3;
	s15 =	sor.u32 s1, s16;
	v54 =	vld [tilespmem:s12+$0x0];
	v1 =	vadd.f32 v8, v1  }
0x6c3: {  	s14 =	sor.u32 s9, s13;
	s13 =	sor.u32 s9, s10;
	v52 =	vld [tilespmem:s15+$0x0];
	v3 =	vadd.f32 v11, v3  }
0x6c4: {  	s5 =	sor.u32 s9, s16;
	v55 =	vld [tilespmem:s13+$0x0];
	v1 =	vadd.f32 v10, v1  }
0x6c5: {  	s16 =	sadd.s32 $0x15880, s3;
	s13 =	sor.u32 s1, s10;
	v6 =	vld [tilespmem:s5+$0x0];
	v3 =	vadd.f32 v13, v3  }
0x6c6: {  	s15 =	sadd.s32 $0x15980, s3;
	s5 =	sor.u32 s9, s16;
	v58 =	vld [tilespmem:s13+$0x0];
	v1 =	vadd.f32 v12, v1  }
0x6c7: {  	s11 =	sor.u32 s1, s15;
	v53 =	vld [tilespmem:s5+$0x0];
	v3 =	vadd.f32 v15, v3  }
0x6c8: {  	s12 =	simm.s32 $0x100;
	s3 =	simm.s32 $0x20;
	v59 =	vld [tilespmem:s11+$0x0];
	v1 =	vadd.f32 v14, v1  }
0x6c9: {  	s10 =	sand.u32 $0x1C00, s12;
	s4 =	sand.u32 $0x60, s3;
	v8 =	vld [tilespmem:s14+$0x0];
	s14 =	sor.u32 s1, s16;
	v3 =	vadd.f32 v17, v3  }
0x6ca: {  	s12 =	sor.u32 $0x14200, s10;
	s16 =	sor.u32 s9, s15;
	s1 =	sor.u32 $0x10, s4;
	v56 =	vld [tilespmem:s14+$0x0];
	v1 =	vadd.f32 v16, v1  }
0x6cb: {  	v57 =	vld [tilespmem:s16+$0x0];
	s14 =	sor.u32 s1, s12;
	v3 =	vadd.f32 v5, v3  }
0x6cc: {  	v5 =	vld [tilespmem:s14+$0x0];
	v1 =	vadd.f32 v2, v1  }
0x6cd: {  	s15 =	sor.u32 s4, s12;
	v2 =	vld [tilespmem:s14+$0x80];
	v3 =	vadd.f32 v7, v3  }
0x6ce: {  	v60 =	vld [tilespmem:s15+$0x80];
	v1 =	vadd.f32 v4, v1  }
0x6cf: {  	v4 =	vld [tilespmem:s14+$0x100];
	v3 =	vadd.f32 v51, v3  }
0x6d0: {  	v7 =	vld [tilespmem:s15+$0x0];
	v1 =	vadd.f32 v6, v1  }
0x6d1: {  	v6 =	vld [tilespmem:s14+$0x180];
	v3 =	vadd.f32 v52, v3  }
0x6d2: {  	v2 =	vadd.f32 v2, v5;
	v5 =	vld [tilespmem:s15+$0x100];
	v1 =	vadd.f32 v8, v1  }
0x6d3: {  	v8 =	vld [tilespmem:s14+$0x200];
	v3 =	vadd.f32 v54, v3  }
0x6d4: {  	v2 =	vadd.f32 v4, v2;
	v4 =	vld [tilespmem:s15+$0x180];
	v1 =	vadd.f32 v53, v1  }
0x6d5: {  	v61 =	vld [tilespmem:s14+$0x280];
	v7 =	vadd.f32 v60, v7;
	v3 =	vadd.f32 v56, v3  }
0x6d6: {  	v2 =	vadd.f32 v6, v2;
	v6 =	vld [tilespmem:s15+$0x200];
	v1 =	vadd.f32 v55, v1  }
0x6d7: {  	v5 =	vadd.f32 v5, v7;
	v7 =	vld [tilespmem:s14+$0x300];
	v3 =	vadd.f32 v58, v3  }
0x6d8: {  	v2 =	vadd.f32 v8, v2;
	v8 =	vld [tilespmem:s15+$0x280];
	v1 =	vadd.f32 v57, v1  }
0x6d9: {  	s16 =	sadd.s32 $0x15600, s10;
	v4 =	vadd.f32 v4, v5;
	v5 =	vld [tilespmem:s14+$0x380];
	v3 =	vadd.f32 v59, v3  }
0x6da: {  	v62 =	vld [tilespmem:s15+$0x300];
	s13 =	sor.u32 s1, s16;
	v2 =	vadd.f32 v61, v2;
	v1 =	vadd.f32 $1.000000020e-16, v1  }
0x6db: {  	s14 =	sadd.s32 $0x15680, s10;
	v4 =	vadd.f32 v6, v4;
	v6 =	vld [tilespmem:s13+$0x0];
	v3 =	vadd.f32 $1.000000020e-16, v3  }
0x6dc: {  	v2 =	vadd.f32 v7, v2;
	v7 =	vld [tilespmem:s15+$0x380];
	s15 =	sor.u32 s1, s14;
	(erf) = vrcp.f32 v1  }
0x6dd: {  	s11 =	sor.u32 s4, s16;
	s16 =	sadd.s32 $0x15700, s10;
	v1 =	vld [tilespmem:s15+$0x0];
	(erf) = vrcp.f32 v3;
	v3 =	vadd.f32 v8, v4  }
0x6de: {  	v4 =	vld [tilespmem:s11+$0x0];
	v2 =	vadd.f32 v5, v2;
	s11 =	sor.u32 s1, s16  }
0x6df: {  	s13 =	sadd.s32 $0x15780, s10;
	s14 =	sor.u32 s4, s14;
	v5 =	vld [tilespmem:s11+$0x0];
	v3 =	vadd.f32 v62, v3  }
0x6e0: {  	s15 =	sor.u32 s1, s13;
	v8 =	vld [tilespmem:s14+$0x0];
	v2 =	vadd.f32 v6, v2  }
0x6e1: {  	s12 =	sadd.s32 $0x15800, s10;
	s16 =	sor.u32 s4, s16;
	v6 =	vld [tilespmem:s15+$0x0];
	v3 =	vadd.f32 v7, v3  }
0x6e2: {  	s14 =	sor.u32 s1, s12;
	v7 =	vld [tilespmem:s16+$0x0];
	v1 =	vadd.f32 v1, v2  }
0x6e3: {  	v63 =	vld [tilespmem:s14+$0x0];
	s15 =	sor.u32 s4, s13;
	s13 =	sadd.s32 $0x15880, s10;
	v3 =	vadd.f32 v4, v3  }
0x6e4: {  	s5 =	simm.s32 $0x16A00;
	v2 =	vld [tilespmem:s15+$0x0];
	s16 =	sor.u32 s1, s13;
	v4 =	vadd.f32 v5, v1  }
0x6e5: {  	s12 =	sor.u32 s4, s12;
	s14 =	sand.u32 $0x380, s6;
	s15 =	sadd.s32 $0x15900, s10;
	v1 =	vld [tilespmem:s16+$0x0];
	v8 =	vadd.f32 v8, v3  }
0x6e6: {  	s6 =	simm.s32 $0x2;
	s9 =	sor.u32 s9, s14;
	s14 =	sor.u32 s1, s15;
	v5 =	vpop (erf);
	v3 =	vld [tilespmem:s12+$0x0];
	v6 =	vadd.f32 v6, v4  }
0x6e7: {  	s16 =	sor.u32 s4, s13;
	s13 =	sor.u32 s4, s15;
	s12 =	sadd.s32 $0x15980, s10;
	v4 =	vld [tilespmem:s14+$0x0];
	[tilespmem:s9+$0x16A00] =	vst v5;
	v5 =	vpop (erf);
	v7 =	vadd.f32 v7, v8  }
0x6e8: {  	s10 =	simm.s32 $0x40;
	s14 =	sor.u32 s1, s12;
	s9 =	simm.s32 $0x200;
	[tilespmem:s5+$0x0] =	vst v5;
	v5 =	vld [tilespmem:s16+$0x0];
	v6 =	vadd.f32 v63, v6  }
.LBB2_56:
0x6e9: {  	s11 =	sand.u32 $0x1C00, s9;
	v2 =	vadd.f32 v2, v7;
	s15 =	sor.u32 s4, s12;
	s4 =	sand.u32 $0x60, s10;
	v7 =	vld [tilespmem:s14+$0x0]  }
0x6ea: {  	s6 =	sadd.s32 $0x2, s6;
	s14 =	sor.u32 $0x14200, s11;
	s12 =	sor.u32 $0x10, s4;
	v8 =	vld [tilespmem:s13+$0x0];
	v1 =	vadd.f32 v1, v6  }
0x6eb: {  	p1 =	slt.u32 s6, $0x26;
	s13 =	sor.u32 s4, s14;
	s14 =	sor.u32 s12, s14;
	v2 =	vadd.f32 v3, v2;
	v3 =	vld [tilespmem:s15+$0x0]  }
0x6ec: {  	v6 =	vld [tilespmem:s14+$0x0];
	v1 =	vadd.f32 v4, v1  }
0x6ed: {  	v4 =	vld [tilespmem:s14+$0x80];
	v2 =	vadd.f32 v5, v2  }
0x6ee: {  	v5 =	vld [tilespmem:s13+$0x0];
	v1 =	vadd.f32 v7, v1  }
0x6ef: {  	v7 =	vld [tilespmem:s14+$0x100];
	v2 =	vadd.f32 v8, v2  }
0x6f0: {  	v8 =	vld [tilespmem:s13+$0x80];
	v1 =	vadd.f32 $1.000000020e-16, v1  }
0x6f1: {  	v9 =	vld [tilespmem:s14+$0x180];
	v2 =	vadd.f32 v3, v2  }
0x6f2: {  	v3 =	vld [tilespmem:s13+$0x100];
	v4 =	vadd.f32 v4, v6;
	(erf) = vrcp.f32 v1  }
0x6f3: {  	v1 =	vld [tilespmem:s14+$0x200];
	v2 =	vadd.f32 $1.000000020e-16, v2  }
0x6f4: {  	v6 =	vld [tilespmem:s13+$0x180];
	v4 =	vadd.f32 v7, v4  }
0x6f5: {  	v5 =	vadd.f32 v8, v5;
	v7 =	vld [tilespmem:s14+$0x280];
	(erf) = vrcp.f32 v2  }
0x6f6: {  	v2 =	vld [tilespmem:s13+$0x200];
	v4 =	vadd.f32 v9, v4  }
0x6f7: {  	v3 =	vadd.f32 v3, v5;
	v5 =	vld [tilespmem:s14+$0x300]  }
0x6f8: {  	v8 =	vld [tilespmem:s13+$0x280];
	v1 =	vadd.f32 v1, v4  }
0x6f9: {  	s15 =	sadd.s32 $0x15600, s11;
	v3 =	vadd.f32 v6, v3;
	v4 =	vld [tilespmem:s14+$0x380]  }
0x6fa: {  	s3 =	sand.u32 $0x380, s3;
	s14 =	sor.u32 s4, s15;
	s15 =	sor.u32 s12, s15;
	v6 =	vld [tilespmem:s13+$0x300];
	v1 =	vadd.f32 v7, v1  }
0x6fb: {  	s16 =	sadd.s32 $0x15680, s11;
	s3 =	sor.u32 s1, s3;
	s1 =	smov.u32 s12;
	v2 =	vadd.f32 v2, v3;
	v3 =	vld [tilespmem:s15+$0x0];
	v7 =	vpop (erf)  }
0x6fc: {  	s12 =	sor.u32 s4, s16;
	v9 =	vld [tilespmem:s13+$0x380];
	v1 =	vadd.f32 v5, v1;
	s13 =	sor.u32 s1, s16;
	[tilespmem:s3+$0x16A00] =	vst v7;
	s3 =	smov.u32 s10  }
0x6fd: {  	s15 =	sadd.s32 $0x15700, s11;
	v2 =	vadd.f32 v8, v2;
	v5 =	vld [tilespmem:s13+$0x0]  }
0x6fe: {  	s5 =	sadd.s32 $0x20, s5;
	s13 =	sor.u32 s4, s15;
	v7 =	vld [tilespmem:s14+$0x0];
	v1 =	vadd.f32 v4, v1;
	s14 =	sor.u32 s1, s15;
	v4 =	vpop (erf)  }
0x6ff: {  	s15 =	sadd.s32 $0x15780, s11;
	v2 =	vadd.f32 v6, v2;
	v6 =	vld [tilespmem:s14+$0x0];
	[tilespmem:s5+$0x0] =	vst v4  }
0x700: {  	s14 =	sor.u32 s1, s15;
	v4 =	vld [tilespmem:s12+$0x0];
	s12 =	sor.u32 s4, s15;
	v1 =	vadd.f32 v3, v1  }
0x701: {  	s15 =	sadd.s32 $0x15800, s11;
	v2 =	vadd.f32 v9, v2;
	v8 =	vld [tilespmem:s14+$0x0]  }
0x702: {  	s14 =	sor.u32 s1, s15;
	v9 =	vld [tilespmem:s13+$0x0];
	s13 =	sor.u32 s4, s15;
	v1 =	vadd.f32 v5, v1  }
0x703: {  	s15 =	sadd.s32 $0x15880, s11;
	v3 =	vadd.f32 v7, v2;
	v10 =	vld [tilespmem:s14+$0x0]  }
.Ltmp27:
0x704: {  	s14 =	sor.u32 s4, s15;
	v2 =	vld [tilespmem:s12+$0x0];
	v5 =	vadd.f32 v6, v1;
	s12 =	sor.u32 s1, s15;
	(pc) =	sbr.rel @p1 .LBB2_56-.Ltmp27, $4  }
0x705: {  	s15 =	sadd.s32 $0x15900, s11;
	v4 =	vadd.f32 v4, v3;
	v1 =	vld [tilespmem:s12+$0x0]  }
0x706: {  	v3 =	vld [tilespmem:s13+$0x0];
	s13 =	sor.u32 s4, s15;
	v6 =	vadd.f32 v8, v5;
	s15 =	sor.u32 s1, s15  }
0x707: {  	s12 =	sadd.s32 $0x15980, s11;
	v7 =	vadd.f32 v9, v4;
	v4 =	vld [tilespmem:s15+$0x0]  }
0x708: {  	s9 =	sadd.s32 $0x100, s9;
	s10 =	sadd.s32 $0x20, s10;
	v5 =	vld [tilespmem:s14+$0x0];
	v6 =	vadd.f32 v10, v6;
	s14 =	sor.u32 s1, s12  }
0x709: {  	v2 =	vadd.f32 v2, v7  }
0x70a: {  	v63 =	vld [tilespmem:s13+$0x0]  }
0x70b: {  	s4 =	sor.u32 s4, s12;
	v8 =	vld [tilespmem:s14+$0x0];
	v2 =	vadd.f32 v3, v2  }
0x70c: {  	v1 =	vadd.f32 v1, v6;
	v3 =	vld [tilespmem:s4+$0x0]  }
0x70d: {  	v2 =	vadd.f32 v5, v2  }
0x70e: {  	v1 =	vadd.f32 v4, v1  }
0x70f: {  	v2 =	vadd.f32 v63, v2  }
0x710: {  	v1 =	vadd.f32 v8, v1  }
0x711: {  	v2 =	vadd.f32 v3, v2  }
0x712: {  	v1 =	vadd.f32 $1.000000020e-16, v1  }
0x713: {  	v2 =	vadd.f32 $1.000000020e-16, v2  }
0x714: {  	(erf) = vrcp.f32 v1  }
0x715: {  	(erf) = vrcp.f32 v2;
	_ =	sdelay $0x6  }
0x716: {  	s3 =	sand.u32 $0x380, s3  }
0x717: {  	s1 =	sor.u32 s1, s3;
	v1 =	vpop (erf)  }
0x718: {  	s16 =	sadd.s32 $0x20, s5;
	[tilespmem:s1+$0x16A00] =	vst v1;
	v1 =	vpop (erf)  }
0x719: {  	[tilespmem:s16+$0x0] =	vst v1  }
0x71a: {  	[spmem:s8] =	stream.strided.scatter [tilespmem:s30], [sflag:$0x1], $0x280, s22, s21, $0x38;
	[tilespmem:$0x19480] =	vst v63  }
0x71b: {  	_ =	swait.ge [sflag:s20], $0x280  }
0x71c: {  	[sflag:s20] =	ssyncset.done $0x0  }
0x71d: {  	[sflag:s20] =	ssyncadd.s32 $0xFFFFFD80  }
0x71e: {  	[bflag:$0x0] =	sbarrier.arrive $0xFFFF  }
0x71f: {  	[tilespmem:s31], [sflag:$0x1] =	stream.strided.gather [spmem:s2], $0x2800, s22, s21, $0x38;
	[tilespmem:$0x19480] =	vst v63  }
0x720: {  	_ =	swait.ge [sflag:s20], $0x2800  }
0x721: {  	[sflag:s20] =	ssyncset.done $0x0  }
0x722: {  	[sflag:s20] =	ssyncadd.s32 $0xFFFFD800  }
0x723: {  	s3 =	simm.s32 $0xF240;
	[bflag:$0x0] =	sbarrier.arrive $0xFFFF  }
0x724: {  	[tilespmem:s3+$0xFFFFFFC0] =	vst v0  }
0x725: {  	[tilespmem:s3+$0x30] =	vst v0  }
0x726: {  	[tilespmem:s3+$0x20] =	vst v0  }
0x727: {  	[tilespmem:s3+$0x10] =	vst v0  }
0x728: {  	[tilespmem:s3+$0x0] =	vst v0  }
0x729: {  	[tilespmem:s3+$0xFFFFFFF0] =	vst v0  }
0x72a: {  	s4 =	simm.s32 $0x0;
	[tilespmem:s3+$0xFFFFFFE0] =	vst v0  }
.LBB2_58:
0x72b: {  	s4 =	sadd.s32 $0x8, s4;
	[tilespmem:s3+$0xFFFFFFD0] =	vst v0;
	s3 =	sadd.s32 $0x80, s3  }
0x72c: {  	[tilespmem:s3+$0xFFFFFFC0] =	vst v0;
	p1 =	slt.u32 s4, $0x278  }
0x72d: {  	[tilespmem:s3+$0x30] =	vst v0  }
.Ltmp28:
0x72e: {  	[tilespmem:s3+$0x20] =	vst v0;
	(pc) =	sbr.rel @p1 .LBB2_58-.Ltmp28, $4  }
0x72f: {  	[tilespmem:s3+$0x10] =	vst v0  }
0x730: {  	[tilespmem:s3+$0x0] =	vst v0  }
0x731: {  	[tilespmem:s3+$0xFFFFFFF0] =	vst v0  }
0x732: {  	s1 =	simm.s32 $0xA140;
	[tilespmem:s3+$0xFFFFFFE0] =	vst v0  }
0x733: {  	[tilespmem:s3+$0xFFFFFFD0] =	vst v0;
	s16 =	simm.s32 $0x40  }
0x734: {  	v1 =	vld [tilespmem:s16+$0x30]  }
0x735: {  	v2 =	vld [tilespmem:s16+$0xFFFFFFD0]  }
0x736: {  	v3 =	vld [tilespmem:s16+$0xFFFFFFE0]  }
0x737: {  	v4 =	vld [tilespmem:s16+$0xFFFFFFF0]  }
0x738: {  	v5 =	vld [tilespmem:s16+$0x0]  }
0x739: {  	v7 =	vld [tilespmem:s16+$0x10]  }
0x73a: {  	v9 =	vld [tilespmem:s16+$0xFFFFFFC0]  }
0x73b: {  	v11 =	vld [tilespmem:s16+$0x20];
	v6 =	vshrl.u32 v1, $0xE  }
0x73c: {  	v15 =	vld [tilespmem:s1+$0x30]  }
0x73d: {  	v59 =	vld [tilespmem:s1+$0xFFFFFFD0]  }
0x73e: {  	v60 =	vld [tilespmem:s1+$0xFFFFFFE0]  }
0x73f: {  	v18 =	vld [tilespmem:s1+$0xFFFFFFF0];
	v8 =	vshrl.u32 v2, $0xE  }
0x740: {  	v13 =	vshrl.u32 v5, $0xE;
	v6 =	vld.idx.msk [tilespmem:v6+s31+$0x0], $0xffff  }
0x741: {  	v19 =	vld [tilespmem:s1+$0x0];
	v16 =	vshrl.u32 v9, $0xE  }
0x742: {  	v61 =	vld [tilespmem:s1+$0x10];
	v1 =	vand.u32 $0x3FFF, v1  }
0x743: {  	v62 =	vld [tilespmem:s1+$0x20]  }
0x744: {  	v12 =	vshrl.u32 v4, $0xE;
	v8 =	vld.idx.msk [tilespmem:v8+s31+$0x0], $0xffff  }
0x745: {  	v10 =	vshrl.u32 v3, $0xE;
	v13 =	vld.idx.msk [tilespmem:v13+s31+$0x0], $0xffff;
	v6 =	vmul.f32 v15, v6  }
0x746: {  	v14 =	vshrl.u32 v7, $0xE;
	v58 =	vld.idx.msk [tilespmem:v16+s31+$0x0], $0xffff  }
0x747: {  	v17 =	vshrl.u32 v11, $0xE;
	[tilespmem:v1+s25+$0x0] =	vst.idx.add.f32.msk $0xffff, v6  }
0x748: {  	v2 =	vand.u32 $0x3FFF, v2;
	v1 =	vld [tilespmem:s1+$0xFFFFFFC0]  }
0x749: {  	v5 =	vand.u32 $0x3FFF, v5;
	v12 =	vld.idx.msk [tilespmem:v12+s31+$0x0], $0xffff  }
0x74a: {  	v9 =	vand.u32 $0x3FFF, v9;
	v10 =	vld.idx.msk [tilespmem:v10+s31+$0x0], $0xffff  }
0x74b: {  	v4 =	vand.u32 $0x3FFF, v4;
	v14 =	vld.idx.msk [tilespmem:v14+s31+$0x0], $0xffff;
	v8 =	vmul.f32 v59, v8  }
0x74c: {  	v3 =	vand.u32 $0x3FFF, v3;
	v63 =	vmul.f32 v19, v13;
	v6 =	vld.idx.msk [tilespmem:v17+s31+$0x0], $0xffff  }
0x74d: {  	[tilespmem:v2+s25+$0x0] =	vst.idx.add.f32.msk $0xffff, v8;
	v1 =	vmul.f32 v1, v58  }
0x74e: {  	v2 =	vmul.f32 v18, v12;
	[tilespmem:v5+s25+$0x0] =	vst.idx.add.f32.msk $0xffff, v63  }
0x74f: {  	[tilespmem:v9+s25+$0x0] =	vst.idx.add.f32.msk $0xffff, v1;
	v1 =	vmul.f32 v60, v10  }
0x750: {  	[tilespmem:v4+s25+$0x0] =	vst.idx.add.f32.msk $0xffff, v2;
	v2 =	vand.u32 $0x3FFF, v11  }
0x751: {  	s3 =	simm.s32 $0x0;
	s4 =	simm.s32 $0xC0;
	v4 =	vmul.f32 v62, v6;
	[tilespmem:v3+s25+$0x0] =	vst.idx.add.f32.msk $0xffff, v1;
	v1 =	vand.u32 $0x3FFF, v7;
	v3 =	vmul.f32 v61, v14  }
.LBB2_60:
0x752: {  	v5 =	vld [tilespmem:s4+$0x30];
	s3 =	sadd.s32 $0x8, s3  }
0x753: {  	v6 =	vld [tilespmem:s4+$0xFFFFFFD0];
	p1 =	slt.u32 s3, $0x500  }
0x754: {  	v7 =	vld [tilespmem:s4+$0xFFFFFFE0]  }
0x755: {  	v8 =	vld [tilespmem:s4+$0xFFFFFFF0]  }
0x756: {  	v9 =	vld [tilespmem:s4+$0x0]  }
0x757: {  	v10 =	vld [tilespmem:s4+$0x10];
	v11 =	vshrl.u32 v5, $0xE  }
0x758: {  	v12 =	vshrl.u32 v6, $0xE;
	v6 =	vand.u32 $0x3FFF, v6;
	v13 =	vld [tilespmem:s4+$0x20]  }
0x759: {  	v14 =	vld [tilespmem:s4+$0xFFFFFFC0];
	v15 =	vshrl.u32 v7, $0xE;
	v7 =	vand.u32 $0x3FFF, v7  }
0x75a: {  	v16 =	vshrl.u32 v8, $0xE;
	v8 =	vand.u32 $0x3FFF, v8;
	[tilespmem:v1+s25+$0x0] =	vst.idx.add.f32.msk $0xffff, v3  }
0x75b: {  	v3 =	vshrl.u32 v9, $0xE;
	v9 =	vand.u32 $0x3FFF, v9;
	[tilespmem:v2+s25+$0x0] =	vst.idx.add.f32.msk $0xffff, v4  }
0x75c: {  	s1 =	sadd.s32 $0x80, s1;
	v4 =	vshrl.u32 v10, $0xE;
	v1 =	vand.u32 $0x3FFF, v10;
	v10 =	vld.idx.msk [tilespmem:v11+s31+$0x0], $0xffff  }
0x75d: {  	v11 =	vshrl.u32 v13, $0xE;
	v2 =	vand.u32 $0x3FFF, v13;
	v13 =	vld [tilespmem:s1+$0x30]  }
0x75e: {  	v17 =	vshrl.u32 v14, $0xE;
	v14 =	vand.u32 $0x3FFF, v14;
	v12 =	vld.idx.msk [tilespmem:v12+s31+$0x0], $0xffff  }
0x75f: {  	v5 =	vand.u32 $0x3FFF, v5;
	v15 =	vld.idx.msk [tilespmem:v15+s31+$0x0], $0xffff  }
0x760: {  	v16 =	vld.idx.msk [tilespmem:v16+s31+$0x0], $0xffff  }
0x761: {  	v3 =	vld.idx.msk [tilespmem:v3+s31+$0x0], $0xffff  }
0x762: {  	v4 =	vld.idx.msk [tilespmem:v4+s31+$0x0], $0xffff;
	v10 =	vmul.f32 v13, v10  }
0x763: {  	v13 =	vld.idx.msk [tilespmem:v17+s31+$0x0], $0xffff  }
0x764: {  	s5 =	simm.s32 $0x0;
	[tilespmem:v5+s25+$0x0] =	vst.idx.add.f32.msk $0xffff, v10  }
0x765: {  	v5 =	vld.idx.msk [tilespmem:v11+s31+$0x0], $0xffff  }
0x766: {  	v10 =	vld [tilespmem:s1+$0xFFFFFFC0]  }
0x767: {  	v11 =	vld [tilespmem:s1+$0xFFFFFFD0]  }
0x768: {  	v17 =	vld [tilespmem:s1+$0xFFFFFFE0]  }
0x769: {  	v18 =	vld [tilespmem:s1+$0xFFFFFFF0]  }
0x76a: {  	v19 =	vld [tilespmem:s1+$0x0]  }
0x76b: {  	v10 =	vmul.f32 v10, v13;
	v13 =	vld [tilespmem:s1+$0x10]  }
0x76c: {  	v11 =	vmul.f32 v11, v12;
	v12 =	vld [tilespmem:s1+$0x20]  }
.Ltmp29:
0x76d: {  	[tilespmem:v14+s25+$0x0] =	vst.idx.add.f32.msk $0xffff, v10;
	v10 =	vmul.f32 v17, v15;
	(pc) =	sbr.rel @p1 .LBB2_60-.Ltmp29, $4  }
0x76e: {  	[tilespmem:v6+s25+$0x0] =	vst.idx.add.f32.msk $0xffff, v11;
	v6 =	vmul.f32 v18, v16  }
0x76f: {  	[tilespmem:v7+s25+$0x0] =	vst.idx.add.f32.msk $0xffff, v10;
	v7 =	vmul.f32 v19, v3  }
0x770: {  	[tilespmem:v8+s25+$0x0] =	vst.idx.add.f32.msk $0xffff, v6;
	v3 =	vmul.f32 v13, v4  }
0x771: {  	s4 =	sadd.s32 $0x80, s4;
	[tilespmem:v9+s25+$0x0] =	vst.idx.add.f32.msk $0xffff, v7;
	v4 =	vmul.f32 v12, v5  }
0x772: {  	_ =	sdelay $0x3  }
0x773: {  	[tilespmem:v1+s25+$0x0] =	vst.idx.add.f32.msk $0xffff, v3  }
0x774: {  	[tilespmem:v2+s25+$0x0] =	vst.idx.add.f32.msk $0xffff, v4  }
.LBB2_62:
0x775: {  	s1 =	sshra.s32 s5, $0x2  }
0x776: {  	v1 =	vld [tilespmem:s1+$0x5080];
	_ =	sdelay $0x4  }
0x777: {  	v2 =	vshrl.u32 v1, $0xE;
	_ =	sdelay $0x3  }
0x778: {  	v3 =	vld [tilespmem:s1+$0xF180]  }
0x779: {  	v2 =	vld.idx.msk [tilespmem:v2+s31+$0x0], $0xffff;
	_ =	sdelay $0x1  }
0x77a: {  	p1 =	sne.s32 s5, $0x40;
	v1 =	vand.u32 $0x3FFF, v1  }
.Ltmp30:
0x77b: {  	_ = 	snop;
	(pc) =	sbr.rel @p1 .LBB2_62-.Ltmp30, $3  }
0x77c: {  	_ = 	snop  }
0x77d: {  	v2 =	vmul.f32 v3, v2;
	_ =	sdelay $0x1  }
0x77e: {  	s5 =	sadd.s32 $0x40, s5;
	[tilespmem:v1+s25+$0x0] =	vst.idx.add.f32.msk $0xffff, v2  }
0x77f: {  	[spmem:s7] =	stream.strided.scatter [tilespmem:s25], [sflag:$0x1], $0x2800, s22, s21, $0x38;
	[tilespmem:$0x19480] =	vst v63  }
0x780: {  	_ =	swait.ge [sflag:s20], $0x2800  }
0x781: {  	[sflag:s20] =	ssyncset.done $0x0  }
0x782: {  	[sflag:s20] =	ssyncadd.s32 $0xFFFFD800  }
0x783: {  	s9 =	simm.s32 $0x0;
	[bflag:$0x0] =	sbarrier.arrive $0xFFFF  }
0x784: {  	[tilespmem:s29], [sflag:$0x1] =	stream.strided.gather [spmem:s8], $0x2800, s28, s26, $0x38;
	[tilespmem:$0x19480] =	vst v63  }
0x785: {  	s3 =	sand.u32 $0x60, s9;
	s1 =	sand.u32 $0x1C00, s9;
	_ =	swait.ge [sflag:s20], $0x2800  }
0x786: {  	s4 =	sor.u32 $0x14200, s1;
	s6 =	sor.u32 $0x10, s3;
	[sflag:s20] =	ssyncset.done $0x0  }
0x787: {  	s5 =	sor.u32 s6, s4;
	[sflag:s20] =	ssyncadd.s32 $0xFFFFD800  }
0x788: {  	v1 =	vld [tilespmem:s5+$0x0]  }
0x789: {  	s4 =	sor.u32 s3, s4;
	v2 =	vld [tilespmem:s5+$0x80]  }
0x78a: {  	v3 =	vld [tilespmem:s4+$0x0]  }
0x78b: {  	v4 =	vld [tilespmem:s5+$0x100]  }
0x78c: {  	v5 =	vld [tilespmem:s4+$0x80]  }
0x78d: {  	v6 =	vld [tilespmem:s5+$0x180]  }
0x78e: {  	v7 =	vld [tilespmem:s4+$0x100]  }
0x78f: {  	v8 =	vld [tilespmem:s5+$0x200]  }
0x790: {  	v9 =	vld [tilespmem:s4+$0x180]  }
0x791: {  	v10 =	vld [tilespmem:s5+$0x280]  }
0x792: {  	v11 =	vld [tilespmem:s4+$0x200]  }
0x793: {  	v12 =	vld [tilespmem:s5+$0x300]  }
0x794: {  	v13 =	vld [tilespmem:s4+$0x280]  }
0x795: {  	s10 =	sadd.s32 $0x15600, s1;
	v14 =	vld [tilespmem:s5+$0x380]  }
0x796: {  	s16 =	sor.u32 s6, s10;
	v15 =	vld [tilespmem:s4+$0x300]  }
0x797: {  	v16 =	vld [tilespmem:s16+$0x0]  }
0x798: {  	s13 =	sadd.s32 $0x15700, s1;
	s12 =	sor.u32 s3, s10;
	v17 =	vld [tilespmem:s4+$0x380]  }
0x799: {  	s11 =	sadd.s32 $0x15680, s1;
	s14 =	sor.u32 s6, s13;
	v19 =	vld [tilespmem:s12+$0x0]  }
0x79a: {  	s15 =	sor.u32 s3, s11;
	v20 =	vld [tilespmem:s14+$0x0]  }
0x79b: {  	s5 =	sor.u32 s6, s11;
	v21 =	vld [tilespmem:s15+$0x0]  }
0x79c: {  	s16 =	sadd.s32 $0x15780, s1;
	s12 =	sor.u32 s3, s13;
	v18 =	vld [tilespmem:s5+$0x0]  }
0x79d: {  	s13 =	sadd.s32 $0x15800, s1;
	s5 =	sor.u32 s6, s16;
	v23 =	vld [tilespmem:s12+$0x0]  }
0x79e: {  	s14 =	sor.u32 s6, s13;
	v22 =	vld [tilespmem:s5+$0x0]  }
0x79f: {  	s15 =	sor.u32 s3, s16;
	v24 =	vld [tilespmem:s14+$0x0]  }
0x7a0: {  	s10 =	sadd.s32 $0x15900, s1;
	s12 =	sor.u32 s3, s13;
	v25 =	vld [tilespmem:s15+$0x0]  }
0x7a1: {  	s16 =	sadd.s32 $0x15880, s1;
	s13 =	sor.u32 s6, s10;
	v27 =	vld [tilespmem:s12+$0x0]  }
0x7a2: {  	s5 =	sor.u32 s6, s16;
	s14 =	sor.u32 s3, s16;
	v28 =	vld [tilespmem:s13+$0x0]  }
0x7a3: {  	s15 =	sadd.s32 $0x15980, s1;
	s12 =	simm.s32 $0x100;
	s1 =	simm.s32 $0x20;
	v26 =	vld [tilespmem:s5+$0x0]  }
0x7a4: {  	s13 =	sor.u32 s3, s10;
	v29 =	vld [tilespmem:s14+$0x0];
	s16 =	sor.u32 s6, s15;
	s10 =	sand.u32 $0x1C00, s12;
	v1 =	vadd.f32 v2, v1  }
0x7a5: {  	s4 =	sand.u32 $0x60, s1;
	s12 =	sor.u32 $0x14200, s10;
	v2 =	vadd.f32 v5, v3;
	v3 =	vld [tilespmem:s16+$0x0]  }
0x7a6: {  	s11 =	sor.u32 s3, s15;
	s3 =	sor.u32 $0x10, s4;
	v5 =	vld [tilespmem:s13+$0x0];
	s15 =	sor.u32 s4, s12;
	v1 =	vadd.f32 v4, v1  }
0x7a7: {  	s14 =	sor.u32 s3, s12;
	v45 =	vld [tilespmem:s15+$0x0];
	v2 =	vadd.f32 v7, v2  }
0x7a8: {  	v7 =	vld [tilespmem:s14+$0x0];
	v1 =	vadd.f32 v6, v1  }
0x7a9: {  	v2 =	vadd.f32 v9, v2;
	v6 =	vld [tilespmem:s14+$0x80]  }
0x7aa: {  	v46 =	vld [tilespmem:s15+$0x80];
	v1 =	vadd.f32 v8, v1  }
0x7ab: {  	v2 =	vadd.f32 v11, v2;
	v8 =	vld [tilespmem:s14+$0x100]  }
0x7ac: {  	v47 =	vld [tilespmem:s14+$0x180];
	v1 =	vadd.f32 v10, v1  }
0x7ad: {  	v48 =	vld [tilespmem:s14+$0x200];
	v2 =	vadd.f32 v13, v2  }
0x7ae: {  	v6 =	vadd.f32 v6, v7;
	v7 =	vld [tilespmem:s15+$0x100];
	v1 =	vadd.f32 v12, v1  }
0x7af: {  	v49 =	vld [tilespmem:s14+$0x280];
	v2 =	vadd.f32 v15, v2  }
0x7b0: {  	v6 =	vadd.f32 v8, v6;
	v8 =	vld [tilespmem:s15+$0x180];
	v1 =	vadd.f32 v14, v1  }
0x7b1: {  	v50 =	vld [tilespmem:s15+$0x200];
	v9 =	vadd.f32 v46, v45;
	v2 =	vadd.f32 v17, v2  }
0x7b2: {  	v51 =	vld [tilespmem:s14+$0x300];
	v6 =	vadd.f32 v47, v6;
	v1 =	vadd.f32 v16, v1  }
0x7b3: {  	v52 =	vld [tilespmem:s15+$0x280];
	v2 =	vadd.f32 v19, v2;
	v7 =	vadd.f32 v7, v9  }
0x7b4: {  	v53 =	vld [tilespmem:s14+$0x380];
	v6 =	vadd.f32 v48, v6;
	v1 =	vadd.f32 v18, v1  }
0x7b5: {  	s16 =	sadd.s32 $0x15600, s10;
	v55 =	vld [tilespmem:s15+$0x380];
	v2 =	vadd.f32 v21, v2;
	v7 =	vadd.f32 v8, v7  }
0x7b6: {  	s13 =	sor.u32 s3, s16;
	v8 =	vld [tilespmem:s15+$0x300];
	v6 =	vadd.f32 v49, v6;
	v1 =	vadd.f32 v20, v1  }
0x7b7: {  	v54 =	vld [tilespmem:s13+$0x0];
	s14 =	sadd.s32 $0x15680, s10;
	v2 =	vadd.f32 v23, v2;
	v7 =	vadd.f32 v50, v7  }
0x7b8: {  	v4 =	vld [tilespmem:s11+$0x0];
	s15 =	sor.u32 s3, s14;
	v6 =	vadd.f32 v51, v6;
	v1 =	vadd.f32 v22, v1  }
0x7b9: {  	s11 =	sor.u32 s4, s16;
	s16 =	sadd.s32 $0x15700, s10;
	v56 =	vld [tilespmem:s15+$0x0];
	v2 =	vadd.f32 v25, v2;
	v7 =	vadd.f32 v52, v7  }
0x7ba: {  	v57 =	vld [tilespmem:s11+$0x0];
	s11 =	sor.u32 s3, s16;
	v6 =	vadd.f32 v53, v6;
	v1 =	vadd.f32 v24, v1  }
0x7bb: {  	s13 =	sadd.s32 $0x15780, s10;
	v58 =	vld [tilespmem:s11+$0x0];
	s14 =	sor.u32 s4, s14;
	v2 =	vadd.f32 v27, v2;
	v7 =	vadd.f32 v8, v7  }
0x7bc: {  	s15 =	sor.u32 s3, s13;
	v8 =	vld [tilespmem:s14+$0x0];
	v6 =	vadd.f32 v54, v6;
	v1 =	vadd.f32 v26, v1  }
0x7bd: {  	s12 =	sadd.s32 $0x15800, s10;
	s16 =	sor.u32 s4, s16;
	v59 =	vld [tilespmem:s15+$0x0];
	v2 =	vadd.f32 v29, v2;
	v7 =	vadd.f32 v55, v7  }
0x7be: {  	v60 =	vld [tilespmem:s16+$0x0];
	s14 =	sor.u32 s3, s12;
	v6 =	vadd.f32 v56, v6;
	v61 =	vadd.f32 v28, v1  }
0x7bf: {  	s15 =	sor.u32 s4, s13;
	s13 =	sadd.s32 $0x15880, s10;
	v62 =	vld [tilespmem:s14+$0x0];
	v2 =	vadd.f32 v5, v2;
	v5 =	vadd.f32 v57, v7  }
0x7c0: {  	s5 =	simm.s32 $0x16A00;
	s16 =	sor.u32 s3, s13;
	v1 =	vld [tilespmem:s15+$0x0];
	v6 =	vadd.f32 v58, v6;
	v7 =	vadd.f32 v3, v61  }
0x7c1: {  	s12 =	sor.u32 s4, s12;
	s14 =	sand.u32 $0x380, s9;
	s15 =	sadd.s32 $0x15900, s10;
	v63 =	vadd.f32 v4, v2;
	v2 =	vld [tilespmem:s16+$0x0];
	v5 =	vadd.f32 v8, v5  }
0x7c2: {  	s9 =	simm.s32 $0x2;
	s6 =	sor.u32 s6, s14;
	s14 =	sor.u32 s3, s15;
	v3 =	vld [tilespmem:s12+$0x0];
	v6 =	vadd.f32 v59, v6  }
0x7c3: {  	s16 =	sor.u32 s4, s13;
	s12 =	sor.u32 s4, s15;
	s13 =	sadd.s32 $0x15980, s10;
	v4 =	vld [tilespmem:s14+$0x0];
	[tilespmem:s6+$0x16A00] =	vst v7;
	v7 =	vadd.f32 v60, v5  }
0x7c4: {  	s10 =	simm.s32 $0x40;
	s14 =	sor.u32 s3, s13;
	[tilespmem:s5+$0x0] =	vst v63;
	v5 =	vld [tilespmem:s16+$0x0];
	s6 =	simm.s32 $0x200;
	v6 =	vadd.f32 v62, v6  }
.LBB2_64:
0x7c5: {  	s11 =	sand.u32 $0x1C00, s6;
	v1 =	vadd.f32 v1, v7;
	s13 =	sor.u32 s4, s13;
	s4 =	sand.u32 $0x60, s10;
	v7 =	vld [tilespmem:s14+$0x0]  }
0x7c6: {  	s9 =	sadd.s32 $0x2, s9;
	s14 =	sor.u32 $0x14200, s11;
	s15 =	sor.u32 $0x10, s4;
	v8 =	vld [tilespmem:s12+$0x0];
	v2 =	vadd.f32 v2, v6  }
0x7c7: {  	p1 =	slt.u32 s9, $0x26;
	s12 =	sor.u32 s4, s14;
	s14 =	sor.u32 s15, s14;
	v1 =	vadd.f32 v3, v1;
	v3 =	vld [tilespmem:s13+$0x0]  }
0x7c8: {  	v6 =	vld [tilespmem:s14+$0x0];
	v2 =	vadd.f32 v4, v2  }
0x7c9: {  	v4 =	vld [tilespmem:s14+$0x80];
	v1 =	vadd.f32 v5, v1  }
0x7ca: {  	s13 =	sand.u32 $0x380, s1;
	s1 =	smov.u32 s10;
	v5 =	vld [tilespmem:s12+$0x0];
	v2 =	vadd.f32 v7, v2  }
0x7cb: {  	s13 =	sor.u32 s3, s13;
	s3 =	smov.u32 s15;
	v7 =	vld [tilespmem:s14+$0x100];
	v1 =	vadd.f32 v8, v1  }
0x7cc: {  	v8 =	vld [tilespmem:s12+$0x80];
	[tilespmem:s13+$0x16A00] =	vst v2  }
0x7cd: {  	v2 =	vld [tilespmem:s14+$0x180];
	v1 =	vadd.f32 v3, v1  }
0x7ce: {  	s5 =	sadd.s32 $0x20, s5;
	v3 =	vld [tilespmem:s12+$0x100];
	v4 =	vadd.f32 v4, v6  }
0x7cf: {  	v6 =	vld [tilespmem:s14+$0x200];
	[tilespmem:s5+$0x0] =	vst v1  }
0x7d0: {  	v1 =	vld [tilespmem:s12+$0x180];
	v4 =	vadd.f32 v7, v4  }
0x7d1: {  	v5 =	vadd.f32 v8, v5;
	v7 =	vld [tilespmem:s14+$0x280]  }
0x7d2: {  	v8 =	vld [tilespmem:s12+$0x200];
	v2 =	vadd.f32 v2, v4  }
0x7d3: {  	v3 =	vadd.f32 v3, v5;
	v4 =	vld [tilespmem:s14+$0x300]  }
0x7d4: {  	v5 =	vld [tilespmem:s12+$0x280];
	v2 =	vadd.f32 v6, v2  }
0x7d5: {  	s13 =	sadd.s32 $0x15600, s11;
	v1 =	vadd.f32 v1, v3;
	v3 =	vld [tilespmem:s14+$0x380]  }
0x7d6: {  	s14 =	sor.u32 s4, s13;
	s13 =	sor.u32 s3, s13;
	v6 =	vld [tilespmem:s12+$0x300];
	v2 =	vadd.f32 v7, v2  }
0x7d7: {  	s15 =	sadd.s32 $0x15680, s11;
	v1 =	vadd.f32 v8, v1;
	v7 =	vld [tilespmem:s13+$0x0]  }
0x7d8: {  	s13 =	sor.u32 s3, s15;
	v8 =	vld [tilespmem:s12+$0x380];
	s12 =	sor.u32 s4, s15;
	v2 =	vadd.f32 v4, v2  }
0x7d9: {  	s15 =	sadd.s32 $0x15700, s11;
	v1 =	vadd.f32 v5, v1;
	v4 =	vld [tilespmem:s13+$0x0]  }
0x7da: {  	s13 =	sor.u32 s4, s15;
	v5 =	vld [tilespmem:s14+$0x0];
	v2 =	vadd.f32 v3, v2;
	s14 =	sor.u32 s3, s15  }
0x7db: {  	s15 =	sadd.s32 $0x15780, s11;
	v1 =	vadd.f32 v6, v1;
	v3 =	vld [tilespmem:s14+$0x0]  }
0x7dc: {  	s14 =	sor.u32 s3, s15;
	v6 =	vld [tilespmem:s12+$0x0];
	s12 =	sor.u32 s4, s15;
	v2 =	vadd.f32 v7, v2  }
0x7dd: {  	s15 =	sadd.s32 $0x15800, s11;
	v1 =	vadd.f32 v8, v1;
	v7 =	vld [tilespmem:s14+$0x0]  }
0x7de: {  	s14 =	sor.u32 s3, s15;
	v8 =	vld [tilespmem:s13+$0x0];
	s13 =	sor.u32 s4, s15;
	v2 =	vadd.f32 v4, v2  }
0x7df: {  	s15 =	sadd.s32 $0x15880, s11;
	v4 =	vadd.f32 v5, v1;
	v9 =	vld [tilespmem:s14+$0x0]  }
.Ltmp31:
0x7e0: {  	s14 =	sor.u32 s4, s15;
	v1 =	vld [tilespmem:s12+$0x0];
	v5 =	vadd.f32 v3, v2;
	s12 =	sor.u32 s3, s15;
	(pc) =	sbr.rel @p1 .LBB2_64-.Ltmp31, $4  }
0x7e1: {  	s15 =	sadd.s32 $0x15900, s11;
	v4 =	vadd.f32 v6, v4;
	v2 =	vld [tilespmem:s12+$0x0]  }
0x7e2: {  	s12 =	sor.u32 s4, s15;
	s15 =	sor.u32 s3, s15;
	v3 =	vld [tilespmem:s13+$0x0];
	v6 =	vadd.f32 v7, v5  }
0x7e3: {  	s13 =	sadd.s32 $0x15980, s11;
	v7 =	vadd.f32 v8, v4;
	v4 =	vld [tilespmem:s15+$0x0]  }
0x7e4: {  	s6 =	sadd.s32 $0x100, s6;
	s10 =	sadd.s32 $0x20, s10;
	v5 =	vld [tilespmem:s14+$0x0];
	v6 =	vadd.f32 v9, v6;
	s14 =	sor.u32 s3, s13  }
0x7e5: {  	v1 =	vadd.f32 v1, v7  }
0x7e6: {  	v63 =	vld [tilespmem:s12+$0x0]  }
0x7e7: {  	s4 =	sor.u32 s4, s13;
	v8 =	vld [tilespmem:s14+$0x0];
	v1 =	vadd.f32 v3, v1  }
0x7e8: {  	v2 =	vadd.f32 v2, v6;
	v3 =	vld [tilespmem:s4+$0x0]  }
0x7e9: {  	v1 =	vadd.f32 v5, v1  }
0x7ea: {  	v2 =	vadd.f32 v4, v2  }
0x7eb: {  	v1 =	vadd.f32 v63, v1  }
0x7ec: {  	s1 =	sand.u32 $0x380, s1;
	v2 =	vadd.f32 v8, v2  }
0x7ed: {  	s1 =	sor.u32 s3, s1;
	v1 =	vadd.f32 v3, v1  }
0x7ee: {  	s16 =	sadd.s32 $0x20, s5;
	[tilespmem:s1+$0x16A00] =	vst v2  }
0x7ef: {  	[tilespmem:s16+$0x0] =	vst v1;
	v1 =	vimm.f32 @!p0 $0.0e+00  }
0x7f0: {  	[tilespmem:$0x16B90] =	vst @!p0 v1  }
0x7f1: {  	[tilespmem:$0x16BA0] =	vst @!p0 v1  }
0x7f2: {  	[tilespmem:$0x16BB0] =	vst @!p0 v1  }
0x7f3: {  	[tilespmem:$0x16BC0] =	vst @!p0 v1  }
0x7f4: {  	[tilespmem:$0x16BD0] =	vst @!p0 v1  }
0x7f5: {  	[tilespmem:$0x16BE0] =	vst @!p0 v1  }
0x7f6: {  	[tilespmem:$0x16BF0] =	vst @!p0 v1  }
0x7f7: {  	[tilespmem:$0x16C00] =	vst @!p0 v1  }
0x7f8: {  	[tilespmem:$0x16C10] =	vst @!p0 v1  }
0x7f9: {  	[tilespmem:$0x16C20] =	vst @!p0 v1  }
0x7fa: {  	[tilespmem:$0x16C30] =	vst @!p0 v1  }
0x7fb: {  	[tilespmem:$0x16C40] =	vst @!p0 v1  }
0x7fc: {  	[tilespmem:$0x16C50] =	vst @!p0 v1  }
0x7fd: {  	s0 =	sadd.s32 $0x1, s0;
	[tilespmem:$0x16C60] =	vst @!p0 v1  }
0x7fe: {  	p1 =	sne.s32 s0, s19;
	[tilespmem:$0x16C70] =	vst @!p0 v1  }
0x7ff: {  	[hbm4b:s18+s21] =	stream.strided.scatter [tilespmem:s30], [sflag:$0x1], $0x280, s22, s21, $0x38;
	[tilespmem:$0x19480] =	vst v63  }
.Ltmp32:
0x800: {  	_ =	swait.ge [sflag:s20], $0x280;
	(pc) =	sbr.rel @p1 .LBB2_1-.Ltmp32, $3  }
0x801: {  	[sflag:s20] =	ssyncset.done $0x0  }
0x802: {  	[sflag:s20] =	ssyncadd.s32 $0xFFFFFD80  }
0x803: {  	[bflag:$0x0] =	sbarrier.arrive $0xFFFF;
	_ =	sdelay $0x1  }
0x804: {  	_ =	sfence.sel $0x180000  }
0x805: {  	[bflag:$0x0] =	sbarrier.arrive $0xFFFF  }
0x806: {  	_ =	strace $0x90000047  }
0x807: {  	s0 =	stileid.u32;
	[bflag:$0x2] =	sbarrier.arrive $0xFFFF  }
0x808: {  	p0 =	sne.s32 s0, $0x0;
	s0 =	rddreg [dreg:$0x2]  }
0x809: {  	s0 =	sadd.s32 @!p0 $0x100000, s0  }
0x80a: {  	[sflag:s0] =	ssyncadd.tile.s32 @!p0 $0x1;
	_ =	shalt  }
.Lfunc_end2:
_tile_overlayer_lowered:
.L_overlay_start_2:
0x80b: {  	(tag) =	ssettag $0x2  }
0x80c: {  	s0 =	rddreg [dreg:$0x0];
	s2 =	stileid.u32  }
0x80d: {  	s1 =	rddreg [dreg:$0x1];
	p0 =	sne.s32 s2, $0x0  }
0x80e: {  	s3 =	rddreg [dreg:$0x2];
	[bflag:$0x3] =	sbarrier.arrive $0xFFFF;
	s2 =	simm.s32 @!p0 $0x1C01  }
0x80f: {  	[timem:s3], [sflag:s2] =	dma.local @!p0 [hbm:s0], s1  }
0x810: {  	s0 =	simm.s32 @!p0 $0x1  }
0x811: {  	_ =	swait.ge @!p0 [sflag:s0], s1  }
0x812: {  	s1 =	ssub.s32 @!p0 $0x0, s1;
	[sflag:s0] =	ssyncset.done @!p0 $0x0  }
0x813: {  	[sflag:s0] =	ssyncadd.s32 @!p0 s1  }
0x814: {  	[bflag:$0x3] =	sbarrier.arrive $0xFFFF  }
0x815: {  	_ =	shalt  }

</sc_bundles>
